<compile_context>
chip_gen: v7x
topology: tpu7x:2x2x1
jax: 0.10.2.dev20260603
libtpu: 0.0.44.dev20260713+nightly
codegen_flags: <defaults>
</compile_context>

<pallas_src>
import functools

import jax
import jax.numpy as jnp
from jax import lax
from jax.experimental import pallas as pl
from jax.experimental.pallas import tpu as pltpu
from jax.experimental.pallas import tpu_sc as plsc

K = 9
N_ROWS = 500000
N_EDGES = N_ROWS * K
N_NODES = 100000
L = 16
NC, NS = 2, 16
NW = NC * NS
ROWS_PER_BLOCK = L
EDGES_PER_BLOCK = ROWS_PER_BLOCK * K

CHUNK_EDGES = 2304
BLOCKS_PER_CHUNK = CHUNK_EDGES // EDGES_PER_BLOCK
N_FULL_CHUNKS = N_EDGES // CHUNK_EDGES
TAIL_EDGES = N_EDGES - N_FULL_CHUNKS * CHUNK_EDGES
TAIL_BLOCKS = TAIL_EDGES // EDGES_PER_BLOCK
N_CHUNKS = N_FULL_CHUNKS + 1
NBUF = 3
MAX_CHUNKS_PER_W = -(-N_CHUNKS // NW)
MAX_T = -(-MAX_CHUNKS_PER_W // NBUF) * NBUF

_mesh = plsc.VectorSubcoreMesh(core_axis_name="c", subcore_axis_name="s")


@functools.partial(
    pl.kernel,
    mesh=_mesh,
    compiler_params=pltpu.CompilerParams(needs_layout_passes=False),
    out_type=[
        jax.ShapeDtypeStruct((NW, L), jnp.float32),
        jax.ShapeDtypeStruct((NW, L), jnp.float32),
    ],
    scratch_types=[
        pltpu.VMEM_SHARED((N_NODES,), jnp.int32),
        pltpu.VMEM((N_NODES,), jnp.int32),
        pltpu.VMEM((2, CHUNK_EDGES), jnp.int32),
        pltpu.VMEM((1, CHUNK_EDGES), jnp.float32),
        pltpu.VMEM((2, CHUNK_EDGES), jnp.int32),
        pltpu.VMEM((1, CHUNK_EDGES), jnp.float32),
        pltpu.VMEM((2, CHUNK_EDGES), jnp.int32),
        pltpu.VMEM((1, CHUNK_EDGES), jnp.float32),
        pltpu.VMEM((2, TAIL_EDGES), jnp.int32),
        pltpu.VMEM((1, TAIL_EDGES), jnp.float32),
        pltpu.VMEM((L,), jnp.float32),
        pltpu.VMEM((L,), jnp.float32),
        pltpu.SemaphoreType.DMA,
        pltpu.SemaphoreType.DMA,
        pltpu.SemaphoreType.DMA,
    ],
)
def _smooth_loss_sc(ei_hbm, ew_hbm, lab_hbm, tei_hbm, tew_hbm,
                    out_s_hbm, out_r_hbm,
                    lab_sh, lab_v, ei0_v, ew0_v, ei1_v, ew1_v,
                    ei2_v, ew2_v, tei_v, tew_v,
                    sacc_v, racc_v, sem0, sem1, sem2):
    sid = lax.axis_index("s")
    wid = sid * NC + lax.axis_index("c")

    bufs = ((ei0_v, ew0_v, sem0), (ei1_v, ew1_v, sem1),
            (ei2_v, ew2_v, sem2))
    zeros = jnp.zeros((L,), jnp.float32)
    sacc_v[...] = zeros
    racc_v[...] = zeros
    lanes9 = lax.iota(jnp.int32, L) * K
    row0 = jnp.zeros((L,), jnp.int32)
    row1 = jnp.full((L,), 1, jnp.int32)
    ninf = jnp.full((L,), -jnp.inf, jnp.float32)
    pinf = jnp.full((L,), jnp.inf, jnp.float32)

    def issue(c, p):
        ei_v, ew_v, sem = bufs[p]

        @pl.when(c < N_FULL_CHUNKS)
        def _():
            base = c * CHUNK_EDGES
            pltpu.async_copy(ei_hbm.at[:, pl.ds(base, CHUNK_EDGES)], ei_v,
                             sem)
            pltpu.async_copy(ew_hbm.at[:, pl.ds(base, CHUNK_EDGES)], ew_v,
                             sem)

    def wait(p):
        ei_v, ew_v, sem = bufs[p]
        pltpu.make_async_copy(ei_hbm.at[:, pl.ds(0, CHUNK_EDGES)], ei_v,
                              sem).wait()
        pltpu.make_async_copy(ew_hbm.at[:, pl.ds(0, CHUNK_EDGES)], ew_v,
                              sem).wait()

    def block_terms(b, ei_v, ew_v):
        cidx0 = b * EDGES_PER_BLOCK + lanes9
        srow = plsc.load_gather(ei_v, [row0, cidx0])
        ls = plsc.load_gather(lab_v, [srow])
        sp = zeros
        sn = zeros
        cp = zeros
        mp = ninf
        mn = pinf
        for j in range(K):
            cidx = cidx0 + j
            t = plsc.load_gather(ei_v, [row1, cidx])
            lt = plsc.load_gather(lab_v, [t])
            w = plsc.load_gather(ew_v, [row0, cidx])
            pos = ls == lt
            sp = sp + jnp.where(pos, w, 0.0)
            cp = cp + jnp.where(pos, 1.0, 0.0)
            sn = sn + jnp.where(pos, 0.0, w)
            mp = jnp.maximum(mp, jnp.where(pos, w, ninf))
            mn = jnp.minimum(mn, jnp.where(pos, pinf, w))
        cn = jnp.float32(K) - cp
        term = jnp.exp(sp / cp) + jnp.exp(-(sn / cn))
        rank = jnp.maximum(0.0, mp - mn)
        return term, rank

    def process_blocks(nblocks, unroll, ei_v, ew_v):
        def block_body(b, carry):
            sacc, racc = carry
            term, rank = block_terms(b, ei_v, ew_v)
            return sacc + term, racc + rank

        sacc, racc = plsc.parallel_loop(
            0, nblocks, unroll=unroll, carry=(zeros, zeros))(block_body)
        sacc_v[...] = sacc_v[...] + sacc
        racc_v[...] = racc_v[...] + racc

    for t in range(NBUF - 1):
        issue(wid + t * NW, t)

    @pl.when(sid == 0)
    def _():
        pltpu.sync_copy(lab_hbm, lab_sh)

    plsc.subcore_barrier()
    pltpu.sync_copy(lab_sh, lab_v)

    def chunk_group(g, carry):
        for p in range(NBUF):
            c = wid + (g * NBUF + p) * NW
            cn = c + (NBUF - 1) * NW

            @pl.when(c < N_FULL_CHUNKS)
            def _():
                wait(p)
                issue(cn, (p + NBUF - 1) % NBUF)
                ei_v, ew_v, _ = bufs[p]
                process_blocks(BLOCKS_PER_CHUNK, 4, ei_v, ew_v)

            @pl.when(c == N_FULL_CHUNKS)
            def _():
                pltpu.sync_copy(tei_hbm, tei_v)
                pltpu.sync_copy(tew_hbm, tew_v)
                process_blocks(TAIL_BLOCKS, 2, tei_v, tew_v)

        return carry

    lax.fori_loop(0, MAX_T // NBUF, chunk_group, 0)

    pltpu.sync_copy(sacc_v, out_s_hbm.at[wid])
    pltpu.sync_copy(racc_v, out_r_hbm.at[wid])


def kernel(edge_index, edge_weight, labels):
    tail_ei = lax.slice(edge_index, (0, N_FULL_CHUNKS * CHUNK_EDGES),
                        (2, N_EDGES))
    tail_ew = lax.slice(edge_weight, (0, N_FULL_CHUNKS * CHUNK_EDGES),
                        (1, N_EDGES))
    out_s, out_r = _smooth_loss_sc(edge_index, edge_weight, labels,
                                   tail_ei, tail_ew)
    smoothness = out_s.sum()
    ranking = out_r.sum() / jnp.float32(N_ROWS)
    return jnp.log(smoothness + 2.0) + 2.0 * jnp.exp(ranking)

# --- scband reference (transcript-rebuilt; emitter-appended) ---
"""Pipeline reference for scband-smooth-loss-59158879535788 (READ-ONLY COPY).

The authoritative reference and input builder live on the scoring server;
editing this copy changes nothing except your own understanding.
"""

import jax, jax.numpy as jnp
import numpy as np

K = 9
N_NODES = 100000
N_CLASSES = 100
N_ROWS = 500000

def setup_inputs(seed: int = 0) -> dict:
    key = jax.random.key(seed)
    k1, k2 = jax.random.split(key)
    labels = (jnp.arange(N_NODES) % N_CLASSES).astype(jnp.int32)
    # structured edges: each row of k=9 edges has exactly 4 positive (same-label)
    # and 5 negative (different-label) targets, guaranteeing non-empty masks per row
    source = jax.random.randint(k1, (N_ROWS,), 0, N_NODES - N_CLASSES)
    pos_t = source + N_CLASSES  # same label since labels = arange % N_CLASSES
    neg_t = source + 1          # different label (N_CLASSES > 1)
    tmat = jnp.concatenate([
        jnp.broadcast_to(pos_t[:, None], (N_ROWS, 4)),
        jnp.broadcast_to(neg_t[:, None], (N_ROWS, 5)),
    ], axis=1)
    src = jnp.repeat(source, K)
    edge_index = jnp.stack([src, tmat.reshape(-1)]).astype(jnp.int32)
    edge_weight = jax.random.uniform(k2, (1, N_ROWS * K), dtype=jnp.float32)
    return {"edge_index": edge_index, "edge_weight": edge_weight, "labels": labels}


def reference(edge_index, edge_weight, labels):
    source = edge_index[0]
    target = edge_index[1]
    source_labels = labels[source]
    target_labels = labels[target]
    mask_neg = (source_labels - target_labels) != 0
    mask_pos = ~mask_neg
    mask_neg = mask_neg.reshape(-1, K)
    mask_pos = mask_pos.reshape(-1, K)
    ew = edge_weight.reshape(-1, K)
    mask_negf = mask_neg.astype(jnp.float32)
    num_neg = mask_negf.sum(1)
    mask_posf = mask_pos.astype(jnp.float32)
    num_pos = mask_posf.sum(1)
    smoothness = jnp.exp((ew * mask_posf).sum(1) / num_pos) + jnp.exp(-1.0 * (ew * mask_negf).sum(1) / num_neg)
    smoothness = smoothness.sum(0)
    # vectorized equivalent of the per-row masked max/min python loop
    dist_ap = jnp.max(jnp.where(mask_pos, ew, -jnp.inf), axis=1)
    dist_an = jnp.min(jnp.where(mask_neg, ew, jnp.inf), axis=1)
    # MarginRankingLoss(margin=0) with y=1: mean(max(0, -(dist_an - dist_ap)))
    ranking = jnp.mean(jnp.maximum(0.0, dist_ap - dist_an))
    return jnp.log(smoothness + 2.0) + 2.0 * jnp.exp(ranking)

if __name__ == "__main__":
    import jax
    _d = setup_inputs()
    print(jax.jit(kernel)(*tuple(_d.values())))

</pallas_src>

<mosaic_0001>
#map = affine_map<(d0, d1) -> (0, 0)>
#map1 = affine_map<(d0, d1) -> (0)>
module attributes {stable_mosaic.version = 14 : i64} {
  func.func @_smooth_loss_sc(%arg0: i32, %arg1: i32, %arg2: memref<2x4500000xi32, #tpu.memory_space<hbm>>, %arg3: memref<1x4500000xf32, #tpu.memory_space<hbm>>, %arg4: memref<100000xi32, #tpu.memory_space<hbm>>, %arg5: memref<2x288xi32, #tpu.memory_space<hbm>>, %arg6: memref<1x288xf32, #tpu.memory_space<hbm>>, %arg7: memref<32x16xf32, #tpu.memory_space<hbm>>, %arg8: memref<32x16xf32, #tpu.memory_space<hbm>>, %arg9: memref<100000xi32, #tpu.memory_space<vmem_shared>>, %arg10: memref<100000xi32, #tpu.memory_space<vmem>>, %arg11: memref<2x2304xi32, #tpu.memory_space<vmem>>, %arg12: memref<1x2304xf32, #tpu.memory_space<vmem>>, %arg13: memref<2x2304xi32, #tpu.memory_space<vmem>>, %arg14: memref<1x2304xf32, #tpu.memory_space<vmem>>, %arg15: memref<2x2304xi32, #tpu.memory_space<vmem>>, %arg16: memref<1x2304xf32, #tpu.memory_space<vmem>>, %arg17: memref<2x288xi32, #tpu.memory_space<vmem>>, %arg18: memref<1x288xf32, #tpu.memory_space<vmem>>, %arg19: memref<16xf32, #tpu.memory_space<vmem>>, %arg20: memref<16xf32, #tpu.memory_space<vmem>>, %arg21: memref<!tpu.dma_semaphore, #tpu.memory_space<semaphore_mem>>, %arg22: memref<!tpu.dma_semaphore, #tpu.memory_space<semaphore_mem>>, %arg23: memref<!tpu.dma_semaphore, #tpu.memory_space<semaphore_mem>>) attributes {dimension_semantics = [#tpu.dimension_semantics<core_parallel>, #tpu.dimension_semantics<subcore_parallel>], iteration_bounds = array<i64: 2, 16>, scalar_prefetch = 0 : i64, scratch_operands = 15 : i64, tpu.core_type = #tpu.core_type<sc_vector_subcore>, window_params = [{transform_indices = #map}, {transform_indices = #map}, {transform_indices = #map1}, {transform_indices = #map}, {transform_indices = #map}, {transform_indices = #map}, {transform_indices = #map}]} {
    %mul3A = arith.constant 2 : i32
    %mul3A_0 = arith.muli %arg1, %mul3A : i32
    %add3A = arith.addi %mul3A_0, %arg0 : i32
    %broadcast_in_dim3A = arith.constant 0.000000e+00 : f32
    %broadcast_in_dim3A_1 = vector.broadcast %broadcast_in_dim3A : f32 to vector<16xf32>
    %swap3A = arith.constant 0 : index
    %swap3A_2 = tpu.vector_load %arg19[%swap3A] {strides = array<i32>} : memref<16xf32, #tpu.memory_space<vmem>>, vector<16xf32>,
    tpu.vector_store %arg19[%swap3A], %broadcast_in_dim3A_1 {strides = array<i32>} : memref<16xf32, #tpu.memory_space<vmem>>, vector<16xf32>,
    %swap3A_3 = arith.constant 0 : index
    %swap3A_4 = tpu.vector_load %arg20[%swap3A_3] {strides = array<i32>} : memref<16xf32, #tpu.memory_space<vmem>>, vector<16xf32>,
    tpu.vector_store %arg20[%swap3A_3], %broadcast_in_dim3A_1 {strides = array<i32>} : memref<16xf32, #tpu.memory_space<vmem>>, vector<16xf32>,
    %iota3A = tpu.iota {dimensions = array<i32: 0>} : vector<16xi32>
    %mul3A_5 = arith.constant 9 : i32
    %mul3A_6 = vector.broadcast %mul3A_5 : i32 to vector<16xi32>
    %mul3A_7 = arith.muli %iota3A, %mul3A_6 : vector<16xi32>
    %broadcast_in_dim3A_8 = arith.constant 0 : i32
    %broadcast_in_dim3A_9 = vector.broadcast %broadcast_in_dim3A_8 : i32 to vector<16xi32>
    %broadcast_in_dim3A_10 = arith.constant 1 : i32
    %broadcast_in_dim3A_11 = vector.broadcast %broadcast_in_dim3A_10 : i32 to vector<16xi32>
    %broadcast_in_dim3A_12 = arith.constant 0xFF800000 : f32
    %broadcast_in_dim3A_13 = vector.broadcast %broadcast_in_dim3A_12 : f32 to vector<16xf32>
    %broadcast_in_dim3A_14 = arith.constant 0x7F800000 : f32
    %broadcast_in_dim3A_15 = vector.broadcast %broadcast_in_dim3A_14 : f32 to vector<16xf32>
    %add3A_16 = arith.constant 0 : i32
    %add3A_17 = arith.addi %add3A, %add3A_16 : i32
    %lt3A = arith.constant 1953 : i32
    %lt3A_18 = arith.cmpi slt, %add3A_17, %lt3A : i32
    %convert_element_type3A = arith.extui %lt3A_18 : i1 to i32
    %cond3A = arith.constant 0 : i32
    %cond3A_19 = arith.cmpi ne, %convert_element_type3A, %cond3A : i32
    scf.if %cond3A_19 {
      %mul3A_36 = arith.constant 2304 : i32
      %mul3A_37 = arith.muli %add3A_17, %mul3A_36 : i32
      %dma_start3A = arith.constant 0 : i32
      %dma_start3A_38 = tpu.memref_slice %arg2[%dma_start3A, %mul3A_37] : memref<2x4500000xi32, #tpu.memory_space<hbm>> -> memref<2x2304xi32, #tpu.memory_space<hbm>>
      %dma_start3A_39 = arith.constant 0 : i32
      %dma_start3A_40 = tpu.memref_slice %arg2[%dma_start3A_39, %mul3A_37] : memref<2x4500000xi32, #tpu.memory_space<hbm>> -> memref<2x2304xi32, #tpu.memory_space<hbm>>
      tpu.enqueue_dma source(%dma_start3A_40 : memref<2x2304xi32, #tpu.memory_space<hbm>>) target(%arg11 : memref<2x2304xi32, #tpu.memory_space<vmem>>) target_semaphore(%arg21 : memref<!tpu.dma_semaphore, #tpu.memory_space<semaphore_mem>>)
      %dma_start3A_41 = arith.constant 0 : i32
      %dma_start3A_42 = tpu.memref_slice %arg3[%dma_start3A_41, %mul3A_37] : memref<1x4500000xf32, #tpu.memory_space<hbm>> -> memref<1x2304xf32, #tpu.memory_space<hbm>>
      %dma_start3A_43 = arith.constant 0 : i32
      %dma_start3A_44 = tpu.memref_slice %arg3[%dma_start3A_43, %mul3A_37] : memref<1x4500000xf32, #tpu.memory_space<hbm>> -> memref<1x2304xf32, #tpu.memory_space<hbm>>
      tpu.enqueue_dma source(%dma_start3A_44 : memref<1x2304xf32, #tpu.memory_space<hbm>>) target(%arg12 : memref<1x2304xf32, #tpu.memory_space<vmem>>) target_semaphore(%arg21 : memref<!tpu.dma_semaphore, #tpu.memory_space<semaphore_mem>>)
    } else {
    }
    %add3A_20 = arith.constant 32 : i32
    %add3A_21 = arith.addi %add3A, %add3A_20 : i32
    %lt3A_22 = arith.constant 1953 : i32
    %lt3A_23 = arith.cmpi slt, %add3A_21, %lt3A_22 : i32
    %convert_element_type3A_24 = arith.extui %lt3A_23 : i1 to i32
    %cond3A_25 = arith.constant 0 : i32
    %cond3A_26 = arith.cmpi ne, %convert_element_type3A_24, %cond3A_25 : i32
    scf.if %cond3A_26 {
      %mul3A_36 = arith.constant 2304 : i32
      %mul3A_37 = arith.muli %add3A_21, %mul3A_36 : i32
      %dma_start3A = arith.constant 0 : i32
      %dma_start3A_38 = tpu.memref_slice %arg2[%dma_start3A, %mul3A_37] : memref<2x4500000xi32, #tpu.memory_space<hbm>> -> memref<2x2304xi32, #tpu.memory_space<hbm>>
      %dma_start3A_39 = arith.constant 0 : i32
      %dma_start3A_40 = tpu.memref_slice %arg2[%dma_start3A_39, %mul3A_37] : memref<2x4500000xi32, #tpu.memory_space<hbm>> -> memref<2x2304xi32, #tpu.memory_space<hbm>>
      tpu.enqueue_dma source(%dma_start3A_40 : memref<2x2304xi32, #tpu.memory_space<hbm>>) target(%arg13 : memref<2x2304xi32, #tpu.memory_space<vmem>>) target_semaphore(%arg22 : memref<!tpu.dma_semaphore, #tpu.memory_space<semaphore_mem>>)
      %dma_start3A_41 = arith.constant 0 : i32
      %dma_start3A_42 = tpu.memref_slice %arg3[%dma_start3A_41, %mul3A_37] : memref<1x4500000xf32, #tpu.memory_space<hbm>> -> memref<1x2304xf32, #tpu.memory_space<hbm>>
      %dma_start3A_43 = arith.constant 0 : i32
      %dma_start3A_44 = tpu.memref_slice %arg3[%dma_start3A_43, %mul3A_37] : memref<1x4500000xf32, #tpu.memory_space<hbm>> -> memref<1x2304xf32, #tpu.memory_space<hbm>>
      tpu.enqueue_dma source(%dma_start3A_44 : memref<1x2304xf32, #tpu.memory_space<hbm>>) target(%arg14 : memref<1x2304xf32, #tpu.memory_space<vmem>>) target_semaphore(%arg22 : memref<!tpu.dma_semaphore, #tpu.memory_space<semaphore_mem>>)
    } else {
    }
    %eq3A = arith.constant 0 : i32
    %eq3A_27 = arith.cmpi eq, %arg1, %eq3A : i32
    %convert_element_type3A_28 = arith.extui %eq3A_27 : i1 to i32
    %cond3A_29 = arith.constant 0 : i32
    %cond3A_30 = arith.cmpi ne, %convert_element_type3A_28, %cond3A_29 : i32
    scf.if %cond3A_30 {
      "tpu.region"() ({
        %run_scoped3A = tpu.sem_alloc : memref<!tpu.dma_semaphore, #tpu.memory_space<semaphore_mem>>
        tpu.enqueue_dma source(%arg4 : memref<100000xi32, #tpu.memory_space<hbm>>) target(%arg9 : memref<100000xi32, #tpu.memory_space<vmem_shared>>) target_semaphore(%run_scoped3A : memref<!tpu.dma_semaphore, #tpu.memory_space<semaphore_mem>>)
        tpu.wait_dma2 semaphore(%run_scoped3A : memref<!tpu.dma_semaphore, #tpu.memory_space<semaphore_mem>>) src(%arg4 : memref<100000xi32, #tpu.memory_space<hbm>>) dst(%arg9 : memref<100000xi32, #tpu.memory_space<vmem_shared>>)
        tpu.yield
      }) : () -> ()
    } else {
    }
    %barrier3A = arith.constant 0 : index
    tpu.barrier barrier_id(%barrier3A)
    "tpu.region"() ({
      %run_scoped3A = tpu.sem_alloc : memref<!tpu.dma_semaphore, #tpu.memory_space<semaphore_mem>>
      tpu.enqueue_dma source(%arg9 : memref<100000xi32, #tpu.memory_space<vmem_shared>>) target(%arg10 : memref<100000xi32, #tpu.memory_space<vmem>>) target_semaphore(%run_scoped3A : memref<!tpu.dma_semaphore, #tpu.memory_space<semaphore_mem>>)
      tpu.wait_dma2 semaphore(%run_scoped3A : memref<!tpu.dma_semaphore, #tpu.memory_space<semaphore_mem>>) src(%arg9 : memref<100000xi32, #tpu.memory_space<vmem_shared>>) dst(%arg10 : memref<100000xi32, #tpu.memory_space<vmem>>)
      tpu.yield
    }) : () -> ()
    %scan3A = arith.constant 0 : i32
    %scan3A_31 = arith.constant 0 : i32
    %scan3A_32 = arith.constant 21 : i32
    %scan3A_33 = arith.addi %scan3A_31, %scan3A_32 : i32
    %scan3A_34 = arith.constant 1 : i32
    scf.for %scan3A_36 = %scan3A_31 to %scan3A_33 step %scan3A_34  : i32 {
      %mul3A_37 = arith.constant 3 : i32
      %mul3A_38 = arith.muli %scan3A_36, %mul3A_37 : i32
      %add3A_39 = arith.constant 0 : i32
      %add3A_40 = arith.addi %mul3A_38, %add3A_39 : i32
      %mul3A_41 = arith.constant 32 : i32
      %mul3A_42 = arith.muli %add3A_40, %mul3A_41 : i32
      %add3A_43 = arith.addi %add3A, %mul3A_42 : i32
      %add3A_44 = arith.constant 64 : i32
      %add3A_45 = arith.addi %add3A_43, %add3A_44 : i32
      %lt3A_46 = arith.constant 1953 : i32
      %lt3A_47 = arith.cmpi slt, %add3A_43, %lt3A_46 : i32
      %convert_element_type3A_48 = arith.extui %lt3A_47 : i1 to i32
      %cond3A_49 = arith.constant 0 : i32
      %cond3A_50 = arith.cmpi ne, %convert_element_type3A_48, %cond3A_49 : i32
      scf.if %cond3A_50 {
        %dma_wait3A = arith.constant 0 : i32
        %dma_wait3A_94 = arith.constant 0 : i32
        %dma_wait3A_95 = tpu.memref_slice %arg2[%dma_wait3A, %dma_wait3A_94] : memref<2x4500000xi32, #tpu.memory_space<hbm>> -> memref<2x2304xi32, #tpu.memory_space<hbm>>
        %dma_wait3A_96 = arith.constant 0 : i32
        %dma_wait3A_97 = arith.constant 0 : i32
        %dma_wait3A_98 = tpu.memref_slice %arg2[%dma_wait3A_96, %dma_wait3A_97] : memref<2x4500000xi32, #tpu.memory_space<hbm>> -> memref<2x2304xi32, #tpu.memory_space<hbm>>
        tpu.wait_dma2 semaphore(%arg21 : memref<!tpu.dma_semaphore, #tpu.memory_space<semaphore_mem>>) src(%dma_wait3A_98 : memref<2x2304xi32, #tpu.memory_space<hbm>>) dst(%arg11 : memref<2x2304xi32, #tpu.memory_space<vmem>>)
        %dma_wait3A_99 = arith.constant 0 : i32
        %dma_wait3A_100 = arith.constant 0 : i32
        %dma_wait3A_101 = tpu.memref_slice %arg3[%dma_wait3A_99, %dma_wait3A_100] : memref<1x4500000xf32, #tpu.memory_space<hbm>> -> memref<1x2304xf32, #tpu.memory_space<hbm>>
        %dma_wait3A_102 = arith.constant 0 : i32
        %dma_wait3A_103 = arith.constant 0 : i32
        %dma_wait3A_104 = tpu.memref_slice %arg3[%dma_wait3A_102, %dma_wait3A_103] : memref<1x4500000xf32, #tpu.memory_space<hbm>> -> memref<1x2304xf32, #tpu.memory_space<hbm>>
        tpu.wait_dma2 semaphore(%arg21 : memref<!tpu.dma_semaphore, #tpu.memory_space<semaphore_mem>>) src(%dma_wait3A_104 : memref<1x2304xf32, #tpu.memory_space<hbm>>) dst(%arg12 : memref<1x2304xf32, #tpu.memory_space<vmem>>)
        %lt3A_105 = arith.constant 1953 : i32
        %lt3A_106 = arith.cmpi slt, %add3A_45, %lt3A_105 : i32
        %convert_element_type3A_107 = arith.extui %lt3A_106 : i1 to i32
        %cond3A_108 = arith.constant 0 : i32
        %cond3A_109 = arith.cmpi ne, %convert_element_type3A_107, %cond3A_108 : i32
        scf.if %cond3A_109 {
          %mul3A_122 = arith.constant 2304 : i32
          %mul3A_123 = arith.muli %add3A_45, %mul3A_122 : i32
          %dma_start3A = arith.constant 0 : i32
          %dma_start3A_124 = tpu.memref_slice %arg2[%dma_start3A, %mul3A_123] : memref<2x4500000xi32, #tpu.memory_space<hbm>> -> memref<2x2304xi32, #tpu.memory_space<hbm>>
          %dma_start3A_125 = arith.constant 0 : i32
          %dma_start3A_126 = tpu.memref_slice %arg2[%dma_start3A_125, %mul3A_123] : memref<2x4500000xi32, #tpu.memory_space<hbm>> -> memref<2x2304xi32, #tpu.memory_space<hbm>>
          tpu.enqueue_dma source(%dma_start3A_126 : memref<2x2304xi32, #tpu.memory_space<hbm>>) target(%arg15 : memref<2x2304xi32, #tpu.memory_space<vmem>>) target_semaphore(%arg23 : memref<!tpu.dma_semaphore, #tpu.memory_space<semaphore_mem>>)
          %dma_start3A_127 = arith.constant 0 : i32
          %dma_start3A_128 = tpu.memref_slice %arg3[%dma_start3A_127, %mul3A_123] : memref<1x4500000xf32, #tpu.memory_space<hbm>> -> memref<1x2304xf32, #tpu.memory_space<hbm>>
          %dma_start3A_129 = arith.constant 0 : i32
          %dma_start3A_130 = tpu.memref_slice %arg3[%dma_start3A_129, %mul3A_123] : memref<1x4500000xf32, #tpu.memory_space<hbm>> -> memref<1x2304xf32, #tpu.memory_space<hbm>>
          tpu.enqueue_dma source(%dma_start3A_130 : memref<1x2304xf32, #tpu.memory_space<hbm>>) target(%arg16 : memref<1x2304xf32, #tpu.memory_space<vmem>>) target_semaphore(%arg23 : memref<!tpu.dma_semaphore, #tpu.memory_space<semaphore_mem>>)
        } else {
        }
        %parallel_loop3A = arith.constant 0 : i32
        %parallel_loop3A_110 = arith.constant 16 : i32
        %parallel_loop3A_111 = arith.constant 1 : i32
        %parallel_loop3A_112:2 = scf.for %parallel_loop3A_122 = %parallel_loop3A to %parallel_loop3A_110 step %parallel_loop3A_111 iter_args(%parallel_loop3A_123 = %broadcast_in_dim3A_1, %parallel_loop3A_124 = %broadcast_in_dim3A_1) -> (vector<16xf32>, vector<16xf32>)  : i32 {
          %parallel_loop3A_125 = arith.constant 144 : i32
          %parallel_loop3A_126 = arith.muli %parallel_loop3A_122, %parallel_loop3A_125 : i32
          %parallel_loop3A_127 = vector.broadcast %parallel_loop3A_126 : i32 to vector<16xi32>
          %parallel_loop3A_128 = arith.addi %parallel_loop3A_127, %mul3A_7 : vector<16xi32>
          %parallel_loop3A_129 = tpu.vector_load_idx %arg11[%broadcast_in_dim3A_9, %parallel_loop3A_128] : memref<2x2304xi32, #tpu.memory_space<vmem>>[vector<16xi32>, vector<16xi32>], vector<16xi32>,
          %parallel_loop3A_130 = tpu.vector_load_idx %arg10[%parallel_loop3A_129] : memref<100000xi32, #tpu.memory_space<vmem>>[vector<16xi32>], vector<16xi32>,
          %parallel_loop3A_131 = arith.constant 0 : i32
          %parallel_loop3A_132 = vector.broadcast %parallel_loop3A_131 : i32 to vector<16xi32>
          %parallel_loop3A_133 = arith.addi %parallel_loop3A_128, %parallel_loop3A_132 : vector<16xi32>
          %parallel_loop3A_134 = tpu.vector_load_idx %arg11[%broadcast_in_dim3A_11, %parallel_loop3A_133] : memref<2x2304xi32, #tpu.memory_space<vmem>>[vector<16xi32>, vector<16xi32>], vector<16xi32>,
          %parallel_loop3A_135 = tpu.vector_load_idx %arg10[%parallel_loop3A_134] : memref<100000xi32, #tpu.memory_space<vmem>>[vector<16xi32>], vector<16xi32>,
          %parallel_loop3A_136 = tpu.vector_load_idx %arg12[%broadcast_in_dim3A_9, %parallel_loop3A_133] : memref<1x2304xf32, #tpu.memory_space<vmem>>[vector<16xi32>, vector<16xi32>], vector<16xf32>,
          %parallel_loop3A_137 = arith.cmpi eq, %parallel_loop3A_130, %parallel_loop3A_135 : vector<16xi32>
          %parallel_loop3A_138 = arith.constant 0.000000e+00 : f32
          %parallel_loop3A_139 = vector.broadcast %parallel_loop3A_138 : f32 to vector<16xf32>
          %parallel_loop3A_140 = arith.select %parallel_loop3A_137, %parallel_loop3A_136, %parallel_loop3A_139 : vector<16xi1>, vector<16xf32>
          %parallel_loop3A_141 = arith.addf %broadcast_in_dim3A_1, %parallel_loop3A_140 : vector<16xf32>
          %parallel_loop3A_142 = arith.constant 1.000000e+00 : f32
          %parallel_loop3A_143 = arith.constant 0.000000e+00 : f32
          %parallel_loop3A_144 = vector.broadcast %parallel_loop3A_142 : f32 to vector<16xf32>
          %parallel_loop3A_145 = vector.broadcast %parallel_loop3A_143 : f32 to vector<16xf32>
          %parallel_loop3A_146 = arith.select %parallel_loop3A_137, %parallel_loop3A_144, %parallel_loop3A_145 : vector<16xi1>, vector<16xf32>
          %parallel_loop3A_147 = arith.addf %broadcast_in_dim3A_1, %parallel_loop3A_146 : vector<16xf32>
          %parallel_loop3A_148 = arith.constant 0.000000e+00 : f32
          %parallel_loop3A_149 = vector.broadcast %parallel_loop3A_148 : f32 to vector<16xf32>
          %parallel_loop3A_150 = arith.select %parallel_loop3A_137, %parallel_loop3A_149, %parallel_loop3A_136 : vector<16xi1>, vector<16xf32>
          %parallel_loop3A_151 = arith.addf %broadcast_in_dim3A_1, %parallel_loop3A_150 : vector<16xf32>
          %parallel_loop3A_152 = arith.select %parallel_loop3A_137, %parallel_loop3A_136, %broadcast_in_dim3A_13 : vector<16xi1>, vector<16xf32>
          %parallel_loop3A_153 = arith.maximumf %broadcast_in_dim3A_13, %parallel_loop3A_152 : vector<16xf32>
          %parallel_loop3A_154 = arith.select %parallel_loop3A_137, %broadcast_in_dim3A_15, %parallel_loop3A_136 : vector<16xi1>, vector<16xf32>
          %parallel_loop3A_155 = arith.minimumf %broadcast_in_dim3A_15, %parallel_loop3A_154 : vector<16xf32>
          %parallel_loop3A_156 = arith.constant 1 : i32
          %parallel_loop3A_157 = vector.broadcast %parallel_loop3A_156 : i32 to vector<16xi32>
          %parallel_loop3A_158 = arith.addi %parallel_loop3A_128, %parallel_loop3A_157 : vector<16xi32>
          %parallel_loop3A_159 = tpu.vector_load_idx %arg11[%broadcast_in_dim3A_11, %parallel_loop3A_158] : memref<2x2304xi32, #tpu.memory_space<vmem>>[vector<16xi32>, vector<16xi32>], vector<16xi32>,
          %parallel_loop3A_160 = tpu.vector_load_idx %arg10[%parallel_loop3A_159] : memref<100000xi32, #tpu.memory_space<vmem>>[vector<16xi32>], vector<16xi32>,
          %parallel_loop3A_161 = tpu.vector_load_idx %arg12[%broadcast_in_dim3A_9, %parallel_loop3A_158] : memref<1x2304xf32, #tpu.memory_space<vmem>>[vector<16xi32>, vector<16xi32>], vector<16xf32>,
          %parallel_loop3A_162 = arith.cmpi eq, %parallel_loop3A_130, %parallel_loop3A_160 : vector<16xi32>
          %parallel_loop3A_163 = arith.constant 0.000000e+00 : f32
          %parallel_loop3A_164 = vector.broadcast %parallel_loop3A_163 : f32 to vector<16xf32>
          %parallel_loop3A_165 = arith.select %parallel_loop3A_162, %parallel_loop3A_161, %parallel_loop3A_164 : vector<16xi1>, vector<16xf32>
          %parallel_loop3A_166 = arith.addf %parallel_loop3A_141, %parallel_loop3A_165 : vector<16xf32>
          %parallel_loop3A_167 = arith.constant 1.000000e+00 : f32
          %parallel_loop3A_168 = arith.constant 0.000000e+00 : f32
          %parallel_loop3A_169 = vector.broadcast %parallel_loop3A_167 : f32 to vector<16xf32>
          %parallel_loop3A_170 = vector.broadcast %parallel_loop3A_168 : f32 to vector<16xf32>
          %parallel_loop3A_171 = arith.select %parallel_loop3A_162, %parallel_loop3A_169, %parallel_loop3A_170 : vector<16xi1>, vector<16xf32>
          %parallel_loop3A_172 = arith.addf %parallel_loop3A_147, %parallel_loop3A_171 : vector<16xf32>
          %parallel_loop3A_173 = arith.constant 0.000000e+00 : f32
          %parallel_loop3A_174 = vector.broadcast %parallel_loop3A_173 : f32 to vector<16xf32>
          %parallel_loop3A_175 = arith.select %parallel_loop3A_162, %parallel_loop3A_174, %parallel_loop3A_161 : vector<16xi1>, vector<16xf32>
          %parallel_loop3A_176 = arith.addf %parallel_loop3A_151, %parallel_loop3A_175 : vector<16xf32>
          %parallel_loop3A_177 = arith.select %parallel_loop3A_162, %parallel_loop3A_161, %broadcast_in_dim3A_13 : vector<16xi1>, vector<16xf32>
          %parallel_loop3A_178 = arith.maximumf %parallel_loop3A_153, %parallel_loop3A_177 : vector<16xf32>
          %parallel_loop3A_179 = arith.select %parallel_loop3A_162, %broadcast_in_dim3A_15, %parallel_loop3A_161 : vector<16xi1>, vector<16xf32>
          %parallel_loop3A_180 = arith.minimumf %parallel_loop3A_155, %parallel_loop3A_179 : vector<16xf32>
          %parallel_loop3A_181 = arith.constant 2 : i32
          %parallel_loop3A_182 = vector.broadcast %parallel_loop3A_181 : i32 to vector<16xi32>
          %parallel_loop3A_183 = arith.addi %parallel_loop3A_128, %parallel_loop3A_182 : vector<16xi32>
          %parallel_loop3A_184 = tpu.vector_load_idx %arg11[%broadcast_in_dim3A_11, %parallel_loop3A_183] : memref<2x2304xi32, #tpu.memory_space<vmem>>[vector<16xi32>, vector<16xi32>], vector<16xi32>,
          %parallel_loop3A_185 = tpu.vector_load_idx %arg10[%parallel_loop3A_184] : memref<100000xi32, #tpu.memory_space<vmem>>[vector<16xi32>], vector<16xi32>,
          %parallel_loop3A_186 = tpu.vector_load_idx %arg12[%broadcast_in_dim3A_9, %parallel_loop3A_183] : memref<1x2304xf32, #tpu.memory_space<vmem>>[vector<16xi32>, vector<16xi32>], vector<16xf32>,
          %parallel_loop3A_187 = arith.cmpi eq, %parallel_loop3A_130, %parallel_loop3A_185 : vector<16xi32>
          %parallel_loop3A_188 = arith.constant 0.000000e+00 : f32
          %parallel_loop3A_189 = vector.broadcast %parallel_loop3A_188 : f32 to vector<16xf32>
          %parallel_loop3A_190 = arith.select %parallel_loop3A_187, %parallel_loop3A_186, %parallel_loop3A_189 : vector<16xi1>, vector<16xf32>
          %parallel_loop3A_191 = arith.addf %parallel_loop3A_166, %parallel_loop3A_190 : vector<16xf32>
          %parallel_loop3A_192 = arith.constant 1.000000e+00 : f32
          %parallel_loop3A_193 = arith.constant 0.000000e+00 : f32
          %parallel_loop3A_194 = vector.broadcast %parallel_loop3A_192 : f32 to vector<16xf32>
          %parallel_loop3A_195 = vector.broadcast %parallel_loop3A_193 : f32 to vector<16xf32>
          %parallel_loop3A_196 = arith.select %parallel_loop3A_187, %parallel_loop3A_194, %parallel_loop3A_195 : vector<16xi1>, vector<16xf32>
          %parallel_loop3A_197 = arith.addf %parallel_loop3A_172, %parallel_loop3A_196 : vector<16xf32>
          %parallel_loop3A_198 = arith.constant 0.000000e+00 : f32
          %parallel_loop3A_199 = vector.broadcast %parallel_loop3A_198 : f32 to vector<16xf32>
          %parallel_loop3A_200 = arith.select %parallel_loop3A_187, %parallel_loop3A_199, %parallel_loop3A_186 : vector<16xi1>, vector<16xf32>
          %parallel_loop3A_201 = arith.addf %parallel_loop3A_176, %parallel_loop3A_200 : vector<16xf32>
          %parallel_loop3A_202 = arith.select %parallel_loop3A_187, %parallel_loop3A_186, %broadcast_in_dim3A_13 : vector<16xi1>, vector<16xf32>
          %parallel_loop3A_203 = arith.maximumf %parallel_loop3A_178, %parallel_loop3A_202 : vector<16xf32>
          %parallel_loop3A_204 = arith.select %parallel_loop3A_187, %broadcast_in_dim3A_15, %parallel_loop3A_186 : vector<16xi1>, vector<16xf32>
          %parallel_loop3A_205 = arith.minimumf %parallel_loop3A_180, %parallel_loop3A_204 : vector<16xf32>
          %parallel_loop3A_206 = arith.constant 3 : i32
          %parallel_loop3A_207 = vector.broadcast %parallel_loop3A_206 : i32 to vector<16xi32>
          %parallel_loop3A_208 = arith.addi %parallel_loop3A_128, %parallel_loop3A_207 : vector<16xi32>
          %parallel_loop3A_209 = tpu.vector_load_idx %arg11[%broadcast_in_dim3A_11, %parallel_loop3A_208] : memref<2x2304xi32, #tpu.memory_space<vmem>>[vector<16xi32>, vector<16xi32>], vector<16xi32>,
          %parallel_loop3A_210 = tpu.vector_load_idx %arg10[%parallel_loop3A_209] : memref<100000xi32, #tpu.memory_space<vmem>>[vector<16xi32>], vector<16xi32>,
          %parallel_loop3A_211 = tpu.vector_load_idx %arg12[%broadcast_in_dim3A_9, %parallel_loop3A_208] : memref<1x2304xf32, #tpu.memory_space<vmem>>[vector<16xi32>, vector<16xi32>], vector<16xf32>,
          %parallel_loop3A_212 = arith.cmpi eq, %parallel_loop3A_130, %parallel_loop3A_210 : vector<16xi32>
          %parallel_loop3A_213 = arith.constant 0.000000e+00 : f32
          %parallel_loop3A_214 = vector.broadcast %parallel_loop3A_213 : f32 to vector<16xf32>
          %parallel_loop3A_215 = arith.select %parallel_loop3A_212, %parallel_loop3A_211, %parallel_loop3A_214 : vector<16xi1>, vector<16xf32>
          %parallel_loop3A_216 = arith.addf %parallel_loop3A_191, %parallel_loop3A_215 : vector<16xf32>
          %parallel_loop3A_217 = arith.constant 1.000000e+00 : f32
          %parallel_loop3A_218 = arith.constant 0.000000e+00 : f32
          %parallel_loop3A_219 = vector.broadcast %parallel_loop3A_217 : f32 to vector<16xf32>
          %parallel_loop3A_220 = vector.broadcast %parallel_loop3A_218 : f32 to vector<16xf32>
          %parallel_loop3A_221 = arith.select %parallel_loop3A_212, %parallel_loop3A_219, %parallel_loop3A_220 : vector<16xi1>, vector<16xf32>
          %parallel_loop3A_222 = arith.addf %parallel_loop3A_197, %parallel_loop3A_221 : vector<16xf32>
          %parallel_loop3A_223 = arith.constant 0.000000e+00 : f32
          %parallel_loop3A_224 = vector.broadcast %parallel_loop3A_223 : f32 to vector<16xf32>
          %parallel_loop3A_225 = arith.select %parallel_loop3A_212, %parallel_loop3A_224, %parallel_loop3A_211 : vector<16xi1>, vector<16xf32>
          %parallel_loop3A_226 = arith.addf %parallel_loop3A_201, %parallel_loop3A_225 : vector<16xf32>
          %parallel_loop3A_227 = arith.select %parallel_loop3A_212, %parallel_loop3A_211, %broadcast_in_dim3A_13 : vector<16xi1>, vector<16xf32>
          %parallel_loop3A_228 = arith.maximumf %parallel_loop3A_203, %parallel_loop3A_227 : vector<16xf32>
          %parallel_loop3A_229 = arith.select %parallel_loop3A_212, %broadcast_in_dim3A_15, %parallel_loop3A_211 : vector<16xi1>, vector<16xf32>
          %parallel_loop3A_230 = arith.minimumf %parallel_loop3A_205, %parallel_loop3A_229 : vector<16xf32>
          %parallel_loop3A_231 = arith.constant 4 : i32
          %parallel_loop3A_232 = vector.broadcast %parallel_loop3A_231 : i32 to vector<16xi32>
          %parallel_loop3A_233 = arith.addi %parallel_loop3A_128, %parallel_loop3A_232 : vector<16xi32>
          %parallel_loop3A_234 = tpu.vector_load_idx %arg11[%broadcast_in_dim3A_11, %parallel_loop3A_233] : memref<2x2304xi32, #tpu.memory_space<vmem>>[vector<16xi32>, vector<16xi32>], vector<16xi32>,
          %parallel_loop3A_235 = tpu.vector_load_idx %arg10[%parallel_loop3A_234] : memref<100000xi32, #tpu.memory_space<vmem>>[vector<16xi32>], vector<16xi32>,
          %parallel_loop3A_236 = tpu.vector_load_idx %arg12[%broadcast_in_dim3A_9, %parallel_loop3A_233] : memref<1x2304xf32, #tpu.memory_space<vmem>>[vector<16xi32>, vector<16xi32>], vector<16xf32>,
          %parallel_loop3A_237 = arith.cmpi eq, %parallel_loop3A_130, %parallel_loop3A_235 : vector<16xi32>
          %parallel_loop3A_238 = arith.constant 0.000000e+00 : f32
          %parallel_loop3A_239 = vector.broadcast %parallel_loop3A_238 : f32 to vector<16xf32>
          %parallel_loop3A_240 = arith.select %parallel_loop3A_237, %parallel_loop3A_236, %parallel_loop3A_239 : vector<16xi1>, vector<16xf32>
          %parallel_loop3A_241 = arith.addf %parallel_loop3A_216, %parallel_loop3A_240 : vector<16xf32>
          %parallel_loop3A_242 = arith.constant 1.000000e+00 : f32
          %parallel_loop3A_243 = arith.constant 0.000000e+00 : f32
          %parallel_loop3A_244 = vector.broadcast %parallel_loop3A_242 : f32 to vector<16xf32>
          %parallel_loop3A_245 = vector.broadcast %parallel_loop3A_243 : f32 to vector<16xf32>
          %parallel_loop3A_246 = arith.select %parallel_loop3A_237, %parallel_loop3A_244, %parallel_loop3A_245 : vector<16xi1>, vector<16xf32>
          %parallel_loop3A_247 = arith.addf %parallel_loop3A_222, %parallel_loop3A_246 : vector<16xf32>
          %parallel_loop3A_248 = arith.constant 0.000000e+00 : f32
          %parallel_loop3A_249 = vector.broadcast %parallel_loop3A_248 : f32 to vector<16xf32>
          %parallel_loop3A_250 = arith.select %parallel_loop3A_237, %parallel_loop3A_249, %parallel_loop3A_236 : vector<16xi1>, vector<16xf32>
          %parallel_loop3A_251 = arith.addf %parallel_loop3A_226, %parallel_loop3A_250 : vector<16xf32>
          %parallel_loop3A_252 = arith.select %parallel_loop3A_237, %parallel_loop3A_236, %broadcast_in_dim3A_13 : vector<16xi1>, vector<16xf32>
          %parallel_loop3A_253 = arith.maximumf %parallel_loop3A_228, %parallel_loop3A_252 : vector<16xf32>
          %parallel_loop3A_254 = arith.select %parallel_loop3A_237, %broadcast_in_dim3A_15, %parallel_loop3A_236 : vector<16xi1>, vector<16xf32>
          %parallel_loop3A_255 = arith.minimumf %parallel_loop3A_230, %parallel_loop3A_254 : vector<16xf32>
          %parallel_loop3A_256 = arith.constant 5 : i32
          %parallel_loop3A_257 = vector.broadcast %parallel_loop3A_256 : i32 to vector<16xi32>
          %parallel_loop3A_258 = arith.addi %parallel_loop3A_128, %parallel_loop3A_257 : vector<16xi32>
          %parallel_loop3A_259 = tpu.vector_load_idx %arg11[%broadcast_in_dim3A_11, %parallel_loop3A_258] : memref<2x2304xi32, #tpu.memory_space<vmem>>[vector<16xi32>, vector<16xi32>], vector<16xi32>,
          %parallel_loop3A_260 = tpu.vector_load_idx %arg10[%parallel_loop3A_259] : memref<100000xi32, #tpu.memory_space<vmem>>[vector<16xi32>], vector<16xi32>,
          %parallel_loop3A_261 = tpu.vector_load_idx %arg12[%broadcast_in_dim3A_9, %parallel_loop3A_258] : memref<1x2304xf32, #tpu.memory_space<vmem>>[vector<16xi32>, vector<16xi32>], vector<16xf32>,
          %parallel_loop3A_262 = arith.cmpi eq, %parallel_loop3A_130, %parallel_loop3A_260 : vector<16xi32>
          %parallel_loop3A_263 = arith.constant 0.000000e+00 : f32
          %parallel_loop3A_264 = vector.broadcast %parallel_loop3A_263 : f32 to vector<16xf32>
          %parallel_loop3A_265 = arith.select %parallel_loop3A_262, %parallel_loop3A_261, %parallel_loop3A_264 : vector<16xi1>, vector<16xf32>
          %parallel_loop3A_266 = arith.addf %parallel_loop3A_241, %parallel_loop3A_265 : vector<16xf32>
          %parallel_loop3A_267 = arith.constant 1.000000e+00 : f32
          %parallel_loop3A_268 = arith.constant 0.000000e+00 : f32
          %parallel_loop3A_269 = vector.broadcast %parallel_loop3A_267 : f32 to vector<16xf32>
          %parallel_loop3A_270 = vector.broadcast %parallel_loop3A_268 : f32 to vector<16xf32>
          %parallel_loop3A_271 = arith.select %parallel_loop3A_262, %parallel_loop3A_269, %parallel_loop3A_270 : vector<16xi1>, vector<16xf32>
          %parallel_loop3A_272 = arith.addf %parallel_loop3A_247, %parallel_loop3A_271 : vector<16xf32>
          %parallel_loop3A_273 = arith.constant 0.000000e+00 : f32
          %parallel_loop3A_274 = vector.broadcast %parallel_loop3A_273 : f32 to vector<16xf32>
          %parallel_loop3A_275 = arith.select %parallel_loop3A_262, %parallel_loop3A_274, %parallel_loop3A_261 : vector<16xi1>, vector<16xf32>
          %parallel_loop3A_276 = arith.addf %parallel_loop3A_251, %parallel_loop3A_275 : vector<16xf32>
          %parallel_loop3A_277 = arith.select %parallel_loop3A_262, %parallel_loop3A_261, %broadcast_in_dim3A_13 : vector<16xi1>, vector<16xf32>
          %parallel_loop3A_278 = arith.maximumf %parallel_loop3A_253, %parallel_loop3A_277 : vector<16xf32>
          %parallel_loop3A_279 = arith.select %parallel_loop3A_262, %broadcast_in_dim3A_15, %parallel_loop3A_261 : vector<16xi1>, vector<16xf32>
          %parallel_loop3A_280 = arith.minimumf %parallel_loop3A_255, %parallel_loop3A_279 : vector<16xf32>
          %parallel_loop3A_281 = arith.constant 6 : i32
          %parallel_loop3A_282 = vector.broadcast %parallel_loop3A_281 : i32 to vector<16xi32>
          %parallel_loop3A_283 = arith.addi %parallel_loop3A_128, %parallel_loop3A_282 : vector<16xi32>
          %parallel_loop3A_284 = tpu.vector_load_idx %arg11[%broadcast_in_dim3A_11, %parallel_loop3A_283] : memref<2x2304xi32, #tpu.memory_space<vmem>>[vector<16xi32>, vector<16xi32>], vector<16xi32>,
          %parallel_loop3A_285 = tpu.vector_load_idx %arg10[%parallel_loop3A_284] : memref<100000xi32, #tpu.memory_space<vmem>>[vector<16xi32>], vector<16xi32>,
          %parallel_loop3A_286 = tpu.vector_load_idx %arg12[%broadcast_in_dim3A_9, %parallel_loop3A_283] : memref<1x2304xf32, #tpu.memory_space<vmem>>[vector<16xi32>, vector<16xi32>], vector<16xf32>,
          %parallel_loop3A_287 = arith.cmpi eq, %parallel_loop3A_130, %parallel_loop3A_285 : vector<16xi32>
          %parallel_loop3A_288 = arith.constant 0.000000e+00 : f32
          %parallel_loop3A_289 = vector.broadcast %parallel_loop3A_288 : f32 to vector<16xf32>
          %parallel_loop3A_290 = arith.select %parallel_loop3A_287, %parallel_loop3A_286, %parallel_loop3A_289 : vector<16xi1>, vector<16xf32>
          %parallel_loop3A_291 = arith.addf %parallel_loop3A_266, %parallel_loop3A_290 : vector<16xf32>
          %parallel_loop3A_292 = arith.constant 1.000000e+00 : f32
          %parallel_loop3A_293 = arith.constant 0.000000e+00 : f32
          %parallel_loop3A_294 = vector.broadcast %parallel_loop3A_292 : f32 to vector<16xf32>
          %parallel_loop3A_295 = vector.broadcast %parallel_loop3A_293 : f32 to vector<16xf32>
          %parallel_loop3A_296 = arith.select %parallel_loop3A_287, %parallel_loop3A_294, %parallel_loop3A_295 : vector<16xi1>, vector<16xf32>
          %parallel_loop3A_297 = arith.addf %parallel_loop3A_272, %parallel_loop3A_296 : vector<16xf32>
          %parallel_loop3A_298 = arith.constant 0.000000e+00 : f32
          %parallel_loop3A_299 = vector.broadcast %parallel_loop3A_298 : f32 to vector<16xf32>
          %parallel_loop3A_300 = arith.select %parallel_loop3A_287, %parallel_loop3A_299, %parallel_loop3A_286 : vector<16xi1>, vector<16xf32>
          %parallel_loop3A_301 = arith.addf %parallel_loop3A_276, %parallel_loop3A_300 : vector<16xf32>
          %parallel_loop3A_302 = arith.select %parallel_loop3A_287, %parallel_loop3A_286, %broadcast_in_dim3A_13 : vector<16xi1>, vector<16xf32>
          %parallel_loop3A_303 = arith.maximumf %parallel_loop3A_278, %parallel_loop3A_302 : vector<16xf32>
          %parallel_loop3A_304 = arith.select %parallel_loop3A_287, %broadcast_in_dim3A_15, %parallel_loop3A_286 : vector<16xi1>, vector<16xf32>
          %parallel_loop3A_305 = arith.minimumf %parallel_loop3A_280, %parallel_loop3A_304 : vector<16xf32>
          %parallel_loop3A_306 = arith.constant 7 : i32
          %parallel_loop3A_307 = vector.broadcast %parallel_loop3A_306 : i32 to vector<16xi32>
          %parallel_loop3A_308 = arith.addi %parallel_loop3A_128, %parallel_loop3A_307 : vector<16xi32>
          %parallel_loop3A_309 = tpu.vector_load_idx %arg11[%broadcast_in_dim3A_11, %parallel_loop3A_308] : memref<2x2304xi32, #tpu.memory_space<vmem>>[vector<16xi32>, vector<16xi32>], vector<16xi32>,
          %parallel_loop3A_310 = tpu.vector_load_idx %arg10[%parallel_loop3A_309] : memref<100000xi32, #tpu.memory_space<vmem>>[vector<16xi32>], vector<16xi32>,
          %parallel_loop3A_311 = tpu.vector_load_idx %arg12[%broadcast_in_dim3A_9, %parallel_loop3A_308] : memref<1x2304xf32, #tpu.memory_space<vmem>>[vector<16xi32>, vector<16xi32>], vector<16xf32>,
          %parallel_loop3A_312 = arith.cmpi eq, %parallel_loop3A_130, %parallel_loop3A_310 : vector<16xi32>
          %parallel_loop3A_313 = arith.constant 0.000000e+00 : f32
          %parallel_loop3A_314 = vector.broadcast %parallel_loop3A_313 : f32 to vector<16xf32>
          %parallel_loop3A_315 = arith.select %parallel_loop3A_312, %parallel_loop3A_311, %parallel_loop3A_314 : vector<16xi1>, vector<16xf32>
          %parallel_loop3A_316 = arith.addf %parallel_loop3A_291, %parallel_loop3A_315 : vector<16xf32>
          %parallel_loop3A_317 = arith.constant 1.000000e+00 : f32
          %parallel_loop3A_318 = arith.constant 0.000000e+00 : f32
          %parallel_loop3A_319 = vector.broadcast %parallel_loop3A_317 : f32 to vector<16xf32>
          %parallel_loop3A_320 = vector.broadcast %parallel_loop3A_318 : f32 to vector<16xf32>
          %parallel_loop3A_321 = arith.select %parallel_loop3A_312, %parallel_loop3A_319, %parallel_loop3A_320 : vector<16xi1>, vector<16xf32>
          %parallel_loop3A_322 = arith.addf %parallel_loop3A_297, %parallel_loop3A_321 : vector<16xf32>
          %parallel_loop3A_323 = arith.constant 0.000000e+00 : f32
          %parallel_loop3A_324 = vector.broadcast %parallel_loop3A_323 : f32 to vector<16xf32>
          %parallel_loop3A_325 = arith.select %parallel_loop3A_312, %parallel_loop3A_324, %parallel_loop3A_311 : vector<16xi1>, vector<16xf32>
          %parallel_loop3A_326 = arith.addf %parallel_loop3A_301, %parallel_loop3A_325 : vector<16xf32>
          %parallel_loop3A_327 = arith.select %parallel_loop3A_312, %parallel_loop3A_311, %broadcast_in_dim3A_13 : vector<16xi1>, vector<16xf32>
          %parallel_loop3A_328 = arith.maximumf %parallel_loop3A_303, %parallel_loop3A_327 : vector<16xf32>
          %parallel_loop3A_329 = arith.select %parallel_loop3A_312, %broadcast_in_dim3A_15, %parallel_loop3A_311 : vector<16xi1>, vector<16xf32>
          %parallel_loop3A_330 = arith.minimumf %parallel_loop3A_305, %parallel_loop3A_329 : vector<16xf32>
          %parallel_loop3A_331 = arith.constant 8 : i32
          %parallel_loop3A_332 = vector.broadcast %parallel_loop3A_331 : i32 to vector<16xi32>
          %parallel_loop3A_333 = arith.addi %parallel_loop3A_128, %parallel_loop3A_332 : vector<16xi32>
          %parallel_loop3A_334 = tpu.vector_load_idx %arg11[%broadcast_in_dim3A_11, %parallel_loop3A_333] : memref<2x2304xi32, #tpu.memory_space<vmem>>[vector<16xi32>, vector<16xi32>], vector<16xi32>,
          %parallel_loop3A_335 = tpu.vector_load_idx %arg10[%parallel_loop3A_334] : memref<100000xi32, #tpu.memory_space<vmem>>[vector<16xi32>], vector<16xi32>,
          %parallel_loop3A_336 = tpu.vector_load_idx %arg12[%broadcast_in_dim3A_9, %parallel_loop3A_333] : memref<1x2304xf32, #tpu.memory_space<vmem>>[vector<16xi32>, vector<16xi32>], vector<16xf32>,
          %parallel_loop3A_337 = arith.cmpi eq, %parallel_loop3A_130, %parallel_loop3A_335 : vector<16xi32>
          %parallel_loop3A_338 = arith.constant 0.000000e+00 : f32
          %parallel_loop3A_339 = vector.broadcast %parallel_loop3A_338 : f32 to vector<16xf32>
          %parallel_loop3A_340 = arith.select %parallel_loop3A_337, %parallel_loop3A_336, %parallel_loop3A_339 : vector<16xi1>, vector<16xf32>
          %parallel_loop3A_341 = arith.addf %parallel_loop3A_316, %parallel_loop3A_340 : vector<16xf32>
          %parallel_loop3A_342 = arith.constant 1.000000e+00 : f32
          %parallel_loop3A_343 = arith.constant 0.000000e+00 : f32
          %parallel_loop3A_344 = vector.broadcast %parallel_loop3A_342 : f32 to vector<16xf32>
          %parallel_loop3A_345 = vector.broadcast %parallel_loop3A_343 : f32 to vector<16xf32>
          %parallel_loop3A_346 = arith.select %parallel_loop3A_337, %parallel_loop3A_344, %parallel_loop3A_345 : vector<16xi1>, vector<16xf32>
          %parallel_loop3A_347 = arith.addf %parallel_loop3A_322, %parallel_loop3A_346 : vector<16xf32>
          %parallel_loop3A_348 = arith.constant 0.000000e+00 : f32
          %parallel_loop3A_349 = vector.broadcast %parallel_loop3A_348 : f32 to vector<16xf32>
          %parallel_loop3A_350 = arith.select %parallel_loop3A_337, %parallel_loop3A_349, %parallel_loop3A_336 : vector<16xi1>, vector<16xf32>
          %parallel_loop3A_351 = arith.addf %parallel_loop3A_326, %parallel_loop3A_350 : vector<16xf32>
          %parallel_loop3A_352 = arith.select %parallel_loop3A_337, %parallel_loop3A_336, %broadcast_in_dim3A_13 : vector<16xi1>, vector<16xf32>
          %parallel_loop3A_353 = arith.maximumf %parallel_loop3A_328, %parallel_loop3A_352 : vector<16xf32>
          %parallel_loop3A_354 = arith.select %parallel_loop3A_337, %broadcast_in_dim3A_15, %parallel_loop3A_336 : vector<16xi1>, vector<16xf32>
          %parallel_loop3A_355 = arith.minimumf %parallel_loop3A_330, %parallel_loop3A_354 : vector<16xf32>
          %parallel_loop3A_356 = arith.constant 9.000000e+00 : f32
          %parallel_loop3A_357 = vector.broadcast %parallel_loop3A_356 : f32 to vector<16xf32>
          %parallel_loop3A_358 = arith.subf %parallel_loop3A_357, %parallel_loop3A_347 : vector<16xf32>
          %parallel_loop3A_359 = arith.divf %parallel_loop3A_341, %parallel_loop3A_347 : vector<16xf32>
          %parallel_loop3A_360 = math.exp %parallel_loop3A_359 : vector<16xf32>
          %parallel_loop3A_361 = arith.divf %parallel_loop3A_351, %parallel_loop3A_358 : vector<16xf32>
          %parallel_loop3A_362 = arith.constant 0.000000e+00 : f32
          %parallel_loop3A_363 = vector.broadcast %parallel_loop3A_362 : f32 to vector<16xf32>
          %parallel_loop3A_364 = arith.subf %parallel_loop3A_363, %parallel_loop3A_361 : vector<16xf32>
          %parallel_loop3A_365 = math.exp %parallel_loop3A_364 : vector<16xf32>
          %parallel_loop3A_366 = arith.addf %parallel_loop3A_360, %parallel_loop3A_365 : vector<16xf32>
          %parallel_loop3A_367 = arith.subf %parallel_loop3A_353, %parallel_loop3A_355 : vector<16xf32>
          %parallel_loop3A_368 = arith.constant 0.000000e+00 : f32
          %parallel_loop3A_369 = vector.broadcast %parallel_loop3A_368 : f32 to vector<16xf32>
          %parallel_loop3A_370 = arith.maximumf %parallel_loop3A_369, %parallel_loop3A_367 : vector<16xf32>
          %parallel_loop3A_371 = arith.addf %parallel_loop3A_123, %parallel_loop3A_366 : vector<16xf32>
          %parallel_loop3A_372 = arith.addf %parallel_loop3A_124, %parallel_loop3A_370 : vector<16xf32>
          scf.yield %parallel_loop3A_371, %parallel_loop3A_372 : vector<16xf32>, vector<16xf32>
        } {sc.loop_unroll_factor = 4 : i64, sc.parallel_access}
        %get3A = arith.constant 0 : index
        %get3A_113 = tpu.vector_load %arg19[%get3A] {strides = array<i32>} : memref<16xf32, #tpu.memory_space<vmem>>, vector<16xf32>,
        %add3A_114 = arith.addf %get3A_113, %parallel_loop3A_112#0 : vector<16xf32>
        %swap3A_115 = arith.constant 0 : index
        %swap3A_116 = tpu.vector_load %arg19[%swap3A_115] {strides = array<i32>} : memref<16xf32, #tpu.memory_space<vmem>>, vector<16xf32>,
        tpu.vector_store %arg19[%swap3A_115], %add3A_114 {strides = array<i32>} : memref<16xf32, #tpu.memory_space<vmem>>, vector<16xf32>,
        %get3A_117 = arith.constant 0 : index
        %get3A_118 = tpu.vector_load %arg20[%get3A_117] {strides = array<i32>} : memref<16xf32, #tpu.memory_space<vmem>>, vector<16xf32>,
        %add3A_119 = arith.addf %get3A_118, %parallel_loop3A_112#1 : vector<16xf32>
        %swap3A_120 = arith.constant 0 : index
        %swap3A_121 = tpu.vector_load %arg20[%swap3A_120] {strides = array<i32>} : memref<16xf32, #tpu.memory_space<vmem>>, vector<16xf32>,
        tpu.vector_store %arg20[%swap3A_120], %add3A_119 {strides = array<i32>} : memref<16xf32, #tpu.memory_space<vmem>>, vector<16xf32>,
      } else {
      }
      %eq3A_51 = arith.constant 1953 : i32
      %eq3A_52 = arith.cmpi eq, %add3A_43, %eq3A_51 : i32
      %convert_element_type3A_53 = arith.extui %eq3A_52 : i1 to i32
      %cond3A_54 = arith.constant 0 : i32
      %cond3A_55 = arith.cmpi ne, %convert_element_type3A_53, %cond3A_54 : i32
      scf.if %cond3A_55 {
        "tpu.region"() ({
          %run_scoped3A = tpu.sem_alloc : memref<!tpu.dma_semaphore, #tpu.memory_space<semaphore_mem>>
          tpu.enqueue_dma source(%arg5 : memref<2x288xi32, #tpu.memory_space<hbm>>) target(%arg17 : memref<2x288xi32, #tpu.memory_space<vmem>>) target_semaphore(%run_scoped3A : memref<!tpu.dma_semaphore, #tpu.memory_space<semaphore_mem>>)
          tpu.wait_dma2 semaphore(%run_scoped3A : memref<!tpu.dma_semaphore, #tpu.memory_space<semaphore_mem>>) src(%arg5 : memref<2x288xi32, #tpu.memory_space<hbm>>) dst(%arg17 : memref<2x288xi32, #tpu.memory_space<vmem>>)
          tpu.yield
        }) : () -> ()
        "tpu.region"() ({
          %run_scoped3A = tpu.sem_alloc : memref<!tpu.dma_semaphore, #tpu.memory_space<semaphore_mem>>
          tpu.enqueue_dma source(%arg6 : memref<1x288xf32, #tpu.memory_space<hbm>>) target(%arg18 : memref<1x288xf32, #tpu.memory_space<vmem>>) target_semaphore(%run_scoped3A : memref<!tpu.dma_semaphore, #tpu.memory_space<semaphore_mem>>)
          tpu.wait_dma2 semaphore(%run_scoped3A : memref<!tpu.dma_semaphore, #tpu.memory_space<semaphore_mem>>) src(%arg6 : memref<1x288xf32, #tpu.memory_space<hbm>>) dst(%arg18 : memref<1x288xf32, #tpu.memory_space<vmem>>)
          tpu.yield
        }) : () -> ()
        %parallel_loop3A = arith.constant 0 : i32
        %parallel_loop3A_94 = arith.constant 2 : i32
        %parallel_loop3A_95 = arith.constant 1 : i32
        %parallel_loop3A_96:2 = scf.for %parallel_loop3A_106 = %parallel_loop3A to %parallel_loop3A_94 step %parallel_loop3A_95 iter_args(%parallel_loop3A_107 = %broadcast_in_dim3A_1, %parallel_loop3A_108 = %broadcast_in_dim3A_1) -> (vector<16xf32>, vector<16xf32>)  : i32 {
          %parallel_loop3A_109 = arith.constant 144 : i32
          %parallel_loop3A_110 = arith.muli %parallel_loop3A_106, %parallel_loop3A_109 : i32
          %parallel_loop3A_111 = vector.broadcast %parallel_loop3A_110 : i32 to vector<16xi32>
          %parallel_loop3A_112 = arith.addi %parallel_loop3A_111, %mul3A_7 : vector<16xi32>
          %parallel_loop3A_113 = tpu.vector_load_idx %arg17[%broadcast_in_dim3A_9, %parallel_loop3A_112] : memref<2x288xi32, #tpu.memory_space<vmem>>[vector<16xi32>, vector<16xi32>], vector<16xi32>,
          %parallel_loop3A_114 = tpu.vector_load_idx %arg10[%parallel_loop3A_113] : memref<100000xi32, #tpu.memory_space<vmem>>[vector<16xi32>], vector<16xi32>,
          %parallel_loop3A_115 = arith.constant 0 : i32
          %parallel_loop3A_116 = vector.broadcast %parallel_loop3A_115 : i32 to vector<16xi32>
          %parallel_loop3A_117 = arith.addi %parallel_loop3A_112, %parallel_loop3A_116 : vector<16xi32>
          %parallel_loop3A_118 = tpu.vector_load_idx %arg17[%broadcast_in_dim3A_11, %parallel_loop3A_117] : memref<2x288xi32, #tpu.memory_space<vmem>>[vector<16xi32>, vector<16xi32>], vector<16xi32>,
          %parallel_loop3A_119 = tpu.vector_load_idx %arg10[%parallel_loop3A_118] : memref<100000xi32, #tpu.memory_space<vmem>>[vector<16xi32>], vector<16xi32>,
          %parallel_loop3A_120 = tpu.vector_load_idx %arg18[%broadcast_in_dim3A_9, %parallel_loop3A_117] : memref<1x288xf32, #tpu.memory_space<vmem>>[vector<16xi32>, vector<16xi32>], vector<16xf32>,
          %parallel_loop3A_121 = arith.cmpi eq, %parallel_loop3A_114, %parallel_loop3A_119 : vector<16xi32>
          %parallel_loop3A_122 = arith.constant 0.000000e+00 : f32
          %parallel_loop3A_123 = vector.broadcast %parallel_loop3A_122 : f32 to vector<16xf32>
          %parallel_loop3A_124 = arith.select %parallel_loop3A_121, %parallel_loop3A_120, %parallel_loop3A_123 : vector<16xi1>, vector<16xf32>
          %parallel_loop3A_125 = arith.addf %broadcast_in_dim3A_1, %parallel_loop3A_124 : vector<16xf32>
          %parallel_loop3A_126 = arith.constant 1.000000e+00 : f32
          %parallel_loop3A_127 = arith.constant 0.000000e+00 : f32
          %parallel_loop3A_128 = vector.broadcast %parallel_loop3A_126 : f32 to vector<16xf32>
          %parallel_loop3A_129 = vector.broadcast %parallel_loop3A_127 : f32 to vector<16xf32>
          %parallel_loop3A_130 = arith.select %parallel_loop3A_121, %parallel_loop3A_128, %parallel_loop3A_129 : vector<16xi1>, vector<16xf32>
          %parallel_loop3A_131 = arith.addf %broadcast_in_dim3A_1, %parallel_loop3A_130 : vector<16xf32>
          %parallel_loop3A_132 = arith.constant 0.000000e+00 : f32
          %parallel_loop3A_133 = vector.broadcast %parallel_loop3A_132 : f32 to vector<16xf32>
          %parallel_loop3A_134 = arith.select %parallel_loop3A_121, %parallel_loop3A_133, %parallel_loop3A_120 : vector<16xi1>, vector<16xf32>
          %parallel_loop3A_135 = arith.addf %broadcast_in_dim3A_1, %parallel_loop3A_134 : vector<16xf32>
          %parallel_loop3A_136 = arith.select %parallel_loop3A_121, %parallel_loop3A_120, %broadcast_in_dim3A_13 : vector<16xi1>, vector<16xf32>
          %parallel_loop3A_137 = arith.maximumf %broadcast_in_dim3A_13, %parallel_loop3A_136 : vector<16xf32>
          %parallel_loop3A_138 = arith.select %parallel_loop3A_121, %broadcast_in_dim3A_15, %parallel_loop3A_120 : vector<16xi1>, vector<16xf32>
          %parallel_loop3A_139 = arith.minimumf %broadcast_in_dim3A_15, %parallel_loop3A_138 : vector<16xf32>
          %parallel_loop3A_140 = arith.constant 1 : i32
          %parallel_loop3A_141 = vector.broadcast %parallel_loop3A_140 : i32 to vector<16xi32>
          %parallel_loop3A_142 = arith.addi %parallel_loop3A_112, %parallel_loop3A_141 : vector<16xi32>
          %parallel_loop3A_143 = tpu.vector_load_idx %arg17[%broadcast_in_dim3A_11, %parallel_loop3A_142] : memref<2x288xi32, #tpu.memory_space<vmem>>[vector<16xi32>, vector<16xi32>], vector<16xi32>,
          %parallel_loop3A_144 = tpu.vector_load_idx %arg10[%parallel_loop3A_143] : memref<100000xi32, #tpu.memory_space<vmem>>[vector<16xi32>], vector<16xi32>,
          %parallel_loop3A_145 = tpu.vector_load_idx %arg18[%broadcast_in_dim3A_9, %parallel_loop3A_142] : memref<1x288xf32, #tpu.memory_space<vmem>>[vector<16xi32>, vector<16xi32>], vector<16xf32>,
          %parallel_loop3A_146 = arith.cmpi eq, %parallel_loop3A_114, %parallel_loop3A_144 : vector<16xi32>
          %parallel_loop3A_147 = arith.constant 0.000000e+00 : f32
          %parallel_loop3A_148 = vector.broadcast %parallel_loop3A_147 : f32 to vector<16xf32>
          %parallel_loop3A_149 = arith.select %parallel_loop3A_146, %parallel_loop3A_145, %parallel_loop3A_148 : vector<16xi1>, vector<16xf32>
          %parallel_loop3A_150 = arith.addf %parallel_loop3A_125, %parallel_loop3A_149 : vector<16xf32>
          %parallel_loop3A_151 = arith.constant 1.000000e+00 : f32
          %parallel_loop3A_152 = arith.constant 0.000000e+00 : f32
          %parallel_loop3A_153 = vector.broadcast %parallel_loop3A_151 : f32 to vector<16xf32>
          %parallel_loop3A_154 = vector.broadcast %parallel_loop3A_152 : f32 to vector<16xf32>
          %parallel_loop3A_155 = arith.select %parallel_loop3A_146, %parallel_loop3A_153, %parallel_loop3A_154 : vector<16xi1>, vector<16xf32>
          %parallel_loop3A_156 = arith.addf %parallel_loop3A_131, %parallel_loop3A_155 : vector<16xf32>
          %parallel_loop3A_157 = arith.constant 0.000000e+00 : f32
          %parallel_loop3A_158 = vector.broadcast %parallel_loop3A_157 : f32 to vector<16xf32>
          %parallel_loop3A_159 = arith.select %parallel_loop3A_146, %parallel_loop3A_158, %parallel_loop3A_145 : vector<16xi1>, vector<16xf32>
          %parallel_loop3A_160 = arith.addf %parallel_loop3A_135, %parallel_loop3A_159 : vector<16xf32>
          %parallel_loop3A_161 = arith.select %parallel_loop3A_146, %parallel_loop3A_145, %broadcast_in_dim3A_13 : vector<16xi1>, vector<16xf32>
          %parallel_loop3A_162 = arith.maximumf %parallel_loop3A_137, %parallel_loop3A_161 : vector<16xf32>
          %parallel_loop3A_163 = arith.select %parallel_loop3A_146, %broadcast_in_dim3A_15, %parallel_loop3A_145 : vector<16xi1>, vector<16xf32>
          %parallel_loop3A_164 = arith.minimumf %parallel_loop3A_139, %parallel_loop3A_163 : vector<16xf32>
          %parallel_loop3A_165 = arith.constant 2 : i32
          %parallel_loop3A_166 = vector.broadcast %parallel_loop3A_165 : i32 to vector<16xi32>
          %parallel_loop3A_167 = arith.addi %parallel_loop3A_112, %parallel_loop3A_166 : vector<16xi32>
          %parallel_loop3A_168 = tpu.vector_load_idx %arg17[%broadcast_in_dim3A_11, %parallel_loop3A_167] : memref<2x288xi32, #tpu.memory_space<vmem>>[vector<16xi32>, vector<16xi32>], vector<16xi32>,
          %parallel_loop3A_169 = tpu.vector_load_idx %arg10[%parallel_loop3A_168] : memref<100000xi32, #tpu.memory_space<vmem>>[vector<16xi32>], vector<16xi32>,
          %parallel_loop3A_170 = tpu.vector_load_idx %arg18[%broadcast_in_dim3A_9, %parallel_loop3A_167] : memref<1x288xf32, #tpu.memory_space<vmem>>[vector<16xi32>, vector<16xi32>], vector<16xf32>,
          %parallel_loop3A_171 = arith.cmpi eq, %parallel_loop3A_114, %parallel_loop3A_169 : vector<16xi32>
          %parallel_loop3A_172 = arith.constant 0.000000e+00 : f32
          %parallel_loop3A_173 = vector.broadcast %parallel_loop3A_172 : f32 to vector<16xf32>
          %parallel_loop3A_174 = arith.select %parallel_loop3A_171, %parallel_loop3A_170, %parallel_loop3A_173 : vector<16xi1>, vector<16xf32>
          %parallel_loop3A_175 = arith.addf %parallel_loop3A_150, %parallel_loop3A_174 : vector<16xf32>
          %parallel_loop3A_176 = arith.constant 1.000000e+00 : f32
          %parallel_loop3A_177 = arith.constant 0.000000e+00 : f32
          %parallel_loop3A_178 = vector.broadcast %parallel_loop3A_176 : f32 to vector<16xf32>
          %parallel_loop3A_179 = vector.broadcast %parallel_loop3A_177 : f32 to vector<16xf32>
          %parallel_loop3A_180 = arith.select %parallel_loop3A_171, %parallel_loop3A_178, %parallel_loop3A_179 : vector<16xi1>, vector<16xf32>
          %parallel_loop3A_181 = arith.addf %parallel_loop3A_156, %parallel_loop3A_180 : vector<16xf32>
          %parallel_loop3A_182 = arith.constant 0.000000e+00 : f32
          %parallel_loop3A_183 = vector.broadcast %parallel_loop3A_182 : f32 to vector<16xf32>
          %parallel_loop3A_184 = arith.select %parallel_loop3A_171, %parallel_loop3A_183, %parallel_loop3A_170 : vector<16xi1>, vector<16xf32>
          %parallel_loop3A_185 = arith.addf %parallel_loop3A_160, %parallel_loop3A_184 : vector<16xf32>
          %parallel_loop3A_186 = arith.select %parallel_loop3A_171, %parallel_loop3A_170, %broadcast_in_dim3A_13 : vector<16xi1>, vector<16xf32>
          %parallel_loop3A_187 = arith.maximumf %parallel_loop3A_162, %parallel_loop3A_186 : vector<16xf32>
          %parallel_loop3A_188 = arith.select %parallel_loop3A_171, %broadcast_in_dim3A_15, %parallel_loop3A_170 : vector<16xi1>, vector<16xf32>
          %parallel_loop3A_189 = arith.minimumf %parallel_loop3A_164, %parallel_loop3A_188 : vector<16xf32>
          %parallel_loop3A_190 = arith.constant 3 : i32
          %parallel_loop3A_191 = vector.broadcast %parallel_loop3A_190 : i32 to vector<16xi32>
          %parallel_loop3A_192 = arith.addi %parallel_loop3A_112, %parallel_loop3A_191 : vector<16xi32>
          %parallel_loop3A_193 = tpu.vector_load_idx %arg17[%broadcast_in_dim3A_11, %parallel_loop3A_192] : memref<2x288xi32, #tpu.memory_space<vmem>>[vector<16xi32>, vector<16xi32>], vector<16xi32>,
          %parallel_loop3A_194 = tpu.vector_load_idx %arg10[%parallel_loop3A_193] : memref<100000xi32, #tpu.memory_space<vmem>>[vector<16xi32>], vector<16xi32>,
          %parallel_loop3A_195 = tpu.vector_load_idx %arg18[%broadcast_in_dim3A_9, %parallel_loop3A_192] : memref<1x288xf32, #tpu.memory_space<vmem>>[vector<16xi32>, vector<16xi32>], vector<16xf32>,
          %parallel_loop3A_196 = arith.cmpi eq, %parallel_loop3A_114, %parallel_loop3A_194 : vector<16xi32>
          %parallel_loop3A_197 = arith.constant 0.000000e+00 : f32
          %parallel_loop3A_198 = vector.broadcast %parallel_loop3A_197 : f32 to vector<16xf32>
          %parallel_loop3A_199 = arith.select %parallel_loop3A_196, %parallel_loop3A_195, %parallel_loop3A_198 : vector<16xi1>, vector<16xf32>
          %parallel_loop3A_200 = arith.addf %parallel_loop3A_175, %parallel_loop3A_199 : vector<16xf32>
          %parallel_loop3A_201 = arith.constant 1.000000e+00 : f32
          %parallel_loop3A_202 = arith.constant 0.000000e+00 : f32
          %parallel_loop3A_203 = vector.broadcast %parallel_loop3A_201 : f32 to vector<16xf32>
          %parallel_loop3A_204 = vector.broadcast %parallel_loop3A_202 : f32 to vector<16xf32>
          %parallel_loop3A_205 = arith.select %parallel_loop3A_196, %parallel_loop3A_203, %parallel_loop3A_204 : vector<16xi1>, vector<16xf32>
          %parallel_loop3A_206 = arith.addf %parallel_loop3A_181, %parallel_loop3A_205 : vector<16xf32>
          %parallel_loop3A_207 = arith.constant 0.000000e+00 : f32
          %parallel_loop3A_208 = vector.broadcast %parallel_loop3A_207 : f32 to vector<16xf32>
          %parallel_loop3A_209 = arith.select %parallel_loop3A_196, %parallel_loop3A_208, %parallel_loop3A_195 : vector<16xi1>, vector<16xf32>
          %parallel_loop3A_210 = arith.addf %parallel_loop3A_185, %parallel_loop3A_209 : vector<16xf32>
          %parallel_loop3A_211 = arith.select %parallel_loop3A_196, %parallel_loop3A_195, %broadcast_in_dim3A_13 : vector<16xi1>, vector<16xf32>
          %parallel_loop3A_212 = arith.maximumf %parallel_loop3A_187, %parallel_loop3A_211 : vector<16xf32>
          %parallel_loop3A_213 = arith.select %parallel_loop3A_196, %broadcast_in_dim3A_15, %parallel_loop3A_195 : vector<16xi1>, vector<16xf32>
          %parallel_loop3A_214 = arith.minimumf %parallel_loop3A_189, %parallel_loop3A_213 : vector<16xf32>
          %parallel_loop3A_215 = arith.constant 4 : i32
          %parallel_loop3A_216 = vector.broadcast %parallel_loop3A_215 : i32 to vector<16xi32>
          %parallel_loop3A_217 = arith.addi %parallel_loop3A_112, %parallel_loop3A_216 : vector<16xi32>
          %parallel_loop3A_218 = tpu.vector_load_idx %arg17[%broadcast_in_dim3A_11, %parallel_loop3A_217] : memref<2x288xi32, #tpu.memory_space<vmem>>[vector<16xi32>, vector<16xi32>], vector<16xi32>,
          %parallel_loop3A_219 = tpu.vector_load_idx %arg10[%parallel_loop3A_218] : memref<100000xi32, #tpu.memory_space<vmem>>[vector<16xi32>], vector<16xi32>,
          %parallel_loop3A_220 = tpu.vector_load_idx %arg18[%broadcast_in_dim3A_9, %parallel_loop3A_217] : memref<1x288xf32, #tpu.memory_space<vmem>>[vector<16xi32>, vector<16xi32>], vector<16xf32>,
          %parallel_loop3A_221 = arith.cmpi eq, %parallel_loop3A_114, %parallel_loop3A_219 : vector<16xi32>
          %parallel_loop3A_222 = arith.constant 0.000000e+00 : f32
          %parallel_loop3A_223 = vector.broadcast %parallel_loop3A_222 : f32 to vector<16xf32>
          %parallel_loop3A_224 = arith.select %parallel_loop3A_221, %parallel_loop3A_220, %parallel_loop3A_223 : vector<16xi1>, vector<16xf32>
          %parallel_loop3A_225 = arith.addf %parallel_loop3A_200, %parallel_loop3A_224 : vector<16xf32>
          %parallel_loop3A_226 = arith.constant 1.000000e+00 : f32
          %parallel_loop3A_227 = arith.constant 0.000000e+00 : f32
          %parallel_loop3A_228 = vector.broadcast %parallel_loop3A_226 : f32 to vector<16xf32>
          %parallel_loop3A_229 = vector.broadcast %parallel_loop3A_227 : f32 to vector<16xf32>
          %parallel_loop3A_230 = arith.select %parallel_loop3A_221, %parallel_loop3A_228, %parallel_loop3A_229 : vector<16xi1>, vector<16xf32>
          %parallel_loop3A_231 = arith.addf %parallel_loop3A_206, %parallel_loop3A_230 : vector<16xf32>
          %parallel_loop3A_232 = arith.constant 0.000000e+00 : f32
          %parallel_loop3A_233 = vector.broadcast %parallel_loop3A_232 : f32 to vector<16xf32>
          %parallel_loop3A_234 = arith.select %parallel_loop3A_221, %parallel_loop3A_233, %parallel_loop3A_220 : vector<16xi1>, vector<16xf32>
          %parallel_loop3A_235 = arith.addf %parallel_loop3A_210, %parallel_loop3A_234 : vector<16xf32>
          %parallel_loop3A_236 = arith.select %parallel_loop3A_221, %parallel_loop3A_220, %broadcast_in_dim3A_13 : vector<16xi1>, vector<16xf32>
          %parallel_loop3A_237 = arith.maximumf %parallel_loop3A_212, %parallel_loop3A_236 : vector<16xf32>
          %parallel_loop3A_238 = arith.select %parallel_loop3A_221, %broadcast_in_dim3A_15, %parallel_loop3A_220 : vector<16xi1>, vector<16xf32>
          %parallel_loop3A_239 = arith.minimumf %parallel_loop3A_214, %parallel_loop3A_238 : vector<16xf32>
          %parallel_loop3A_240 = arith.constant 5 : i32
          %parallel_loop3A_241 = vector.broadcast %parallel_loop3A_240 : i32 to vector<16xi32>
          %parallel_loop3A_242 = arith.addi %parallel_loop3A_112, %parallel_loop3A_241 : vector<16xi32>
          %parallel_loop3A_243 = tpu.vector_load_idx %arg17[%broadcast_in_dim3A_11, %parallel_loop3A_242] : memref<2x288xi32, #tpu.memory_space<vmem>>[vector<16xi32>, vector<16xi32>], vector<16xi32>,
          %parallel_loop3A_244 = tpu.vector_load_idx %arg10[%parallel_loop3A_243] : memref<100000xi32, #tpu.memory_space<vmem>>[vector<16xi32>], vector<16xi32>,
          %parallel_loop3A_245 = tpu.vector_load_idx %arg18[%broadcast_in_dim3A_9, %parallel_loop3A_242] : memref<1x288xf32, #tpu.memory_space<vmem>>[vector<16xi32>, vector<16xi32>], vector<16xf32>,
          %parallel_loop3A_246 = arith.cmpi eq, %parallel_loop3A_114, %parallel_loop3A_244 : vector<16xi32>
          %parallel_loop3A_247 = arith.constant 0.000000e+00 : f32
          %parallel_loop3A_248 = vector.broadcast %parallel_loop3A_247 : f32 to vector<16xf32>
          %parallel_loop3A_249 = arith.select %parallel_loop3A_246, %parallel_loop3A_245, %parallel_loop3A_248 : vector<16xi1>, vector<16xf32>
          %parallel_loop3A_250 = arith.addf %parallel_loop3A_225, %parallel_loop3A_249 : vector<16xf32>
          %parallel_loop3A_251 = arith.constant 1.000000e+00 : f32
          %parallel_loop3A_252 = arith.constant 0.000000e+00 : f32
          %parallel_loop3A_253 = vector.broadcast %parallel_loop3A_251 : f32 to vector<16xf32>
          %parallel_loop3A_254 = vector.broadcast %parallel_loop3A_252 : f32 to vector<16xf32>
          %parallel_loop3A_255 = arith.select %parallel_loop3A_246, %parallel_loop3A_253, %parallel_loop3A_254 : vector<16xi1>, vector<16xf32>
          %parallel_loop3A_256 = arith.addf %parallel_loop3A_231, %parallel_loop3A_255 : vector<16xf32>
          %parallel_loop3A_257 = arith.constant 0.000000e+00 : f32
          %parallel_loop3A_258 = vector.broadcast %parallel_loop3A_257 : f32 to vector<16xf32>
          %parallel_loop3A_259 = arith.select %parallel_loop3A_246, %parallel_loop3A_258, %parallel_loop3A_245 : vector<16xi1>, vector<16xf32>
          %parallel_loop3A_260 = arith.addf %parallel_loop3A_235, %parallel_loop3A_259 : vector<16xf32>
          %parallel_loop3A_261 = arith.select %parallel_loop3A_246, %parallel_loop3A_245, %broadcast_in_dim3A_13 : vector<16xi1>, vector<16xf32>
          %parallel_loop3A_262 = arith.maximumf %parallel_loop3A_237, %parallel_loop3A_261 : vector<16xf32>
          %parallel_loop3A_263 = arith.select %parallel_loop3A_246, %broadcast_in_dim3A_15, %parallel_loop3A_245 : vector<16xi1>, vector<16xf32>
          %parallel_loop3A_264 = arith.minimumf %parallel_loop3A_239, %parallel_loop3A_263 : vector<16xf32>
          %parallel_loop3A_265 = arith.constant 6 : i32
          %parallel_loop3A_266 = vector.broadcast %parallel_loop3A_265 : i32 to vector<16xi32>
          %parallel_loop3A_267 = arith.addi %parallel_loop3A_112, %parallel_loop3A_266 : vector<16xi32>
          %parallel_loop3A_268 = tpu.vector_load_idx %arg17[%broadcast_in_dim3A_11, %parallel_loop3A_267] : memref<2x288xi32, #tpu.memory_space<vmem>>[vector<16xi32>, vector<16xi32>], vector<16xi32>,
          %parallel_loop3A_269 = tpu.vector_load_idx %arg10[%parallel_loop3A_268] : memref<100000xi32, #tpu.memory_space<vmem>>[vector<16xi32>], vector<16xi32>,
          %parallel_loop3A_270 = tpu.vector_load_idx %arg18[%broadcast_in_dim3A_9, %parallel_loop3A_267] : memref<1x288xf32, #tpu.memory_space<vmem>>[vector<16xi32>, vector<16xi32>], vector<16xf32>,
          %parallel_loop3A_271 = arith.cmpi eq, %parallel_loop3A_114, %parallel_loop3A_269 : vector<16xi32>
          %parallel_loop3A_272 = arith.constant 0.000000e+00 : f32
          %parallel_loop3A_273 = vector.broadcast %parallel_loop3A_272 : f32 to vector<16xf32>
          %parallel_loop3A_274 = arith.select %parallel_loop3A_271, %parallel_loop3A_270, %parallel_loop3A_273 : vector<16xi1>, vector<16xf32>
          %parallel_loop3A_275 = arith.addf %parallel_loop3A_250, %parallel_loop3A_274 : vector<16xf32>
          %parallel_loop3A_276 = arith.constant 1.000000e+00 : f32
          %parallel_loop3A_277 = arith.constant 0.000000e+00 : f32
          %parallel_loop3A_278 = vector.broadcast %parallel_loop3A_276 : f32 to vector<16xf32>
          %parallel_loop3A_279 = vector.broadcast %parallel_loop3A_277 : f32 to vector<16xf32>
          %parallel_loop3A_280 = arith.select %parallel_loop3A_271, %parallel_loop3A_278, %parallel_loop3A_279 : vector<16xi1>, vector<16xf32>
          %parallel_loop3A_281 = arith.addf %parallel_loop3A_256, %parallel_loop3A_280 : vector<16xf32>
          %parallel_loop3A_282 = arith.constant 0.000000e+00 : f32
          %parallel_loop3A_283 = vector.broadcast %parallel_loop3A_282 : f32 to vector<16xf32>
          %parallel_loop3A_284 = arith.select %parallel_loop3A_271, %parallel_loop3A_283, %parallel_loop3A_270 : vector<16xi1>, vector<16xf32>
          %parallel_loop3A_285 = arith.addf %parallel_loop3A_260, %parallel_loop3A_284 : vector<16xf32>
          %parallel_loop3A_286 = arith.select %parallel_loop3A_271, %parallel_loop3A_270, %broadcast_in_dim3A_13 : vector<16xi1>, vector<16xf32>
          %parallel_loop3A_287 = arith.maximumf %parallel_loop3A_262, %parallel_loop3A_286 : vector<16xf32>
          %parallel_loop3A_288 = arith.select %parallel_loop3A_271, %broadcast_in_dim3A_15, %parallel_loop3A_270 : vector<16xi1>, vector<16xf32>
          %parallel_loop3A_289 = arith.minimumf %parallel_loop3A_264, %parallel_loop3A_288 : vector<16xf32>
          %parallel_loop3A_290 = arith.constant 7 : i32
          %parallel_loop3A_291 = vector.broadcast %parallel_loop3A_290 : i32 to vector<16xi32>
          %parallel_loop3A_292 = arith.addi %parallel_loop3A_112, %parallel_loop3A_291 : vector<16xi32>
          %parallel_loop3A_293 = tpu.vector_load_idx %arg17[%broadcast_in_dim3A_11, %parallel_loop3A_292] : memref<2x288xi32, #tpu.memory_space<vmem>>[vector<16xi32>, vector<16xi32>], vector<16xi32>,
          %parallel_loop3A_294 = tpu.vector_load_idx %arg10[%parallel_loop3A_293] : memref<100000xi32, #tpu.memory_space<vmem>>[vector<16xi32>], vector<16xi32>,
          %parallel_loop3A_295 = tpu.vector_load_idx %arg18[%broadcast_in_dim3A_9, %parallel_loop3A_292] : memref<1x288xf32, #tpu.memory_space<vmem>>[vector<16xi32>, vector<16xi32>], vector<16xf32>,
          %parallel_loop3A_296 = arith.cmpi eq, %parallel_loop3A_114, %parallel_loop3A_294 : vector<16xi32>
          %parallel_loop3A_297 = arith.constant 0.000000e+00 : f32
          %parallel_loop3A_298 = vector.broadcast %parallel_loop3A_297 : f32 to vector<16xf32>
          %parallel_loop3A_299 = arith.select %parallel_loop3A_296, %parallel_loop3A_295, %parallel_loop3A_298 : vector<16xi1>, vector<16xf32>
          %parallel_loop3A_300 = arith.addf %parallel_loop3A_275, %parallel_loop3A_299 : vector<16xf32>
          %parallel_loop3A_301 = arith.constant 1.000000e+00 : f32
          %parallel_loop3A_302 = arith.constant 0.000000e+00 : f32
          %parallel_loop3A_303 = vector.broadcast %parallel_loop3A_301 : f32 to vector<16xf32>
          %parallel_loop3A_304 = vector.broadcast %parallel_loop3A_302 : f32 to vector<16xf32>
          %parallel_loop3A_305 = arith.select %parallel_loop3A_296, %parallel_loop3A_303, %parallel_loop3A_304 : vector<16xi1>, vector<16xf32>
          %parallel_loop3A_306 = arith.addf %parallel_loop3A_281, %parallel_loop3A_305 : vector<16xf32>
          %parallel_loop3A_307 = arith.constant 0.000000e+00 : f32
          %parallel_loop3A_308 = vector.broadcast %parallel_loop3A_307 : f32 to vector<16xf32>
          %parallel_loop3A_309 = arith.select %parallel_loop3A_296, %parallel_loop3A_308, %parallel_loop3A_295 : vector<16xi1>, vector<16xf32>
          %parallel_loop3A_310 = arith.addf %parallel_loop3A_285, %parallel_loop3A_309 : vector<16xf32>
          %parallel_loop3A_311 = arith.select %parallel_loop3A_296, %parallel_loop3A_295, %broadcast_in_dim3A_13 : vector<16xi1>, vector<16xf32>
          %parallel_loop3A_312 = arith.maximumf %parallel_loop3A_287, %parallel_loop3A_311 : vector<16xf32>
          %parallel_loop3A_313 = arith.select %parallel_loop3A_296, %broadcast_in_dim3A_15, %parallel_loop3A_295 : vector<16xi1>, vector<16xf32>
          %parallel_loop3A_314 = arith.minimumf %parallel_loop3A_289, %parallel_loop3A_313 : vector<16xf32>
          %parallel_loop3A_315 = arith.constant 8 : i32
          %parallel_loop3A_316 = vector.broadcast %parallel_loop3A_315 : i32 to vector<16xi32>
          %parallel_loop3A_317 = arith.addi %parallel_loop3A_112, %parallel_loop3A_316 : vector<16xi32>
          %parallel_loop3A_318 = tpu.vector_load_idx %arg17[%broadcast_in_dim3A_11, %parallel_loop3A_317] : memref<2x288xi32, #tpu.memory_space<vmem>>[vector<16xi32>, vector<16xi32>], vector<16xi32>,
          %parallel_loop3A_319 = tpu.vector_load_idx %arg10[%parallel_loop3A_318] : memref<100000xi32, #tpu.memory_space<vmem>>[vector<16xi32>], vector<16xi32>,
          %parallel_loop3A_320 = tpu.vector_load_idx %arg18[%broadcast_in_dim3A_9, %parallel_loop3A_317] : memref<1x288xf32, #tpu.memory_space<vmem>>[vector<16xi32>, vector<16xi32>], vector<16xf32>,
          %parallel_loop3A_321 = arith.cmpi eq, %parallel_loop3A_114, %parallel_loop3A_319 : vector<16xi32>
          %parallel_loop3A_322 = arith.constant 0.000000e+00 : f32
          %parallel_loop3A_323 = vector.broadcast %parallel_loop3A_322 : f32 to vector<16xf32>
          %parallel_loop3A_324 = arith.select %parallel_loop3A_321, %parallel_loop3A_320, %parallel_loop3A_323 : vector<16xi1>, vector<16xf32>
          %parallel_loop3A_325 = arith.addf %parallel_loop3A_300, %parallel_loop3A_324 : vector<16xf32>
          %parallel_loop3A_326 = arith.constant 1.000000e+00 : f32
          %parallel_loop3A_327 = arith.constant 0.000000e+00 : f32
          %parallel_loop3A_328 = vector.broadcast %parallel_loop3A_326 : f32 to vector<16xf32>
          %parallel_loop3A_329 = vector.broadcast %parallel_loop3A_327 : f32 to vector<16xf32>
          %parallel_loop3A_330 = arith.select %parallel_loop3A_321, %parallel_loop3A_328, %parallel_loop3A_329 : vector<16xi1>, vector<16xf32>
          %parallel_loop3A_331 = arith.addf %parallel_loop3A_306, %parallel_loop3A_330 : vector<16xf32>
          %parallel_loop3A_332 = arith.constant 0.000000e+00 : f32
          %parallel_loop3A_333 = vector.broadcast %parallel_loop3A_332 : f32 to vector<16xf32>
          %parallel_loop3A_334 = arith.select %parallel_loop3A_321, %parallel_loop3A_333, %parallel_loop3A_320 : vector<16xi1>, vector<16xf32>
          %parallel_loop3A_335 = arith.addf %parallel_loop3A_310, %parallel_loop3A_334 : vector<16xf32>
          %parallel_loop3A_336 = arith.select %parallel_loop3A_321, %parallel_loop3A_320, %broadcast_in_dim3A_13 : vector<16xi1>, vector<16xf32>
          %parallel_loop3A_337 = arith.maximumf %parallel_loop3A_312, %parallel_loop3A_336 : vector<16xf32>
          %parallel_loop3A_338 = arith.select %parallel_loop3A_321, %broadcast_in_dim3A_15, %parallel_loop3A_320 : vector<16xi1>, vector<16xf32>
          %parallel_loop3A_339 = arith.minimumf %parallel_loop3A_314, %parallel_loop3A_338 : vector<16xf32>
          %parallel_loop3A_340 = arith.constant 9.000000e+00 : f32
          %parallel_loop3A_341 = vector.broadcast %parallel_loop3A_340 : f32 to vector<16xf32>
          %parallel_loop3A_342 = arith.subf %parallel_loop3A_341, %parallel_loop3A_331 : vector<16xf32>
          %parallel_loop3A_343 = arith.divf %parallel_loop3A_325, %parallel_loop3A_331 : vector<16xf32>
          %parallel_loop3A_344 = math.exp %parallel_loop3A_343 : vector<16xf32>
          %parallel_loop3A_345 = arith.divf %parallel_loop3A_335, %parallel_loop3A_342 : vector<16xf32>
          %parallel_loop3A_346 = arith.constant 0.000000e+00 : f32
          %parallel_loop3A_347 = vector.broadcast %parallel_loop3A_346 : f32 to vector<16xf32>
          %parallel_loop3A_348 = arith.subf %parallel_loop3A_347, %parallel_loop3A_345 : vector<16xf32>
          %parallel_loop3A_349 = math.exp %parallel_loop3A_348 : vector<16xf32>
          %parallel_loop3A_350 = arith.addf %parallel_loop3A_344, %parallel_loop3A_349 : vector<16xf32>
          %parallel_loop3A_351 = arith.subf %parallel_loop3A_337, %parallel_loop3A_339 : vector<16xf32>
          %parallel_loop3A_352 = arith.constant 0.000000e+00 : f32
          %parallel_loop3A_353 = vector.broadcast %parallel_loop3A_352 : f32 to vector<16xf32>
          %parallel_loop3A_354 = arith.maximumf %parallel_loop3A_353, %parallel_loop3A_351 : vector<16xf32>
          %parallel_loop3A_355 = arith.addf %parallel_loop3A_107, %parallel_loop3A_350 : vector<16xf32>
          %parallel_loop3A_356 = arith.addf %parallel_loop3A_108, %parallel_loop3A_354 : vector<16xf32>
          scf.yield %parallel_loop3A_355, %parallel_loop3A_356 : vector<16xf32>, vector<16xf32>
        } {sc.loop_unroll_factor = 2 : i64, sc.parallel_access}
        %get3A = arith.constant 0 : index
        %get3A_97 = tpu.vector_load %arg19[%get3A] {strides = array<i32>} : memref<16xf32, #tpu.memory_space<vmem>>, vector<16xf32>,
        %add3A_98 = arith.addf %get3A_97, %parallel_loop3A_96#0 : vector<16xf32>
        %swap3A_99 = arith.constant 0 : index
        %swap3A_100 = tpu.vector_load %arg19[%swap3A_99] {strides = array<i32>} : memref<16xf32, #tpu.memory_space<vmem>>, vector<16xf32>,
        tpu.vector_store %arg19[%swap3A_99], %add3A_98 {strides = array<i32>} : memref<16xf32, #tpu.memory_space<vmem>>, vector<16xf32>,
        %get3A_101 = arith.constant 0 : index
        %get3A_102 = tpu.vector_load %arg20[%get3A_101] {strides = array<i32>} : memref<16xf32, #tpu.memory_space<vmem>>, vector<16xf32>,
        %add3A_103 = arith.addf %get3A_102, %parallel_loop3A_96#1 : vector<16xf32>
        %swap3A_104 = arith.constant 0 : index
        %swap3A_105 = tpu.vector_load %arg20[%swap3A_104] {strides = array<i32>} : memref<16xf32, #tpu.memory_space<vmem>>, vector<16xf32>,
        tpu.vector_store %arg20[%swap3A_104], %add3A_103 {strides = array<i32>} : memref<16xf32, #tpu.memory_space<vmem>>, vector<16xf32>,
      } else {
      }
      %mul3A_56 = arith.constant 3 : i32
      %mul3A_57 = arith.muli %scan3A_36, %mul3A_56 : i32
      %add3A_58 = arith.constant 1 : i32
      %add3A_59 = arith.addi %mul3A_57, %add3A_58 : i32
      %mul3A_60 = arith.constant 32 : i32
      %mul3A_61 = arith.muli %add3A_59, %mul3A_60 : i32
      %add3A_62 = arith.addi %add3A, %mul3A_61 : i32
      %add3A_63 = arith.constant 64 : i32
      %add3A_64 = arith.addi %add3A_62, %add3A_63 : i32
      %lt3A_65 = arith.constant 1953 : i32
      %lt3A_66 = arith.cmpi slt, %add3A_62, %lt3A_65 : i32
      %convert_element_type3A_67 = arith.extui %lt3A_66 : i1 to i32
      %cond3A_68 = arith.constant 0 : i32
      %cond3A_69 = arith.cmpi ne, %convert_element_type3A_67, %cond3A_68 : i32
      scf.if %cond3A_69 {
        %dma_wait3A = arith.constant 0 : i32
        %dma_wait3A_94 = arith.constant 0 : i32
        %dma_wait3A_95 = tpu.memref_slice %arg2[%dma_wait3A, %dma_wait3A_94] : memref<2x4500000xi32, #tpu.memory_space<hbm>> -> memref<2x2304xi32, #tpu.memory_space<hbm>>
        %dma_wait3A_96 = arith.constant 0 : i32
        %dma_wait3A_97 = arith.constant 0 : i32
        %dma_wait3A_98 = tpu.memref_slice %arg2[%dma_wait3A_96, %dma_wait3A_97] : memref<2x4500000xi32, #tpu.memory_space<hbm>> -> memref<2x2304xi32, #tpu.memory_space<hbm>>
        tpu.wait_dma2 semaphore(%arg22 : memref<!tpu.dma_semaphore, #tpu.memory_space<semaphore_mem>>) src(%dma_wait3A_98 : memref<2x2304xi32, #tpu.memory_space<hbm>>) dst(%arg13 : memref<2x2304xi32, #tpu.memory_space<vmem>>)
        %dma_wait3A_99 = arith.constant 0 : i32
        %dma_wait3A_100 = arith.constant 0 : i32
        %dma_wait3A_101 = tpu.memref_slice %arg3[%dma_wait3A_99, %dma_wait3A_100] : memref<1x4500000xf32, #tpu.memory_space<hbm>> -> memref<1x2304xf32, #tpu.memory_space<hbm>>
        %dma_wait3A_102 = arith.constant 0 : i32
        %dma_wait3A_103 = arith.constant 0 : i32
        %dma_wait3A_104 = tpu.memref_slice %arg3[%dma_wait3A_102, %dma_wait3A_103] : memref<1x4500000xf32, #tpu.memory_space<hbm>> -> memref<1x2304xf32, #tpu.memory_space<hbm>>
        tpu.wait_dma2 semaphore(%arg22 : memref<!tpu.dma_semaphore, #tpu.memory_space<semaphore_mem>>) src(%dma_wait3A_104 : memref<1x2304xf32, #tpu.memory_space<hbm>>) dst(%arg14 : memref<1x2304xf32, #tpu.memory_space<vmem>>)
        %lt3A_105 = arith.constant 1953 : i32
        %lt3A_106 = arith.cmpi slt, %add3A_64, %lt3A_105 : i32
        %convert_element_type3A_107 = arith.extui %lt3A_106 : i1 to i32
        %cond3A_108 = arith.constant 0 : i32
        %cond3A_109 = arith.cmpi ne, %convert_element_type3A_107, %cond3A_108 : i32
        scf.if %cond3A_109 {
          %mul3A_122 = arith.constant 2304 : i32
          %mul3A_123 = arith.muli %add3A_64, %mul3A_122 : i32
          %dma_start3A = arith.constant 0 : i32
          %dma_start3A_124 = tpu.memref_slice %arg2[%dma_start3A, %mul3A_123] : memref<2x4500000xi32, #tpu.memory_space<hbm>> -> memref<2x2304xi32, #tpu.memory_space<hbm>>
          %dma_start3A_125 = arith.constant 0 : i32
          %dma_start3A_126 = tpu.memref_slice %arg2[%dma_start3A_125, %mul3A_123] : memref<2x4500000xi32, #tpu.memory_space<hbm>> -> memref<2x2304xi32, #tpu.memory_space<hbm>>
          tpu.enqueue_dma source(%dma_start3A_126 : memref<2x2304xi32, #tpu.memory_space<hbm>>) target(%arg11 : memref<2x2304xi32, #tpu.memory_space<vmem>>) target_semaphore(%arg21 : memref<!tpu.dma_semaphore, #tpu.memory_space<semaphore_mem>>)
          %dma_start3A_127 = arith.constant 0 : i32
          %dma_start3A_128 = tpu.memref_slice %arg3[%dma_start3A_127, %mul3A_123] : memref<1x4500000xf32, #tpu.memory_space<hbm>> -> memref<1x2304xf32, #tpu.memory_space<hbm>>
          %dma_start3A_129 = arith.constant 0 : i32
          %dma_start3A_130 = tpu.memref_slice %arg3[%dma_start3A_129, %mul3A_123] : memref<1x4500000xf32, #tpu.memory_space<hbm>> -> memref<1x2304xf32, #tpu.memory_space<hbm>>
          tpu.enqueue_dma source(%dma_start3A_130 : memref<1x2304xf32, #tpu.memory_space<hbm>>) target(%arg12 : memref<1x2304xf32, #tpu.memory_space<vmem>>) target_semaphore(%arg21 : memref<!tpu.dma_semaphore, #tpu.memory_space<semaphore_mem>>)
        } else {
        }
        %parallel_loop3A = arith.constant 0 : i32
        %parallel_loop3A_110 = arith.constant 16 : i32
        %parallel_loop3A_111 = arith.constant 1 : i32
        %parallel_loop3A_112:2 = scf.for %parallel_loop3A_122 = %parallel_loop3A to %parallel_loop3A_110 step %parallel_loop3A_111 iter_args(%parallel_loop3A_123 = %broadcast_in_dim3A_1, %parallel_loop3A_124 = %broadcast_in_dim3A_1) -> (vector<16xf32>, vector<16xf32>)  : i32 {
          %parallel_loop3A_125 = arith.constant 144 : i32
          %parallel_loop3A_126 = arith.muli %parallel_loop3A_122, %parallel_loop3A_125 : i32
          %parallel_loop3A_127 = vector.broadcast %parallel_loop3A_126 : i32 to vector<16xi32>
          %parallel_loop3A_128 = arith.addi %parallel_loop3A_127, %mul3A_7 : vector<16xi32>
          %parallel_loop3A_129 = tpu.vector_load_idx %arg13[%broadcast_in_dim3A_9, %parallel_loop3A_128] : memref<2x2304xi32, #tpu.memory_space<vmem>>[vector<16xi32>, vector<16xi32>], vector<16xi32>,
          %parallel_loop3A_130 = tpu.vector_load_idx %arg10[%parallel_loop3A_129] : memref<100000xi32, #tpu.memory_space<vmem>>[vector<16xi32>], vector<16xi32>,
          %parallel_loop3A_131 = arith.constant 0 : i32
          %parallel_loop3A_132 = vector.broadcast %parallel_loop3A_131 : i32 to vector<16xi32>
          %parallel_loop3A_133 = arith.addi %parallel_loop3A_128, %parallel_loop3A_132 : vector<16xi32>
          %parallel_loop3A_134 = tpu.vector_load_idx %arg13[%broadcast_in_dim3A_11, %parallel_loop3A_133] : memref<2x2304xi32, #tpu.memory_space<vmem>>[vector<16xi32>, vector<16xi32>], vector<16xi32>,
          %parallel_loop3A_135 = tpu.vector_load_idx %arg10[%parallel_loop3A_134] : memref<100000xi32, #tpu.memory_space<vmem>>[vector<16xi32>], vector<16xi32>,
          %parallel_loop3A_136 = tpu.vector_load_idx %arg14[%broadcast_in_dim3A_9, %parallel_loop3A_133] : memref<1x2304xf32, #tpu.memory_space<vmem>>[vector<16xi32>, vector<16xi32>], vector<16xf32>,
          %parallel_loop3A_137 = arith.cmpi eq, %parallel_loop3A_130, %parallel_loop3A_135 : vector<16xi32>
          %parallel_loop3A_138 = arith.constant 0.000000e+00 : f32
          %parallel_loop3A_139 = vector.broadcast %parallel_loop3A_138 : f32 to vector<16xf32>
          %parallel_loop3A_140 = arith.select %parallel_loop3A_137, %parallel_loop3A_136, %parallel_loop3A_139 : vector<16xi1>, vector<16xf32>
          %parallel_loop3A_141 = arith.addf %broadcast_in_dim3A_1, %parallel_loop3A_140 : vector<16xf32>
          %parallel_loop3A_142 = arith.constant 1.000000e+00 : f32
          %parallel_loop3A_143 = arith.constant 0.000000e+00 : f32
          %parallel_loop3A_144 = vector.broadcast %parallel_loop3A_142 : f32 to vector<16xf32>
          %parallel_loop3A_145 = vector.broadcast %parallel_loop3A_143 : f32 to vector<16xf32>
          %parallel_loop3A_146 = arith.select %parallel_loop3A_137, %parallel_loop3A_144, %parallel_loop3A_145 : vector<16xi1>, vector<16xf32>
          %parallel_loop3A_147 = arith.addf %broadcast_in_dim3A_1, %parallel_loop3A_146 : vector<16xf32>
          %parallel_loop3A_148 = arith.constant 0.000000e+00 : f32
          %parallel_loop3A_149 = vector.broadcast %parallel_loop3A_148 : f32 to vector<16xf32>
          %parallel_loop3A_150 = arith.select %parallel_loop3A_137, %parallel_loop3A_149, %parallel_loop3A_136 : vector<16xi1>, vector<16xf32>
          %parallel_loop3A_151 = arith.addf %broadcast_in_dim3A_1, %parallel_loop3A_150 : vector<16xf32>
          %parallel_loop3A_152 = arith.select %parallel_loop3A_137, %parallel_loop3A_136, %broadcast_in_dim3A_13 : vector<16xi1>, vector<16xf32>
          %parallel_loop3A_153 = arith.maximumf %broadcast_in_dim3A_13, %parallel_loop3A_152 : vector<16xf32>
          %parallel_loop3A_154 = arith.select %parallel_loop3A_137, %broadcast_in_dim3A_15, %parallel_loop3A_136 : vector<16xi1>, vector<16xf32>
          %parallel_loop3A_155 = arith.minimumf %broadcast_in_dim3A_15, %parallel_loop3A_154 : vector<16xf32>
          %parallel_loop3A_156 = arith.constant 1 : i32
          %parallel_loop3A_157 = vector.broadcast %parallel_loop3A_156 : i32 to vector<16xi32>
          %parallel_loop3A_158 = arith.addi %parallel_loop3A_128, %parallel_loop3A_157 : vector<16xi32>
          %parallel_loop3A_159 = tpu.vector_load_idx %arg13[%broadcast_in_dim3A_11, %parallel_loop3A_158] : memref<2x2304xi32, #tpu.memory_space<vmem>>[vector<16xi32>, vector<16xi32>], vector<16xi32>,
          %parallel_loop3A_160 = tpu.vector_load_idx %arg10[%parallel_loop3A_159] : memref<100000xi32, #tpu.memory_space<vmem>>[vector<16xi32>], vector<16xi32>,
          %parallel_loop3A_161 = tpu.vector_load_idx %arg14[%broadcast_in_dim3A_9, %parallel_loop3A_158] : memref<1x2304xf32, #tpu.memory_space<vmem>>[vector<16xi32>, vector<16xi32>], vector<16xf32>,
          %parallel_loop3A_162 = arith.cmpi eq, %parallel_loop3A_130, %parallel_loop3A_160 : vector<16xi32>
          %parallel_loop3A_163 = arith.constant 0.000000e+00 : f32
          %parallel_loop3A_164 = vector.broadcast %parallel_loop3A_163 : f32 to vector<16xf32>
          %parallel_loop3A_165 = arith.select %parallel_loop3A_162, %parallel_loop3A_161, %parallel_loop3A_164 : vector<16xi1>, vector<16xf32>
          %parallel_loop3A_166 = arith.addf %parallel_loop3A_141, %parallel_loop3A_165 : vector<16xf32>
          %parallel_loop3A_167 = arith.constant 1.000000e+00 : f32
          %parallel_loop3A_168 = arith.constant 0.000000e+00 : f32
          %parallel_loop3A_169 = vector.broadcast %parallel_loop3A_167 : f32 to vector<16xf32>
          %parallel_loop3A_170 = vector.broadcast %parallel_loop3A_168 : f32 to vector<16xf32>
          %parallel_loop3A_171 = arith.select %parallel_loop3A_162, %parallel_loop3A_169, %parallel_loop3A_170 : vector<16xi1>, vector<16xf32>
          %parallel_loop3A_172 = arith.addf %parallel_loop3A_147, %parallel_loop3A_171 : vector<16xf32>
          %parallel_loop3A_173 = arith.constant 0.000000e+00 : f32
          %parallel_loop3A_174 = vector.broadcast %parallel_loop3A_173 : f32 to vector<16xf32>
          %parallel_loop3A_175 = arith.select %parallel_loop3A_162, %parallel_loop3A_174, %parallel_loop3A_161 : vector<16xi1>, vector<16xf32>
          %parallel_loop3A_176 = arith.addf %parallel_loop3A_151, %parallel_loop3A_175 : vector<16xf32>
          %parallel_loop3A_177 = arith.select %parallel_loop3A_162, %parallel_loop3A_161, %broadcast_in_dim3A_13 : vector<16xi1>, vector<16xf32>
          %parallel_loop3A_178 = arith.maximumf %parallel_loop3A_153, %parallel_loop3A_177 : vector<16xf32>
          %parallel_loop3A_179 = arith.select %parallel_loop3A_162, %broadcast_in_dim3A_15, %parallel_loop3A_161 : vector<16xi1>, vector<16xf32>
          %parallel_loop3A_180 = arith.minimumf %parallel_loop3A_155, %parallel_loop3A_179 : vector<16xf32>
          %parallel_loop3A_181 = arith.constant 2 : i32
          %parallel_loop3A_182 = vector.broadcast %parallel_loop3A_181 : i32 to vector<16xi32>
          %parallel_loop3A_183 = arith.addi %parallel_loop3A_128, %parallel_loop3A_182 : vector<16xi32>
          %parallel_loop3A_184 = tpu.vector_load_idx %arg13[%broadcast_in_dim3A_11, %parallel_loop3A_183] : memref<2x2304xi32, #tpu.memory_space<vmem>>[vector<16xi32>, vector<16xi32>], vector<16xi32>,
          %parallel_loop3A_185 = tpu.vector_load_idx %arg10[%parallel_loop3A_184] : memref<100000xi32, #tpu.memory_space<vmem>>[vector<16xi32>], vector<16xi32>,
          %parallel_loop3A_186 = tpu.vector_load_idx %arg14[%broadcast_in_dim3A_9, %parallel_loop3A_183] : memref<1x2304xf32, #tpu.memory_space<vmem>>[vector<16xi32>, vector<16xi32>], vector<16xf32>,
          %parallel_loop3A_187 = arith.cmpi eq, %parallel_loop3A_130, %parallel_loop3A_185 : vector<16xi32>
          %parallel_loop3A_188 = arith.constant 0.000000e+00 : f32
          %parallel_loop3A_189 = vector.broadcast %parallel_loop3A_188 : f32 to vector<16xf32>
          %parallel_loop3A_190 = arith.select %parallel_loop3A_187, %parallel_loop3A_186, %parallel_loop3A_189 : vector<16xi1>, vector<16xf32>
          %parallel_loop3A_191 = arith.addf %parallel_loop3A_166, %parallel_loop3A_190 : vector<16xf32>
          %parallel_loop3A_192 = arith.constant 1.000000e+00 : f32
          %parallel_loop3A_193 = arith.constant 0.000000e+00 : f32
          %parallel_loop3A_194 = vector.broadcast %parallel_loop3A_192 : f32 to vector<16xf32>
          %parallel_loop3A_195 = vector.broadcast %parallel_loop3A_193 : f32 to vector<16xf32>
          %parallel_loop3A_196 = arith.select %parallel_loop3A_187, %parallel_loop3A_194, %parallel_loop3A_195 : vector<16xi1>, vector<16xf32>
          %parallel_loop3A_197 = arith.addf %parallel_loop3A_172, %parallel_loop3A_196 : vector<16xf32>
          %parallel_loop3A_198 = arith.constant 0.000000e+00 : f32
          %parallel_loop3A_199 = vector.broadcast %parallel_loop3A_198 : f32 to vector<16xf32>
          %parallel_loop3A_200 = arith.select %parallel_loop3A_187, %parallel_loop3A_199, %parallel_loop3A_186 : vector<16xi1>, vector<16xf32>
          %parallel_loop3A_201 = arith.addf %parallel_loop3A_176, %parallel_loop3A_200 : vector<16xf32>
          %parallel_loop3A_202 = arith.select %parallel_loop3A_187, %parallel_loop3A_186, %broadcast_in_dim3A_13 : vector<16xi1>, vector<16xf32>
          %parallel_loop3A_203 = arith.maximumf %parallel_loop3A_178, %parallel_loop3A_202 : vector<16xf32>
          %parallel_loop3A_204 = arith.select %parallel_loop3A_187, %broadcast_in_dim3A_15, %parallel_loop3A_186 : vector<16xi1>, vector<16xf32>
          %parallel_loop3A_205 = arith.minimumf %parallel_loop3A_180, %parallel_loop3A_204 : vector<16xf32>
          %parallel_loop3A_206 = arith.constant 3 : i32
          %parallel_loop3A_207 = vector.broadcast %parallel_loop3A_206 : i32 to vector<16xi32>
          %parallel_loop3A_208 = arith.addi %parallel_loop3A_128, %parallel_loop3A_207 : vector<16xi32>
          %parallel_loop3A_209 = tpu.vector_load_idx %arg13[%broadcast_in_dim3A_11, %parallel_loop3A_208] : memref<2x2304xi32, #tpu.memory_space<vmem>>[vector<16xi32>, vector<16xi32>], vector<16xi32>,
          %parallel_loop3A_210 = tpu.vector_load_idx %arg10[%parallel_loop3A_209] : memref<100000xi32, #tpu.memory_space<vmem>>[vector<16xi32>], vector<16xi32>,
          %parallel_loop3A_211 = tpu.vector_load_idx %arg14[%broadcast_in_dim3A_9, %parallel_loop3A_208] : memref<1x2304xf32, #tpu.memory_space<vmem>>[vector<16xi32>, vector<16xi32>], vector<16xf32>,
          %parallel_loop3A_212 = arith.cmpi eq, %parallel_loop3A_130, %parallel_loop3A_210 : vector<16xi32>
          %parallel_loop3A_213 = arith.constant 0.000000e+00 : f32
          %parallel_loop3A_214 = vector.broadcast %parallel_loop3A_213 : f32 to vector<16xf32>
          %parallel_loop3A_215 = arith.select %parallel_loop3A_212, %parallel_loop3A_211, %parallel_loop3A_214 : vector<16xi1>, vector<16xf32>
          %parallel_loop3A_216 = arith.addf %parallel_loop3A_191, %parallel_loop3A_215 : vector<16xf32>
          %parallel_loop3A_217 = arith.constant 1.000000e+00 : f32
          %parallel_loop3A_218 = arith.constant 0.000000e+00 : f32
          %parallel_loop3A_219 = vector.broadcast %parallel_loop3A_217 : f32 to vector<16xf32>
          %parallel_loop3A_220 = vector.broadcast %parallel_loop3A_218 : f32 to vector<16xf32>
          %parallel_loop3A_221 = arith.select %parallel_loop3A_212, %parallel_loop3A_219, %parallel_loop3A_220 : vector<16xi1>, vector<16xf32>
          %parallel_loop3A_222 = arith.addf %parallel_loop3A_197, %parallel_loop3A_221 : vector<16xf32>
          %parallel_loop3A_223 = arith.constant 0.000000e+00 : f32
          %parallel_loop3A_224 = vector.broadcast %parallel_loop3A_223 : f32 to vector<16xf32>
          %parallel_loop3A_225 = arith.select %parallel_loop3A_212, %parallel_loop3A_224, %parallel_loop3A_211 : vector<16xi1>, vector<16xf32>
          %parallel_loop3A_226 = arith.addf %parallel_loop3A_201, %parallel_loop3A_225 : vector<16xf32>
          %parallel_loop3A_227 = arith.select %parallel_loop3A_212, %parallel_loop3A_211, %broadcast_in_dim3A_13 : vector<16xi1>, vector<16xf32>
          %parallel_loop3A_228 = arith.maximumf %parallel_loop3A_203, %parallel_loop3A_227 : vector<16xf32>
          %parallel_loop3A_229 = arith.select %parallel_loop3A_212, %broadcast_in_dim3A_15, %parallel_loop3A_211 : vector<16xi1>, vector<16xf32>
          %parallel_loop3A_230 = arith.minimumf %parallel_loop3A_205, %parallel_loop3A_229 : vector<16xf32>
          %parallel_loop3A_231 = arith.constant 4 : i32
          %parallel_loop3A_232 = vector.broadcast %parallel_loop3A_231 : i32 to vector<16xi32>
          %parallel_loop3A_233 = arith.addi %parallel_loop3A_128, %parallel_loop3A_232 : vector<16xi32>
          %parallel_loop3A_234 = tpu.vector_load_idx %arg13[%broadcast_in_dim3A_11, %parallel_loop3A_233] : memref<2x2304xi32, #tpu.memory_space<vmem>>[vector<16xi32>, vector<16xi32>], vector<16xi32>,
          %parallel_loop3A_235 = tpu.vector_load_idx %arg10[%parallel_loop3A_234] : memref<100000xi32, #tpu.memory_space<vmem>>[vector<16xi32>], vector<16xi32>,
          %parallel_loop3A_236 = tpu.vector_load_idx %arg14[%broadcast_in_dim3A_9, %parallel_loop3A_233] : memref<1x2304xf32, #tpu.memory_space<vmem>>[vector<16xi32>, vector<16xi32>], vector<16xf32>,
          %parallel_loop3A_237 = arith.cmpi eq, %parallel_loop3A_130, %parallel_loop3A_235 : vector<16xi32>
          %parallel_loop3A_238 = arith.constant 0.000000e+00 : f32
          %parallel_loop3A_239 = vector.broadcast %parallel_loop3A_238 : f32 to vector<16xf32>
          %parallel_loop3A_240 = arith.select %parallel_loop3A_237, %parallel_loop3A_236, %parallel_loop3A_239 : vector<16xi1>, vector<16xf32>
          %parallel_loop3A_241 = arith.addf %parallel_loop3A_216, %parallel_loop3A_240 : vector<16xf32>
          %parallel_loop3A_242 = arith.constant 1.000000e+00 : f32
          %parallel_loop3A_243 = arith.constant 0.000000e+00 : f32
          %parallel_loop3A_244 = vector.broadcast %parallel_loop3A_242 : f32 to vector<16xf32>
          %parallel_loop3A_245 = vector.broadcast %parallel_loop3A_243 : f32 to vector<16xf32>
          %parallel_loop3A_246 = arith.select %parallel_loop3A_237, %parallel_loop3A_244, %parallel_loop3A_245 : vector<16xi1>, vector<16xf32>
          %parallel_loop3A_247 = arith.addf %parallel_loop3A_222, %parallel_loop3A_246 : vector<16xf32>
          %parallel_loop3A_248 = arith.constant 0.000000e+00 : f32
          %parallel_loop3A_249 = vector.broadcast %parallel_loop3A_248 : f32 to vector<16xf32>
          %parallel_loop3A_250 = arith.select %parallel_loop3A_237, %parallel_loop3A_249, %parallel_loop3A_236 : vector<16xi1>, vector<16xf32>
          %parallel_loop3A_251 = arith.addf %parallel_loop3A_226, %parallel_loop3A_250 : vector<16xf32>
          %parallel_loop3A_252 = arith.select %parallel_loop3A_237, %parallel_loop3A_236, %broadcast_in_dim3A_13 : vector<16xi1>, vector<16xf32>
          %parallel_loop3A_253 = arith.maximumf %parallel_loop3A_228, %parallel_loop3A_252 : vector<16xf32>
          %parallel_loop3A_254 = arith.select %parallel_loop3A_237, %broadcast_in_dim3A_15, %parallel_loop3A_236 : vector<16xi1>, vector<16xf32>
          %parallel_loop3A_255 = arith.minimumf %parallel_loop3A_230, %parallel_loop3A_254 : vector<16xf32>
          %parallel_loop3A_256 = arith.constant 5 : i32
          %parallel_loop3A_257 = vector.broadcast %parallel_loop3A_256 : i32 to vector<16xi32>
          %parallel_loop3A_258 = arith.addi %parallel_loop3A_128, %parallel_loop3A_257 : vector<16xi32>
          %parallel_loop3A_259 = tpu.vector_load_idx %arg13[%broadcast_in_dim3A_11, %parallel_loop3A_258] : memref<2x2304xi32, #tpu.memory_space<vmem>>[vector<16xi32>, vector<16xi32>], vector<16xi32>,
          %parallel_loop3A_260 = tpu.vector_load_idx %arg10[%parallel_loop3A_259] : memref<100000xi32, #tpu.memory_space<vmem>>[vector<16xi32>], vector<16xi32>,
          %parallel_loop3A_261 = tpu.vector_load_idx %arg14[%broadcast_in_dim3A_9, %parallel_loop3A_258] : memref<1x2304xf32, #tpu.memory_space<vmem>>[vector<16xi32>, vector<16xi32>], vector<16xf32>,
          %parallel_loop3A_262 = arith.cmpi eq, %parallel_loop3A_130, %parallel_loop3A_260 : vector<16xi32>
          %parallel_loop3A_263 = arith.constant 0.000000e+00 : f32
          %parallel_loop3A_264 = vector.broadcast %parallel_loop3A_263 : f32 to vector<16xf32>
          %parallel_loop3A_265 = arith.select %parallel_loop3A_262, %parallel_loop3A_261, %parallel_loop3A_264 : vector<16xi1>, vector<16xf32>
          %parallel_loop3A_266 = arith.addf %parallel_loop3A_241, %parallel_loop3A_265 : vector<16xf32>
          %parallel_loop3A_267 = arith.constant 1.000000e+00 : f32
          %parallel_loop3A_268 = arith.constant 0.000000e+00 : f32
          %parallel_loop3A_269 = vector.broadcast %parallel_loop3A_267 : f32 to vector<16xf32>
          %parallel_loop3A_270 = vector.broadcast %parallel_loop3A_268 : f32 to vector<16xf32>
          %parallel_loop3A_271 = arith.select %parallel_loop3A_262, %parallel_loop3A_269, %parallel_loop3A_270 : vector<16xi1>, vector<16xf32>
          %parallel_loop3A_272 = arith.addf %parallel_loop3A_247, %parallel_loop3A_271 : vector<16xf32>
          %parallel_loop3A_273 = arith.constant 0.000000e+00 : f32
          %parallel_loop3A_274 = vector.broadcast %parallel_loop3A_273 : f32 to vector<16xf32>
          %parallel_loop3A_275 = arith.select %parallel_loop3A_262, %parallel_loop3A_274, %parallel_loop3A_261 : vector<16xi1>, vector<16xf32>
          %parallel_loop3A_276 = arith.addf %parallel_loop3A_251, %parallel_loop3A_275 : vector<16xf32>
          %parallel_loop3A_277 = arith.select %parallel_loop3A_262, %parallel_loop3A_261, %broadcast_in_dim3A_13 : vector<16xi1>, vector<16xf32>
          %parallel_loop3A_278 = arith.maximumf %parallel_loop3A_253, %parallel_loop3A_277 : vector<16xf32>
          %parallel_loop3A_279 = arith.select %parallel_loop3A_262, %broadcast_in_dim3A_15, %parallel_loop3A_261 : vector<16xi1>, vector<16xf32>
          %parallel_loop3A_280 = arith.minimumf %parallel_loop3A_255, %parallel_loop3A_279 : vector<16xf32>
          %parallel_loop3A_281 = arith.constant 6 : i32
          %parallel_loop3A_282 = vector.broadcast %parallel_loop3A_281 : i32 to vector<16xi32>
          %parallel_loop3A_283 = arith.addi %parallel_loop3A_128, %parallel_loop3A_282 : vector<16xi32>
          %parallel_loop3A_284 = tpu.vector_load_idx %arg13[%broadcast_in_dim3A_11, %parallel_loop3A_283] : memref<2x2304xi32, #tpu.memory_space<vmem>>[vector<16xi32>, vector<16xi32>], vector<16xi32>,
          %parallel_loop3A_285 = tpu.vector_load_idx %arg10[%parallel_loop3A_284] : memref<100000xi32, #tpu.memory_space<vmem>>[vector<16xi32>], vector<16xi32>,
          %parallel_loop3A_286 = tpu.vector_load_idx %arg14[%broadcast_in_dim3A_9, %parallel_loop3A_283] : memref<1x2304xf32, #tpu.memory_space<vmem>>[vector<16xi32>, vector<16xi32>], vector<16xf32>,
          %parallel_loop3A_287 = arith.cmpi eq, %parallel_loop3A_130, %parallel_loop3A_285 : vector<16xi32>
          %parallel_loop3A_288 = arith.constant 0.000000e+00 : f32
          %parallel_loop3A_289 = vector.broadcast %parallel_loop3A_288 : f32 to vector<16xf32>
          %parallel_loop3A_290 = arith.select %parallel_loop3A_287, %parallel_loop3A_286, %parallel_loop3A_289 : vector<16xi1>, vector<16xf32>
          %parallel_loop3A_291 = arith.addf %parallel_loop3A_266, %parallel_loop3A_290 : vector<16xf32>
          %parallel_loop3A_292 = arith.constant 1.000000e+00 : f32
          %parallel_loop3A_293 = arith.constant 0.000000e+00 : f32
          %parallel_loop3A_294 = vector.broadcast %parallel_loop3A_292 : f32 to vector<16xf32>
          %parallel_loop3A_295 = vector.broadcast %parallel_loop3A_293 : f32 to vector<16xf32>
          %parallel_loop3A_296 = arith.select %parallel_loop3A_287, %parallel_loop3A_294, %parallel_loop3A_295 : vector<16xi1>, vector<16xf32>
          %parallel_loop3A_297 = arith.addf %parallel_loop3A_272, %parallel_loop3A_296 : vector<16xf32>
          %parallel_loop3A_298 = arith.constant 0.000000e+00 : f32
          %parallel_loop3A_299 = vector.broadcast %parallel_loop3A_298 : f32 to vector<16xf32>
          %parallel_loop3A_300 = arith.select %parallel_loop3A_287, %parallel_loop3A_299, %parallel_loop3A_286 : vector<16xi1>, vector<16xf32>
          %parallel_loop3A_301 = arith.addf %parallel_loop3A_276, %parallel_loop3A_300 : vector<16xf32>
          %parallel_loop3A_302 = arith.select %parallel_loop3A_287, %parallel_loop3A_286, %broadcast_in_dim3A_13 : vector<16xi1>, vector<16xf32>
          %parallel_loop3A_303 = arith.maximumf %parallel_loop3A_278, %parallel_loop3A_302 : vector<16xf32>
          %parallel_loop3A_304 = arith.select %parallel_loop3A_287, %broadcast_in_dim3A_15, %parallel_loop3A_286 : vector<16xi1>, vector<16xf32>
          %parallel_loop3A_305 = arith.minimumf %parallel_loop3A_280, %parallel_loop3A_304 : vector<16xf32>
          %parallel_loop3A_306 = arith.constant 7 : i32
          %parallel_loop3A_307 = vector.broadcast %parallel_loop3A_306 : i32 to vector<16xi32>
          %parallel_loop3A_308 = arith.addi %parallel_loop3A_128, %parallel_loop3A_307 : vector<16xi32>
          %parallel_loop3A_309 = tpu.vector_load_idx %arg13[%broadcast_in_dim3A_11, %parallel_loop3A_308] : memref<2x2304xi32, #tpu.memory_space<vmem>>[vector<16xi32>, vector<16xi32>], vector<16xi32>,
          %parallel_loop3A_310 = tpu.vector_load_idx %arg10[%parallel_loop3A_309] : memref<100000xi32, #tpu.memory_space<vmem>>[vector<16xi32>], vector<16xi32>,
          %parallel_loop3A_311 = tpu.vector_load_idx %arg14[%broadcast_in_dim3A_9, %parallel_loop3A_308] : memref<1x2304xf32, #tpu.memory_space<vmem>>[vector<16xi32>, vector<16xi32>], vector<16xf32>,
          %parallel_loop3A_312 = arith.cmpi eq, %parallel_loop3A_130, %parallel_loop3A_310 : vector<16xi32>
          %parallel_loop3A_313 = arith.constant 0.000000e+00 : f32
          %parallel_loop3A_314 = vector.broadcast %parallel_loop3A_313 : f32 to vector<16xf32>
          %parallel_loop3A_315 = arith.select %parallel_loop3A_312, %parallel_loop3A_311, %parallel_loop3A_314 : vector<16xi1>, vector<16xf32>
          %parallel_loop3A_316 = arith.addf %parallel_loop3A_291, %parallel_loop3A_315 : vector<16xf32>
          %parallel_loop3A_317 = arith.constant 1.000000e+00 : f32
          %parallel_loop3A_318 = arith.constant 0.000000e+00 : f32
          %parallel_loop3A_319 = vector.broadcast %parallel_loop3A_317 : f32 to vector<16xf32>
          %parallel_loop3A_320 = vector.broadcast %parallel_loop3A_318 : f32 to vector<16xf32>
          %parallel_loop3A_321 = arith.select %parallel_loop3A_312, %parallel_loop3A_319, %parallel_loop3A_320 : vector<16xi1>, vector<16xf32>
          %parallel_loop3A_322 = arith.addf %parallel_loop3A_297, %parallel_loop3A_321 : vector<16xf32>
          %parallel_loop3A_323 = arith.constant 0.000000e+00 : f32
          %parallel_loop3A_324 = vector.broadcast %parallel_loop3A_323 : f32 to vector<16xf32>
          %parallel_loop3A_325 = arith.select %parallel_loop3A_312, %parallel_loop3A_324, %parallel_loop3A_311 : vector<16xi1>, vector<16xf32>
          %parallel_loop3A_326 = arith.addf %parallel_loop3A_301, %parallel_loop3A_325 : vector<16xf32>
          %parallel_loop3A_327 = arith.select %parallel_loop3A_312, %parallel_loop3A_311, %broadcast_in_dim3A_13 : vector<16xi1>, vector<16xf32>
          %parallel_loop3A_328 = arith.maximumf %parallel_loop3A_303, %parallel_loop3A_327 : vector<16xf32>
          %parallel_loop3A_329 = arith.select %parallel_loop3A_312, %broadcast_in_dim3A_15, %parallel_loop3A_311 : vector<16xi1>, vector<16xf32>
          %parallel_loop3A_330 = arith.minimumf %parallel_loop3A_305, %parallel_loop3A_329 : vector<16xf32>
          %parallel_loop3A_331 = arith.constant 8 : i32
          %parallel_loop3A_332 = vector.broadcast %parallel_loop3A_331 : i32 to vector<16xi32>
          %parallel_loop3A_333 = arith.addi %parallel_loop3A_128, %parallel_loop3A_332 : vector<16xi32>
          %parallel_loop3A_334 = tpu.vector_load_idx %arg13[%broadcast_in_dim3A_11, %parallel_loop3A_333] : memref<2x2304xi32, #tpu.memory_space<vmem>>[vector<16xi32>, vector<16xi32>], vector<16xi32>,
          %parallel_loop3A_335 = tpu.vector_load_idx %arg10[%parallel_loop3A_334] : memref<100000xi32, #tpu.memory_space<vmem>>[vector<16xi32>], vector<16xi32>,
          %parallel_loop3A_336 = tpu.vector_load_idx %arg14[%broadcast_in_dim3A_9, %parallel_loop3A_333] : memref<1x2304xf32, #tpu.memory_space<vmem>>[vector<16xi32>, vector<16xi32>], vector<16xf32>,
          %parallel_loop3A_337 = arith.cmpi eq, %parallel_loop3A_130, %parallel_loop3A_335 : vector<16xi32>
          %parallel_loop3A_338 = arith.constant 0.000000e+00 : f32
          %parallel_loop3A_339 = vector.broadcast %parallel_loop3A_338 : f32 to vector<16xf32>
          %parallel_loop3A_340 = arith.select %parallel_loop3A_337, %parallel_loop3A_336, %parallel_loop3A_339 : vector<16xi1>, vector<16xf32>
          %parallel_loop3A_341 = arith.addf %parallel_loop3A_316, %parallel_loop3A_340 : vector<16xf32>
          %parallel_loop3A_342 = arith.constant 1.000000e+00 : f32
          %parallel_loop3A_343 = arith.constant 0.000000e+00 : f32
          %parallel_loop3A_344 = vector.broadcast %parallel_loop3A_342 : f32 to vector<16xf32>
          %parallel_loop3A_345 = vector.broadcast %parallel_loop3A_343 : f32 to vector<16xf32>
          %parallel_loop3A_346 = arith.select %parallel_loop3A_337, %parallel_loop3A_344, %parallel_loop3A_345 : vector<16xi1>, vector<16xf32>
          %parallel_loop3A_347 = arith.addf %parallel_loop3A_322, %parallel_loop3A_346 : vector<16xf32>
          %parallel_loop3A_348 = arith.constant 0.000000e+00 : f32
          %parallel_loop3A_349 = vector.broadcast %parallel_loop3A_348 : f32 to vector<16xf32>
          %parallel_loop3A_350 = arith.select %parallel_loop3A_337, %parallel_loop3A_349, %parallel_loop3A_336 : vector<16xi1>, vector<16xf32>
          %parallel_loop3A_351 = arith.addf %parallel_loop3A_326, %parallel_loop3A_350 : vector<16xf32>
          %parallel_loop3A_352 = arith.select %parallel_loop3A_337, %parallel_loop3A_336, %broadcast_in_dim3A_13 : vector<16xi1>, vector<16xf32>
          %parallel_loop3A_353 = arith.maximumf %parallel_loop3A_328, %parallel_loop3A_352 : vector<16xf32>
          %parallel_loop3A_354 = arith.select %parallel_loop3A_337, %broadcast_in_dim3A_15, %parallel_loop3A_336 : vector<16xi1>, vector<16xf32>
          %parallel_loop3A_355 = arith.minimumf %parallel_loop3A_330, %parallel_loop3A_354 : vector<16xf32>
          %parallel_loop3A_356 = arith.constant 9.000000e+00 : f32
          %parallel_loop3A_357 = vector.broadcast %parallel_loop3A_356 : f32 to vector<16xf32>
          %parallel_loop3A_358 = arith.subf %parallel_loop3A_357, %parallel_loop3A_347 : vector<16xf32>
          %parallel_loop3A_359 = arith.divf %parallel_loop3A_341, %parallel_loop3A_347 : vector<16xf32>
          %parallel_loop3A_360 = math.exp %parallel_loop3A_359 : vector<16xf32>
          %parallel_loop3A_361 = arith.divf %parallel_loop3A_351, %parallel_loop3A_358 : vector<16xf32>
          %parallel_loop3A_362 = arith.constant 0.000000e+00 : f32
          %parallel_loop3A_363 = vector.broadcast %parallel_loop3A_362 : f32 to vector<16xf32>
          %parallel_loop3A_364 = arith.subf %parallel_loop3A_363, %parallel_loop3A_361 : vector<16xf32>
          %parallel_loop3A_365 = math.exp %parallel_loop3A_364 : vector<16xf32>
          %parallel_loop3A_366 = arith.addf %parallel_loop3A_360, %parallel_loop3A_365 : vector<16xf32>
          %parallel_loop3A_367 = arith.subf %parallel_loop3A_353, %parallel_loop3A_355 : vector<16xf32>
          %parallel_loop3A_368 = arith.constant 0.000000e+00 : f32
          %parallel_loop3A_369 = vector.broadcast %parallel_loop3A_368 : f32 to vector<16xf32>
          %parallel_loop3A_370 = arith.maximumf %parallel_loop3A_369, %parallel_loop3A_367 : vector<16xf32>
          %parallel_loop3A_371 = arith.addf %parallel_loop3A_123, %parallel_loop3A_366 : vector<16xf32>
          %parallel_loop3A_372 = arith.addf %parallel_loop3A_124, %parallel_loop3A_370 : vector<16xf32>
          scf.yield %parallel_loop3A_371, %parallel_loop3A_372 : vector<16xf32>, vector<16xf32>
        } {sc.loop_unroll_factor = 4 : i64, sc.parallel_access}
        %get3A = arith.constant 0 : index
        %get3A_113 = tpu.vector_load %arg19[%get3A] {strides = array<i32>} : memref<16xf32, #tpu.memory_space<vmem>>, vector<16xf32>,
        %add3A_114 = arith.addf %get3A_113, %parallel_loop3A_112#0 : vector<16xf32>
        %swap3A_115 = arith.constant 0 : index
        %swap3A_116 = tpu.vector_load %arg19[%swap3A_115] {strides = array<i32>} : memref<16xf32, #tpu.memory_space<vmem>>, vector<16xf32>,
        tpu.vector_store %arg19[%swap3A_115], %add3A_114 {strides = array<i32>} : memref<16xf32, #tpu.memory_space<vmem>>, vector<16xf32>,
        %get3A_117 = arith.constant 0 : index
        %get3A_118 = tpu.vector_load %arg20[%get3A_117] {strides = array<i32>} : memref<16xf32, #tpu.memory_space<vmem>>, vector<16xf32>,
        %add3A_119 = arith.addf %get3A_118, %parallel_loop3A_112#1 : vector<16xf32>
        %swap3A_120 = arith.constant 0 : index
        %swap3A_121 = tpu.vector_load %arg20[%swap3A_120] {strides = array<i32>} : memref<16xf32, #tpu.memory_space<vmem>>, vector<16xf32>,
        tpu.vector_store %arg20[%swap3A_120], %add3A_119 {strides = array<i32>} : memref<16xf32, #tpu.memory_space<vmem>>, vector<16xf32>,
      } else {
      }
      %eq3A_70 = arith.constant 1953 : i32
      %eq3A_71 = arith.cmpi eq, %add3A_62, %eq3A_70 : i32
      %convert_element_type3A_72 = arith.extui %eq3A_71 : i1 to i32
      %cond3A_73 = arith.constant 0 : i32
      %cond3A_74 = arith.cmpi ne, %convert_element_type3A_72, %cond3A_73 : i32
      scf.if %cond3A_74 {
        "tpu.region"() ({
          %run_scoped3A = tpu.sem_alloc : memref<!tpu.dma_semaphore, #tpu.memory_space<semaphore_mem>>
          tpu.enqueue_dma source(%arg5 : memref<2x288xi32, #tpu.memory_space<hbm>>) target(%arg17 : memref<2x288xi32, #tpu.memory_space<vmem>>) target_semaphore(%run_scoped3A : memref<!tpu.dma_semaphore, #tpu.memory_space<semaphore_mem>>)
          tpu.wait_dma2 semaphore(%run_scoped3A : memref<!tpu.dma_semaphore, #tpu.memory_space<semaphore_mem>>) src(%arg5 : memref<2x288xi32, #tpu.memory_space<hbm>>) dst(%arg17 : memref<2x288xi32, #tpu.memory_space<vmem>>)
          tpu.yield
        }) : () -> ()
        "tpu.region"() ({
          %run_scoped3A = tpu.sem_alloc : memref<!tpu.dma_semaphore, #tpu.memory_space<semaphore_mem>>
          tpu.enqueue_dma source(%arg6 : memref<1x288xf32, #tpu.memory_space<hbm>>) target(%arg18 : memref<1x288xf32, #tpu.memory_space<vmem>>) target_semaphore(%run_scoped3A : memref<!tpu.dma_semaphore, #tpu.memory_space<semaphore_mem>>)
          tpu.wait_dma2 semaphore(%run_scoped3A : memref<!tpu.dma_semaphore, #tpu.memory_space<semaphore_mem>>) src(%arg6 : memref<1x288xf32, #tpu.memory_space<hbm>>) dst(%arg18 : memref<1x288xf32, #tpu.memory_space<vmem>>)
          tpu.yield
        }) : () -> ()
        %parallel_loop3A = arith.constant 0 : i32
        %parallel_loop3A_94 = arith.constant 2 : i32
        %parallel_loop3A_95 = arith.constant 1 : i32
        %parallel_loop3A_96:2 = scf.for %parallel_loop3A_106 = %parallel_loop3A to %parallel_loop3A_94 step %parallel_loop3A_95 iter_args(%parallel_loop3A_107 = %broadcast_in_dim3A_1, %parallel_loop3A_108 = %broadcast_in_dim3A_1) -> (vector<16xf32>, vector<16xf32>)  : i32 {
          %parallel_loop3A_109 = arith.constant 144 : i32
          %parallel_loop3A_110 = arith.muli %parallel_loop3A_106, %parallel_loop3A_109 : i32
          %parallel_loop3A_111 = vector.broadcast %parallel_loop3A_110 : i32 to vector<16xi32>
          %parallel_loop3A_112 = arith.addi %parallel_loop3A_111, %mul3A_7 : vector<16xi32>
          %parallel_loop3A_113 = tpu.vector_load_idx %arg17[%broadcast_in_dim3A_9, %parallel_loop3A_112] : memref<2x288xi32, #tpu.memory_space<vmem>>[vector<16xi32>, vector<16xi32>], vector<16xi32>,
          %parallel_loop3A_114 = tpu.vector_load_idx %arg10[%parallel_loop3A_113] : memref<100000xi32, #tpu.memory_space<vmem>>[vector<16xi32>], vector<16xi32>,
          %parallel_loop3A_115 = arith.constant 0 : i32
          %parallel_loop3A_116 = vector.broadcast %parallel_loop3A_115 : i32 to vector<16xi32>
          %parallel_loop3A_117 = arith.addi %parallel_loop3A_112, %parallel_loop3A_116 : vector<16xi32>
          %parallel_loop3A_118 = tpu.vector_load_idx %arg17[%broadcast_in_dim3A_11, %parallel_loop3A_117] : memref<2x288xi32, #tpu.memory_space<vmem>>[vector<16xi32>, vector<16xi32>], vector<16xi32>,
          %parallel_loop3A_119 = tpu.vector_load_idx %arg10[%parallel_loop3A_118] : memref<100000xi32, #tpu.memory_space<vmem>>[vector<16xi32>], vector<16xi32>,
          %parallel_loop3A_120 = tpu.vector_load_idx %arg18[%broadcast_in_dim3A_9, %parallel_loop3A_117] : memref<1x288xf32, #tpu.memory_space<vmem>>[vector<16xi32>, vector<16xi32>], vector<16xf32>,
          %parallel_loop3A_121 = arith.cmpi eq, %parallel_loop3A_114, %parallel_loop3A_119 : vector<16xi32>
          %parallel_loop3A_122 = arith.constant 0.000000e+00 : f32
          %parallel_loop3A_123 = vector.broadcast %parallel_loop3A_122 : f32 to vector<16xf32>
          %parallel_loop3A_124 = arith.select %parallel_loop3A_121, %parallel_loop3A_120, %parallel_loop3A_123 : vector<16xi1>, vector<16xf32>
          %parallel_loop3A_125 = arith.addf %broadcast_in_dim3A_1, %parallel_loop3A_124 : vector<16xf32>
          %parallel_loop3A_126 = arith.constant 1.000000e+00 : f32
          %parallel_loop3A_127 = arith.constant 0.000000e+00 : f32
          %parallel_loop3A_128 = vector.broadcast %parallel_loop3A_126 : f32 to vector<16xf32>
          %parallel_loop3A_129 = vector.broadcast %parallel_loop3A_127 : f32 to vector<16xf32>
          %parallel_loop3A_130 = arith.select %parallel_loop3A_121, %parallel_loop3A_128, %parallel_loop3A_129 : vector<16xi1>, vector<16xf32>
          %parallel_loop3A_131 = arith.addf %broadcast_in_dim3A_1, %parallel_loop3A_130 : vector<16xf32>
          %parallel_loop3A_132 = arith.constant 0.000000e+00 : f32
          %parallel_loop3A_133 = vector.broadcast %parallel_loop3A_132 : f32 to vector<16xf32>
          %parallel_loop3A_134 = arith.select %parallel_loop3A_121, %parallel_loop3A_133, %parallel_loop3A_120 : vector<16xi1>, vector<16xf32>
          %parallel_loop3A_135 = arith.addf %broadcast_in_dim3A_1, %parallel_loop3A_134 : vector<16xf32>
          %parallel_loop3A_136 = arith.select %parallel_loop3A_121, %parallel_loop3A_120, %broadcast_in_dim3A_13 : vector<16xi1>, vector<16xf32>
          %parallel_loop3A_137 = arith.maximumf %broadcast_in_dim3A_13, %parallel_loop3A_136 : vector<16xf32>
          %parallel_loop3A_138 = arith.select %parallel_loop3A_121, %broadcast_in_dim3A_15, %parallel_loop3A_120 : vector<16xi1>, vector<16xf32>
          %parallel_loop3A_139 = arith.minimumf %broadcast_in_dim3A_15, %parallel_loop3A_138 : vector<16xf32>
          %parallel_loop3A_140 = arith.constant 1 : i32
          %parallel_loop3A_141 = vector.broadcast %parallel_loop3A_140 : i32 to vector<16xi32>
          %parallel_loop3A_142 = arith.addi %parallel_loop3A_112, %parallel_loop3A_141 : vector<16xi32>
          %parallel_loop3A_143 = tpu.vector_load_idx %arg17[%broadcast_in_dim3A_11, %parallel_loop3A_142] : memref<2x288xi32, #tpu.memory_space<vmem>>[vector<16xi32>, vector<16xi32>], vector<16xi32>,
          %parallel_loop3A_144 = tpu.vector_load_idx %arg10[%parallel_loop3A_143] : memref<100000xi32, #tpu.memory_space<vmem>>[vector<16xi32>], vector<16xi32>,
          %parallel_loop3A_145 = tpu.vector_load_idx %arg18[%broadcast_in_dim3A_9, %parallel_loop3A_142] : memref<1x288xf32, #tpu.memory_space<vmem>>[vector<16xi32>, vector<16xi32>], vector<16xf32>,
          %parallel_loop3A_146 = arith.cmpi eq, %parallel_loop3A_114, %parallel_loop3A_144 : vector<16xi32>
          %parallel_loop3A_147 = arith.constant 0.000000e+00 : f32
          %parallel_loop3A_148 = vector.broadcast %parallel_loop3A_147 : f32 to vector<16xf32>
          %parallel_loop3A_149 = arith.select %parallel_loop3A_146, %parallel_loop3A_145, %parallel_loop3A_148 : vector<16xi1>, vector<16xf32>
          %parallel_loop3A_150 = arith.addf %parallel_loop3A_125, %parallel_loop3A_149 : vector<16xf32>
          %parallel_loop3A_151 = arith.constant 1.000000e+00 : f32
          %parallel_loop3A_152 = arith.constant 0.000000e+00 : f32
          %parallel_loop3A_153 = vector.broadcast %parallel_loop3A_151 : f32 to vector<16xf32>
          %parallel_loop3A_154 = vector.broadcast %parallel_loop3A_152 : f32 to vector<16xf32>
          %parallel_loop3A_155 = arith.select %parallel_loop3A_146, %parallel_loop3A_153, %parallel_loop3A_154 : vector<16xi1>, vector<16xf32>
          %parallel_loop3A_156 = arith.addf %parallel_loop3A_131, %parallel_loop3A_155 : vector<16xf32>
          %parallel_loop3A_157 = arith.constant 0.000000e+00 : f32
          %parallel_loop3A_158 = vector.broadcast %parallel_loop3A_157 : f32 to vector<16xf32>
          %parallel_loop3A_159 = arith.select %parallel_loop3A_146, %parallel_loop3A_158, %parallel_loop3A_145 : vector<16xi1>, vector<16xf32>
          %parallel_loop3A_160 = arith.addf %parallel_loop3A_135, %parallel_loop3A_159 : vector<16xf32>
          %parallel_loop3A_161 = arith.select %parallel_loop3A_146, %parallel_loop3A_145, %broadcast_in_dim3A_13 : vector<16xi1>, vector<16xf32>
          %parallel_loop3A_162 = arith.maximumf %parallel_loop3A_137, %parallel_loop3A_161 : vector<16xf32>
          %parallel_loop3A_163 = arith.select %parallel_loop3A_146, %broadcast_in_dim3A_15, %parallel_loop3A_145 : vector<16xi1>, vector<16xf32>
          %parallel_loop3A_164 = arith.minimumf %parallel_loop3A_139, %parallel_loop3A_163 : vector<16xf32>
          %parallel_loop3A_165 = arith.constant 2 : i32
          %parallel_loop3A_166 = vector.broadcast %parallel_loop3A_165 : i32 to vector<16xi32>
          %parallel_loop3A_167 = arith.addi %parallel_loop3A_112, %parallel_loop3A_166 : vector<16xi32>
          %parallel_loop3A_168 = tpu.vector_load_idx %arg17[%broadcast_in_dim3A_11, %parallel_loop3A_167] : memref<2x288xi32, #tpu.memory_space<vmem>>[vector<16xi32>, vector<16xi32>], vector<16xi32>,
          %parallel_loop3A_169 = tpu.vector_load_idx %arg10[%parallel_loop3A_168] : memref<100000xi32, #tpu.memory_space<vmem>>[vector<16xi32>], vector<16xi32>,
          %parallel_loop3A_170 = tpu.vector_load_idx %arg18[%broadcast_in_dim3A_9, %parallel_loop3A_167] : memref<1x288xf32, #tpu.memory_space<vmem>>[vector<16xi32>, vector<16xi32>], vector<16xf32>,
          %parallel_loop3A_171 = arith.cmpi eq, %parallel_loop3A_114, %parallel_loop3A_169 : vector<16xi32>
          %parallel_loop3A_172 = arith.constant 0.000000e+00 : f32
          %parallel_loop3A_173 = vector.broadcast %parallel_loop3A_172 : f32 to vector<16xf32>
          %parallel_loop3A_174 = arith.select %parallel_loop3A_171, %parallel_loop3A_170, %parallel_loop3A_173 : vector<16xi1>, vector<16xf32>
          %parallel_loop3A_175 = arith.addf %parallel_loop3A_150, %parallel_loop3A_174 : vector<16xf32>
          %parallel_loop3A_176 = arith.constant 1.000000e+00 : f32
          %parallel_loop3A_177 = arith.constant 0.000000e+00 : f32
          %parallel_loop3A_178 = vector.broadcast %parallel_loop3A_176 : f32 to vector<16xf32>
          %parallel_loop3A_179 = vector.broadcast %parallel_loop3A_177 : f32 to vector<16xf32>
          %parallel_loop3A_180 = arith.select %parallel_loop3A_171, %parallel_loop3A_178, %parallel_loop3A_179 : vector<16xi1>, vector<16xf32>
          %parallel_loop3A_181 = arith.addf %parallel_loop3A_156, %parallel_loop3A_180 : vector<16xf32>
          %parallel_loop3A_182 = arith.constant 0.000000e+00 : f32
          %parallel_loop3A_183 = vector.broadcast %parallel_loop3A_182 : f32 to vector<16xf32>
          %parallel_loop3A_184 = arith.select %parallel_loop3A_171, %parallel_loop3A_183, %parallel_loop3A_170 : vector<16xi1>, vector<16xf32>
          %parallel_loop3A_185 = arith.addf %parallel_loop3A_160, %parallel_loop3A_184 : vector<16xf32>
          %parallel_loop3A_186 = arith.select %parallel_loop3A_171, %parallel_loop3A_170, %broadcast_in_dim3A_13 : vector<16xi1>, vector<16xf32>
          %parallel_loop3A_187 = arith.maximumf %parallel_loop3A_162, %parallel_loop3A_186 : vector<16xf32>
          %parallel_loop3A_188 = arith.select %parallel_loop3A_171, %broadcast_in_dim3A_15, %parallel_loop3A_170 : vector<16xi1>, vector<16xf32>
          %parallel_loop3A_189 = arith.minimumf %parallel_loop3A_164, %parallel_loop3A_188 : vector<16xf32>
          %parallel_loop3A_190 = arith.constant 3 : i32
          %parallel_loop3A_191 = vector.broadcast %parallel_loop3A_190 : i32 to vector<16xi32>
          %parallel_loop3A_192 = arith.addi %parallel_loop3A_112, %parallel_loop3A_191 : vector<16xi32>
          %parallel_loop3A_193 = tpu.vector_load_idx %arg17[%broadcast_in_dim3A_11, %parallel_loop3A_192] : memref<2x288xi32, #tpu.memory_space<vmem>>[vector<16xi32>, vector<16xi32>], vector<16xi32>,
          %parallel_loop3A_194 = tpu.vector_load_idx %arg10[%parallel_loop3A_193] : memref<100000xi32, #tpu.memory_space<vmem>>[vector<16xi32>], vector<16xi32>,
          %parallel_loop3A_195 = tpu.vector_load_idx %arg18[%broadcast_in_dim3A_9, %parallel_loop3A_192] : memref<1x288xf32, #tpu.memory_space<vmem>>[vector<16xi32>, vector<16xi32>], vector<16xf32>,
          %parallel_loop3A_196 = arith.cmpi eq, %parallel_loop3A_114, %parallel_loop3A_194 : vector<16xi32>
          %parallel_loop3A_197 = arith.constant 0.000000e+00 : f32
          %parallel_loop3A_198 = vector.broadcast %parallel_loop3A_197 : f32 to vector<16xf32>
          %parallel_loop3A_199 = arith.select %parallel_loop3A_196, %parallel_loop3A_195, %parallel_loop3A_198 : vector<16xi1>, vector<16xf32>
          %parallel_loop3A_200 = arith.addf %parallel_loop3A_175, %parallel_loop3A_199 : vector<16xf32>
          %parallel_loop3A_201 = arith.constant 1.000000e+00 : f32
          %parallel_loop3A_202 = arith.constant 0.000000e+00 : f32
          %parallel_loop3A_203 = vector.broadcast %parallel_loop3A_201 : f32 to vector<16xf32>
          %parallel_loop3A_204 = vector.broadcast %parallel_loop3A_202 : f32 to vector<16xf32>
          %parallel_loop3A_205 = arith.select %parallel_loop3A_196, %parallel_loop3A_203, %parallel_loop3A_204 : vector<16xi1>, vector<16xf32>
          %parallel_loop3A_206 = arith.addf %parallel_loop3A_181, %parallel_loop3A_205 : vector<16xf32>
          %parallel_loop3A_207 = arith.constant 0.000000e+00 : f32
          %parallel_loop3A_208 = vector.broadcast %parallel_loop3A_207 : f32 to vector<16xf32>
          %parallel_loop3A_209 = arith.select %parallel_loop3A_196, %parallel_loop3A_208, %parallel_loop3A_195 : vector<16xi1>, vector<16xf32>
          %parallel_loop3A_210 = arith.addf %parallel_loop3A_185, %parallel_loop3A_209 : vector<16xf32>
          %parallel_loop3A_211 = arith.select %parallel_loop3A_196, %parallel_loop3A_195, %broadcast_in_dim3A_13 : vector<16xi1>, vector<16xf32>
          %parallel_loop3A_212 = arith.maximumf %parallel_loop3A_187, %parallel_loop3A_211 : vector<16xf32>
          %parallel_loop3A_213 = arith.select %parallel_loop3A_196, %broadcast_in_dim3A_15, %parallel_loop3A_195 : vector<16xi1>, vector<16xf32>
          %parallel_loop3A_214 = arith.minimumf %parallel_loop3A_189, %parallel_loop3A_213 : vector<16xf32>
          %parallel_loop3A_215 = arith.constant 4 : i32
          %parallel_loop3A_216 = vector.broadcast %parallel_loop3A_215 : i32 to vector<16xi32>
          %parallel_loop3A_217 = arith.addi %parallel_loop3A_112, %parallel_loop3A_216 : vector<16xi32>
          %parallel_loop3A_218 = tpu.vector_load_idx %arg17[%broadcast_in_dim3A_11, %parallel_loop3A_217] : memref<2x288xi32, #tpu.memory_space<vmem>>[vector<16xi32>, vector<16xi32>], vector<16xi32>,
          %parallel_loop3A_219 = tpu.vector_load_idx %arg10[%parallel_loop3A_218] : memref<100000xi32, #tpu.memory_space<vmem>>[vector<16xi32>], vector<16xi32>,
          %parallel_loop3A_220 = tpu.vector_load_idx %arg18[%broadcast_in_dim3A_9, %parallel_loop3A_217] : memref<1x288xf32, #tpu.memory_space<vmem>>[vector<16xi32>, vector<16xi32>], vector<16xf32>,
          %parallel_loop3A_221 = arith.cmpi eq, %parallel_loop3A_114, %parallel_loop3A_219 : vector<16xi32>
          %parallel_loop3A_222 = arith.constant 0.000000e+00 : f32
          %parallel_loop3A_223 = vector.broadcast %parallel_loop3A_222 : f32 to vector<16xf32>
          %parallel_loop3A_224 = arith.select %parallel_loop3A_221, %parallel_loop3A_220, %parallel_loop3A_223 : vector<16xi1>, vector<16xf32>
          %parallel_loop3A_225 = arith.addf %parallel_loop3A_200, %parallel_loop3A_224 : vector<16xf32>
          %parallel_loop3A_226 = arith.constant 1.000000e+00 : f32
          %parallel_loop3A_227 = arith.constant 0.000000e+00 : f32
          %parallel_loop3A_228 = vector.broadcast %parallel_loop3A_226 : f32 to vector<16xf32>
          %parallel_loop3A_229 = vector.broadcast %parallel_loop3A_227 : f32 to vector<16xf32>
          %parallel_loop3A_230 = arith.select %parallel_loop3A_221, %parallel_loop3A_228, %parallel_loop3A_229 : vector<16xi1>, vector<16xf32>
          %parallel_loop3A_231 = arith.addf %parallel_loop3A_206, %parallel_loop3A_230 : vector<16xf32>
          %parallel_loop3A_232 = arith.constant 0.000000e+00 : f32
          %parallel_loop3A_233 = vector.broadcast %parallel_loop3A_232 : f32 to vector<16xf32>
          %parallel_loop3A_234 = arith.select %parallel_loop3A_221, %parallel_loop3A_233, %parallel_loop3A_220 : vector<16xi1>, vector<16xf32>
          %parallel_loop3A_235 = arith.addf %parallel_loop3A_210, %parallel_loop3A_234 : vector<16xf32>
          %parallel_loop3A_236 = arith.select %parallel_loop3A_221, %parallel_loop3A_220, %broadcast_in_dim3A_13 : vector<16xi1>, vector<16xf32>
          %parallel_loop3A_237 = arith.maximumf %parallel_loop3A_212, %parallel_loop3A_236 : vector<16xf32>
          %parallel_loop3A_238 = arith.select %parallel_loop3A_221, %broadcast_in_dim3A_15, %parallel_loop3A_220 : vector<16xi1>, vector<16xf32>
          %parallel_loop3A_239 = arith.minimumf %parallel_loop3A_214, %parallel_loop3A_238 : vector<16xf32>
          %parallel_loop3A_240 = arith.constant 5 : i32
          %parallel_loop3A_241 = vector.broadcast %parallel_loop3A_240 : i32 to vector<16xi32>
          %parallel_loop3A_242 = arith.addi %parallel_loop3A_112, %parallel_loop3A_241 : vector<16xi32>
          %parallel_loop3A_243 = tpu.vector_load_idx %arg17[%broadcast_in_dim3A_11, %parallel_loop3A_242] : memref<2x288xi32, #tpu.memory_space<vmem>>[vector<16xi32>, vector<16xi32>], vector<16xi32>,
          %parallel_loop3A_244 = tpu.vector_load_idx %arg10[%parallel_loop3A_243] : memref<100000xi32, #tpu.memory_space<vmem>>[vector<16xi32>], vector<16xi32>,
          %parallel_loop3A_245 = tpu.vector_load_idx %arg18[%broadcast_in_dim3A_9, %parallel_loop3A_242] : memref<1x288xf32, #tpu.memory_space<vmem>>[vector<16xi32>, vector<16xi32>], vector<16xf32>,
          %parallel_loop3A_246 = arith.cmpi eq, %parallel_loop3A_114, %parallel_loop3A_244 : vector<16xi32>
          %parallel_loop3A_247 = arith.constant 0.000000e+00 : f32
          %parallel_loop3A_248 = vector.broadcast %parallel_loop3A_247 : f32 to vector<16xf32>
          %parallel_loop3A_249 = arith.select %parallel_loop3A_246, %parallel_loop3A_245, %parallel_loop3A_248 : vector<16xi1>, vector<16xf32>
          %parallel_loop3A_250 = arith.addf %parallel_loop3A_225, %parallel_loop3A_249 : vector<16xf32>
          %parallel_loop3A_251 = arith.constant 1.000000e+00 : f32
          %parallel_loop3A_252 = arith.constant 0.000000e+00 : f32
          %parallel_loop3A_253 = vector.broadcast %parallel_loop3A_251 : f32 to vector<16xf32>
          %parallel_loop3A_254 = vector.broadcast %parallel_loop3A_252 : f32 to vector<16xf32>
          %parallel_loop3A_255 = arith.select %parallel_loop3A_246, %parallel_loop3A_253, %parallel_loop3A_254 : vector<16xi1>, vector<16xf32>
          %parallel_loop3A_256 = arith.addf %parallel_loop3A_231, %parallel_loop3A_255 : vector<16xf32>
          %parallel_loop3A_257 = arith.constant 0.000000e+00 : f32
          %parallel_loop3A_258 = vector.broadcast %parallel_loop3A_257 : f32 to vector<16xf32>
          %parallel_loop3A_259 = arith.select %parallel_loop3A_246, %parallel_loop3A_258, %parallel_loop3A_245 : vector<16xi1>, vector<16xf32>
          %parallel_loop3A_260 = arith.addf %parallel_loop3A_235, %parallel_loop3A_259 : vector<16xf32>
          %parallel_loop3A_261 = arith.select %parallel_loop3A_246, %parallel_loop3A_245, %broadcast_in_dim3A_13 : vector<16xi1>, vector<16xf32>
          %parallel_loop3A_262 = arith.maximumf %parallel_loop3A_237, %parallel_loop3A_261 : vector<16xf32>
          %parallel_loop3A_263 = arith.select %parallel_loop3A_246, %broadcast_in_dim3A_15, %parallel_loop3A_245 : vector<16xi1>, vector<16xf32>
          %parallel_loop3A_264 = arith.minimumf %parallel_loop3A_239, %parallel_loop3A_263 : vector<16xf32>
          %parallel_loop3A_265 = arith.constant 6 : i32
          %parallel_loop3A_266 = vector.broadcast %parallel_loop3A_265 : i32 to vector<16xi32>
          %parallel_loop3A_267 = arith.addi %parallel_loop3A_112, %parallel_loop3A_266 : vector<16xi32>
          %parallel_loop3A_268 = tpu.vector_load_idx %arg17[%broadcast_in_dim3A_11, %parallel_loop3A_267] : memref<2x288xi32, #tpu.memory_space<vmem>>[vector<16xi32>, vector<16xi32>], vector<16xi32>,
          %parallel_loop3A_269 = tpu.vector_load_idx %arg10[%parallel_loop3A_268] : memref<100000xi32, #tpu.memory_space<vmem>>[vector<16xi32>], vector<16xi32>,
          %parallel_loop3A_270 = tpu.vector_load_idx %arg18[%broadcast_in_dim3A_9, %parallel_loop3A_267] : memref<1x288xf32, #tpu.memory_space<vmem>>[vector<16xi32>, vector<16xi32>], vector<16xf32>,
          %parallel_loop3A_271 = arith.cmpi eq, %parallel_loop3A_114, %parallel_loop3A_269 : vector<16xi32>
          %parallel_loop3A_272 = arith.constant 0.000000e+00 : f32
          %parallel_loop3A_273 = vector.broadcast %parallel_loop3A_272 : f32 to vector<16xf32>
          %parallel_loop3A_274 = arith.select %parallel_loop3A_271, %parallel_loop3A_270, %parallel_loop3A_273 : vector<16xi1>, vector<16xf32>
          %parallel_loop3A_275 = arith.addf %parallel_loop3A_250, %parallel_loop3A_274 : vector<16xf32>
          %parallel_loop3A_276 = arith.constant 1.000000e+00 : f32
          %parallel_loop3A_277 = arith.constant 0.000000e+00 : f32
          %parallel_loop3A_278 = vector.broadcast %parallel_loop3A_276 : f32 to vector<16xf32>
          %parallel_loop3A_279 = vector.broadcast %parallel_loop3A_277 : f32 to vector<16xf32>
          %parallel_loop3A_280 = arith.select %parallel_loop3A_271, %parallel_loop3A_278, %parallel_loop3A_279 : vector<16xi1>, vector<16xf32>
          %parallel_loop3A_281 = arith.addf %parallel_loop3A_256, %parallel_loop3A_280 : vector<16xf32>
          %parallel_loop3A_282 = arith.constant 0.000000e+00 : f32
          %parallel_loop3A_283 = vector.broadcast %parallel_loop3A_282 : f32 to vector<16xf32>
          %parallel_loop3A_284 = arith.select %parallel_loop3A_271, %parallel_loop3A_283, %parallel_loop3A_270 : vector<16xi1>, vector<16xf32>
          %parallel_loop3A_285 = arith.addf %parallel_loop3A_260, %parallel_loop3A_284 : vector<16xf32>
          %parallel_loop3A_286 = arith.select %parallel_loop3A_271, %parallel_loop3A_270, %broadcast_in_dim3A_13 : vector<16xi1>, vector<16xf32>
          %parallel_loop3A_287 = arith.maximumf %parallel_loop3A_262, %parallel_loop3A_286 : vector<16xf32>
          %parallel_loop3A_288 = arith.select %parallel_loop3A_271, %broadcast_in_dim3A_15, %parallel_loop3A_270 : vector<16xi1>, vector<16xf32>
          %parallel_loop3A_289 = arith.minimumf %parallel_loop3A_264, %parallel_loop3A_288 : vector<16xf32>
          %parallel_loop3A_290 = arith.constant 7 : i32
          %parallel_loop3A_291 = vector.broadcast %parallel_loop3A_290 : i32 to vector<16xi32>
          %parallel_loop3A_292 = arith.addi %parallel_loop3A_112, %parallel_loop3A_291 : vector<16xi32>
          %parallel_loop3A_293 = tpu.vector_load_idx %arg17[%broadcast_in_dim3A_11, %parallel_loop3A_292] : memref<2x288xi32, #tpu.memory_space<vmem>>[vector<16xi32>, vector<16xi32>], vector<16xi32>,
          %parallel_loop3A_294 = tpu.vector_load_idx %arg10[%parallel_loop3A_293] : memref<100000xi32, #tpu.memory_space<vmem>>[vector<16xi32>], vector<16xi32>,
          %parallel_loop3A_295 = tpu.vector_load_idx %arg18[%broadcast_in_dim3A_9, %parallel_loop3A_292] : memref<1x288xf32, #tpu.memory_space<vmem>>[vector<16xi32>, vector<16xi32>], vector<16xf32>,
          %parallel_loop3A_296 = arith.cmpi eq, %parallel_loop3A_114, %parallel_loop3A_294 : vector<16xi32>
          %parallel_loop3A_297 = arith.constant 0.000000e+00 : f32
          %parallel_loop3A_298 = vector.broadcast %parallel_loop3A_297 : f32 to vector<16xf32>
          %parallel_loop3A_299 = arith.select %parallel_loop3A_296, %parallel_loop3A_295, %parallel_loop3A_298 : vector<16xi1>, vector<16xf32>
          %parallel_loop3A_300 = arith.addf %parallel_loop3A_275, %parallel_loop3A_299 : vector<16xf32>
          %parallel_loop3A_301 = arith.constant 1.000000e+00 : f32
          %parallel_loop3A_302 = arith.constant 0.000000e+00 : f32
          %parallel_loop3A_303 = vector.broadcast %parallel_loop3A_301 : f32 to vector<16xf32>
          %parallel_loop3A_304 = vector.broadcast %parallel_loop3A_302 : f32 to vector<16xf32>
          %parallel_loop3A_305 = arith.select %parallel_loop3A_296, %parallel_loop3A_303, %parallel_loop3A_304 : vector<16xi1>, vector<16xf32>
          %parallel_loop3A_306 = arith.addf %parallel_loop3A_281, %parallel_loop3A_305 : vector<16xf32>
          %parallel_loop3A_307 = arith.constant 0.000000e+00 : f32
          %parallel_loop3A_308 = vector.broadcast %parallel_loop3A_307 : f32 to vector<16xf32>
          %parallel_loop3A_309 = arith.select %parallel_loop3A_296, %parallel_loop3A_308, %parallel_loop3A_295 : vector<16xi1>, vector<16xf32>
          %parallel_loop3A_310 = arith.addf %parallel_loop3A_285, %parallel_loop3A_309 : vector<16xf32>
          %parallel_loop3A_311 = arith.select %parallel_loop3A_296, %parallel_loop3A_295, %broadcast_in_dim3A_13 : vector<16xi1>, vector<16xf32>
          %parallel_loop3A_312 = arith.maximumf %parallel_loop3A_287, %parallel_loop3A_311 : vector<16xf32>
          %parallel_loop3A_313 = arith.select %parallel_loop3A_296, %broadcast_in_dim3A_15, %parallel_loop3A_295 : vector<16xi1>, vector<16xf32>
          %parallel_loop3A_314 = arith.minimumf %parallel_loop3A_289, %parallel_loop3A_313 : vector<16xf32>
          %parallel_loop3A_315 = arith.constant 8 : i32
          %parallel_loop3A_316 = vector.broadcast %parallel_loop3A_315 : i32 to vector<16xi32>
          %parallel_loop3A_317 = arith.addi %parallel_loop3A_112, %parallel_loop3A_316 : vector<16xi32>
          %parallel_loop3A_318 = tpu.vector_load_idx %arg17[%broadcast_in_dim3A_11, %parallel_loop3A_317] : memref<2x288xi32, #tpu.memory_space<vmem>>[vector<16xi32>, vector<16xi32>], vector<16xi32>,
          %parallel_loop3A_319 = tpu.vector_load_idx %arg10[%parallel_loop3A_318] : memref<100000xi32, #tpu.memory_space<vmem>>[vector<16xi32>], vector<16xi32>,
          %parallel_loop3A_320 = tpu.vector_load_idx %arg18[%broadcast_in_dim3A_9, %parallel_loop3A_317] : memref<1x288xf32, #tpu.memory_space<vmem>>[vector<16xi32>, vector<16xi32>], vector<16xf32>,
          %parallel_loop3A_321 = arith.cmpi eq, %parallel_loop3A_114, %parallel_loop3A_319 : vector<16xi32>
          %parallel_loop3A_322 = arith.constant 0.000000e+00 : f32
          %parallel_loop3A_323 = vector.broadcast %parallel_loop3A_322 : f32 to vector<16xf32>
          %parallel_loop3A_324 = arith.select %parallel_loop3A_321, %parallel_loop3A_320, %parallel_loop3A_323 : vector<16xi1>, vector<16xf32>
          %parallel_loop3A_325 = arith.addf %parallel_loop3A_300, %parallel_loop3A_324 : vector<16xf32>
          %parallel_loop3A_326 = arith.constant 1.000000e+00 : f32
          %parallel_loop3A_327 = arith.constant 0.000000e+00 : f32
          %parallel_loop3A_328 = vector.broadcast %parallel_loop3A_326 : f32 to vector<16xf32>
          %parallel_loop3A_329 = vector.broadcast %parallel_loop3A_327 : f32 to vector<16xf32>
          %parallel_loop3A_330 = arith.select %parallel_loop3A_321, %parallel_loop3A_328, %parallel_loop3A_329 : vector<16xi1>, vector<16xf32>
          %parallel_loop3A_331 = arith.addf %parallel_loop3A_306, %parallel_loop3A_330 : vector<16xf32>
          %parallel_loop3A_332 = arith.constant 0.000000e+00 : f32
          %parallel_loop3A_333 = vector.broadcast %parallel_loop3A_332 : f32 to vector<16xf32>
          %parallel_loop3A_334 = arith.select %parallel_loop3A_321, %parallel_loop3A_333, %parallel_loop3A_320 : vector<16xi1>, vector<16xf32>
          %parallel_loop3A_335 = arith.addf %parallel_loop3A_310, %parallel_loop3A_334 : vector<16xf32>
          %parallel_loop3A_336 = arith.select %parallel_loop3A_321, %parallel_loop3A_320, %broadcast_in_dim3A_13 : vector<16xi1>, vector<16xf32>
          %parallel_loop3A_337 = arith.maximumf %parallel_loop3A_312, %parallel_loop3A_336 : vector<16xf32>
          %parallel_loop3A_338 = arith.select %parallel_loop3A_321, %broadcast_in_dim3A_15, %parallel_loop3A_320 : vector<16xi1>, vector<16xf32>
          %parallel_loop3A_339 = arith.minimumf %parallel_loop3A_314, %parallel_loop3A_338 : vector<16xf32>
          %parallel_loop3A_340 = arith.constant 9.000000e+00 : f32
          %parallel_loop3A_341 = vector.broadcast %parallel_loop3A_340 : f32 to vector<16xf32>
          %parallel_loop3A_342 = arith.subf %parallel_loop3A_341, %parallel_loop3A_331 : vector<16xf32>
          %parallel_loop3A_343 = arith.divf %parallel_loop3A_325, %parallel_loop3A_331 : vector<16xf32>
          %parallel_loop3A_344 = math.exp %parallel_loop3A_343 : vector<16xf32>
          %parallel_loop3A_345 = arith.divf %parallel_loop3A_335, %parallel_loop3A_342 : vector<16xf32>
          %parallel_loop3A_346 = arith.constant 0.000000e+00 : f32
          %parallel_loop3A_347 = vector.broadcast %parallel_loop3A_346 : f32 to vector<16xf32>
          %parallel_loop3A_348 = arith.subf %parallel_loop3A_347, %parallel_loop3A_345 : vector<16xf32>
          %parallel_loop3A_349 = math.exp %parallel_loop3A_348 : vector<16xf32>
          %parallel_loop3A_350 = arith.addf %parallel_loop3A_344, %parallel_loop3A_349 : vector<16xf32>
          %parallel_loop3A_351 = arith.subf %parallel_loop3A_337, %parallel_loop3A_339 : vector<16xf32>
          %parallel_loop3A_352 = arith.constant 0.000000e+00 : f32
          %parallel_loop3A_353 = vector.broadcast %parallel_loop3A_352 : f32 to vector<16xf32>
          %parallel_loop3A_354 = arith.maximumf %parallel_loop3A_353, %parallel_loop3A_351 : vector<16xf32>
          %parallel_loop3A_355 = arith.addf %parallel_loop3A_107, %parallel_loop3A_350 : vector<16xf32>
          %parallel_loop3A_356 = arith.addf %parallel_loop3A_108, %parallel_loop3A_354 : vector<16xf32>
          scf.yield %parallel_loop3A_355, %parallel_loop3A_356 : vector<16xf32>, vector<16xf32>
        } {sc.loop_unroll_factor = 2 : i64, sc.parallel_access}
        %get3A = arith.constant 0 : index
        %get3A_97 = tpu.vector_load %arg19[%get3A] {strides = array<i32>} : memref<16xf32, #tpu.memory_space<vmem>>, vector<16xf32>,
        %add3A_98 = arith.addf %get3A_97, %parallel_loop3A_96#0 : vector<16xf32>
        %swap3A_99 = arith.constant 0 : index
        %swap3A_100 = tpu.vector_load %arg19[%swap3A_99] {strides = array<i32>} : memref<16xf32, #tpu.memory_space<vmem>>, vector<16xf32>,
        tpu.vector_store %arg19[%swap3A_99], %add3A_98 {strides = array<i32>} : memref<16xf32, #tpu.memory_space<vmem>>, vector<16xf32>,
        %get3A_101 = arith.constant 0 : index
        %get3A_102 = tpu.vector_load %arg20[%get3A_101] {strides = array<i32>} : memref<16xf32, #tpu.memory_space<vmem>>, vector<16xf32>,
        %add3A_103 = arith.addf %get3A_102, %parallel_loop3A_96#1 : vector<16xf32>
        %swap3A_104 = arith.constant 0 : index
        %swap3A_105 = tpu.vector_load %arg20[%swap3A_104] {strides = array<i32>} : memref<16xf32, #tpu.memory_space<vmem>>, vector<16xf32>,
        tpu.vector_store %arg20[%swap3A_104], %add3A_103 {strides = array<i32>} : memref<16xf32, #tpu.memory_space<vmem>>, vector<16xf32>,
      } else {
      }
      %mul3A_75 = arith.constant 3 : i32
      %mul3A_76 = arith.muli %scan3A_36, %mul3A_75 : i32
      %add3A_77 = arith.constant 2 : i32
      %add3A_78 = arith.addi %mul3A_76, %add3A_77 : i32
      %mul3A_79 = arith.constant 32 : i32
      %mul3A_80 = arith.muli %add3A_78, %mul3A_79 : i32
      %add3A_81 = arith.addi %add3A, %mul3A_80 : i32
      %add3A_82 = arith.constant 64 : i32
      %add3A_83 = arith.addi %add3A_81, %add3A_82 : i32
      %lt3A_84 = arith.constant 1953 : i32
      %lt3A_85 = arith.cmpi slt, %add3A_81, %lt3A_84 : i32
      %convert_element_type3A_86 = arith.extui %lt3A_85 : i1 to i32
      %cond3A_87 = arith.constant 0 : i32
      %cond3A_88 = arith.cmpi ne, %convert_element_type3A_86, %cond3A_87 : i32
      scf.if %cond3A_88 {
        %dma_wait3A = arith.constant 0 : i32
        %dma_wait3A_94 = arith.constant 0 : i32
        %dma_wait3A_95 = tpu.memref_slice %arg2[%dma_wait3A, %dma_wait3A_94] : memref<2x4500000xi32, #tpu.memory_space<hbm>> -> memref<2x2304xi32, #tpu.memory_space<hbm>>
        %dma_wait3A_96 = arith.constant 0 : i32
        %dma_wait3A_97 = arith.constant 0 : i32
        %dma_wait3A_98 = tpu.memref_slice %arg2[%dma_wait3A_96, %dma_wait3A_97] : memref<2x4500000xi32, #tpu.memory_space<hbm>> -> memref<2x2304xi32, #tpu.memory_space<hbm>>
        tpu.wait_dma2 semaphore(%arg23 : memref<!tpu.dma_semaphore, #tpu.memory_space<semaphore_mem>>) src(%dma_wait3A_98 : memref<2x2304xi32, #tpu.memory_space<hbm>>) dst(%arg15 : memref<2x2304xi32, #tpu.memory_space<vmem>>)
        %dma_wait3A_99 = arith.constant 0 : i32
        %dma_wait3A_100 = arith.constant 0 : i32
        %dma_wait3A_101 = tpu.memref_slice %arg3[%dma_wait3A_99, %dma_wait3A_100] : memref<1x4500000xf32, #tpu.memory_space<hbm>> -> memref<1x2304xf32, #tpu.memory_space<hbm>>
        %dma_wait3A_102 = arith.constant 0 : i32
        %dma_wait3A_103 = arith.constant 0 : i32
        %dma_wait3A_104 = tpu.memref_slice %arg3[%dma_wait3A_102, %dma_wait3A_103] : memref<1x4500000xf32, #tpu.memory_space<hbm>> -> memref<1x2304xf32, #tpu.memory_space<hbm>>
        tpu.wait_dma2 semaphore(%arg23 : memref<!tpu.dma_semaphore, #tpu.memory_space<semaphore_mem>>) src(%dma_wait3A_104 : memref<1x2304xf32, #tpu.memory_space<hbm>>) dst(%arg16 : memref<1x2304xf32, #tpu.memory_space<vmem>>)
        %lt3A_105 = arith.constant 1953 : i32
        %lt3A_106 = arith.cmpi slt, %add3A_83, %lt3A_105 : i32
        %convert_element_type3A_107 = arith.extui %lt3A_106 : i1 to i32
        %cond3A_108 = arith.constant 0 : i32
        %cond3A_109 = arith.cmpi ne, %convert_element_type3A_107, %cond3A_108 : i32
        scf.if %cond3A_109 {
          %mul3A_122 = arith.constant 2304 : i32
          %mul3A_123 = arith.muli %add3A_83, %mul3A_122 : i32
          %dma_start3A = arith.constant 0 : i32
          %dma_start3A_124 = tpu.memref_slice %arg2[%dma_start3A, %mul3A_123] : memref<2x4500000xi32, #tpu.memory_space<hbm>> -> memref<2x2304xi32, #tpu.memory_space<hbm>>
          %dma_start3A_125 = arith.constant 0 : i32
          %dma_start3A_126 = tpu.memref_slice %arg2[%dma_start3A_125, %mul3A_123] : memref<2x4500000xi32, #tpu.memory_space<hbm>> -> memref<2x2304xi32, #tpu.memory_space<hbm>>
          tpu.enqueue_dma source(%dma_start3A_126 : memref<2x2304xi32, #tpu.memory_space<hbm>>) target(%arg13 : memref<2x2304xi32, #tpu.memory_space<vmem>>) target_semaphore(%arg22 : memref<!tpu.dma_semaphore, #tpu.memory_space<semaphore_mem>>)
          %dma_start3A_127 = arith.constant 0 : i32
          %dma_start3A_128 = tpu.memref_slice %arg3[%dma_start3A_127, %mul3A_123] : memref<1x4500000xf32, #tpu.memory_space<hbm>> -> memref<1x2304xf32, #tpu.memory_space<hbm>>
          %dma_start3A_129 = arith.constant 0 : i32
          %dma_start3A_130 = tpu.memref_slice %arg3[%dma_start3A_129, %mul3A_123] : memref<1x4500000xf32, #tpu.memory_space<hbm>> -> memref<1x2304xf32, #tpu.memory_space<hbm>>
          tpu.enqueue_dma source(%dma_start3A_130 : memref<1x2304xf32, #tpu.memory_space<hbm>>) target(%arg14 : memref<1x2304xf32, #tpu.memory_space<vmem>>) target_semaphore(%arg22 : memref<!tpu.dma_semaphore, #tpu.memory_space<semaphore_mem>>)
        } else {
        }
        %parallel_loop3A = arith.constant 0 : i32
        %parallel_loop3A_110 = arith.constant 16 : i32
        %parallel_loop3A_111 = arith.constant 1 : i32
        %parallel_loop3A_112:2 = scf.for %parallel_loop3A_122 = %parallel_loop3A to %parallel_loop3A_110 step %parallel_loop3A_111 iter_args(%parallel_loop3A_123 = %broadcast_in_dim3A_1, %parallel_loop3A_124 = %broadcast_in_dim3A_1) -> (vector<16xf32>, vector<16xf32>)  : i32 {
          %parallel_loop3A_125 = arith.constant 144 : i32
          %parallel_loop3A_126 = arith.muli %parallel_loop3A_122, %parallel_loop3A_125 : i32
          %parallel_loop3A_127 = vector.broadcast %parallel_loop3A_126 : i32 to vector<16xi32>
          %parallel_loop3A_128 = arith.addi %parallel_loop3A_127, %mul3A_7 : vector<16xi32>
          %parallel_loop3A_129 = tpu.vector_load_idx %arg15[%broadcast_in_dim3A_9, %parallel_loop3A_128] : memref<2x2304xi32, #tpu.memory_space<vmem>>[vector<16xi32>, vector<16xi32>], vector<16xi32>,
          %parallel_loop3A_130 = tpu.vector_load_idx %arg10[%parallel_loop3A_129] : memref<100000xi32, #tpu.memory_space<vmem>>[vector<16xi32>], vector<16xi32>,
          %parallel_loop3A_131 = arith.constant 0 : i32
          %parallel_loop3A_132 = vector.broadcast %parallel_loop3A_131 : i32 to vector<16xi32>
          %parallel_loop3A_133 = arith.addi %parallel_loop3A_128, %parallel_loop3A_132 : vector<16xi32>
          %parallel_loop3A_134 = tpu.vector_load_idx %arg15[%broadcast_in_dim3A_11, %parallel_loop3A_133] : memref<2x2304xi32, #tpu.memory_space<vmem>>[vector<16xi32>, vector<16xi32>], vector<16xi32>,
          %parallel_loop3A_135 = tpu.vector_load_idx %arg10[%parallel_loop3A_134] : memref<100000xi32, #tpu.memory_space<vmem>>[vector<16xi32>], vector<16xi32>,
          %parallel_loop3A_136 = tpu.vector_load_idx %arg16[%broadcast_in_dim3A_9, %parallel_loop3A_133] : memref<1x2304xf32, #tpu.memory_space<vmem>>[vector<16xi32>, vector<16xi32>], vector<16xf32>,
          %parallel_loop3A_137 = arith.cmpi eq, %parallel_loop3A_130, %parallel_loop3A_135 : vector<16xi32>
          %parallel_loop3A_138 = arith.constant 0.000000e+00 : f32
          %parallel_loop3A_139 = vector.broadcast %parallel_loop3A_138 : f32 to vector<16xf32>
          %parallel_loop3A_140 = arith.select %parallel_loop3A_137, %parallel_loop3A_136, %parallel_loop3A_139 : vector<16xi1>, vector<16xf32>
          %parallel_loop3A_141 = arith.addf %broadcast_in_dim3A_1, %parallel_loop3A_140 : vector<16xf32>
          %parallel_loop3A_142 = arith.constant 1.000000e+00 : f32
          %parallel_loop3A_143 = arith.constant 0.000000e+00 : f32
          %parallel_loop3A_144 = vector.broadcast %parallel_loop3A_142 : f32 to vector<16xf32>
          %parallel_loop3A_145 = vector.broadcast %parallel_loop3A_143 : f32 to vector<16xf32>
          %parallel_loop3A_146 = arith.select %parallel_loop3A_137, %parallel_loop3A_144, %parallel_loop3A_145 : vector<16xi1>, vector<16xf32>
          %parallel_loop3A_147 = arith.addf %broadcast_in_dim3A_1, %parallel_loop3A_146 : vector<16xf32>
          %parallel_loop3A_148 = arith.constant 0.000000e+00 : f32
          %parallel_loop3A_149 = vector.broadcast %parallel_loop3A_148 : f32 to vector<16xf32>
          %parallel_loop3A_150 = arith.select %parallel_loop3A_137, %parallel_loop3A_149, %parallel_loop3A_136 : vector<16xi1>, vector<16xf32>
          %parallel_loop3A_151 = arith.addf %broadcast_in_dim3A_1, %parallel_loop3A_150 : vector<16xf32>
          %parallel_loop3A_152 = arith.select %parallel_loop3A_137, %parallel_loop3A_136, %broadcast_in_dim3A_13 : vector<16xi1>, vector<16xf32>
          %parallel_loop3A_153 = arith.maximumf %broadcast_in_dim3A_13, %parallel_loop3A_152 : vector<16xf32>
          %parallel_loop3A_154 = arith.select %parallel_loop3A_137, %broadcast_in_dim3A_15, %parallel_loop3A_136 : vector<16xi1>, vector<16xf32>
          %parallel_loop3A_155 = arith.minimumf %broadcast_in_dim3A_15, %parallel_loop3A_154 : vector<16xf32>
          %parallel_loop3A_156 = arith.constant 1 : i32
          %parallel_loop3A_157 = vector.broadcast %parallel_loop3A_156 : i32 to vector<16xi32>
          %parallel_loop3A_158 = arith.addi %parallel_loop3A_128, %parallel_loop3A_157 : vector<16xi32>
          %parallel_loop3A_159 = tpu.vector_load_idx %arg15[%broadcast_in_dim3A_11, %parallel_loop3A_158] : memref<2x2304xi32, #tpu.memory_space<vmem>>[vector<16xi32>, vector<16xi32>], vector<16xi32>,
          %parallel_loop3A_160 = tpu.vector_load_idx %arg10[%parallel_loop3A_159] : memref<100000xi32, #tpu.memory_space<vmem>>[vector<16xi32>], vector<16xi32>,
          %parallel_loop3A_161 = tpu.vector_load_idx %arg16[%broadcast_in_dim3A_9, %parallel_loop3A_158] : memref<1x2304xf32, #tpu.memory_space<vmem>>[vector<16xi32>, vector<16xi32>], vector<16xf32>,
          %parallel_loop3A_162 = arith.cmpi eq, %parallel_loop3A_130, %parallel_loop3A_160 : vector<16xi32>
          %parallel_loop3A_163 = arith.constant 0.000000e+00 : f32
          %parallel_loop3A_164 = vector.broadcast %parallel_loop3A_163 : f32 to vector<16xf32>
          %parallel_loop3A_165 = arith.select %parallel_loop3A_162, %parallel_loop3A_161, %parallel_loop3A_164 : vector<16xi1>, vector<16xf32>
          %parallel_loop3A_166 = arith.addf %parallel_loop3A_141, %parallel_loop3A_165 : vector<16xf32>
          %parallel_loop3A_167 = arith.constant 1.000000e+00 : f32
          %parallel_loop3A_168 = arith.constant 0.000000e+00 : f32
          %parallel_loop3A_169 = vector.broadcast %parallel_loop3A_167 : f32 to vector<16xf32>
          %parallel_loop3A_170 = vector.broadcast %parallel_loop3A_168 : f32 to vector<16xf32>
          %parallel_loop3A_171 = arith.select %parallel_loop3A_162, %parallel_loop3A_169, %parallel_loop3A_170 : vector<16xi1>, vector<16xf32>
          %parallel_loop3A_172 = arith.addf %parallel_loop3A_147, %parallel_loop3A_171 : vector<16xf32>
          %parallel_loop3A_173 = arith.constant 0.000000e+00 : f32
          %parallel_loop3A_174 = vector.broadcast %parallel_loop3A_173 : f32 to vector<16xf32>
          %parallel_loop3A_175 = arith.select %parallel_loop3A_162, %parallel_loop3A_174, %parallel_loop3A_161 : vector<16xi1>, vector<16xf32>
          %parallel_loop3A_176 = arith.addf %parallel_loop3A_151, %parallel_loop3A_175 : vector<16xf32>
          %parallel_loop3A_177 = arith.select %parallel_loop3A_162, %parallel_loop3A_161, %broadcast_in_dim3A_13 : vector<16xi1>, vector<16xf32>
          %parallel_loop3A_178 = arith.maximumf %parallel_loop3A_153, %parallel_loop3A_177 : vector<16xf32>
          %parallel_loop3A_179 = arith.select %parallel_loop3A_162, %broadcast_in_dim3A_15, %parallel_loop3A_161 : vector<16xi1>, vector<16xf32>
          %parallel_loop3A_180 = arith.minimumf %parallel_loop3A_155, %parallel_loop3A_179 : vector<16xf32>
          %parallel_loop3A_181 = arith.constant 2 : i32
          %parallel_loop3A_182 = vector.broadcast %parallel_loop3A_181 : i32 to vector<16xi32>
          %parallel_loop3A_183 = arith.addi %parallel_loop3A_128, %parallel_loop3A_182 : vector<16xi32>
          %parallel_loop3A_184 = tpu.vector_load_idx %arg15[%broadcast_in_dim3A_11, %parallel_loop3A_183] : memref<2x2304xi32, #tpu.memory_space<vmem>>[vector<16xi32>, vector<16xi32>], vector<16xi32>,
          %parallel_loop3A_185 = tpu.vector_load_idx %arg10[%parallel_loop3A_184] : memref<100000xi32, #tpu.memory_space<vmem>>[vector<16xi32>], vector<16xi32>,
          %parallel_loop3A_186 = tpu.vector_load_idx %arg16[%broadcast_in_dim3A_9, %parallel_loop3A_183] : memref<1x2304xf32, #tpu.memory_space<vmem>>[vector<16xi32>, vector<16xi32>], vector<16xf32>,
          %parallel_loop3A_187 = arith.cmpi eq, %parallel_loop3A_130, %parallel_loop3A_185 : vector<16xi32>
          %parallel_loop3A_188 = arith.constant 0.000000e+00 : f32
          %parallel_loop3A_189 = vector.broadcast %parallel_loop3A_188 : f32 to vector<16xf32>
          %parallel_loop3A_190 = arith.select %parallel_loop3A_187, %parallel_loop3A_186, %parallel_loop3A_189 : vector<16xi1>, vector<16xf32>
          %parallel_loop3A_191 = arith.addf %parallel_loop3A_166, %parallel_loop3A_190 : vector<16xf32>
          %parallel_loop3A_192 = arith.constant 1.000000e+00 : f32
          %parallel_loop3A_193 = arith.constant 0.000000e+00 : f32
          %parallel_loop3A_194 = vector.broadcast %parallel_loop3A_192 : f32 to vector<16xf32>
          %parallel_loop3A_195 = vector.broadcast %parallel_loop3A_193 : f32 to vector<16xf32>
          %parallel_loop3A_196 = arith.select %parallel_loop3A_187, %parallel_loop3A_194, %parallel_loop3A_195 : vector<16xi1>, vector<16xf32>
          %parallel_loop3A_197 = arith.addf %parallel_loop3A_172, %parallel_loop3A_196 : vector<16xf32>
          %parallel_loop3A_198 = arith.constant 0.000000e+00 : f32
          %parallel_loop3A_199 = vector.broadcast %parallel_loop3A_198 : f32 to vector<16xf32>
          %parallel_loop3A_200 = arith.select %parallel_loop3A_187, %parallel_loop3A_199, %parallel_loop3A_186 : vector<16xi1>, vector<16xf32>
          %parallel_loop3A_201 = arith.addf %parallel_loop3A_176, %parallel_loop3A_200 : vector<16xf32>
          %parallel_loop3A_202 = arith.select %parallel_loop3A_187, %parallel_loop3A_186, %broadcast_in_dim3A_13 : vector<16xi1>, vector<16xf32>
          %parallel_loop3A_203 = arith.maximumf %parallel_loop3A_178, %parallel_loop3A_202 : vector<16xf32>
          %parallel_loop3A_204 = arith.select %parallel_loop3A_187, %broadcast_in_dim3A_15, %parallel_loop3A_186 : vector<16xi1>, vector<16xf32>
          %parallel_loop3A_205 = arith.minimumf %parallel_loop3A_180, %parallel_loop3A_204 : vector<16xf32>
          %parallel_loop3A_206 = arith.constant 3 : i32
          %parallel_loop3A_207 = vector.broadcast %parallel_loop3A_206 : i32 to vector<16xi32>
          %parallel_loop3A_208 = arith.addi %parallel_loop3A_128, %parallel_loop3A_207 : vector<16xi32>
          %parallel_loop3A_209 = tpu.vector_load_idx %arg15[%broadcast_in_dim3A_11, %parallel_loop3A_208] : memref<2x2304xi32, #tpu.memory_space<vmem>>[vector<16xi32>, vector<16xi32>], vector<16xi32>,
          %parallel_loop3A_210 = tpu.vector_load_idx %arg10[%parallel_loop3A_209] : memref<100000xi32, #tpu.memory_space<vmem>>[vector<16xi32>], vector<16xi32>,
          %parallel_loop3A_211 = tpu.vector_load_idx %arg16[%broadcast_in_dim3A_9, %parallel_loop3A_208] : memref<1x2304xf32, #tpu.memory_space<vmem>>[vector<16xi32>, vector<16xi32>], vector<16xf32>,
          %parallel_loop3A_212 = arith.cmpi eq, %parallel_loop3A_130, %parallel_loop3A_210 : vector<16xi32>
          %parallel_loop3A_213 = arith.constant 0.000000e+00 : f32
          %parallel_loop3A_214 = vector.broadcast %parallel_loop3A_213 : f32 to vector<16xf32>
          %parallel_loop3A_215 = arith.select %parallel_loop3A_212, %parallel_loop3A_211, %parallel_loop3A_214 : vector<16xi1>, vector<16xf32>
          %parallel_loop3A_216 = arith.addf %parallel_loop3A_191, %parallel_loop3A_215 : vector<16xf32>
          %parallel_loop3A_217 = arith.constant 1.000000e+00 : f32
          %parallel_loop3A_218 = arith.constant 0.000000e+00 : f32
          %parallel_loop3A_219 = vector.broadcast %parallel_loop3A_217 : f32 to vector<16xf32>
          %parallel_loop3A_220 = vector.broadcast %parallel_loop3A_218 : f32 to vector<16xf32>
          %parallel_loop3A_221 = arith.select %parallel_loop3A_212, %parallel_loop3A_219, %parallel_loop3A_220 : vector<16xi1>, vector<16xf32>
          %parallel_loop3A_222 = arith.addf %parallel_loop3A_197, %parallel_loop3A_221 : vector<16xf32>
          %parallel_loop3A_223 = arith.constant 0.000000e+00 : f32
          %parallel_loop3A_224 = vector.broadcast %parallel_loop3A_223 : f32 to vector<16xf32>
          %parallel_loop3A_225 = arith.select %parallel_loop3A_212, %parallel_loop3A_224, %parallel_loop3A_211 : vector<16xi1>, vector<16xf32>
          %parallel_loop3A_226 = arith.addf %parallel_loop3A_201, %parallel_loop3A_225 : vector<16xf32>
          %parallel_loop3A_227 = arith.select %parallel_loop3A_212, %parallel_loop3A_211, %broadcast_in_dim3A_13 : vector<16xi1>, vector<16xf32>
          %parallel_loop3A_228 = arith.maximumf %parallel_loop3A_203, %parallel_loop3A_227 : vector<16xf32>
          %parallel_loop3A_229 = arith.select %parallel_loop3A_212, %broadcast_in_dim3A_15, %parallel_loop3A_211 : vector<16xi1>, vector<16xf32>
          %parallel_loop3A_230 = arith.minimumf %parallel_loop3A_205, %parallel_loop3A_229 : vector<16xf32>
          %parallel_loop3A_231 = arith.constant 4 : i32
          %parallel_loop3A_232 = vector.broadcast %parallel_loop3A_231 : i32 to vector<16xi32>
          %parallel_loop3A_233 = arith.addi %parallel_loop3A_128, %parallel_loop3A_232 : vector<16xi32>
          %parallel_loop3A_234 = tpu.vector_load_idx %arg15[%broadcast_in_dim3A_11, %parallel_loop3A_233] : memref<2x2304xi32, #tpu.memory_space<vmem>>[vector<16xi32>, vector<16xi32>], vector<16xi32>,
          %parallel_loop3A_235 = tpu.vector_load_idx %arg10[%parallel_loop3A_234] : memref<100000xi32, #tpu.memory_space<vmem>>[vector<16xi32>], vector<16xi32>,
          %parallel_loop3A_236 = tpu.vector_load_idx %arg16[%broadcast_in_dim3A_9, %parallel_loop3A_233] : memref<1x2304xf32, #tpu.memory_space<vmem>>[vector<16xi32>, vector<16xi32>], vector<16xf32>,
          %parallel_loop3A_237 = arith.cmpi eq, %parallel_loop3A_130, %parallel_loop3A_235 : vector<16xi32>
          %parallel_loop3A_238 = arith.constant 0.000000e+00 : f32
          %parallel_loop3A_239 = vector.broadcast %parallel_loop3A_238 : f32 to vector<16xf32>
          %parallel_loop3A_240 = arith.select %parallel_loop3A_237, %parallel_loop3A_236, %parallel_loop3A_239 : vector<16xi1>, vector<16xf32>
          %parallel_loop3A_241 = arith.addf %parallel_loop3A_216, %parallel_loop3A_240 : vector<16xf32>
          %parallel_loop3A_242 = arith.constant 1.000000e+00 : f32
          %parallel_loop3A_243 = arith.constant 0.000000e+00 : f32
          %parallel_loop3A_244 = vector.broadcast %parallel_loop3A_242 : f32 to vector<16xf32>
          %parallel_loop3A_245 = vector.broadcast %parallel_loop3A_243 : f32 to vector<16xf32>
          %parallel_loop3A_246 = arith.select %parallel_loop3A_237, %parallel_loop3A_244, %parallel_loop3A_245 : vector<16xi1>, vector<16xf32>
          %parallel_loop3A_247 = arith.addf %parallel_loop3A_222, %parallel_loop3A_246 : vector<16xf32>
          %parallel_loop3A_248 = arith.constant 0.000000e+00 : f32
          %parallel_loop3A_249 = vector.broadcast %parallel_loop3A_248 : f32 to vector<16xf32>
          %parallel_loop3A_250 = arith.select %parallel_loop3A_237, %parallel_loop3A_249, %parallel_loop3A_236 : vector<16xi1>, vector<16xf32>
          %parallel_loop3A_251 = arith.addf %parallel_loop3A_226, %parallel_loop3A_250 : vector<16xf32>
          %parallel_loop3A_252 = arith.select %parallel_loop3A_237, %parallel_loop3A_236, %broadcast_in_dim3A_13 : vector<16xi1>, vector<16xf32>
          %parallel_loop3A_253 = arith.maximumf %parallel_loop3A_228, %parallel_loop3A_252 : vector<16xf32>
          %parallel_loop3A_254 = arith.select %parallel_loop3A_237, %broadcast_in_dim3A_15, %parallel_loop3A_236 : vector<16xi1>, vector<16xf32>
          %parallel_loop3A_255 = arith.minimumf %parallel_loop3A_230, %parallel_loop3A_254 : vector<16xf32>
          %parallel_loop3A_256 = arith.constant 5 : i32
          %parallel_loop3A_257 = vector.broadcast %parallel_loop3A_256 : i32 to vector<16xi32>
          %parallel_loop3A_258 = arith.addi %parallel_loop3A_128, %parallel_loop3A_257 : vector<16xi32>
          %parallel_loop3A_259 = tpu.vector_load_idx %arg15[%broadcast_in_dim3A_11, %parallel_loop3A_258] : memref<2x2304xi32, #tpu.memory_space<vmem>>[vector<16xi32>, vector<16xi32>], vector<16xi32>,
          %parallel_loop3A_260 = tpu.vector_load_idx %arg10[%parallel_loop3A_259] : memref<100000xi32, #tpu.memory_space<vmem>>[vector<16xi32>], vector<16xi32>,
          %parallel_loop3A_261 = tpu.vector_load_idx %arg16[%broadcast_in_dim3A_9, %parallel_loop3A_258] : memref<1x2304xf32, #tpu.memory_space<vmem>>[vector<16xi32>, vector<16xi32>], vector<16xf32>,
          %parallel_loop3A_262 = arith.cmpi eq, %parallel_loop3A_130, %parallel_loop3A_260 : vector<16xi32>
          %parallel_loop3A_263 = arith.constant 0.000000e+00 : f32
          %parallel_loop3A_264 = vector.broadcast %parallel_loop3A_263 : f32 to vector<16xf32>
          %parallel_loop3A_265 = arith.select %parallel_loop3A_262, %parallel_loop3A_261, %parallel_loop3A_264 : vector<16xi1>, vector<16xf32>
          %parallel_loop3A_266 = arith.addf %parallel_loop3A_241, %parallel_loop3A_265 : vector<16xf32>
          %parallel_loop3A_267 = arith.constant 1.000000e+00 : f32
          %parallel_loop3A_268 = arith.constant 0.000000e+00 : f32
          %parallel_loop3A_269 = vector.broadcast %parallel_loop3A_267 : f32 to vector<16xf32>
          %parallel_loop3A_270 = vector.broadcast %parallel_loop3A_268 : f32 to vector<16xf32>
          %parallel_loop3A_271 = arith.select %parallel_loop3A_262, %parallel_loop3A_269, %parallel_loop3A_270 : vector<16xi1>, vector<16xf32>
          %parallel_loop3A_272 = arith.addf %parallel_loop3A_247, %parallel_loop3A_271 : vector<16xf32>
          %parallel_loop3A_273 = arith.constant 0.000000e+00 : f32
          %parallel_loop3A_274 = vector.broadcast %parallel_loop3A_273 : f32 to vector<16xf32>
          %parallel_loop3A_275 = arith.select %parallel_loop3A_262, %parallel_loop3A_274, %parallel_loop3A_261 : vector<16xi1>, vector<16xf32>
          %parallel_loop3A_276 = arith.addf %parallel_loop3A_251, %parallel_loop3A_275 : vector<16xf32>
          %parallel_loop3A_277 = arith.select %parallel_loop3A_262, %parallel_loop3A_261, %broadcast_in_dim3A_13 : vector<16xi1>, vector<16xf32>
          %parallel_loop3A_278 = arith.maximumf %parallel_loop3A_253, %parallel_loop3A_277 : vector<16xf32>
          %parallel_loop3A_279 = arith.select %parallel_loop3A_262, %broadcast_in_dim3A_15, %parallel_loop3A_261 : vector<16xi1>, vector<16xf32>
          %parallel_loop3A_280 = arith.minimumf %parallel_loop3A_255, %parallel_loop3A_279 : vector<16xf32>
          %parallel_loop3A_281 = arith.constant 6 : i32
          %parallel_loop3A_282 = vector.broadcast %parallel_loop3A_281 : i32 to vector<16xi32>
          %parallel_loop3A_283 = arith.addi %parallel_loop3A_128, %parallel_loop3A_282 : vector<16xi32>
          %parallel_loop3A_284 = tpu.vector_load_idx %arg15[%broadcast_in_dim3A_11, %parallel_loop3A_283] : memref<2x2304xi32, #tpu.memory_space<vmem>>[vector<16xi32>, vector<16xi32>], vector<16xi32>,
          %parallel_loop3A_285 = tpu.vector_load_idx %arg10[%parallel_loop3A_284] : memref<100000xi32, #tpu.memory_space<vmem>>[vector<16xi32>], vector<16xi32>,
          %parallel_loop3A_286 = tpu.vector_load_idx %arg16[%broadcast_in_dim3A_9, %parallel_loop3A_283] : memref<1x2304xf32, #tpu.memory_space<vmem>>[vector<16xi32>, vector<16xi32>], vector<16xf32>,
          %parallel_loop3A_287 = arith.cmpi eq, %parallel_loop3A_130, %parallel_loop3A_285 : vector<16xi32>
          %parallel_loop3A_288 = arith.constant 0.000000e+00 : f32
          %parallel_loop3A_289 = vector.broadcast %parallel_loop3A_288 : f32 to vector<16xf32>
          %parallel_loop3A_290 = arith.select %parallel_loop3A_287, %parallel_loop3A_286, %parallel_loop3A_289 : vector<16xi1>, vector<16xf32>
          %parallel_loop3A_291 = arith.addf %parallel_loop3A_266, %parallel_loop3A_290 : vector<16xf32>
          %parallel_loop3A_292 = arith.constant 1.000000e+00 : f32
          %parallel_loop3A_293 = arith.constant 0.000000e+00 : f32
          %parallel_loop3A_294 = vector.broadcast %parallel_loop3A_292 : f32 to vector<16xf32>
          %parallel_loop3A_295 = vector.broadcast %parallel_loop3A_293 : f32 to vector<16xf32>
          %parallel_loop3A_296 = arith.select %parallel_loop3A_287, %parallel_loop3A_294, %parallel_loop3A_295 : vector<16xi1>, vector<16xf32>
          %parallel_loop3A_297 = arith.addf %parallel_loop3A_272, %parallel_loop3A_296 : vector<16xf32>
          %parallel_loop3A_298 = arith.constant 0.000000e+00 : f32
          %parallel_loop3A_299 = vector.broadcast %parallel_loop3A_298 : f32 to vector<16xf32>
          %parallel_loop3A_300 = arith.select %parallel_loop3A_287, %parallel_loop3A_299, %parallel_loop3A_286 : vector<16xi1>, vector<16xf32>
          %parallel_loop3A_301 = arith.addf %parallel_loop3A_276, %parallel_loop3A_300 : vector<16xf32>
          %parallel_loop3A_302 = arith.select %parallel_loop3A_287, %parallel_loop3A_286, %broadcast_in_dim3A_13 : vector<16xi1>, vector<16xf32>
          %parallel_loop3A_303 = arith.maximumf %parallel_loop3A_278, %parallel_loop3A_302 : vector<16xf32>
          %parallel_loop3A_304 = arith.select %parallel_loop3A_287, %broadcast_in_dim3A_15, %parallel_loop3A_286 : vector<16xi1>, vector<16xf32>
          %parallel_loop3A_305 = arith.minimumf %parallel_loop3A_280, %parallel_loop3A_304 : vector<16xf32>
          %parallel_loop3A_306 = arith.constant 7 : i32
          %parallel_loop3A_307 = vector.broadcast %parallel_loop3A_306 : i32 to vector<16xi32>
          %parallel_loop3A_308 = arith.addi %parallel_loop3A_128, %parallel_loop3A_307 : vector<16xi32>
          %parallel_loop3A_309 = tpu.vector_load_idx %arg15[%broadcast_in_dim3A_11, %parallel_loop3A_308] : memref<2x2304xi32, #tpu.memory_space<vmem>>[vector<16xi32>, vector<16xi32>], vector<16xi32>,
          %parallel_loop3A_310 = tpu.vector_load_idx %arg10[%parallel_loop3A_309] : memref<100000xi32, #tpu.memory_space<vmem>>[vector<16xi32>], vector<16xi32>,
          %parallel_loop3A_311 = tpu.vector_load_idx %arg16[%broadcast_in_dim3A_9, %parallel_loop3A_308] : memref<1x2304xf32, #tpu.memory_space<vmem>>[vector<16xi32>, vector<16xi32>], vector<16xf32>,
          %parallel_loop3A_312 = arith.cmpi eq, %parallel_loop3A_130, %parallel_loop3A_310 : vector<16xi32>
          %parallel_loop3A_313 = arith.constant 0.000000e+00 : f32
          %parallel_loop3A_314 = vector.broadcast %parallel_loop3A_313 : f32 to vector<16xf32>
          %parallel_loop3A_315 = arith.select %parallel_loop3A_312, %parallel_loop3A_311, %parallel_loop3A_314 : vector<16xi1>, vector<16xf32>
          %parallel_loop3A_316 = arith.addf %parallel_loop3A_291, %parallel_loop3A_315 : vector<16xf32>
          %parallel_loop3A_317 = arith.constant 1.000000e+00 : f32
          %parallel_loop3A_318 = arith.constant 0.000000e+00 : f32
          %parallel_loop3A_319 = vector.broadcast %parallel_loop3A_317 : f32 to vector<16xf32>
          %parallel_loop3A_320 = vector.broadcast %parallel_loop3A_318 : f32 to vector<16xf32>
          %parallel_loop3A_321 = arith.select %parallel_loop3A_312, %parallel_loop3A_319, %parallel_loop3A_320 : vector<16xi1>, vector<16xf32>
          %parallel_loop3A_322 = arith.addf %parallel_loop3A_297, %parallel_loop3A_321 : vector<16xf32>
          %parallel_loop3A_323 = arith.constant 0.000000e+00 : f32
          %parallel_loop3A_324 = vector.broadcast %parallel_loop3A_323 : f32 to vector<16xf32>
          %parallel_loop3A_325 = arith.select %parallel_loop3A_312, %parallel_loop3A_324, %parallel_loop3A_311 : vector<16xi1>, vector<16xf32>
          %parallel_loop3A_326 = arith.addf %parallel_loop3A_301, %parallel_loop3A_325 : vector<16xf32>
          %parallel_loop3A_327 = arith.select %parallel_loop3A_312, %parallel_loop3A_311, %broadcast_in_dim3A_13 : vector<16xi1>, vector<16xf32>
          %parallel_loop3A_328 = arith.maximumf %parallel_loop3A_303, %parallel_loop3A_327 : vector<16xf32>
          %parallel_loop3A_329 = arith.select %parallel_loop3A_312, %broadcast_in_dim3A_15, %parallel_loop3A_311 : vector<16xi1>, vector<16xf32>
          %parallel_loop3A_330 = arith.minimumf %parallel_loop3A_305, %parallel_loop3A_329 : vector<16xf32>
          %parallel_loop3A_331 = arith.constant 8 : i32
          %parallel_loop3A_332 = vector.broadcast %parallel_loop3A_331 : i32 to vector<16xi32>
          %parallel_loop3A_333 = arith.addi %parallel_loop3A_128, %parallel_loop3A_332 : vector<16xi32>
          %parallel_loop3A_334 = tpu.vector_load_idx %arg15[%broadcast_in_dim3A_11, %parallel_loop3A_333] : memref<2x2304xi32, #tpu.memory_space<vmem>>[vector<16xi32>, vector<16xi32>], vector<16xi32>,
          %parallel_loop3A_335 = tpu.vector_load_idx %arg10[%parallel_loop3A_334] : memref<100000xi32, #tpu.memory_space<vmem>>[vector<16xi32>], vector<16xi32>,
          %parallel_loop3A_336 = tpu.vector_load_idx %arg16[%broadcast_in_dim3A_9, %parallel_loop3A_333] : memref<1x2304xf32, #tpu.memory_space<vmem>>[vector<16xi32>, vector<16xi32>], vector<16xf32>,
          %parallel_loop3A_337 = arith.cmpi eq, %parallel_loop3A_130, %parallel_loop3A_335 : vector<16xi32>
          %parallel_loop3A_338 = arith.constant 0.000000e+00 : f32
          %parallel_loop3A_339 = vector.broadcast %parallel_loop3A_338 : f32 to vector<16xf32>
          %parallel_loop3A_340 = arith.select %parallel_loop3A_337, %parallel_loop3A_336, %parallel_loop3A_339 : vector<16xi1>, vector<16xf32>
          %parallel_loop3A_341 = arith.addf %parallel_loop3A_316, %parallel_loop3A_340 : vector<16xf32>
          %parallel_loop3A_342 = arith.constant 1.000000e+00 : f32
          %parallel_loop3A_343 = arith.constant 0.000000e+00 : f32
          %parallel_loop3A_344 = vector.broadcast %parallel_loop3A_342 : f32 to vector<16xf32>
          %parallel_loop3A_345 = vector.broadcast %parallel_loop3A_343 : f32 to vector<16xf32>
          %parallel_loop3A_346 = arith.select %parallel_loop3A_337, %parallel_loop3A_344, %parallel_loop3A_345 : vector<16xi1>, vector<16xf32>
          %parallel_loop3A_347 = arith.addf %parallel_loop3A_322, %parallel_loop3A_346 : vector<16xf32>
          %parallel_loop3A_348 = arith.constant 0.000000e+00 : f32
          %parallel_loop3A_349 = vector.broadcast %parallel_loop3A_348 : f32 to vector<16xf32>
          %parallel_loop3A_350 = arith.select %parallel_loop3A_337, %parallel_loop3A_349, %parallel_loop3A_336 : vector<16xi1>, vector<16xf32>
          %parallel_loop3A_351 = arith.addf %parallel_loop3A_326, %parallel_loop3A_350 : vector<16xf32>
          %parallel_loop3A_352 = arith.select %parallel_loop3A_337, %parallel_loop3A_336, %broadcast_in_dim3A_13 : vector<16xi1>, vector<16xf32>
          %parallel_loop3A_353 = arith.maximumf %parallel_loop3A_328, %parallel_loop3A_352 : vector<16xf32>
          %parallel_loop3A_354 = arith.select %parallel_loop3A_337, %broadcast_in_dim3A_15, %parallel_loop3A_336 : vector<16xi1>, vector<16xf32>
          %parallel_loop3A_355 = arith.minimumf %parallel_loop3A_330, %parallel_loop3A_354 : vector<16xf32>
          %parallel_loop3A_356 = arith.constant 9.000000e+00 : f32
          %parallel_loop3A_357 = vector.broadcast %parallel_loop3A_356 : f32 to vector<16xf32>
          %parallel_loop3A_358 = arith.subf %parallel_loop3A_357, %parallel_loop3A_347 : vector<16xf32>
          %parallel_loop3A_359 = arith.divf %parallel_loop3A_341, %parallel_loop3A_347 : vector<16xf32>
          %parallel_loop3A_360 = math.exp %parallel_loop3A_359 : vector<16xf32>
          %parallel_loop3A_361 = arith.divf %parallel_loop3A_351, %parallel_loop3A_358 : vector<16xf32>
          %parallel_loop3A_362 = arith.constant 0.000000e+00 : f32
          %parallel_loop3A_363 = vector.broadcast %parallel_loop3A_362 : f32 to vector<16xf32>
          %parallel_loop3A_364 = arith.subf %parallel_loop3A_363, %parallel_loop3A_361 : vector<16xf32>
          %parallel_loop3A_365 = math.exp %parallel_loop3A_364 : vector<16xf32>
          %parallel_loop3A_366 = arith.addf %parallel_loop3A_360, %parallel_loop3A_365 : vector<16xf32>
          %parallel_loop3A_367 = arith.subf %parallel_loop3A_353, %parallel_loop3A_355 : vector<16xf32>
          %parallel_loop3A_368 = arith.constant 0.000000e+00 : f32
          %parallel_loop3A_369 = vector.broadcast %parallel_loop3A_368 : f32 to vector<16xf32>
          %parallel_loop3A_370 = arith.maximumf %parallel_loop3A_369, %parallel_loop3A_367 : vector<16xf32>
          %parallel_loop3A_371 = arith.addf %parallel_loop3A_123, %parallel_loop3A_366 : vector<16xf32>
          %parallel_loop3A_372 = arith.addf %parallel_loop3A_124, %parallel_loop3A_370 : vector<16xf32>
          scf.yield %parallel_loop3A_371, %parallel_loop3A_372 : vector<16xf32>, vector<16xf32>
        } {sc.loop_unroll_factor = 4 : i64, sc.parallel_access}
        %get3A = arith.constant 0 : index
        %get3A_113 = tpu.vector_load %arg19[%get3A] {strides = array<i32>} : memref<16xf32, #tpu.memory_space<vmem>>, vector<16xf32>,
        %add3A_114 = arith.addf %get3A_113, %parallel_loop3A_112#0 : vector<16xf32>
        %swap3A_115 = arith.constant 0 : index
        %swap3A_116 = tpu.vector_load %arg19[%swap3A_115] {strides = array<i32>} : memref<16xf32, #tpu.memory_space<vmem>>, vector<16xf32>,
        tpu.vector_store %arg19[%swap3A_115], %add3A_114 {strides = array<i32>} : memref<16xf32, #tpu.memory_space<vmem>>, vector<16xf32>,
        %get3A_117 = arith.constant 0 : index
        %get3A_118 = tpu.vector_load %arg20[%get3A_117] {strides = array<i32>} : memref<16xf32, #tpu.memory_space<vmem>>, vector<16xf32>,
        %add3A_119 = arith.addf %get3A_118, %parallel_loop3A_112#1 : vector<16xf32>
        %swap3A_120 = arith.constant 0 : index
        %swap3A_121 = tpu.vector_load %arg20[%swap3A_120] {strides = array<i32>} : memref<16xf32, #tpu.memory_space<vmem>>, vector<16xf32>,
        tpu.vector_store %arg20[%swap3A_120], %add3A_119 {strides = array<i32>} : memref<16xf32, #tpu.memory_space<vmem>>, vector<16xf32>,
      } else {
      }
      %eq3A_89 = arith.constant 1953 : i32
      %eq3A_90 = arith.cmpi eq, %add3A_81, %eq3A_89 : i32
      %convert_element_type3A_91 = arith.extui %eq3A_90 : i1 to i32
      %cond3A_92 = arith.constant 0 : i32
      %cond3A_93 = arith.cmpi ne, %convert_element_type3A_91, %cond3A_92 : i32
      scf.if %cond3A_93 {
        "tpu.region"() ({
          %run_scoped3A = tpu.sem_alloc : memref<!tpu.dma_semaphore, #tpu.memory_space<semaphore_mem>>
          tpu.enqueue_dma source(%arg5 : memref<2x288xi32, #tpu.memory_space<hbm>>) target(%arg17 : memref<2x288xi32, #tpu.memory_space<vmem>>) target_semaphore(%run_scoped3A : memref<!tpu.dma_semaphore, #tpu.memory_space<semaphore_mem>>)
          tpu.wait_dma2 semaphore(%run_scoped3A : memref<!tpu.dma_semaphore, #tpu.memory_space<semaphore_mem>>) src(%arg5 : memref<2x288xi32, #tpu.memory_space<hbm>>) dst(%arg17 : memref<2x288xi32, #tpu.memory_space<vmem>>)
          tpu.yield
        }) : () -> ()
        "tpu.region"() ({
          %run_scoped3A = tpu.sem_alloc : memref<!tpu.dma_semaphore, #tpu.memory_space<semaphore_mem>>
          tpu.enqueue_dma source(%arg6 : memref<1x288xf32, #tpu.memory_space<hbm>>) target(%arg18 : memref<1x288xf32, #tpu.memory_space<vmem>>) target_semaphore(%run_scoped3A : memref<!tpu.dma_semaphore, #tpu.memory_space<semaphore_mem>>)
          tpu.wait_dma2 semaphore(%run_scoped3A : memref<!tpu.dma_semaphore, #tpu.memory_space<semaphore_mem>>) src(%arg6 : memref<1x288xf32, #tpu.memory_space<hbm>>) dst(%arg18 : memref<1x288xf32, #tpu.memory_space<vmem>>)
          tpu.yield
        }) : () -> ()
        %parallel_loop3A = arith.constant 0 : i32
        %parallel_loop3A_94 = arith.constant 2 : i32
        %parallel_loop3A_95 = arith.constant 1 : i32
        %parallel_loop3A_96:2 = scf.for %parallel_loop3A_106 = %parallel_loop3A to %parallel_loop3A_94 step %parallel_loop3A_95 iter_args(%parallel_loop3A_107 = %broadcast_in_dim3A_1, %parallel_loop3A_108 = %broadcast_in_dim3A_1) -> (vector<16xf32>, vector<16xf32>)  : i32 {
          %parallel_loop3A_109 = arith.constant 144 : i32
          %parallel_loop3A_110 = arith.muli %parallel_loop3A_106, %parallel_loop3A_109 : i32
          %parallel_loop3A_111 = vector.broadcast %parallel_loop3A_110 : i32 to vector<16xi32>
          %parallel_loop3A_112 = arith.addi %parallel_loop3A_111, %mul3A_7 : vector<16xi32>
          %parallel_loop3A_113 = tpu.vector_load_idx %arg17[%broadcast_in_dim3A_9, %parallel_loop3A_112] : memref<2x288xi32, #tpu.memory_space<vmem>>[vector<16xi32>, vector<16xi32>], vector<16xi32>,
          %parallel_loop3A_114 = tpu.vector_load_idx %arg10[%parallel_loop3A_113] : memref<100000xi32, #tpu.memory_space<vmem>>[vector<16xi32>], vector<16xi32>,
          %parallel_loop3A_115 = arith.constant 0 : i32
          %parallel_loop3A_116 = vector.broadcast %parallel_loop3A_115 : i32 to vector<16xi32>
          %parallel_loop3A_117 = arith.addi %parallel_loop3A_112, %parallel_loop3A_116 : vector<16xi32>
          %parallel_loop3A_118 = tpu.vector_load_idx %arg17[%broadcast_in_dim3A_11, %parallel_loop3A_117] : memref<2x288xi32, #tpu.memory_space<vmem>>[vector<16xi32>, vector<16xi32>], vector<16xi32>,
          %parallel_loop3A_119 = tpu.vector_load_idx %arg10[%parallel_loop3A_118] : memref<100000xi32, #tpu.memory_space<vmem>>[vector<16xi32>], vector<16xi32>,
          %parallel_loop3A_120 = tpu.vector_load_idx %arg18[%broadcast_in_dim3A_9, %parallel_loop3A_117] : memref<1x288xf32, #tpu.memory_space<vmem>>[vector<16xi32>, vector<16xi32>], vector<16xf32>,
          %parallel_loop3A_121 = arith.cmpi eq, %parallel_loop3A_114, %parallel_loop3A_119 : vector<16xi32>
          %parallel_loop3A_122 = arith.constant 0.000000e+00 : f32
          %parallel_loop3A_123 = vector.broadcast %parallel_loop3A_122 : f32 to vector<16xf32>
          %parallel_loop3A_124 = arith.select %parallel_loop3A_121, %parallel_loop3A_120, %parallel_loop3A_123 : vector<16xi1>, vector<16xf32>
          %parallel_loop3A_125 = arith.addf %broadcast_in_dim3A_1, %parallel_loop3A_124 : vector<16xf32>
          %parallel_loop3A_126 = arith.constant 1.000000e+00 : f32
          %parallel_loop3A_127 = arith.constant 0.000000e+00 : f32
          %parallel_loop3A_128 = vector.broadcast %parallel_loop3A_126 : f32 to vector<16xf32>
          %parallel_loop3A_129 = vector.broadcast %parallel_loop3A_127 : f32 to vector<16xf32>
          %parallel_loop3A_130 = arith.select %parallel_loop3A_121, %parallel_loop3A_128, %parallel_loop3A_129 : vector<16xi1>, vector<16xf32>
          %parallel_loop3A_131 = arith.addf %broadcast_in_dim3A_1, %parallel_loop3A_130 : vector<16xf32>
          %parallel_loop3A_132 = arith.constant 0.000000e+00 : f32
          %parallel_loop3A_133 = vector.broadcast %parallel_loop3A_132 : f32 to vector<16xf32>
          %parallel_loop3A_134 = arith.select %parallel_loop3A_121, %parallel_loop3A_133, %parallel_loop3A_120 : vector<16xi1>, vector<16xf32>
          %parallel_loop3A_135 = arith.addf %broadcast_in_dim3A_1, %parallel_loop3A_134 : vector<16xf32>
          %parallel_loop3A_136 = arith.select %parallel_loop3A_121, %parallel_loop3A_120, %broadcast_in_dim3A_13 : vector<16xi1>, vector<16xf32>
          %parallel_loop3A_137 = arith.maximumf %broadcast_in_dim3A_13, %parallel_loop3A_136 : vector<16xf32>
          %parallel_loop3A_138 = arith.select %parallel_loop3A_121, %broadcast_in_dim3A_15, %parallel_loop3A_120 : vector<16xi1>, vector<16xf32>
          %parallel_loop3A_139 = arith.minimumf %broadcast_in_dim3A_15, %parallel_loop3A_138 : vector<16xf32>
          %parallel_loop3A_140 = arith.constant 1 : i32
          %parallel_loop3A_141 = vector.broadcast %parallel_loop3A_140 : i32 to vector<16xi32>
          %parallel_loop3A_142 = arith.addi %parallel_loop3A_112, %parallel_loop3A_141 : vector<16xi32>
          %parallel_loop3A_143 = tpu.vector_load_idx %arg17[%broadcast_in_dim3A_11, %parallel_loop3A_142] : memref<2x288xi32, #tpu.memory_space<vmem>>[vector<16xi32>, vector<16xi32>], vector<16xi32>,
          %parallel_loop3A_144 = tpu.vector_load_idx %arg10[%parallel_loop3A_143] : memref<100000xi32, #tpu.memory_space<vmem>>[vector<16xi32>], vector<16xi32>,
          %parallel_loop3A_145 = tpu.vector_load_idx %arg18[%broadcast_in_dim3A_9, %parallel_loop3A_142] : memref<1x288xf32, #tpu.memory_space<vmem>>[vector<16xi32>, vector<16xi32>], vector<16xf32>,
          %parallel_loop3A_146 = arith.cmpi eq, %parallel_loop3A_114, %parallel_loop3A_144 : vector<16xi32>
          %parallel_loop3A_147 = arith.constant 0.000000e+00 : f32
          %parallel_loop3A_148 = vector.broadcast %parallel_loop3A_147 : f32 to vector<16xf32>
          %parallel_loop3A_149 = arith.select %parallel_loop3A_146, %parallel_loop3A_145, %parallel_loop3A_148 : vector<16xi1>, vector<16xf32>
          %parallel_loop3A_150 = arith.addf %parallel_loop3A_125, %parallel_loop3A_149 : vector<16xf32>
          %parallel_loop3A_151 = arith.constant 1.000000e+00 : f32
          %parallel_loop3A_152 = arith.constant 0.000000e+00 : f32
          %parallel_loop3A_153 = vector.broadcast %parallel_loop3A_151 : f32 to vector<16xf32>
          %parallel_loop3A_154 = vector.broadcast %parallel_loop3A_152 : f32 to vector<16xf32>
          %parallel_loop3A_155 = arith.select %parallel_loop3A_146, %parallel_loop3A_153, %parallel_loop3A_154 : vector<16xi1>, vector<16xf32>
          %parallel_loop3A_156 = arith.addf %parallel_loop3A_131, %parallel_loop3A_155 : vector<16xf32>
          %parallel_loop3A_157 = arith.constant 0.000000e+00 : f32
          %parallel_loop3A_158 = vector.broadcast %parallel_loop3A_157 : f32 to vector<16xf32>
          %parallel_loop3A_159 = arith.select %parallel_loop3A_146, %parallel_loop3A_158, %parallel_loop3A_145 : vector<16xi1>, vector<16xf32>
          %parallel_loop3A_160 = arith.addf %parallel_loop3A_135, %parallel_loop3A_159 : vector<16xf32>
          %parallel_loop3A_161 = arith.select %parallel_loop3A_146, %parallel_loop3A_145, %broadcast_in_dim3A_13 : vector<16xi1>, vector<16xf32>
          %parallel_loop3A_162 = arith.maximumf %parallel_loop3A_137, %parallel_loop3A_161 : vector<16xf32>
          %parallel_loop3A_163 = arith.select %parallel_loop3A_146, %broadcast_in_dim3A_15, %parallel_loop3A_145 : vector<16xi1>, vector<16xf32>
          %parallel_loop3A_164 = arith.minimumf %parallel_loop3A_139, %parallel_loop3A_163 : vector<16xf32>
          %parallel_loop3A_165 = arith.constant 2 : i32
          %parallel_loop3A_166 = vector.broadcast %parallel_loop3A_165 : i32 to vector<16xi32>
          %parallel_loop3A_167 = arith.addi %parallel_loop3A_112, %parallel_loop3A_166 : vector<16xi32>
          %parallel_loop3A_168 = tpu.vector_load_idx %arg17[%broadcast_in_dim3A_11, %parallel_loop3A_167] : memref<2x288xi32, #tpu.memory_space<vmem>>[vector<16xi32>, vector<16xi32>], vector<16xi32>,
          %parallel_loop3A_169 = tpu.vector_load_idx %arg10[%parallel_loop3A_168] : memref<100000xi32, #tpu.memory_space<vmem>>[vector<16xi32>], vector<16xi32>,
          %parallel_loop3A_170 = tpu.vector_load_idx %arg18[%broadcast_in_dim3A_9, %parallel_loop3A_167] : memref<1x288xf32, #tpu.memory_space<vmem>>[vector<16xi32>, vector<16xi32>], vector<16xf32>,
          %parallel_loop3A_171 = arith.cmpi eq, %parallel_loop3A_114, %parallel_loop3A_169 : vector<16xi32>
          %parallel_loop3A_172 = arith.constant 0.000000e+00 : f32
          %parallel_loop3A_173 = vector.broadcast %parallel_loop3A_172 : f32 to vector<16xf32>
          %parallel_loop3A_174 = arith.select %parallel_loop3A_171, %parallel_loop3A_170, %parallel_loop3A_173 : vector<16xi1>, vector<16xf32>
          %parallel_loop3A_175 = arith.addf %parallel_loop3A_150, %parallel_loop3A_174 : vector<16xf32>
          %parallel_loop3A_176 = arith.constant 1.000000e+00 : f32
          %parallel_loop3A_177 = arith.constant 0.000000e+00 : f32
          %parallel_loop3A_178 = vector.broadcast %parallel_loop3A_176 : f32 to vector<16xf32>
          %parallel_loop3A_179 = vector.broadcast %parallel_loop3A_177 : f32 to vector<16xf32>
          %parallel_loop3A_180 = arith.select %parallel_loop3A_171, %parallel_loop3A_178, %parallel_loop3A_179 : vector<16xi1>, vector<16xf32>
          %parallel_loop3A_181 = arith.addf %parallel_loop3A_156, %parallel_loop3A_180 : vector<16xf32>
          %parallel_loop3A_182 = arith.constant 0.000000e+00 : f32
          %parallel_loop3A_183 = vector.broadcast %parallel_loop3A_182 : f32 to vector<16xf32>
          %parallel_loop3A_184 = arith.select %parallel_loop3A_171, %parallel_loop3A_183, %parallel_loop3A_170 : vector<16xi1>, vector<16xf32>
          %parallel_loop3A_185 = arith.addf %parallel_loop3A_160, %parallel_loop3A_184 : vector<16xf32>
          %parallel_loop3A_186 = arith.select %parallel_loop3A_171, %parallel_loop3A_170, %broadcast_in_dim3A_13 : vector<16xi1>, vector<16xf32>
          %parallel_loop3A_187 = arith.maximumf %parallel_loop3A_162, %parallel_loop3A_186 : vector<16xf32>
          %parallel_loop3A_188 = arith.select %parallel_loop3A_171, %broadcast_in_dim3A_15, %parallel_loop3A_170 : vector<16xi1>, vector<16xf32>
          %parallel_loop3A_189 = arith.minimumf %parallel_loop3A_164, %parallel_loop3A_188 : vector<16xf32>
          %parallel_loop3A_190 = arith.constant 3 : i32
          %parallel_loop3A_191 = vector.broadcast %parallel_loop3A_190 : i32 to vector<16xi32>
          %parallel_loop3A_192 = arith.addi %parallel_loop3A_112, %parallel_loop3A_191 : vector<16xi32>
          %parallel_loop3A_193 = tpu.vector_load_idx %arg17[%broadcast_in_dim3A_11, %parallel_loop3A_192] : memref<2x288xi32, #tpu.memory_space<vmem>>[vector<16xi32>, vector<16xi32>], vector<16xi32>,
          %parallel_loop3A_194 = tpu.vector_load_idx %arg10[%parallel_loop3A_193] : memref<100000xi32, #tpu.memory_space<vmem>>[vector<16xi32>], vector<16xi32>,
          %parallel_loop3A_195 = tpu.vector_load_idx %arg18[%broadcast_in_dim3A_9, %parallel_loop3A_192] : memref<1x288xf32, #tpu.memory_space<vmem>>[vector<16xi32>, vector<16xi32>], vector<16xf32>,
          %parallel_loop3A_196 = arith.cmpi eq, %parallel_loop3A_114, %parallel_loop3A_194 : vector<16xi32>
          %parallel_loop3A_197 = arith.constant 0.000000e+00 : f32
          %parallel_loop3A_198 = vector.broadcast %parallel_loop3A_197 : f32 to vector<16xf32>
          %parallel_loop3A_199 = arith.select %parallel_loop3A_196, %parallel_loop3A_195, %parallel_loop3A_198 : vector<16xi1>, vector<16xf32>
          %parallel_loop3A_200 = arith.addf %parallel_loop3A_175, %parallel_loop3A_199 : vector<16xf32>
          %parallel_loop3A_201 = arith.constant 1.000000e+00 : f32
          %parallel_loop3A_202 = arith.constant 0.000000e+00 : f32
          %parallel_loop3A_203 = vector.broadcast %parallel_loop3A_201 : f32 to vector<16xf32>
          %parallel_loop3A_204 = vector.broadcast %parallel_loop3A_202 : f32 to vector<16xf32>
          %parallel_loop3A_205 = arith.select %parallel_loop3A_196, %parallel_loop3A_203, %parallel_loop3A_204 : vector<16xi1>, vector<16xf32>
          %parallel_loop3A_206 = arith.addf %parallel_loop3A_181, %parallel_loop3A_205 : vector<16xf32>
          %parallel_loop3A_207 = arith.constant 0.000000e+00 : f32
          %parallel_loop3A_208 = vector.broadcast %parallel_loop3A_207 : f32 to vector<16xf32>
          %parallel_loop3A_209 = arith.select %parallel_loop3A_196, %parallel_loop3A_208, %parallel_loop3A_195 : vector<16xi1>, vector<16xf32>
          %parallel_loop3A_210 = arith.addf %parallel_loop3A_185, %parallel_loop3A_209 : vector<16xf32>
          %parallel_loop3A_211 = arith.select %parallel_loop3A_196, %parallel_loop3A_195, %broadcast_in_dim3A_13 : vector<16xi1>, vector<16xf32>
          %parallel_loop3A_212 = arith.maximumf %parallel_loop3A_187, %parallel_loop3A_211 : vector<16xf32>
          %parallel_loop3A_213 = arith.select %parallel_loop3A_196, %broadcast_in_dim3A_15, %parallel_loop3A_195 : vector<16xi1>, vector<16xf32>
          %parallel_loop3A_214 = arith.minimumf %parallel_loop3A_189, %parallel_loop3A_213 : vector<16xf32>
          %parallel_loop3A_215 = arith.constant 4 : i32
          %parallel_loop3A_216 = vector.broadcast %parallel_loop3A_215 : i32 to vector<16xi32>
          %parallel_loop3A_217 = arith.addi %parallel_loop3A_112, %parallel_loop3A_216 : vector<16xi32>
          %parallel_loop3A_218 = tpu.vector_load_idx %arg17[%broadcast_in_dim3A_11, %parallel_loop3A_217] : memref<2x288xi32, #tpu.memory_space<vmem>>[vector<16xi32>, vector<16xi32>], vector<16xi32>,
          %parallel_loop3A_219 = tpu.vector_load_idx %arg10[%parallel_loop3A_218] : memref<100000xi32, #tpu.memory_space<vmem>>[vector<16xi32>], vector<16xi32>,
          %parallel_loop3A_220 = tpu.vector_load_idx %arg18[%broadcast_in_dim3A_9, %parallel_loop3A_217] : memref<1x288xf32, #tpu.memory_space<vmem>>[vector<16xi32>, vector<16xi32>], vector<16xf32>,
          %parallel_loop3A_221 = arith.cmpi eq, %parallel_loop3A_114, %parallel_loop3A_219 : vector<16xi32>
          %parallel_loop3A_222 = arith.constant 0.000000e+00 : f32
          %parallel_loop3A_223 = vector.broadcast %parallel_loop3A_222 : f32 to vector<16xf32>
          %parallel_loop3A_224 = arith.select %parallel_loop3A_221, %parallel_loop3A_220, %parallel_loop3A_223 : vector<16xi1>, vector<16xf32>
          %parallel_loop3A_225 = arith.addf %parallel_loop3A_200, %parallel_loop3A_224 : vector<16xf32>
          %parallel_loop3A_226 = arith.constant 1.000000e+00 : f32
          %parallel_loop3A_227 = arith.constant 0.000000e+00 : f32
          %parallel_loop3A_228 = vector.broadcast %parallel_loop3A_226 : f32 to vector<16xf32>
          %parallel_loop3A_229 = vector.broadcast %parallel_loop3A_227 : f32 to vector<16xf32>
          %parallel_loop3A_230 = arith.select %parallel_loop3A_221, %parallel_loop3A_228, %parallel_loop3A_229 : vector<16xi1>, vector<16xf32>
          %parallel_loop3A_231 = arith.addf %parallel_loop3A_206, %parallel_loop3A_230 : vector<16xf32>
          %parallel_loop3A_232 = arith.constant 0.000000e+00 : f32
          %parallel_loop3A_233 = vector.broadcast %parallel_loop3A_232 : f32 to vector<16xf32>
          %parallel_loop3A_234 = arith.select %parallel_loop3A_221, %parallel_loop3A_233, %parallel_loop3A_220 : vector<16xi1>, vector<16xf32>
          %parallel_loop3A_235 = arith.addf %parallel_loop3A_210, %parallel_loop3A_234 : vector<16xf32>
          %parallel_loop3A_236 = arith.select %parallel_loop3A_221, %parallel_loop3A_220, %broadcast_in_dim3A_13 : vector<16xi1>, vector<16xf32>
          %parallel_loop3A_237 = arith.maximumf %parallel_loop3A_212, %parallel_loop3A_236 : vector<16xf32>
          %parallel_loop3A_238 = arith.select %parallel_loop3A_221, %broadcast_in_dim3A_15, %parallel_loop3A_220 : vector<16xi1>, vector<16xf32>
          %parallel_loop3A_239 = arith.minimumf %parallel_loop3A_214, %parallel_loop3A_238 : vector<16xf32>
          %parallel_loop3A_240 = arith.constant 5 : i32
          %parallel_loop3A_241 = vector.broadcast %parallel_loop3A_240 : i32 to vector<16xi32>
          %parallel_loop3A_242 = arith.addi %parallel_loop3A_112, %parallel_loop3A_241 : vector<16xi32>
          %parallel_loop3A_243 = tpu.vector_load_idx %arg17[%broadcast_in_dim3A_11, %parallel_loop3A_242] : memref<2x288xi32, #tpu.memory_space<vmem>>[vector<16xi32>, vector<16xi32>], vector<16xi32>,
          %parallel_loop3A_244 = tpu.vector_load_idx %arg10[%parallel_loop3A_243] : memref<100000xi32, #tpu.memory_space<vmem>>[vector<16xi32>], vector<16xi32>,
          %parallel_loop3A_245 = tpu.vector_load_idx %arg18[%broadcast_in_dim3A_9, %parallel_loop3A_242] : memref<1x288xf32, #tpu.memory_space<vmem>>[vector<16xi32>, vector<16xi32>], vector<16xf32>,
          %parallel_loop3A_246 = arith.cmpi eq, %parallel_loop3A_114, %parallel_loop3A_244 : vector<16xi32>
          %parallel_loop3A_247 = arith.constant 0.000000e+00 : f32
          %parallel_loop3A_248 = vector.broadcast %parallel_loop3A_247 : f32 to vector<16xf32>
          %parallel_loop3A_249 = arith.select %parallel_loop3A_246, %parallel_loop3A_245, %parallel_loop3A_248 : vector<16xi1>, vector<16xf32>
          %parallel_loop3A_250 = arith.addf %parallel_loop3A_225, %parallel_loop3A_249 : vector<16xf32>
          %parallel_loop3A_251 = arith.constant 1.000000e+00 : f32
          %parallel_loop3A_252 = arith.constant 0.000000e+00 : f32
          %parallel_loop3A_253 = vector.broadcast %parallel_loop3A_251 : f32 to vector<16xf32>
          %parallel_loop3A_254 = vector.broadcast %parallel_loop3A_252 : f32 to vector<16xf32>
          %parallel_loop3A_255 = arith.select %parallel_loop3A_246, %parallel_loop3A_253, %parallel_loop3A_254 : vector<16xi1>, vector<16xf32>
          %parallel_loop3A_256 = arith.addf %parallel_loop3A_231, %parallel_loop3A_255 : vector<16xf32>
          %parallel_loop3A_257 = arith.constant 0.000000e+00 : f32
          %parallel_loop3A_258 = vector.broadcast %parallel_loop3A_257 : f32 to vector<16xf32>
          %parallel_loop3A_259 = arith.select %parallel_loop3A_246, %parallel_loop3A_258, %parallel_loop3A_245 : vector<16xi1>, vector<16xf32>
          %parallel_loop3A_260 = arith.addf %parallel_loop3A_235, %parallel_loop3A_259 : vector<16xf32>
          %parallel_loop3A_261 = arith.select %parallel_loop3A_246, %parallel_loop3A_245, %broadcast_in_dim3A_13 : vector<16xi1>, vector<16xf32>
          %parallel_loop3A_262 = arith.maximumf %parallel_loop3A_237, %parallel_loop3A_261 : vector<16xf32>
          %parallel_loop3A_263 = arith.select %parallel_loop3A_246, %broadcast_in_dim3A_15, %parallel_loop3A_245 : vector<16xi1>, vector<16xf32>
          %parallel_loop3A_264 = arith.minimumf %parallel_loop3A_239, %parallel_loop3A_263 : vector<16xf32>
          %parallel_loop3A_265 = arith.constant 6 : i32
          %parallel_loop3A_266 = vector.broadcast %parallel_loop3A_265 : i32 to vector<16xi32>
          %parallel_loop3A_267 = arith.addi %parallel_loop3A_112, %parallel_loop3A_266 : vector<16xi32>
          %parallel_loop3A_268 = tpu.vector_load_idx %arg17[%broadcast_in_dim3A_11, %parallel_loop3A_267] : memref<2x288xi32, #tpu.memory_space<vmem>>[vector<16xi32>, vector<16xi32>], vector<16xi32>,
          %parallel_loop3A_269 = tpu.vector_load_idx %arg10[%parallel_loop3A_268] : memref<100000xi32, #tpu.memory_space<vmem>>[vector<16xi32>], vector<16xi32>,
          %parallel_loop3A_270 = tpu.vector_load_idx %arg18[%broadcast_in_dim3A_9, %parallel_loop3A_267] : memref<1x288xf32, #tpu.memory_space<vmem>>[vector<16xi32>, vector<16xi32>], vector<16xf32>,
          %parallel_loop3A_271 = arith.cmpi eq, %parallel_loop3A_114, %parallel_loop3A_269 : vector<16xi32>
          %parallel_loop3A_272 = arith.constant 0.000000e+00 : f32
          %parallel_loop3A_273 = vector.broadcast %parallel_loop3A_272 : f32 to vector<16xf32>
          %parallel_loop3A_274 = arith.select %parallel_loop3A_271, %parallel_loop3A_270, %parallel_loop3A_273 : vector<16xi1>, vector<16xf32>
          %parallel_loop3A_275 = arith.addf %parallel_loop3A_250, %parallel_loop3A_274 : vector<16xf32>
          %parallel_loop3A_276 = arith.constant 1.000000e+00 : f32
          %parallel_loop3A_277 = arith.constant 0.000000e+00 : f32
          %parallel_loop3A_278 = vector.broadcast %parallel_loop3A_276 : f32 to vector<16xf32>
          %parallel_loop3A_279 = vector.broadcast %parallel_loop3A_277 : f32 to vector<16xf32>
          %parallel_loop3A_280 = arith.select %parallel_loop3A_271, %parallel_loop3A_278, %parallel_loop3A_279 : vector<16xi1>, vector<16xf32>
          %parallel_loop3A_281 = arith.addf %parallel_loop3A_256, %parallel_loop3A_280 : vector<16xf32>
          %parallel_loop3A_282 = arith.constant 0.000000e+00 : f32
          %parallel_loop3A_283 = vector.broadcast %parallel_loop3A_282 : f32 to vector<16xf32>
          %parallel_loop3A_284 = arith.select %parallel_loop3A_271, %parallel_loop3A_283, %parallel_loop3A_270 : vector<16xi1>, vector<16xf32>
          %parallel_loop3A_285 = arith.addf %parallel_loop3A_260, %parallel_loop3A_284 : vector<16xf32>
          %parallel_loop3A_286 = arith.select %parallel_loop3A_271, %parallel_loop3A_270, %broadcast_in_dim3A_13 : vector<16xi1>, vector<16xf32>
          %parallel_loop3A_287 = arith.maximumf %parallel_loop3A_262, %parallel_loop3A_286 : vector<16xf32>
          %parallel_loop3A_288 = arith.select %parallel_loop3A_271, %broadcast_in_dim3A_15, %parallel_loop3A_270 : vector<16xi1>, vector<16xf32>
          %parallel_loop3A_289 = arith.minimumf %parallel_loop3A_264, %parallel_loop3A_288 : vector<16xf32>
          %parallel_loop3A_290 = arith.constant 7 : i32
          %parallel_loop3A_291 = vector.broadcast %parallel_loop3A_290 : i32 to vector<16xi32>
          %parallel_loop3A_292 = arith.addi %parallel_loop3A_112, %parallel_loop3A_291 : vector<16xi32>
          %parallel_loop3A_293 = tpu.vector_load_idx %arg17[%broadcast_in_dim3A_11, %parallel_loop3A_292] : memref<2x288xi32, #tpu.memory_space<vmem>>[vector<16xi32>, vector<16xi32>], vector<16xi32>,
          %parallel_loop3A_294 = tpu.vector_load_idx %arg10[%parallel_loop3A_293] : memref<100000xi32, #tpu.memory_space<vmem>>[vector<16xi32>], vector<16xi32>,
          %parallel_loop3A_295 = tpu.vector_load_idx %arg18[%broadcast_in_dim3A_9, %parallel_loop3A_292] : memref<1x288xf32, #tpu.memory_space<vmem>>[vector<16xi32>, vector<16xi32>], vector<16xf32>,
          %parallel_loop3A_296 = arith.cmpi eq, %parallel_loop3A_114, %parallel_loop3A_294 : vector<16xi32>
          %parallel_loop3A_297 = arith.constant 0.000000e+00 : f32
          %parallel_loop3A_298 = vector.broadcast %parallel_loop3A_297 : f32 to vector<16xf32>
          %parallel_loop3A_299 = arith.select %parallel_loop3A_296, %parallel_loop3A_295, %parallel_loop3A_298 : vector<16xi1>, vector<16xf32>
          %parallel_loop3A_300 = arith.addf %parallel_loop3A_275, %parallel_loop3A_299 : vector<16xf32>
          %parallel_loop3A_301 = arith.constant 1.000000e+00 : f32
          %parallel_loop3A_302 = arith.constant 0.000000e+00 : f32
          %parallel_loop3A_303 = vector.broadcast %parallel_loop3A_301 : f32 to vector<16xf32>
          %parallel_loop3A_304 = vector.broadcast %parallel_loop3A_302 : f32 to vector<16xf32>
          %parallel_loop3A_305 = arith.select %parallel_loop3A_296, %parallel_loop3A_303, %parallel_loop3A_304 : vector<16xi1>, vector<16xf32>
          %parallel_loop3A_306 = arith.addf %parallel_loop3A_281, %parallel_loop3A_305 : vector<16xf32>
          %parallel_loop3A_307 = arith.constant 0.000000e+00 : f32
          %parallel_loop3A_308 = vector.broadcast %parallel_loop3A_307 : f32 to vector<16xf32>
          %parallel_loop3A_309 = arith.select %parallel_loop3A_296, %parallel_loop3A_308, %parallel_loop3A_295 : vector<16xi1>, vector<16xf32>
          %parallel_loop3A_310 = arith.addf %parallel_loop3A_285, %parallel_loop3A_309 : vector<16xf32>
          %parallel_loop3A_311 = arith.select %parallel_loop3A_296, %parallel_loop3A_295, %broadcast_in_dim3A_13 : vector<16xi1>, vector<16xf32>
          %parallel_loop3A_312 = arith.maximumf %parallel_loop3A_287, %parallel_loop3A_311 : vector<16xf32>
          %parallel_loop3A_313 = arith.select %parallel_loop3A_296, %broadcast_in_dim3A_15, %parallel_loop3A_295 : vector<16xi1>, vector<16xf32>
          %parallel_loop3A_314 = arith.minimumf %parallel_loop3A_289, %parallel_loop3A_313 : vector<16xf32>
          %parallel_loop3A_315 = arith.constant 8 : i32
          %parallel_loop3A_316 = vector.broadcast %parallel_loop3A_315 : i32 to vector<16xi32>
          %parallel_loop3A_317 = arith.addi %parallel_loop3A_112, %parallel_loop3A_316 : vector<16xi32>
          %parallel_loop3A_318 = tpu.vector_load_idx %arg17[%broadcast_in_dim3A_11, %parallel_loop3A_317] : memref<2x288xi32, #tpu.memory_space<vmem>>[vector<16xi32>, vector<16xi32>], vector<16xi32>,
          %parallel_loop3A_319 = tpu.vector_load_idx %arg10[%parallel_loop3A_318] : memref<100000xi32, #tpu.memory_space<vmem>>[vector<16xi32>], vector<16xi32>,
          %parallel_loop3A_320 = tpu.vector_load_idx %arg18[%broadcast_in_dim3A_9, %parallel_loop3A_317] : memref<1x288xf32, #tpu.memory_space<vmem>>[vector<16xi32>, vector<16xi32>], vector<16xf32>,
          %parallel_loop3A_321 = arith.cmpi eq, %parallel_loop3A_114, %parallel_loop3A_319 : vector<16xi32>
          %parallel_loop3A_322 = arith.constant 0.000000e+00 : f32
          %parallel_loop3A_323 = vector.broadcast %parallel_loop3A_322 : f32 to vector<16xf32>
          %parallel_loop3A_324 = arith.select %parallel_loop3A_321, %parallel_loop3A_320, %parallel_loop3A_323 : vector<16xi1>, vector<16xf32>
          %parallel_loop3A_325 = arith.addf %parallel_loop3A_300, %parallel_loop3A_324 : vector<16xf32>
          %parallel_loop3A_326 = arith.constant 1.000000e+00 : f32
          %parallel_loop3A_327 = arith.constant 0.000000e+00 : f32
          %parallel_loop3A_328 = vector.broadcast %parallel_loop3A_326 : f32 to vector<16xf32>
          %parallel_loop3A_329 = vector.broadcast %parallel_loop3A_327 : f32 to vector<16xf32>
          %parallel_loop3A_330 = arith.select %parallel_loop3A_321, %parallel_loop3A_328, %parallel_loop3A_329 : vector<16xi1>, vector<16xf32>
          %parallel_loop3A_331 = arith.addf %parallel_loop3A_306, %parallel_loop3A_330 : vector<16xf32>
          %parallel_loop3A_332 = arith.constant 0.000000e+00 : f32
          %parallel_loop3A_333 = vector.broadcast %parallel_loop3A_332 : f32 to vector<16xf32>
          %parallel_loop3A_334 = arith.select %parallel_loop3A_321, %parallel_loop3A_333, %parallel_loop3A_320 : vector<16xi1>, vector<16xf32>
          %parallel_loop3A_335 = arith.addf %parallel_loop3A_310, %parallel_loop3A_334 : vector<16xf32>
          %parallel_loop3A_336 = arith.select %parallel_loop3A_321, %parallel_loop3A_320, %broadcast_in_dim3A_13 : vector<16xi1>, vector<16xf32>
          %parallel_loop3A_337 = arith.maximumf %parallel_loop3A_312, %parallel_loop3A_336 : vector<16xf32>
          %parallel_loop3A_338 = arith.select %parallel_loop3A_321, %broadcast_in_dim3A_15, %parallel_loop3A_320 : vector<16xi1>, vector<16xf32>
          %parallel_loop3A_339 = arith.minimumf %parallel_loop3A_314, %parallel_loop3A_338 : vector<16xf32>
          %parallel_loop3A_340 = arith.constant 9.000000e+00 : f32
          %parallel_loop3A_341 = vector.broadcast %parallel_loop3A_340 : f32 to vector<16xf32>
          %parallel_loop3A_342 = arith.subf %parallel_loop3A_341, %parallel_loop3A_331 : vector<16xf32>
          %parallel_loop3A_343 = arith.divf %parallel_loop3A_325, %parallel_loop3A_331 : vector<16xf32>
          %parallel_loop3A_344 = math.exp %parallel_loop3A_343 : vector<16xf32>
          %parallel_loop3A_345 = arith.divf %parallel_loop3A_335, %parallel_loop3A_342 : vector<16xf32>
          %parallel_loop3A_346 = arith.constant 0.000000e+00 : f32
          %parallel_loop3A_347 = vector.broadcast %parallel_loop3A_346 : f32 to vector<16xf32>
          %parallel_loop3A_348 = arith.subf %parallel_loop3A_347, %parallel_loop3A_345 : vector<16xf32>
          %parallel_loop3A_349 = math.exp %parallel_loop3A_348 : vector<16xf32>
          %parallel_loop3A_350 = arith.addf %parallel_loop3A_344, %parallel_loop3A_349 : vector<16xf32>
          %parallel_loop3A_351 = arith.subf %parallel_loop3A_337, %parallel_loop3A_339 : vector<16xf32>
          %parallel_loop3A_352 = arith.constant 0.000000e+00 : f32
          %parallel_loop3A_353 = vector.broadcast %parallel_loop3A_352 : f32 to vector<16xf32>
          %parallel_loop3A_354 = arith.maximumf %parallel_loop3A_353, %parallel_loop3A_351 : vector<16xf32>
          %parallel_loop3A_355 = arith.addf %parallel_loop3A_107, %parallel_loop3A_350 : vector<16xf32>
          %parallel_loop3A_356 = arith.addf %parallel_loop3A_108, %parallel_loop3A_354 : vector<16xf32>
          scf.yield %parallel_loop3A_355, %parallel_loop3A_356 : vector<16xf32>, vector<16xf32>
        } {sc.loop_unroll_factor = 2 : i64, sc.parallel_access}
        %get3A = arith.constant 0 : index
        %get3A_97 = tpu.vector_load %arg19[%get3A] {strides = array<i32>} : memref<16xf32, #tpu.memory_space<vmem>>, vector<16xf32>,
        %add3A_98 = arith.addf %get3A_97, %parallel_loop3A_96#0 : vector<16xf32>
        %swap3A_99 = arith.constant 0 : index
        %swap3A_100 = tpu.vector_load %arg19[%swap3A_99] {strides = array<i32>} : memref<16xf32, #tpu.memory_space<vmem>>, vector<16xf32>,
        tpu.vector_store %arg19[%swap3A_99], %add3A_98 {strides = array<i32>} : memref<16xf32, #tpu.memory_space<vmem>>, vector<16xf32>,
        %get3A_101 = arith.constant 0 : index
        %get3A_102 = tpu.vector_load %arg20[%get3A_101] {strides = array<i32>} : memref<16xf32, #tpu.memory_space<vmem>>, vector<16xf32>,
        %add3A_103 = arith.addf %get3A_102, %parallel_loop3A_96#1 : vector<16xf32>
        %swap3A_104 = arith.constant 0 : index
        %swap3A_105 = tpu.vector_load %arg20[%swap3A_104] {strides = array<i32>} : memref<16xf32, #tpu.memory_space<vmem>>, vector<16xf32>,
        tpu.vector_store %arg20[%swap3A_104], %add3A_103 {strides = array<i32>} : memref<16xf32, #tpu.memory_space<vmem>>, vector<16xf32>,
      } else {
      }
    }
    %scan3A_35 = arith.constant 21 : i32
    "tpu.region"() ({
      %run_scoped3A = tpu.sem_alloc : memref<!tpu.dma_semaphore, #tpu.memory_space<semaphore_mem>>
      %dma_start3A = arith.constant 0 : i32
      %dma_start3A_36 = tpu.memref_slice %arg7[%add3A, %dma_start3A] : memref<32x16xf32, #tpu.memory_space<hbm>> -> memref<1x16xf32, #tpu.memory_space<hbm>>
      %dma_start3A_37 = tpu.memref_squeeze %dma_start3A_36 : memref<1x16xf32, #tpu.memory_space<hbm>> -> memref<16xf32, #tpu.memory_space<hbm>>
      %dma_start3A_38 = arith.constant 0 : i32
      %dma_start3A_39 = tpu.memref_slice %arg7[%add3A, %dma_start3A_38] : memref<32x16xf32, #tpu.memory_space<hbm>> -> memref<1x16xf32, #tpu.memory_space<hbm>>
      %dma_start3A_40 = tpu.memref_squeeze %dma_start3A_39 : memref<1x16xf32, #tpu.memory_space<hbm>> -> memref<16xf32, #tpu.memory_space<hbm>>
      tpu.enqueue_dma source(%arg19 : memref<16xf32, #tpu.memory_space<vmem>>) target(%dma_start3A_40 : memref<16xf32, #tpu.memory_space<hbm>>) target_semaphore(%run_scoped3A : memref<!tpu.dma_semaphore, #tpu.memory_space<semaphore_mem>>)
      %dma_wait3A = arith.constant 0 : i32
      %dma_wait3A_41 = tpu.memref_slice %arg7[%add3A, %dma_wait3A] : memref<32x16xf32, #tpu.memory_space<hbm>> -> memref<1x16xf32, #tpu.memory_space<hbm>>
      %dma_wait3A_42 = tpu.memref_squeeze %dma_wait3A_41 : memref<1x16xf32, #tpu.memory_space<hbm>> -> memref<16xf32, #tpu.memory_space<hbm>>
      %dma_wait3A_43 = arith.constant 0 : i32
      %dma_wait3A_44 = tpu.memref_slice %arg7[%add3A, %dma_wait3A_43] : memref<32x16xf32, #tpu.memory_space<hbm>> -> memref<1x16xf32, #tpu.memory_space<hbm>>
      %dma_wait3A_45 = tpu.memref_squeeze %dma_wait3A_44 : memref<1x16xf32, #tpu.memory_space<hbm>> -> memref<16xf32, #tpu.memory_space<hbm>>
      tpu.wait_dma2 semaphore(%run_scoped3A : memref<!tpu.dma_semaphore, #tpu.memory_space<semaphore_mem>>) src(%arg19 : memref<16xf32, #tpu.memory_space<vmem>>) dst(%dma_wait3A_45 : memref<16xf32, #tpu.memory_space<hbm>>)
      tpu.yield
    }) : () -> ()
    "tpu.region"() ({
      %run_scoped3A = tpu.sem_alloc : memref<!tpu.dma_semaphore, #tpu.memory_space<semaphore_mem>>
      %dma_start3A = arith.constant 0 : i32
      %dma_start3A_36 = tpu.memref_slice %arg8[%add3A, %dma_start3A] : memref<32x16xf32, #tpu.memory_space<hbm>> -> memref<1x16xf32, #tpu.memory_space<hbm>>
      %dma_start3A_37 = tpu.memref_squeeze %dma_start3A_36 : memref<1x16xf32, #tpu.memory_space<hbm>> -> memref<16xf32, #tpu.memory_space<hbm>>
      %dma_start3A_38 = arith.constant 0 : i32
      %dma_start3A_39 = tpu.memref_slice %arg8[%add3A, %dma_start3A_38] : memref<32x16xf32, #tpu.memory_space<hbm>> -> memref<1x16xf32, #tpu.memory_space<hbm>>
      %dma_start3A_40 = tpu.memref_squeeze %dma_start3A_39 : memref<1x16xf32, #tpu.memory_space<hbm>> -> memref<16xf32, #tpu.memory_space<hbm>>
      tpu.enqueue_dma source(%arg20 : memref<16xf32, #tpu.memory_space<vmem>>) target(%dma_start3A_40 : memref<16xf32, #tpu.memory_space<hbm>>) target_semaphore(%run_scoped3A : memref<!tpu.dma_semaphore, #tpu.memory_space<semaphore_mem>>)
      %dma_wait3A = arith.constant 0 : i32
      %dma_wait3A_41 = tpu.memref_slice %arg8[%add3A, %dma_wait3A] : memref<32x16xf32, #tpu.memory_space<hbm>> -> memref<1x16xf32, #tpu.memory_space<hbm>>
      %dma_wait3A_42 = tpu.memref_squeeze %dma_wait3A_41 : memref<1x16xf32, #tpu.memory_space<hbm>> -> memref<16xf32, #tpu.memory_space<hbm>>
      %dma_wait3A_43 = arith.constant 0 : i32
      %dma_wait3A_44 = tpu.memref_slice %arg8[%add3A, %dma_wait3A_43] : memref<32x16xf32, #tpu.memory_space<hbm>> -> memref<1x16xf32, #tpu.memory_space<hbm>>
      %dma_wait3A_45 = tpu.memref_squeeze %dma_wait3A_44 : memref<1x16xf32, #tpu.memory_space<hbm>> -> memref<16xf32, #tpu.memory_space<hbm>>
      tpu.wait_dma2 semaphore(%run_scoped3A : memref<!tpu.dma_semaphore, #tpu.memory_space<semaphore_mem>>) src(%arg20 : memref<16xf32, #tpu.memory_space<vmem>>) dst(%dma_wait3A_45 : memref<16xf32, #tpu.memory_space<hbm>>)
      tpu.yield
    }) : () -> ()
    return
  }
}

</mosaic_0001>

<sc_bundles>
// kernel: kernel.3.cloned.1.call-start
scs
__scs_entry_jumppad:
0x0: {  	(pc) =	sbr.rel $0x88, $3  }
0x1: {  	(tag) =	ssettag $0x0;
	lr =	simm.s32 $0x1  }
0x2: {  	[smem:$0x3F9E] =	sst lr;
	_ =	strace $0xD0000000  }
0x3: {  	_ = 	snop  }
0x4: {  	_ = 	snop  }
0x5: {  	_ = 	snop  }
0x6: {  	_ = 	snop  }
0x7: {  	_ = 	snop  }
__scs_overlays_trampoline_lowered:
0x8: {  	[smem:$0x3FAD] =	sst s0  }
0x9: {  	[smem:$0x3FAE] =	sst s1  }
0xa: {  	[smem:$0x3FAF] =	sst s2  }
0xb: {  	[smem:$0x3FB0] =	sst s3  }
0xc: {  	[smem:$0x3FB1] =	sst s4  }
0xd: {  	[smem:$0x3FB2] =	sst s5  }
0xe: {  	[smem:$0x3FB3] =	sst s6  }
0xf: {  	[smem:$0x3FB4] =	sst s7  }
0x10: {  	[smem:$0x3FB5] =	sst s8  }
0x11: {  	[smem:$0x3FB6] =	sst s9;
	s0 =	simm.s32 @!p0 $0x0  }
0x12: {  	s1 =	sld [smem:$0x3F9C];
	s0 =	simm.s32 @p0 $0x1  }
0x13: {  	[smem:$0x3FB7] =	sst s0;
	s0 =	simm.s32 @!p1 $0x0  }
0x14: {  	s2 =	sld [smem:$0x3F9B];
	s0 =	simm.s32 @p1 $0x1  }
0x15: {  	[smem:$0x3FB8] =	sst s0;
	s0 =	simm.s32 @!p2 $0x0  }
0x16: {  	s3 =	sld [smem:$0x3FDB];
	s0 =	simm.s32 @p2 $0x1  }
0x17: {  	s4 =	simm.s32 $0x1BF5;
	[smem:$0x3FBA] =	sst s0  }
0x18: {  	s0 =	sld [smem:$0x3F9D];
	_ =	swait.ge [sflag:s4], $0x0  }
0x19: {  	s7 =	sld [smem:$0x3F9E]  }
0x1a: {  	s8 =	sadd.s32 $0xFFFFE003, lr  }
0x1b: {  	s9 =	sadd.s32 $0xFFFFFEF7, lr;
	s5 =	simm.s32 $0xFFFFFFFF;
	p2 =	slt.u32 s8, $0xFFFFF086  }
0x1c: {  	p1 =	slt.u32 s9, $0xF7A;
	s5 =	simm.s32 @!p2 $0x0  }
0x1d: {  	s5 =	simm.s32 @p1 $0x1;
	p0 =	seq.s32 s7, s2  }
0x1e: {  	s7 =	smul.u32 @!p0 $0xF7A, s2;
	p2 =	seq.s32 @!p0 s5, $0x0  }
0x1f: {  	s9 =	smul.u32 $0xF7A, s1;
	s8 =	simm.s32 @!p0 $0x1BF5;
	p2 =	por !p2, p0  }
0x20: {  	[sflag:s8] =	ssyncset.s32 @!p0 $0xFFFFF086;
	s6 =	sadd.s32 @!p0 s3, s7;
	s7 =	simm.s32 @!p0 $0x108  }
0x21: {  	s3 =	sadd.s32 s3, s9;
	s6 =	sadd.s32 @!p0 $0x88, s6;
	s7 =	simm.s32 @p2 $0x1082  }
0x22: {  	[simem:s7], [sflag:s8] =	dma.local @!p0 [hbm:s6], $0xF7A  }
0x23: {  	s9 =	sor.u32 $0xD0000000, s2;
	s6 =	simm.s32 $0x108;
	_ =	swait.ge @!p0 [sflag:s8], $0x0  }
0x24: {  	s3 =	sadd.s32 $0x88, s3;
	s6 =	simm.s32 @!p1 $0x1082;
	[sflag:s4] =	ssyncset.s32 $0xFFFFF086  }
0x25: {  	[simem:s6], [sflag:s4] =	dma.local [hbm:s3], $0xF7A  }
0x26: {  	[smem:$0x3F9E] =	sst s1;
	(tag) =	ssettag s2;
	_ =	strace s9  }
0x27: {  	s1 =	sld [smem:$0x3FAE]  }
0x28: {  	s2 =	sld [smem:$0x3FAF]  }
0x29: {  	s4 =	sld [smem:$0x3FB1]  }
0x2a: {  	p0 =	seq.s32 s5, $0x0;
	s5 =	sld [smem:$0x3FB2]  }
0x2b: {  	s6 =	sld [smem:$0x3FB3]  }
0x2c: {  	s7 =	sld [smem:$0x3FB4]  }
0x2d: {  	s3 =	simm.s32 $0x108;
	s8 =	sld [smem:$0x3FB5]  }
0x2e: {  	s3 =	simm.s32 @!p0 $0x1082;
	s9 =	sld [smem:$0x3FB6]  }
0x2f: {  	lr =	sadd.s32 s0, s3;
	s0 =	sld [smem:$0x3FAD]  }
0x30: {  	s3 =	sld [smem:$0x3FB0]  }
0x31: {  	[smem:$0x3FB9] =	sst s10  }
0x32: {  	s10 =	sld [smem:$0x3FB7];
	_ =	sdelay $0x3  }
0x33: {  	p0 =	seq.s32 s10, $0x1;
	s10 =	sld [smem:$0x3FB9];
	_ =	sdelay $0x3  }
0x34: {  	[smem:$0x3FB9] =	sst s10  }
0x35: {  	s10 =	sld [smem:$0x3FB8];
	_ =	sdelay $0x3  }
0x36: {  	p1 =	seq.s32 s10, $0x1;
	s10 =	sld [smem:$0x3FB9];
	_ =	sdelay $0x3  }
0x37: {  	[smem:$0x3FB9] =	sst s10  }
0x38: {  	s10 =	sld [smem:$0x3FBA]  }
0x39: {  	_ = 	snop;
	(pc) =	sbr.ind lr, $3  }
0x3a: {  	_ = 	snop  }
0x3b: {  	_ = 	snop  }
0x3c: {  	p2 =	seq.s32 s10, $0x1;
	s10 =	sld [smem:$0x3FB9]  }
0x3d: {  	_ =	shalt  }
0x3e: {  	_ =	shalt  }
0x3f: {  	_ =	shalt  }
0x40: {  	_ =	shalt  }
0x41: {  	_ =	shalt  }
0x42: {  	_ =	shalt  }
0x43: {  	_ =	shalt  }
0x44: {  	_ =	shalt  }
0x45: {  	_ =	shalt  }
0x46: {  	_ =	shalt  }
0x47: {  	_ =	shalt  }
0x48: {  	_ =	shalt  }
0x49: {  	_ =	shalt  }
0x4a: {  	_ =	shalt  }
0x4b: {  	_ =	shalt  }
0x4c: {  	_ =	shalt  }
0x4d: {  	_ =	shalt  }
0x4e: {  	_ =	shalt  }
0x4f: {  	_ =	shalt  }
0x50: {  	_ =	shalt  }
0x51: {  	_ =	shalt  }
0x52: {  	_ =	shalt  }
0x53: {  	_ =	shalt  }
0x54: {  	_ =	shalt  }
0x55: {  	_ =	shalt  }
0x56: {  	_ =	shalt  }
0x57: {  	_ =	shalt  }
0x58: {  	_ =	shalt  }
0x59: {  	_ =	shalt  }
0x5a: {  	_ =	shalt  }
0x5b: {  	_ =	shalt  }
0x5c: {  	_ =	shalt  }
0x5d: {  	_ =	shalt  }
0x5e: {  	_ =	shalt  }
0x5f: {  	_ =	shalt  }
0x60: {  	_ =	shalt  }
0x61: {  	_ =	shalt  }
0x62: {  	_ =	shalt  }
0x63: {  	_ =	shalt  }
0x64: {  	_ =	shalt  }
0x65: {  	_ =	shalt  }
0x66: {  	_ =	shalt  }
0x67: {  	_ =	shalt  }
0x68: {  	_ =	shalt  }
0x69: {  	_ =	shalt  }
0x6a: {  	_ =	shalt  }
0x6b: {  	_ =	shalt  }
0x6c: {  	_ =	shalt  }
0x6d: {  	_ =	shalt  }
0x6e: {  	_ =	shalt  }
0x6f: {  	_ =	shalt  }
0x70: {  	_ =	shalt  }
0x71: {  	_ =	shalt  }
0x72: {  	_ =	shalt  }
0x73: {  	_ =	shalt  }
0x74: {  	_ =	shalt  }
0x75: {  	_ =	shalt  }
0x76: {  	_ =	shalt  }
0x77: {  	_ =	shalt  }
0x78: {  	_ =	shalt  }
0x79: {  	_ =	shalt  }
0x7a: {  	_ =	shalt  }
0x7b: {  	_ =	shalt  }
0x7c: {  	_ =	shalt  }
0x7d: {  	_ =	shalt  }
0x7e: {  	_ =	shalt  }
0x7f: {  	_ =	shalt  }
0x80: {  	_ =	shalt  }
0x81: {  	_ =	shalt  }
0x82: {  	_ =	shalt  }
0x83: {  	_ =	shalt  }
0x84: {  	_ =	shalt  }
0x85: {  	_ =	shalt  }
0x86: {  	_ =	shalt  }
0x87: {  	_ =	shalt  }
.Lfunc_end0:
.L_simem_size_0:
called_computation_lowered:
.L_overlay_start_0:
0x88: {  	s2 =	sld [smem:$0x3FD9]  }
0x89: {  	s3 =	sld [smem:$0x3FFE];
	_ =	sdelay $0x1  }
0x8a: {  	s1 =	srdreg.scid  }
0x8b: {  	s0 =	sand.u32 $0x1, s1  }
0x8c: {  	s17 =	sshll.u32 s0, $0xA;
	s2 =	sadd.s32 s3, s2  }
0x8d: {  	s2 =	sadd.s32 s2, s17  }
0x8e: {  	[smem:$0x3FC5] =	sst s2  }
0x8f: {  	_ = 	snop  }
0x90: {  	s2 =	sld [smem:$0x3FC9]  }
0x91: {  	s18 =	sld [smem:$0x3FC8]  }
0x92: {  	s4 =	sld [smem:$0x3FC7];
	(tm) =	ssettm $0x1  }
0x93: {  	s5 =	sld [smem:$0x3FFB];
	_ =	sdelay $0x3  }
0x94: {  	_ =	strace s5  }
0x95: {  	s5 =	sld [smem:$0x3FFC];
	_ =	sdelay $0x3  }
0x96: {  	_ =	strace s5  }
0x97: {  	s5 =	sld [smem:$0x3FFD];
	_ =	sdelay $0x3  }
0x98: {  	_ =	strace s5  }
0x99: {  	_ =	strace $0x8FFFFFFF  }
0x9a: {  	s19 =	sld [smem:$0x3FDB];
	_ =	sdelay $0x1  }
0x9b: {  	s6 =	simm.s32 $_scs_section_size  }
0x9c: {  	s7 =	simm.s32 $_size__tile_overlayer_lowered;
	s8 =	simm.s32 $_tile_overlayer_lowered  }
0x9d: {  	s22 =	simm.s32 $0x1BFF;
	s21 =	sshll.u32 s8, $0x1;
	s5 =	sadd.s32 s6, s19  }
0x9e: {  	s9 =	simm.s32 $0x0;
	s20 =	sshll.u32 s7, $0x1;
	s7 =	sadd.s32 s21, s5  }
0x9f: {  	[timem:s9], [sflag:s22] =	dma.local [hbm:s7], s20  }
0xa0: {  	_ =	swait.ge [sflag:s22], s20  }
0xa1: {  	s6 =	ssub.s32 $0x0, s20;
	[sflag:s22] =	ssyncset.done $0x0  }
0xa2: {  	[sflag:s22] =	ssyncadd.s32 s6;
	_ =	sdelay $0x1  }
0xa3: {  	s23 =	simm.s32 $0x1B8B  }
0xa4: {  	_ =	swait.ge [sflag:s23], $0x1  }
0xa5: {  	[sflag:s23] =	ssyncset.done $0x0  }
0xa6: {  	s25 =	simm.s32 $0x1B8E;
	s24 =	sld [smem:$0x3FFE];
	[sflag:s23] =	ssyncadd.s32 $0xFFFFFFFF  }
0xa7: {  	s26 =	simm.s32 $execute0_lowered;
	[smem:$0x3FD2] =	sst s25  }
0xa8: {  	s7 =	sshll.u32 s26, $0x1;
	_ =	strace $0x80000046;
	[dreg:$0x1] =	wrdreg $0xFFFFFFFF  }
0xa9: {  	s28 =	simm.s32 $_size_execute0_lowered;
	s5 =	sadd.s32 s5, s7;
	[dreg:$0x0] =	wrdreg $0x0  }
0xaa: {  	s7 =	sshll.u32 s28, $0x1;
	[dreg:$0x2] =	wrdreg s5  }
0xab: {  	[dreg:$0x3] =	wrdreg s7  }
0xac: {  	[dreg:$0x4] =	wrdreg $0xC0  }
0xad: {  	_ =	task [dreg:s9], $0x5FFFF  }
0xae: {  	[dreg:$0x1] =	wrdreg $0xFFFFFFFF  }
0xaf: {  	[dreg:$0x0] =	wrdreg $0x60  }
0xb0: {  	[dreg:$0x2] =	wrdreg s2  }
0xb1: {  	[dreg:$0x3] =	wrdreg s18  }
0xb2: {  	[dreg:$0x4] =	wrdreg s4  }
0xb3: {  	[dreg:$0x5] =	wrdreg s24  }
0xb4: {  	[dreg:$0x6] =	wrdreg $0x0  }
0xb5: {  	[dreg:$0x7] =	wrdreg $0x9  }
0xb6: {  	_ =	task.clear_ibuf [dreg:s9], $0x8FFFF;
	_ =	strace $0x90000046  }
0xb7: {  	s29 =	simm.s32 $0x9;
	_ =	strace $0x80000048  }
0xb8: {  	_ =	swait.ge [sflag:s29], $0x1  }
0xb9: {  	[sflag:s29] =	ssyncadd.s32 $0xFFFFFFFF  }
0xba: {  	_ =	strace $0x90000048  }
0xbb: {  	_ =	sfence  }
0xbc: {  	s30 =	sld [smem:$0x0];
	_ =	sdelay $0x2  }
0xbd: {  	s31 =	sshll.u32 s1, $0xD;
	s1 =	sshrl.u32 s1, $0x2  }
0xbe: {  	s3 =	sand.u32 $0x4000, s31;
	s1 =	sadd.s32 s1, s30  }
0xbf: {  	s0 =	sor.u32 s3, s0;
	s1 =	sshll.u32 s1, $0x11  }
0xc0: {  	s0 =	sor.u32 s1, s0  }
0xc1: {  	s0 =	sadd.s32 $0x8F2B, s0  }
0xc2: {  	[sflag:s0] =	ssyncadd.remote.s32 $0x1  }
0xc3: {  	_ =	sfence.sel $0xFFFF  }
0xc4: {  	[dreg:$0x0] =	wrdreg $0xFFFFFFFF;
	(pc) =	sbr.abs _section_cstart, $3  }
0xc5: {  	[dreg:$0x1] =	wrdreg $0xFFFFFFFF  }
0xc6: {  	_ =	task.clear_ibuf [dreg:s9], $0x2FFFF;
	_ =	strace $0x9FFFFFFF  }
0xc7: {  	(tm) =	ssettm $0x7FFFFFFF  }
tec
execute0_lowered:
.L_overlay_start_1:
0x0: {  	(tag) =	ssettag $0x1  }
0x1: {  	v0 =	vlaneseq.u32;
	v1 =	vimm.f32 $0.0e+00;
	v8 =	vimm.s32 $0x1B120900  }
0x2: {  	v10 =	vimm.s32 $0x3F362D24;
	vm5 =	vcmask $0xF00;
	vm4 =	vcmask $0x1F10  }
0x3: {  	v11 =	vimm.s32 $0x635A5148;
	vm3 =	vcmask $0x2F20;
	v13 =	vimm.s32 $0xBFB6ADA4  }
0x4: {  	v62 =	vimm.s32 $0x7E756C;
	v14 =	vimm.s32 $0xE3DAD1C8;
	vm0 =	vcmask $0x3B30  }
0x5: {  	v20 =	vimm.s32 $0xFEF5EC;
	v15 =	vimm.s32 $0x9C938A81;
	v16 =	vimm.s32 $0xC0B7AEA5  }
0x6: {  	v32 =	vimm.s32 $0xE4DBD2C9;
	v33 =	vimm.s32 $0x9D948B82;
	v35 =	vimm.s32 $0xC1B8AFA6  }
0x7: {  	v36 =	vimm.s32 $0xFFF6ED;
	v17 =	vimm.s32 $0xE5DCD3CA;
	v40 =	vimm.s32 $0x9E958C83  }
0x8: {  	vm1 =	vcmask $0x3330;
	v41 =	vimm.s32 $0xC2B9B0A7;
	v42 =	vimm.s32 $0xE6DDD4CB  }
0x9: {  	vm2 =	vcmask $0x3B38;
	v43 =	vimm.s32 $0x9F968D84;
	v44 =	vimm.s32 $0xC3BAB1A8  }
0xa: {  	v46 =	vimm.s32 $0xE7DED5CC;
	v47 =	vimm.s32 $0xA0978E85;
	v18 =	vimm.s32 $0xC4BBB2A9  }
0xb: {  	v49 =	vimm.s32 $0xE8DFD6CD;
	v50 =	vimm.s32 $0xA1988F86;
	v19 =	vimm.s32 $0xC5BCB3AA  }
0xc: {  	v52 =	vimm.s32 $0xE9E0D7CE;
	v53 =	vimm.s32 $0xA2999087;
	v55 =	vimm.s32 $0xEAE1D8CF  }
0xd: {  	v57 =	vimm.s32 $0xA39A9188;
	vm14 =	vcmask $0x300;
	vm13 =	vcmask $0x704  }
0xe: {  	vm12 =	vcmask $0xB08;
	v59 =	vimm.s32 $0xC7BEB5AC;
	vm11 =	vcmask $0xF0C  }
0xf: {  	vm10 =	vcmask $0x1310;
	vm9 =	vcmask $0x1714;
	vm8 =	vcmask $0x1B18  }
0x10: {  	vm7 =	vcmask $0x1F1C;
	vm6 =	vcmask $0x2320;
	vm15 =	vcmask $0x2F2C  }
0x11: {  	v24 =	vimm.s32 $0x29A;
	v25 =	vimm.s32 $0x29B;
	v26 =	vimm.s32 $0x29C  }
0x12: {  	v27 =	vimm.s32 $0x29D;
	v28 =	vimm.s32 $0x29E;
	v29 =	vimm.s32 $0x29F  }
0x13: {  	v0 =	vmul.u32 $0x9, v0;
	v9 =	vunpack.c.0.s8.s32 v8;
	v10 =	vunpack.c.0.s8.s32 v10  }
0x14: {  	v11 =	vunpack.c.0.s8.s32 v11;
	v14 =	vunpack.c.0.s8.s32 v14;
	v15 =	vunpack.c.0.s8.s32 v15  }
0x15: {  	v21 =	vunpack.c.0.s8.s32 v16;
	v16 =	vunpack.c.0.s8.s32 v36;
	v17 =	vunpack.c.0.s8.s32 v17  }
0x16: {  	v45 =	vunpack.c.0.s8.s32 v44;
	v48 =	vunpack.c.0.s8.s32 v18;
	v18 =	vunpack.c.0.s8.s32 v49  }
0x17: {  	v51 =	vunpack.c.0.s8.s32 v19;
	v19 =	vunpack.c.0.s8.s32 v52;
	v24 =	vsel vm14, $0x193, v24  }
0x18: {  	v25 =	vsel vm14, $0x194, v25;
	v26 =	vsel vm14, $0x195, v26;
	v27 =	vsel vm14, $0x196, v27  }
0x19: {  	v28 =	vsel vm14, $0x197, v28;
	v29 =	vsel vm14, $0x198, v29;
	v24 =	vsel vm13, $0x19C, v24  }
0x1a: {  	v25 =	vsel vm13, $0x19D, v25;
	v26 =	vsel vm13, $0x19E, v26;
	v27 =	vsel vm13, $0x19F, v27  }
0x1b: {  	v28 =	vsel vm13, $0x1A0, v28;
	v29 =	vsel vm13, $0x1A1, v29;
	v2 =	vadd.s32 $0x1, v0  }
0x1c: {  	v3 =	vadd.s32 $0x2, v0;
	v4 =	vadd.s32 $0x3, v0;
	v5 =	vadd.s32 $0x4, v0  }
0x1d: {  	v6 =	vadd.s32 $0x5, v0;
	v7 =	vadd.s32 $0x6, v0;
	v8 =	vadd.s32 $0x7, v0  }
0x1e: {  	v9 =	vnsel vm5, $0x107, v9;
	v63 =	vand.u32 $0xFF, v14;
	v14 =	vunpack.c.0.s8.s32 v20  }
0x1f: {  	v23 =	vand.u32 $0xFF, v15;
	v15 =	vunpack.c.0.s8.s32 v32;
	v38 =	vand.u32 $0xFF, v16  }
0x20: {  	v39 =	vand.u32 $0xFF, v17;
	v16 =	vunpack.c.0.s8.s32 v42;
	v17 =	vunpack.c.0.s8.s32 v46  }
0x21: {  	v18 =	vand.u32 $0xFF, v18;
	v19 =	vand.u32 $0xFF, v19;
	v20 =	vimm.s32 $0xC6BDB4AB  }
0x22: {  	v24 =	vsel vm12, $0x1A5, v24;
	v25 =	vsel vm12, $0x1A6, v25;
	v26 =	vsel vm12, $0x1A7, v26  }
0x23: {  	v27 =	vsel vm12, $0x1A8, v27;
	v28 =	vsel vm12, $0x1A9, v28;
	v29 =	vsel vm12, $0x1AA, v29  }
0x24: {  	v10 =	vsel vm4, v10, v9;
	v9 =	vimm.s32 $0x9B928980;
	v54 =	vunpack.c.0.s8.s32 v20  }
0x25: {  	v20 =	vunpack.c.0.s8.s32 v55;
	v24 =	vsel vm11, $0x1AE, v24;
	v25 =	vsel vm11, $0x1AF, v25  }
0x26: {  	v26 =	vsel vm11, $0x1B0, v26;
	v27 =	vsel vm11, $0x1B1, v27;
	v28 =	vsel vm11, $0x1B2, v28  }
0x27: {  	v29 =	vsel vm11, $0x1B3, v29;
	v12 =	vunpack.c.0.s8.s32 v9;
	v9 =	vadd.s32 $0x8, v0  }
0x28: {  	v10 =	vsel vm3, v11, v10;
	v11 =	vunpack.c.0.s8.s32 v13;
	v13 =	vunpack.c.0.s8.s32 v62  }
0x29: {  	v22 =	vand.u32 $0xFF, v14;
	v14 =	vnsel vm5, $0x188, v23;
	v34 =	vand.u32 $0xFF, v15  }
0x2a: {  	v15 =	vunpack.c.0.s8.s32 v35;
	v16 =	vand.u32 $0xFF, v16;
	v17 =	vand.u32 $0xFF, v17  }
0x2b: {  	v62 =	vimm.s32 $0x297;
	v23 =	vimm.s32 $0x299;
	v24 =	vsel vm10, $0x1B7, v24  }
0x2c: {  	v25 =	vsel vm10, $0x1B8, v25;
	v26 =	vsel vm10, $0x1B9, v26;
	v27 =	vsel vm10, $0x1BA, v27  }
0x2d: {  	v28 =	vsel vm10, $0x1BB, v28;
	v29 =	vsel vm10, $0x1BC, v29;
	v56 =	vand.u32 $0xFF, v20  }
0x2e: {  	v20 =	vunpack.c.0.s8.s32 v57;
	v23 =	vsel vm14, $0x192, v23;
	v24 =	vsel vm9, $0x1C0, v24  }
0x2f: {  	v25 =	vsel vm9, $0x1C1, v25;
	v26 =	vsel vm9, $0x1C2, v26;
	v27 =	vsel vm9, $0x1C3, v27  }
0x30: {  	v28 =	vsel vm9, $0x1C4, v28;
	v29 =	vsel vm9, $0x1C5, v29;
	v12 =	vand.u32 $0xFF, v12  }
0x31: {  	v11 =	vand.u32 $0xFF, v11;
	v10 =	vsel vm0, v13, v10;
	v13 =	vunpack.c.0.s8.s32 v33  }
0x32: {  	v37 =	vand.u32 $0xFF, v15;
	v15 =	vunpack.c.0.s8.s32 v41;
	v23 =	vsel vm13, $0x19B, v23  }
0x33: {  	v24 =	vsel vm8, $0x1C9, v24;
	v25 =	vsel vm8, $0x1CA, v25;
	v26 =	vsel vm8, $0x1CB, v26  }
0x34: {  	v27 =	vsel vm8, $0x1CC, v27;
	v28 =	vsel vm8, $0x1CD, v28;
	v29 =	vsel vm8, $0x1CE, v29  }
0x35: {  	v12 =	vnsel vm5, $0x187, v12;
	v20 =	vand.u32 $0xFF, v20;
	v23 =	vsel vm12, $0x1A4, v23  }
0x36: {  	v24 =	vsel vm7, $0x1D2, v24;
	v25 =	vsel vm7, $0x1D3, v25;
	v26 =	vsel vm7, $0x1D4, v26  }
0x37: {  	v27 =	vsel vm7, $0x1D5, v27;
	v28 =	vsel vm7, $0x1D6, v28;
	v29 =	vsel vm7, $0x1D7, v29  }
0x38: {  	v11 =	vsel vm4, v11, v12;
	v12 =	vand.u32 $0xFF, v21;
	v13 =	vand.u32 $0xFF, v13  }
0x39: {  	v15 =	vand.u32 $0xFF, v15;
	v21 =	vimm.s32 $0x217;
	v20 =	vnsel vm5, $0x18F, v20  }
0x3a: {  	v23 =	vsel vm11, $0x1AD, v23;
	v24 =	vsel vm6, $0x1DB, v24;
	v25 =	vsel vm6, $0x1DC, v25  }
0x3b: {  	v26 =	vsel vm6, $0x1DD, v26;
	v27 =	vsel vm6, $0x1DE, v27;
	v28 =	vsel vm6, $0x1DF, v28  }
0x3c: {  	v29 =	vsel vm6, $0x1E0, v29;
	v11 =	vsel vm3, v63, v11;
	v12 =	vsel vm4, v12, v14  }
0x3d: {  	v13 =	vnsel vm5, $0x189, v13;
	v14 =	vunpack.c.0.s8.s32 v40;
	v58 =	vsel vm14, $0x110, v21  }
0x3e: {  	v21 =	vunpack.c.0.s8.s32 v59;
	v63 =	vimm.s32 $0x298;
	v23 =	vsel vm10, $0x1B6, v23  }
0x3f: {  	[tilespmem:$0x1FF20] =	vst v10;
	v10 =	vsel vm0, v22, v11;
	v12 =	vsel vm3, v34, v12;
	v13 =	vsel vm4, v37, v13  }
0x40: {  	v22 =	vimm.s32 $0xEBE2D9D0;
	v23 =	vsel vm9, $0x1BF, v23;
	[tilespmem:$0x1FF30] =	vst v10;
	v10 =	vsel vm0, v38, v12  }
0x41: {  	v13 =	vsel vm3, v39, v13;
	vm0 =	vcmask $0x3734;
	v14 =	vand.u32 $0xFF, v14  }
0x42: {  	v21 =	vand.u32 $0xFF, v21;
	v22 =	vunpack.c.0.s8.s32 v22;
	v23 =	vsel vm8, $0x1C8, v23  }
0x43: {  	v13 =	vsel vm1, $0xEE, v13;
	v14 =	vnsel vm5, $0x18A, v14;
	v20 =	vsel vm4, v21, v20  }
0x44: {  	v21 =	vsel vm14, $0x190, v62;
	v23 =	vsel vm7, $0x1D1, v23;
	v13 =	vsel vm0, $0xF7, v13  }
0x45: {  	v14 =	vsel vm4, v15, v14;
	v15 =	vunpack.c.0.s8.s32 v43;
	v60 =	vand.u32 $0xFF, v22  }
0x46: {  	v22 =	vsel vm14, $0x191, v63;
	v21 =	vsel vm13, $0x199, v21;
	v23 =	vsel vm6, $0x1DA, v23  }
0x47: {  	[tilespmem:$0x1FF40] =	vst v10;
	v10 =	vsel vm2, $0x180, v13;
	v14 =	vsel vm3, v16, v14;
	v16 =	vand.u32 $0xFF, v45  }
0x48: {  	v20 =	vsel vm3, v60, v20;
	v22 =	vsel vm13, $0x19A, v22;
	v21 =	vsel vm12, $0x1A2, v21  }
0x49: {  	v14 =	vsel vm1, $0xEF, v14;
	v15 =	vand.u32 $0xFF, v15;
	v20 =	vsel vm1, $0xF4, v20  }
0x4a: {  	v22 =	vsel vm12, $0x1A3, v22;
	v21 =	vsel vm11, $0x1AB, v21;
	v15 =	vnsel vm5, $0x18B, v15  }
0x4b: {  	v14 =	vsel vm0, $0xF8, v14;
	v20 =	vsel vm0, $0xFD, v20;
	v22 =	vsel vm11, $0x1AC, v22  }
0x4c: {  	v21 =	vsel vm10, $0x1B4, v21;
	v15 =	vsel vm4, v16, v15;
	v16 =	vunpack.c.0.s8.s32 v47  }
0x4d: {  	[tilespmem:$0x1FF50] =	vst v10;
	v10 =	vsel vm2, $0x181, v14;
	v22 =	vsel vm10, $0x1B5, v22;
	v21 =	vsel vm9, $0x1BD, v21  }
0x4e: {  	v15 =	vsel vm3, v17, v15;
	v17 =	vand.u32 $0xFF, v48;
	v16 =	vand.u32 $0xFF, v16  }
0x4f: {  	v22 =	vsel vm9, $0x1BE, v22;
	v21 =	vsel vm8, $0x1C6, v21;
	v16 =	vnsel vm5, $0x18C, v16  }
0x50: {  	v15 =	vsel vm1, $0xF0, v15;
	v16 =	vsel vm4, v17, v16;
	v17 =	vunpack.c.0.s8.s32 v50  }
0x51: {  	v22 =	vsel vm8, $0x1C7, v22;
	v21 =	vsel vm7, $0x1CF, v21;
	v15 =	vsel vm0, $0xF9, v15  }
0x52: {  	v22 =	vsel vm7, $0x1D0, v22;
	v21 =	vsel vm6, $0x1D8, v21;
	v17 =	vand.u32 $0xFF, v17  }
0x53: {  	v16 =	vsel vm3, v18, v16;
	v18 =	vand.u32 $0xFF, v51;
	v17 =	vnsel vm5, $0x18D, v17  }
0x54: {  	v16 =	vsel vm1, $0xF1, v16;
	v17 =	vsel vm4, v18, v17;
	v18 =	vunpack.c.0.s8.s32 v53  }
0x55: {  	[tilespmem:$0x1FF60] =	vst v10;
	v10 =	vsel vm2, $0x182, v15;
	v22 =	vsel vm6, $0x1D9, v22;
	v16 =	vsel vm0, $0xFA, v16  }
0x56: {  	[tilespmem:$0x1FF70] =	vst v10;
	v10 =	vsel vm2, $0x183, v16;
	v17 =	vsel vm3, v19, v17;
	v18 =	vand.u32 $0xFF, v18  }
0x57: {  	v19 =	vand.u32 $0xFF, v54;
	v17 =	vsel vm1, $0xF2, v17;
	v18 =	vnsel vm5, $0x18E, v18  }
0x58: {  	v17 =	vsel vm0, $0xFB, v17;
	vm5 =	vcmask $0x2724;
	v18 =	vsel vm4, v19, v18  }
0x59: {  	[tilespmem:$0x1FF80] =	vst v10;
	v19 =	vsel vm13, $0x119, v58;
	vm4 =	vcmask $0x2B28;
	v10 =	vsel vm2, $0x184, v17  }
0x5a: {  	v21 =	vsel vm5, $0x1E1, v21;
	v22 =	vsel vm5, $0x1E2, v22;
	v23 =	vsel vm5, $0x1E3, v23  }
0x5b: {  	v24 =	vsel vm5, $0x1E4, v24;
	v25 =	vsel vm5, $0x1E5, v25;
	v19 =	vsel vm12, $0x122, v19  }
0x5c: {  	v26 =	vsel vm5, $0x1E6, v26;
	v27 =	vsel vm5, $0x1E7, v27;
	v19 =	vsel vm11, $0x12B, v19  }
0x5d: {  	v28 =	vsel vm5, $0x1E8, v28;
	v29 =	vsel vm5, $0x1E9, v29;
	v19 =	vsel vm10, $0x134, v19  }
0x5e: {  	s0 =	rddreg [dreg:$0x0];
	v18 =	vsel vm3, v56, v18;
	v21 =	vsel vm4, $0x1EA, v21;
	v19 =	vsel vm9, $0x13D, v19  }
0x5f: {  	s1 =	rddreg [dreg:$0x1];
	v22 =	vsel vm4, $0x1EB, v22;
	v23 =	vsel vm4, $0x1EC, v23;
	v19 =	vsel vm8, $0x146, v19  }
0x60: {  	s3 =	rddreg [dreg:$0x3];
	v24 =	vsel vm4, $0x1ED, v24;
	v25 =	vsel vm4, $0x1EE, v25;
	v19 =	vsel vm7, $0x14F, v19  }
0x61: {  	s15 =	rddreg [dreg:$0x4];
	s2 =	srdreg.scid;
	v26 =	vsel vm4, $0x1EF, v26;
	v27 =	vsel vm4, $0x1F0, v27;
	v19 =	vsel vm6, $0x158, v19  }
0x62: {  	s4 =	stileid.u32;
	s6 =	simm.s32 $0x0;
	s18 =	simm.s32 $0x19F70;
	v28 =	vsel vm4, $0x1F1, v28;
	v29 =	vsel vm4, $0x1F2, v29;
	v19 =	vsel vm5, $0x161, v19  }
0x63: {  	s19 =	simm.s32 $0x1B170;
	s20 =	simm.s32 $0x1BA70;
	s21 =	simm.s32 $0x1CC70;
	v18 =	vsel vm1, $0xF3, v18;
	v21 =	vsel vm15, $0x1F3, v21;
	v19 =	vsel vm4, $0x16A, v19  }
0x64: {  	s28 =	simm.s32 $0x3;
	s29 =	simm.s32 $0x1D570;
	s30 =	simm.s32 $0x1E770;
	v22 =	vsel vm15, $0x1F4, v22;
	v18 =	vsel vm0, $0xFC, v18;
	v19 =	vsel vm15, $0x173, v19  }
0x65: {  	s31 =	simm.s32 $0x1F370;
	s2 =	sand.u32 $0x1, s2;
	s5 =	sshll.u32 s4, $0x1;
	[tilespmem:$0x1FF90] =	vst v10;
	v23 =	vsel vm15, $0x1F5, v23;
	v10 =	vsel vm2, $0x185, v18;
	v19 =	vsel vm1, $0x17C, v19  }
0x66: {  	[smem:$0x7FF] =	sst s6;
	s8 =	sadd.s32 $0x200, s3;
	s7 =	sor.u32 s2, s5;
	v21 =	vsel vm1, $0x1FC, v21;
	[tilespmem:$0x1FFA0] =	vst v10;
	v10 =	vsel vm2, $0x186, v20;
	v61 =	vsel vm0, $0x205, v19  }
0x67: {  	p0 =	sne.s32 s4, $0x0;
	s4 =	simm.s32 $0x0;
	s5 =	smul.u32 $0x240, s7;
	v22 =	vsel vm1, $0x1FD, v22;
	v21 =	vsel vm0, $0x285, v21;
	[tilespmem:$0x1FFB0] =	vst v10;
	v10 =	vsel vm2, $0x20E, v61  }
0x68: {  	s2 =	ssub.s32 $0x2, s2;
	s10 =	smul.u32 $0x120, s7;
	s9 =	sor.u32 $0x20, s7;
	v23 =	vsel vm1, $0x1FE, v23;
	v22 =	vsel vm0, $0x286, v22;
	[tilespmem:$0x1FFC0] =	vst v10;
	v10 =	vsel vm2, $0x28E, v21  }
0x69: {  	s22 =	sshrl.u32 @!p0 s15, $0x3;
	s11 =	sshll.u32 s7, $0x4;
	s12 =	smul.u32 $0x240, s9;
	v24 =	vsel vm15, $0x1F6, v24;
	v23 =	vsel vm0, $0x287, v23;
	[tilespmem:$0x1FFD0] =	vst v10;
	v10 =	vsel vm2, $0x28F, v22  }
0x6a: {  	s13 =	sshrl.u32 s2, $0x1;
	s11 =	sadd.s32 s11, s3;
	s14 =	smul.u32 $0x120, s9;
	v25 =	vsel vm15, $0x1F7, v25;
	v26 =	vsel vm15, $0x1F8, v26;
	[tilespmem:$0x1FFE0] =	vst v10;
	v10 =	vsel vm2, $0x290, v23  }
0x6b: {  	s2 =	ssub.s32 s2, s13;
	s5 =	sadd.s32 s0, s5;
	s23 =	sadd.s32 s1, s10;
	v27 =	vsel vm15, $0x1F9, v27;
	v28 =	vsel vm15, $0x1FA, v28;
	v29 =	vsel vm15, $0x1FB, v29;
	[tilespmem:$0x1FFF0] =	vst v10  }
0x6c: {  	s26 =	sadd.s32 $0x600, s11;
	v24 =	vsel vm1, $0x1FF, v24;
	v25 =	vsel vm1, $0x280, v25;
	v26 =	vsel vm1, $0x281, v26;
	_ =	strace $0x80000047;
	[dreg:$0x6] =	wrdreg s5  }
.Ltmp0:
0x6d: {  	s24 =	sadd.s32 s0, s12;
	v27 =	vsel vm1, $0x282, v27;
	v28 =	vsel vm1, $0x283, v28;
	v29 =	vsel vm1, $0x284, v29;
	[dreg:$0x7] =	wrdreg s23;
	(pc) =	sbr.rel .LBB2_1-.Ltmp0, $4  }
0x6e: {  	s16 =	sadd.s32 $0x400, s11;
	s25 =	sadd.s32 s1, s14;
	v24 =	vsel vm0, $0x288, v24;
	v25 =	vsel vm0, $0x289, v25;
	v26 =	vsel vm0, $0x28A, v26;
	[dreg:$0x8] =	wrdreg s24  }
0x6f: {  	s17 =	smax.u32 s2, $0x1;
	s2 =	simm.s32 $0x1F070;
	v27 =	vsel vm0, $0x28B, v27;
	v28 =	vsel vm0, $0x28C, v28;
	v29 =	vsel vm0, $0x28D, v29;
	[dreg:$0x9] =	wrdreg s25  }
0x70: {  	s14 =	sor.u32 $0x40, s7;
	v24 =	vsel vm2, $0x291, v24;
	v25 =	vsel vm2, $0x292, v25;
	v26 =	vsel vm2, $0x293, v26;
	[dreg:$0xa] =	wrdreg s26;
	s23 =	simm.s32 $0x1870  }
0x71: {  	v27 =	vsel vm2, $0x294, v27;
	v28 =	vsel vm2, $0x295, v28;
	v29 =	vsel vm2, $0x296, v29;
	s24 =	simm.s32 $0x4;
	s25 =	simm.s32 $0x1;
	s26 =	simm.s32 $0x2  }
.LBB2_19:
0x72: {  	s5 =	rddreg [dreg:$0xa];
	s10 =	simm.s32 $0x1F4F0  }
0x73: {  	[hbm4b:s5+s6] =	stream.linear.scatter [tilespmem:s10], [sflag:$0x4], $0x80, $0x38;
	[tilespmem:$0x1F5F0] =	vst v63  }
0x74: {  	s4 =	sadd.s32 $0x1, s4;
	_ =	swait.ge [sflag:s24], $0x80  }
0x75: {  	p1 =	sne.s32 s4, s17;
	[sflag:s24] =	ssyncset.done $0x0  }
.Ltmp1:
0x76: {  	s15 =	simm.s32 $0x1F570;
	[sflag:s24] =	ssyncadd.s32 $0xFFFFFF80;
	(pc) =	sbr.rel @!p1 .LBB2_20-.Ltmp1, $4  }
0x77: {  	[hbm4b:s16+s6] =	stream.linear.scatter [tilespmem:s15], [sflag:$0x4], $0x80, $0x38;
	[tilespmem:$0x1F5F0] =	vst v63  }
0x78: {  	_ =	swait.ge [sflag:s24], $0x80  }
0x79: {  	[sflag:s24] =	ssyncset.done $0x0  }
0x7a: {  	[sflag:s24] =	ssyncadd.s32 $0xFFFFFF80  }
.LBB2_1:
0x7b: {  	[tilespmem:$0x1F4F0] =	vst v1;
	s5 =	rddreg [dreg:$0x6]  }
0x7c: {  	[tilespmem:$0x1F570] =	vst v1;
	s11 =	rddreg [dreg:$0x7]  }
0x7d: {  	[tilespmem:s18], [sflag:$0x1] =	stream.linear.gather [hbm4b:s5+s6], $0x1200, $0x38;
	[tilespmem:$0x1F5F0] =	vst v63  }
0x7e: {  	s12 =	rddreg [dreg:$0x8]  }
0x7f: {  	[tilespmem:s19], [sflag:$0x1] =	stream.linear.gather [hbm4b:s11+s6], $0x900, $0x38;
	[tilespmem:$0x1F5F0] =	vst v63  }
0x80: {  	s13 =	rddreg [dreg:$0x9]  }
0x81: {  	[tilespmem:s20], [sflag:$0x2] =	stream.linear.gather [hbm4b:s12+s6], $0x1200, $0x38;
	[tilespmem:$0x1F5F0] =	vst v63  }
0x82: {  	s10 =	rddreg [dreg:$0x2];
	s5 =	simm.s32 @!p0 $0x1C04  }
0x83: {  	[tilespmem:s21], [sflag:$0x2] =	stream.linear.gather [hbm4b:s13+s6], $0x900, $0x38;
	[tilespmem:$0x1F5F0] =	vst v63  }
0x84: {  	[spmem:s22], [sflag:s5] =	dma.local @!p0 [hbm:s10], $0x30E0  }
0x85: {  	s5 =	simm.s32 @!p0 $0x4  }
0x86: {  	_ =	swait.ge @!p0 [sflag:s5], $0x30E0  }
0x87: {  	[sflag:s5] =	ssyncset.done @!p0 $0x0  }
0x88: {  	[sflag:s5] =	ssyncadd.s32 @!p0 $0xFFFFCF20  }
0x89: {  	[bflag:$0x0] =	sbarrier.arrive $0xFFFF  }
.Ltmp2:
0x8a: {  	s15 =	rddreg [dreg:$0x4];
	(pc) =	sbr.rel .LBB2_2-.Ltmp2, $4  }
0x8b: {  	[tilespmem:s23], [sflag:$0x4] =	stream.linear.gather [spmem:s15], $0x18700, $0x38;
	[tilespmem:$0x1F5F0] =	vst v63  }
0x8c: {  	_ =	swait.ge [sflag:s24], $0x18700  }
0x8d: {  	[sflag:s24] =	ssyncset.done $0x0  }
0x8e: {  	s5 =	simm.s32 $0x0;
	[sflag:s24] =	ssyncadd.s32 $0xFFFE7900  }
.LBB2_17:
0x8f: {  	[tilespmem:$0x1F570] =	vst v30  }
.LBB2_18:
0x90: {  	s5 =	sadd.s32 $0x1, s5  }
0x91: {  	p1 =	sne.s32 s5, $0x15  }
.Ltmp3:
0x92: {  	_ = 	snop;
	(pc) =	sbr.rel @!p1 .LBB2_19-.Ltmp3, $1  }
0x93: {  	_ =	sdelay $0x3  }
.LBB2_2:
0x94: {  	s10 =	smul.u32 $0x60, s5;
	_ =	sdelay $0x1  }
0x95: {  	_ =	swait.ge [sflag:s25], $0x1200;
	s11 =	sor.u32 s7, s10  }
0x96: {  	[sflag:s25] =	ssyncset.done $0x0;
	p1 =	sgt.u32 s11, $0x760  }
0x97: {  	[sflag:s25] =	ssyncadd.s32 $0xFFFFEE00;
	s11 =	sadd.s32 @!p1 $0x40, s11  }
0x98: {  	_ =	swait.ge [sflag:s25], $0x900;
	s12 =	smul.u32 @!p1 $0x240, s11  }
0x99: {  	[sflag:s25] =	ssyncset.done $0x0;
	s13 =	simm.s32 @!p1 $0x0;
	s15 =	simm.s32 @!p1 $0x1D570  }
0x9a: {  	[sflag:s25] =	ssyncadd.s32 $0xFFFFF700;
	s11 =	smul.u32 @!p1 $0x120, s11;
	s12 =	sadd.s32 @!p1 s0, s12  }
0x9b: {  	[tilespmem:s15], [sflag:$0x3] =	stream.linear.gather @!p1 [hbm4b:s12+s13], $0x1200, $0x38;
	[tilespmem:$0x1F5F0] =	vst v63  }
0x9c: {  	s11 =	sadd.s32 @!p1 s1, s11;
	s12 =	simm.s32 @!p1 $0x1E770  }
0x9d: {  	[tilespmem:s12], [sflag:$0x3] =	stream.linear.gather @!p1 [hbm4b:s11+s13], $0x900, $0x38;
	[tilespmem:$0x1F5F0] =	vst v63  }
0x9e: {  	v30 =	vimm.f32 $0.0e+00;
	v31 =	vimm.f32 $0.0e+00;
	s11 =	simm.s32 $0xFFFFFFFC;
	s12 =	simm.s32 $0x1B0  }
.LBB2_3:
0x9f: {  	s13 =	sadd.s32 $0xFFFFFE50, s12  }
0xa0: {  	v32 =	vadd.s32 s13, v0  }
0xa1: {  	v21 =	vadd.s32 s13, v2;
	v22 =	vadd.s32 s13, v3;
	v23 =	vadd.s32 s13, v4  }
0xa2: {  	v42 =	vadd.s32 s13, v5;
	v56 =	vadd.s32 s13, v6;
	v33 =	vshll.u32 v32, $0x1  }
0xa3: {  	v34 =	vand.u32 $0x7F, v32;
	v36 =	vshll.u32 v21, $0x1;
	v37 =	vand.u32 $0x7F, v21  }
0xa4: {  	v38 =	vshll.u32 v22, $0x1;
	v39 =	vand.u32 $0x7F, v22;
	v40 =	vshll.u32 v23, $0x1  }
0xa5: {  	v41 =	vand.u32 $0x7F, v23;
	v44 =	vshll.u32 v56, $0x1;
	v33 =	vand.u32 $0x1F00, v33  }
0xa6: {  	v46 =	vand.u32 $0x7F, v56;
	v36 =	vand.u32 $0x1F00, v36;
	v33 =	vor.u32 v34, v33  }
0xa7: {  	v38 =	vand.u32 $0x1F00, v38;
	v36 =	vor.u32 v36, v37;
	v35 =	vor.u32 $0x80, v33  }
0xa8: {  	v40 =	vand.u32 $0x1F00, v40;
	v38 =	vor.u32 v38, v39;
	v36 =	vor.u32 $0x80, v36  }
0xa9: {  	v44 =	vand.u32 $0x1F00, v44;
	v40 =	vor.u32 v40, v41;
	v38 =	vor.u32 $0x80, v38  }
0xaa: {  	v55 =	vshll.u32 v42, $0x1;
	v44 =	vor.u32 v44, v46;
	v40 =	vor.u32 $0x80, v40;
	v32 =	vld.idx.msk [tilespmem:v32+s19+$0x0], $0xffff  }
0xab: {  	v43 =	vand.u32 $0x7F, v42;
	v41 =	vand.u32 $0x1F00, v55;
	v44 =	vor.u32 $0x80, v44;
	v33 =	vld.idx.msk [tilespmem:v33+s18+$0x0], $0xffff  }
0xac: {  	v41 =	vor.u32 v41, v43;
	v35 =	vld.idx.msk [tilespmem:v35+s18+$0x0], $0xffff  }
0xad: {  	v45 =	vadd.s32 s13, v7;
	v41 =	vor.u32 $0x80, v41;
	v36 =	vld.idx.msk [tilespmem:v36+s18+$0x0], $0xffff  }
0xae: {  	v47 =	vshll.u32 v45, $0x1;
	v38 =	vld.idx.msk [tilespmem:v38+s18+$0x0], $0xffff  }
0xaf: {  	v57 =	vand.u32 $0x7F, v45;
	v47 =	vand.u32 $0x1F00, v47;
	v40 =	vld.idx.msk [tilespmem:v40+s18+$0x0], $0xffff  }
0xb0: {  	v46 =	vor.u32 v47, v57;
	v47 =	vadd.s32 s13, v8;
	v44 =	vld.idx.msk [tilespmem:v44+s18+$0x0], $0xffff  }
0xb1: {  	v48 =	vshll.u32 v47, $0x1;
	v34 =	vld.idx.msk [tilespmem:v21+s19+$0x0], $0xffff  }
0xb2: {  	v50 =	vadd.s32 s13, v9;
	v49 =	vand.u32 $0x7F, v47;
	v48 =	vand.u32 $0x1F00, v48;
	v41 =	vld.idx.msk [tilespmem:v41+s18+$0x0], $0xffff  }
0xb3: {  	v58 =	vshll.u32 v50, $0x1;
	v48 =	vor.u32 v48, v49;
	v33 =	vld.idx.msk [tilespmem:v33+s23+$0x0], $0xffff  }
0xb4: {  	v51 =	vand.u32 $0x7F, v50;
	v49 =	vand.u32 $0x1F00, v58;
	v48 =	vor.u32 $0x80, v48;
	v35 =	vld.idx.msk [tilespmem:v35+s23+$0x0], $0xffff  }
0xb5: {  	v49 =	vor.u32 v49, v51;
	v36 =	vld.idx.msk [tilespmem:v36+s23+$0x0], $0xffff  }
0xb6: {  	v49 =	vor.u32 $0x80, v49;
	v38 =	vld.idx.msk [tilespmem:v38+s23+$0x0], $0xffff  }
0xb7: {  	v62 =	vld.idx.msk [tilespmem:v40+s23+$0x0], $0xffff  }
0xb8: {  	v46 =	vor.u32 $0x80, v46;
	v44 =	vld.idx.msk [tilespmem:v44+s23+$0x0], $0xffff  }
0xb9: {  	v48 =	vld.idx.msk [tilespmem:v48+s18+$0x0], $0xffff  }
0xba: {  	v37 =	vld.idx.msk [tilespmem:v22+s19+$0x0], $0xffff  }
0xbb: {  	v59 =	vadd.f32 $0.0e+00, v32;
	v49 =	vld.idx.msk [tilespmem:v49+s18+$0x0], $0xffff;
	vm0 =	veq.s32 v33, v35  }
0xbc: {  	v41 =	vld.idx.msk [tilespmem:v41+s23+$0x0], $0xffff;
	vm1 =	veq.s32 v33, v36;
	vm15 =	veq.s32 v33, v38;
	vm5 =	veq.s32 v33, v62  }
0xbd: {  	v60 =	vld.idx.msk [tilespmem:v46+s18+$0x0], $0xffff;
	vm3 =	veq.s32 v33, v44;
	v61 =	vnsel vm0, $0x0, v59;
	v63 =	vsel vm0, $0x3F800000, v1  }
0xbe: {  	v39 =	vld.idx.msk [tilespmem:v23+s19+$0x0], $0xffff;
	v51 =	vsel vm0, $0x0, v59;
	v52 =	vnsel vm1, $0x0, v34;
	v12 =	vsel vm1, $0x3F800000, v1  }
0xbf: {  	v42 =	vld.idx.msk [tilespmem:v42+s19+$0x0], $0xffff;
	v53 =	vsel vm1, $0x0, v34;
	v13 =	vnsel vm1, $0xFF800000, v34;
	v34 =	vsel vm1, $0x7F800000, v34  }
0xc0: {  	v56 =	vld.idx.msk [tilespmem:v56+s19+$0x0], $0xffff;
	v16 =	vsel vm15, $0x3F800000, v1;
	v17 =	vnsel vm15, $0x0, v37;
	v36 =	vsel vm5, $0x3F800000, v1  }
0xc1: {  	s15 =	sadd.s32 $0xFFFFFEE0, s12;
	v48 =	vld.idx.msk [tilespmem:v48+s23+$0x0], $0xffff;
	v19 =	vsel vm15, $0x0, v37;
	vm4 =	veq.s32 v33, v41;
	v23 =	vsel vm3, $0x3F800000, v1  }
0xc2: {  	v41 =	vadd.s32 s15, v0;
	v46 =	vadd.f32 v52, v61;
	v40 =	vadd.f32 v12, v63  }
0xc3: {  	v51 =	vadd.f32 v53, v51;
	v14 =	vmax.f32 v32, v13;
	v32 =	vmin.f32 v32, v34  }
0xc4: {  	v49 =	vld.idx.msk [tilespmem:v49+s23+$0x0], $0xffff;
	v22 =	vsel vm4, $0x3F800000, v1;
	v52 =	vsel vm5, $0x0, v39;
	v58 =	vnsel vm4, $0x0, v42  }
0xc5: {  	v35 =	vld.idx.msk [tilespmem:v60+s23+$0x0], $0xffff;
	v60 =	vsel vm4, $0x0, v42;
	v15 =	vsel vm0, v14, v13;
	v32 =	vsel vm0, v34, v32  }
0xc6: {  	vm8 =	veq.s32 v33, v48;
	v13 =	vnsel vm3, $0x0, v56;
	v40 =	vadd.f32 v16, v40  }
0xc7: {  	v14 =	vsel vm3, $0x0, v56;
	v18 =	vadd.f32 v17, v46;
	v20 =	vadd.f32 v19, v51  }
0xc8: {  	v43 =	vld.idx.msk [tilespmem:v45+s19+$0x0], $0xffff;
	v21 =	vmax.f32 v15, v37;
	v37 =	vmin.f32 v32, v37;
	v51 =	vnsel vm5, $0x0, v39  }
0xc9: {  	v57 =	vsel vm8, $0x3F800000, v1;
	vm9 =	veq.s32 v33, v49;
	v17 =	vshll.u32 v41, $0x1  }
0xca: {  	v46 =	vadd.s32 s15, v4;
	v38 =	vsel vm15, v21, v15;
	v32 =	vsel vm15, v32, v37  }
0xcb: {  	vm2 =	veq.s32 v33, v35;
	v59 =	vsel vm9, $0x3F800000, v1;
	v36 =	vadd.f32 v36, v40  }
0xcc: {  	v34 =	vadd.f32 v51, v18;
	v53 =	vsel vm2, $0x3F800000, v1;
	v54 =	vmax.f32 v38, v39  }
0xcd: {  	v35 =	vadd.f32 v52, v20;
	v39 =	vmin.f32 v32, v39;
	v16 =	vnsel vm2, $0x0, v43  }
0xce: {  	v40 =	vld.idx.msk [tilespmem:v47+s19+$0x0], $0xffff;
	v18 =	vand.u32 $0x7F, v41;
	v47 =	vadd.s32 s15, v3;
	v51 =	vadd.s32 s15, v7  }
0xcf: {  	v55 =	vsel vm5, v54, v38;
	v32 =	vsel vm5, v32, v39;
	v39 =	vld.idx.msk [tilespmem:v50+s19+$0x0], $0xffff;
	v50 =	vadd.s32 s15, v5  }
0xd0: {  	v36 =	vadd.f32 v22, v36;
	v61 =	vmax.f32 v55, v42;
	v33 =	vadd.f32 v58, v34  }
0xd1: {  	v62 =	vadd.f32 v60, v35;
	v12 =	vmin.f32 v32, v42;
	v42 =	vand.u32 $0x7FFFFF00, v17  }
0xd2: {  	v58 =	vshll.u32 v46, $0x1;
	v63 =	vsel vm4, v61, v55;
	v36 =	vadd.f32 v23, v36  }
0xd3: {  	v32 =	vsel vm4, v32, v12;
	v37 =	vor.u32 v18, v42;
	v48 =	vand.u32 $0x7FFFFF00, v58  }
0xd4: {  	v61 =	vshll.u32 v50, $0x1;
	v33 =	vadd.f32 v13, v33;
	v36 =	vadd.f32 v53, v36  }
0xd5: {  	v34 =	vadd.f32 v14, v62;
	v15 =	vmax.f32 v63, v56;
	v38 =	vmin.f32 v32, v56  }
0xd6: {  	v22 =	vor.u32 $0x80, v37;
	v23 =	vadd.s32 s15, v2;
	v36 =	vadd.f32 v57, v36  }
0xd7: {  	v56 =	vshll.u32 v47, $0x1;
	v62 =	vand.u32 $0x7F, v50;
	v14 =	vshll.u32 v51, $0x1  }
0xd8: {  	v35 =	vsel vm3, v15, v63;
	v19 =	vnsel vm8, $0x0, v40;
	v36 =	vadd.f32 v59, v36  }
0xd9: {  	v32 =	vsel vm3, v32, v38;
	v55 =	vand.u32 $0x7F, v23;
	v42 =	vand.u32 $0x7FFFFF00, v56  }
0xda: {  	v33 =	vadd.f32 v16, v33;
	v53 =	vshll.u32 v23, $0x1;
	(erf) = vrcp.f32 v36  }
0xdb: {  	v15 =	vand.u32 $0x7F, v51;
	v21 =	vnsel vm9, $0x0, v39;
	v38 =	vand.u32 $0x7FFFFF00, v53  }
0xdc: {  	v53 =	vand.u32 $0x7FFFFF00, v14;
	v33 =	vadd.f32 v19, v33;
	v38 =	vor.u32 v38, v55  }
0xdd: {  	v57 =	vand.u32 $0x7F, v47;
	v52 =	vor.u32 v53, v15;
	v53 =	vadd.s32 s15, v8  }
0xde: {  	v38 =	vor.u32 $0x80, v38;
	v42 =	vor.u32 v42, v57;
	v52 =	vor.u32 $0x80, v52  }
0xdf: {  	v37 =	vld.idx.msk [tilespmem:v37+s18+$0x0], $0xffff;
	v55 =	vshll.u32 v53, $0x1;
	v56 =	vand.u32 $0x7F, v53;
	v59 =	vand.u32 $0x7F, v46  }
0xe0: {  	v42 =	vor.u32 $0x80, v42;
	v60 =	vor.u32 v48, v59;
	v48 =	vand.u32 $0x7FFFFF00, v61  }
0xe1: {  	v44 =	vld.idx.msk [tilespmem:v22+s18+$0x0], $0xffff;
	v55 =	vand.u32 $0x7FFFFF00, v55;
	v63 =	vor.u32 v48, v62;
	v48 =	vadd.s32 s15, v6  }
0xe2: {  	v41 =	vld.idx.msk [tilespmem:v41+s19+$0x0], $0xffff;
	v33 =	vadd.f32 v21, v33;
	v55 =	vor.u32 v55, v56;
	v12 =	vshll.u32 v48, $0x1  }
0xe3: {  	v17 =	vor.u32 $0x80, v55;
	v13 =	vand.u32 $0x7F, v48;
	v38 =	vld.idx.msk [tilespmem:v38+s18+$0x0], $0xffff;
	v49 =	vand.u32 $0x7FFFFF00, v12;
	v54 =	vpop (erf)  }
0xe4: {  	v52 =	vld.idx.msk [tilespmem:v52+s18+$0x0], $0xffff;
	v49 =	vor.u32 v49, v13;
	v33 =	vmul.f32 v54, v33  }
0xe5: {  	v59 =	vld.idx.msk [tilespmem:v23+s19+$0x0], $0xffff;
	v49 =	vor.u32 $0x80, v49  }
0xe6: {  	v42 =	vld.idx.msk [tilespmem:v42+s18+$0x0], $0xffff;
	v33 =	vmul.f32 $1.442695020e+00, v33  }
0xe7: {  	v57 =	vadd.s32 s15, v9;
	v37 =	vld.idx.msk [tilespmem:v37+s23+$0x0], $0xffff  }
0xe8: {  	v36 =	vsub.f32 $9.000000000e+00, v36;
	v61 =	vld.idx.msk [tilespmem:v17+s18+$0x0], $0xffff;
	(erf) = vpow2.f32 v33;
	v33 =	vor.u32 $0x80, v60  }
0xe9: {  	v16 =	vshll.u32 v57, $0x1;
	v18 =	vand.u32 $0x7F, v57;
	v44 =	vld.idx.msk [tilespmem:v44+s23+$0x0], $0xffff  }
0xea: {  	v56 =	vand.u32 $0x7FFFFF00, v16;
	v49 =	vld.idx.msk [tilespmem:v49+s18+$0x0], $0xffff;
	(erf) = vrcp.f32 v36;
	v36 =	vor.u32 $0x80, v63  }
0xeb: {  	v19 =	vor.u32 v56, v18;
	v54 =	vmax.f32 v35, v43;
	v38 =	vld.idx.msk [tilespmem:v38+s23+$0x0], $0xffff  }
0xec: {  	v20 =	vsel vm2, $0x0, v43;
	v18 =	vld.idx.msk [tilespmem:v52+s23+$0x0], $0xffff;
	v35 =	vsel vm2, v54, v35;
	v54 =	vor.u32 $0x80, v19  }
0xed: {  	v10 =	vimm.s32 $0x0;
	v34 =	vadd.f32 v20, v34;
	v43 =	vmin.f32 v32, v43;
	v33 =	vld.idx.msk [tilespmem:v33+s18+$0x0], $0xffff  }
0xee: {  	v58 =	vsel vm8, $0x0, v40;
	v14 =	vadd.f32 $0.0e+00, v41;
	v42 =	vld.idx.msk [tilespmem:v42+s23+$0x0], $0xffff;
	v43 =	vsel vm2, v32, v43  }
0xef: {  	v34 =	vadd.f32 v58, v34;
	v21 =	vmax.f32 v35, v40;
	v40 =	vmin.f32 v43, v40;
	v36 =	vld.idx.msk [tilespmem:v36+s18+$0x0], $0xffff  }
0xf0: {  	v20 =	vsel vm9, $0x0, v39;
	vm10 =	veq.s32 v37, v44;
	v40 =	vsel vm8, v43, v40;
	v43 =	vld.idx.msk [tilespmem:v61+s23+$0x0], $0xffff  }
0xf1: {  	v34 =	vadd.f32 v20, v34;
	v16 =	vnsel vm10, $0x0, v14;
	v35 =	vsel vm8, v21, v35;
	v12 =	vld.idx.msk [tilespmem:v54+s18+$0x0], $0xffff  }
0xf2: {  	v20 =	vsel vm10, $0x0, v14;
	v60 =	vmax.f32 v35, v39;
	v39 =	vmin.f32 v40, v39;
	v49 =	vld.idx.msk [tilespmem:v49+s23+$0x0], $0xffff  }
0xf3: {  	vm7 =	veq.s32 v37, v38;
	v63 =	vsel vm10, $0x3F800000, v1;
	vm2 =	veq.s32 v37, v18  }
0xf4: {  	v38 =	vsel vm7, $0x3F800000, v1;
	vm6 =	veq.s32 v37, v42;
	v19 =	vnsel vm7, $0x0, v59  }
0xf5: {  	s15 =	sadd.s32 $0xFFFFFF70, s12;
	v56 =	vsel vm7, $0x7F800000, v59;
	v58 =	vsel vm2, $0x3F800000, v1;
	vm12 =	veq.s32 v37, v43;
	v32 =	vpop (erf);
	v23 =	vld.idx.msk [tilespmem:v33+s23+$0x0], $0xffff  }
0xf6: {  	v15 =	vsel vm6, $0x3F800000, v1;
	v43 =	vadd.s32 s15, v0;
	v61 =	vsel vm12, $0x3F800000, v1;
	v22 =	vpop (erf)  }
0xf7: {  	vm0 =	vmmov vm12;
	vm3 =	veq.s32 v37, v49;
	v34 =	vmul.f32 v22, v34;
	v62 =	vld.idx.msk [tilespmem:v36+s23+$0x0], $0xffff  }
0xf8: {  	v52 =	vsel vm3, $0x3F800000, v1;
	v22 =	vsel vm7, $0x0, v59;
	v36 =	vadd.f32 v38, v63  }
0xf9: {  	v44 =	vld.idx.msk [tilespmem:v12+s23+$0x0], $0xffff;
	v33 =	vsel vm9, v60, v35;
	v34 =	vsub.f32 $0.0e+00, v34;
	v35 =	vadd.f32 v22, v20  }
0xfa: {  	v60 =	vmin.f32 v41, v56;
	v36 =	vadd.f32 v15, v36;
	vm11 =	veq.s32 v37, v23  }
0xfb: {  	v47 =	vld.idx.msk [tilespmem:v47+s19+$0x0], $0xffff;
	v20 =	vshll.u32 v43, $0x1;
	v38 =	vadd.f32 v19, v16;
	v17 =	vsel vm11, $0x3F800000, v1  }
0xfc: {  	v45 =	vld.idx.msk [tilespmem:v46+s19+$0x0], $0xffff;
	v46 =	vsel vm10, v56, v60;
	vm4 =	veq.s32 v37, v62;
	v36 =	vadd.f32 v17, v36  }
0xfd: {  	v42 =	vld.idx.msk [tilespmem:v50+s19+$0x0], $0xffff;
	v50 =	vand.u32 $0x7FFFFF00, v20;
	v56 =	vadd.s32 s15, v5;
	v21 =	vsel vm4, $0x3F800000, v1  }
0xfe: {  	v13 =	vmul.f32 $1.442695020e+00, v34;
	vm13 =	veq.s32 v37, v44;
	v36 =	vadd.f32 v21, v36  }
0xff: {  	v34 =	vsel vm9, v40, v39;
	v20 =	vshll.u32 v56, $0x1;
	v44 =	vsel vm13, $0x3F800000, v1  }
0x100: {  	v23 =	vnsel vm7, $0xFF800000, v59;
	v59 =	vnsel vm6, $0x0, v47;
	v36 =	vadd.f32 v52, v36  }
0x101: {  	vm14 =	vmmov vm13;
	v54 =	vmax.f32 v41, v23;
	v38 =	vadd.f32 v59, v38;
	v41 =	vld.idx.msk [tilespmem:v48+s19+$0x0], $0xffff  }
0x102: {  	v10 =	vsel vm13, $0xFFFFFFFF, v10;
	v63 =	vnsel vm11, $0x0, v45;
	v36 =	vadd.f32 v58, v36  }
0x103: {  	(erf) = vpow2.f32 v13;
	v62 =	vsel vm6, $0x0, v47;
	v37 =	vadd.f32 v63, v38  }
0x104: {  	v14 =	vnsel vm4, $0x0, v42;
	v21 =	vand.u32 $0x7F, v43;
	v36 =	vadd.f32 v61, v36  }
0x105: {  	v13 =	vsel vm11, $0x0, v45;
	v37 =	vadd.f32 v14, v37;
	v49 =	vor.u32 v21, v50  }
0x106: {  	v39 =	vld.idx.msk [tilespmem:v51+s19+$0x0], $0xffff;
	v50 =	vadd.s32 s15, v2;
	v16 =	vnsel vm3, $0x0, v41;
	v36 =	vadd.f32 v44, v36  }
0x107: {  	v35 =	vadd.f32 v62, v35;
	v17 =	vadd.f32 v16, v37;
	v37 =	vld.idx.msk [tilespmem:v57+s19+$0x0], $0xffff;
	v57 =	vshll.u32 v50, $0x1  }
0x108: {  	v38 =	vld.idx.msk [tilespmem:v53+s19+$0x0], $0xffff;
	v59 =	vand.u32 $0x7F, v50;
	v60 =	vand.u32 $0x7FFFFF00, v57;
	(erf) = vrcp.f32 v36  }
0x109: {  	v55 =	vsel vm10, v54, v23;
	v23 =	vor.u32 $0x80, v49;
	v61 =	vor.u32 v60, v59  }
0x10a: {  	v15 =	vsel vm4, $0x0, v42;
	v35 =	vadd.f32 v13, v35;
	v53 =	vor.u32 $0x80, v61  }
0x10b: {  	v19 =	vnsel vm2, $0x0, v39;
	v54 =	vadd.s32 s15, v3;
	v12 =	vmax.f32 v55, v47  }
0x10c: {  	v63 =	vshll.u32 v54, $0x1;
	v40 =	vadd.f32 v15, v35;
	v35 =	vadd.f32 v19, v17  }
0x10d: {  	v48 =	vsel vm6, v12, v55;
	v12 =	vand.u32 $0x7F, v54;
	v22 =	vnsel vm12, $0x0, v38;
	v49 =	vld.idx.msk [tilespmem:v49+s18+$0x0], $0xffff  }
0x10e: {  	v55 =	vand.u32 $0x7FFFFF00, v63;
	v18 =	vsel vm3, $0x0, v41;
	v51 =	vadd.f32 v22, v35;
	v52 =	vld.idx.msk [tilespmem:v23+s18+$0x0], $0xffff  }
0x10f: {  	v13 =	vsel vm2, $0x0, v39;
	v40 =	vadd.f32 v18, v40;
	v58 =	vnsel vm13, $0x0, v37;
	v16 =	vld.idx.msk [tilespmem:v53+s18+$0x0], $0xffff  }
0x110: {  	v21 =	vand.u32 $0x7F, v56;
	v60 =	vadd.s32 s15, v7;
	v35 =	vpop (erf);
	v51 =	vadd.f32 v58, v51  }
0x111: {  	v19 =	vsel vm12, $0x0, v38;
	v40 =	vadd.f32 v13, v40;
	v63 =	vshll.u32 v60, $0x1;
	v62 =	vpop (erf)  }
0x112: {  	v44 =	vmul.f32 v62, v51;
	v51 =	vor.u32 v55, v12;
	v55 =	vadd.s32 s15, v4  }
0x113: {  	v36 =	vsub.f32 $9.000000000e+00, v36;
	v53 =	vadd.f32 v19, v40;
	v14 =	vshll.u32 v55, $0x1  }
0x114: {  	v15 =	vand.u32 $0x7F, v55;
	v44 =	vmul.f32 $1.442695020e+00, v44;
	v57 =	vand.u32 $0x7FFFFF00, v14  }
0x115: {  	v59 =	vld.idx.msk [tilespmem:v49+s23+$0x0], $0xffff;
	v51 =	vor.u32 $0x80, v51;
	v14 =	vand.u32 $0x7F, v60;
	v17 =	vor.u32 v57, v15  }
0x116: {  	v49 =	vld.idx.msk [tilespmem:v52+s23+$0x0], $0xffff;
	v57 =	vand.u32 $0x7FFFFF00, v20;
	v15 =	vand.u32 $0x7FFFFF00, v63;
	(erf) = vpow2.f32 v44  }
0x117: {  	v63 =	vld.idx.msk [tilespmem:v16+s23+$0x0], $0xffff;
	v18 =	vor.u32 $0x80, v17;
	v40 =	vor.u32 v57, v21;
	v57 =	vadd.s32 s15, v6  }
0x118: {  	v16 =	vor.u32 v15, v14;
	(erf) = vrcp.f32 v36;
	v23 =	vor.u32 $0x80, v40;
	v40 =	vld.idx.msk [tilespmem:v43+s19+$0x0], $0xffff  }
0x119: {  	v47 =	vmin.f32 v46, v47;
	v12 =	vshll.u32 v57, $0x1;
	v43 =	vld.idx.msk [tilespmem:v50+s19+$0x0], $0xffff;
	v50 =	vor.u32 $0x80, v16  }
0x11a: {  	v22 =	vsel vm14, $0x0, v37;
	v13 =	vand.u32 $0x7F, v57;
	v51 =	vld.idx.msk [tilespmem:v51+s18+$0x0], $0xffff;
	v62 =	vand.u32 $0x7FFFFF00, v12  }
0x11b: {  	v46 =	vsel vm6, v46, v47;
	v53 =	vadd.f32 v22, v53;
	v36 =	vor.u32 v62, v13  }
0x11c: {  	[tilespmem:$0x1FEE0] =	vst v10;
	vm8 =	veq.s32 v59, v49;
	v12 =	vadd.s32 s15, v9;
	v10 =	vor.u32 $0x80, v36;
	v61 =	vld.idx.msk [tilespmem:v18+s18+$0x0], $0xffff  }
0x11d: {  	v49 =	vsel vm8, $0x3F800000, v1;
	v62 =	vadd.s32 s15, v8;
	v21 =	vshll.u32 v12, $0x1;
	v11 =	vld.idx.msk [tilespmem:v23+s18+$0x0], $0xffff  }
0x11e: {  	v13 =	vmax.f32 v48, v45;
	v45 =	vmin.f32 v46, v45;
	v17 =	vshll.u32 v62, $0x1;
	v50 =	vld.idx.msk [tilespmem:v50+s18+$0x0], $0xffff  }
0x11f: {  	v19 =	vand.u32 $0x7F, v62;
	v52 =	vand.u32 $0x7FFFFF00, v21;
	v44 =	vand.u32 $0x7FFFFF00, v17  }
0x120: {  	v13 =	vsel vm11, v13, v48;
	vm13 =	veq.s32 v59, v63;
	v20 =	vor.u32 v44, v19;
	v44 =	vld.idx.msk [tilespmem:v54+s19+$0x0], $0xffff;
	v36 =	vpop (erf)  }
0x121: {  	v17 =	vmax.f32 v13, v42;
	v23 =	vand.u32 $0x7F, v12;
	v19 =	vadd.f32 $0.0e+00, v40;
	v10 =	vld.idx.msk [tilespmem:v10+s18+$0x0], $0xffff;
	v18 =	vpop (erf)  }
0x122: {  	v22 =	vor.u32 $0x80, v20;
	v58 =	vld.idx.msk [tilespmem:v51+s23+$0x0], $0xffff;
	v51 =	vor.u32 v52, v23;
	v53 =	vmul.f32 v18, v53  }
0x123: {  	v21 =	vnsel vm13, $0x0, v43;
	v16 =	vor.u32 $0x80, v51;
	v51 =	vsel vm11, v46, v45;
	v45 =	vld.idx.msk [tilespmem:v55+s19+$0x0], $0xffff  }
0x124: {  	v15 =	vsel vm13, $0x0, v43;
	v20 =	vnsel vm8, $0x0, v19;
	v53 =	vsub.f32 $0.0e+00, v53;
	v47 =	vld.idx.msk [tilespmem:v61+s23+$0x0], $0xffff  }
0x125: {  	v52 =	vsel vm4, v17, v13;
	v13 =	vsel vm8, $0x0, v19;
	v46 =	vadd.f32 v21, v20;
	v11 =	vld.idx.msk [tilespmem:v11+s23+$0x0], $0xffff  }
0x126: {  	v13 =	vadd.f32 v15, v13;
	v61 =	vimm.s32 $0x0;
	v50 =	vld.idx.msk [tilespmem:v50+s23+$0x0], $0xffff;
	v18 =	vmul.f32 $1.442695020e+00, v53  }
0x127: {  	v53 =	vmin.f32 v51, v42;
	v42 =	vld.idx.msk [tilespmem:v22+s18+$0x0], $0xffff;
	v22 =	vsel vm13, $0x3F800000, v1;
	vm12 =	veq.s32 v59, v58  }
0x128: {  	v23 =	vld.idx.msk [tilespmem:v16+s18+$0x0], $0xffff;
	v14 =	vadd.f32 v22, v49;
	v16 =	vnsel vm12, $0x0, v44;
	v17 =	vsel vm12, $0x3F800000, v1  }
0x129: {  	v49 =	vld.idx.msk [tilespmem:v56+s19+$0x0], $0xffff;
	v56 =	vadd.s32 s12, v0;
	v51 =	vsel vm4, v51, v53;
	(erf) = vpow2.f32 v18  }
0x12a: {  	v55 =	vadd.f32 v16, v46;
	v46 =	vld.idx.msk [tilespmem:v57+s19+$0x0], $0xffff;
	v63 =	vand.u32 $0x7F, v56;
	v57 =	vadd.s32 s12, v2  }
0x12b: {  	v10 =	vld.idx.msk [tilespmem:v10+s23+$0x0], $0xffff;
	v48 =	vadd.f32 v17, v14;
	vm9 =	veq.s32 v59, v47;
	v14 =	vimm.s32 $0x0  }
0x12c: {  	v47 =	vnsel vm9, $0x0, v45;
	v18 =	vsel vm9, $0x3F800000, v1;
	vm11 =	veq.s32 v59, v11  }
0x12d: {  	v11 =	vsel vm12, $0x0, v44;
	v47 =	vadd.f32 v47, v55;
	v54 =	vadd.f32 v18, v48  }
0x12e: {  	vm10 =	veq.s32 v59, v50;
	v48 =	vld.idx.msk [tilespmem:v60+s19+$0x0], $0xffff;
	v20 =	vsel vm11, $0x3F800000, v1;
	v19 =	vnsel vm11, $0x0, v49  }
0x12f: {  	v50 =	vsel vm10, $0x3F800000, v1;
	v47 =	vadd.f32 v19, v47;
	v54 =	vadd.f32 v20, v54;
	v21 =	vld.idx.msk [tilespmem:v42+s23+$0x0], $0xffff  }
0x130: {  	vm15 =	veq.s32 v59, v10;
	v10 =	vadd.f32 v11, v13;
	v19 =	vshll.u32 v57, $0x1;
	v42 =	vld.idx.msk [tilespmem:v62+s19+$0x0], $0xffff  }
0x131: {  	v20 =	vand.u32 $0x7F, v57;
	v11 =	vnsel vm15, $0x0, v46;
	v22 =	vsel vm15, $0x3F800000, v1;
	v23 =	vld.idx.msk [tilespmem:v23+s23+$0x0], $0xffff  }
0x132: {  	v14 =	vsel vm15, $0xFFFFFFFF, v14;
	v62 =	vshll.u32 v56, $0x1;
	v11 =	vadd.f32 v11, v47  }
0x133: {  	v13 =	vadd.f32 v22, v54;
	v54 =	vsel vm9, $0x0, v45;
	v47 =	vand.u32 $0x7FFFFF00, v62  }
0x134: {  	v58 =	vnsel vm10, $0x0, v48;
	v10 =	vadd.f32 v54, v10;
	vm5 =	veq.s32 v59, v21  }
0x135: {  	v11 =	vadd.f32 v58, v11;
	v13 =	vadd.f32 v50, v13;
	v50 =	vnsel vm5, $0x0, v42  }
0x136: {  	[tilespmem:$0x1FEF0] =	vst v14;
	v60 =	vsel vm5, $0x3F800000, v1;
	v14 =	vsel vm5, $0xFFFFFFFF, v61;
	vm1 =	veq.s32 v59, v23  }
0x137: {  	v59 =	vadd.s32 s12, v3;
	v13 =	vadd.f32 v60, v13;
	v55 =	vsel vm1, $0x3F800000, v1  }
0x138: {  	[tilespmem:$0x1FF00] =	vst v14;
	v21 =	vshll.u32 v59, $0x1;
	v22 =	vand.u32 $0x7F, v59;
	v14 =	vadd.s32 s12, v5  }
0x139: {  	v13 =	vadd.f32 v55, v13;
	v55 =	vor.u32 v63, v47;
	v47 =	vand.u32 $0x7FFFFF00, v19  }
0x13a: {  	v61 =	vand.u32 $0x7FFFFF00, v21;
	v16 =	vor.u32 $0x80, v55;
	v60 =	vor.u32 v47, v20  }
0x13b: {  	v17 =	vor.u32 v61, v22;
	v61 =	vadd.s32 s12, v4;
	v23 =	vor.u32 $0x80, v60  }
0x13c: {  	v21 =	vshll.u32 v14, $0x1;
	v18 =	vshll.u32 v61, $0x1;
	v19 =	vand.u32 $0x7F, v61  }
0x13d: {  	v47 =	vld.idx.msk [tilespmem:v12+s19+$0x0], $0xffff;
	(erf) = vrcp.f32 v13;
	v60 =	vor.u32 $0x80, v17;
	v62 =	vand.u32 $0x7FFFFF00, v18  }
0x13e: {  	v22 =	vand.u32 $0x7F, v14;
	v20 =	vor.u32 v62, v19;
	v62 =	vand.u32 $0x7FFFFF00, v21;
	v55 =	vld.idx.msk [tilespmem:v55+s18+$0x0], $0xffff  }
0x13f: {  	v11 =	vadd.f32 v50, v11;
	v50 =	vor.u32 $0x80, v20;
	v62 =	vor.u32 v62, v22;
	v58 =	vld.idx.msk [tilespmem:v16+s18+$0x0], $0xffff  }
0x140: {  	v63 =	vadd.s32 s12, v6;
	v62 =	vor.u32 $0x80, v62;
	v16 =	vimm.s32 $0x0;
	v12 =	vld.idx.msk [tilespmem:v23+s18+$0x0], $0xffff  }
0x141: {  	v17 =	vadd.s32 s12, v7;
	v16 =	vsel vm1, $0xFFFFFFFF, v16;
	v23 =	vshll.u32 v63, $0x1  }
0x142: {  	v18 =	vand.u32 $0x7F, v63;
	v19 =	vshll.u32 v17, $0x1;
	v60 =	vld.idx.msk [tilespmem:v60+s18+$0x0], $0xffff;
	[tilespmem:$0x1FF10] =	vst v16;
	v16 =	vand.u32 $0x7FFFFF00, v23  }
0x143: {  	v54 =	vmax.f32 v52, v41;
	v19 =	vand.u32 $0x7FFFFF00, v19;
	v16 =	vor.u32 v16, v18  }
0x144: {  	v15 =	vnsel vm1, $0x0, v47;
	v18 =	vand.u32 $0x7F, v17;
	v20 =	vld.idx.msk [tilespmem:v50+s18+$0x0], $0xffff;
	v16 =	vor.u32 $0x80, v16  }
0x145: {  	v11 =	vadd.f32 v15, v11;
	v50 =	vpop (erf);
	v18 =	vor.u32 v19, v18;
	v19 =	vadd.s32 s12, v8;
	v62 =	vld.idx.msk [tilespmem:v62+s18+$0x0], $0xffff  }
0x146: {  	v23 =	vadd.s32 s12, v9;
	v18 =	vor.u32 $0x80, v18;
	v21 =	vpop (erf);
	v15 =	vld.idx.msk [tilespmem:v55+s23+$0x0], $0xffff;
	v55 =	vshll.u32 v19, $0x1  }
0x147: {  	v22 =	vand.u32 $0x7F, v19;
	v11 =	vmul.f32 v21, v11;
	v55 =	vand.u32 $0x7FFFFF00, v55;
	v21 =	vld.idx.msk [tilespmem:v58+s23+$0x0], $0xffff  }
0x148: {  	v58 =	vand.u32 $0x7F, v23;
	v22 =	vor.u32 v55, v22;
	v55 =	vshll.u32 v23, $0x1;
	v12 =	vld.idx.msk [tilespmem:v12+s23+$0x0], $0xffff  }
0x149: {  	v11 =	vmul.f32 $1.442695020e+00, v11;
	v16 =	vld.idx.msk [tilespmem:v16+s18+$0x0], $0xffff;
	v22 =	vor.u32 $0x80, v22;
	v55 =	vand.u32 $0x7FFFFF00, v55  }
0x14a: {  	v52 =	vsel vm3, v54, v52;
	v13 =	vsub.f32 $9.000000000e+00, v13;
	v60 =	vld.idx.msk [tilespmem:v60+s23+$0x0], $0xffff;
	v55 =	vor.u32 v55, v58  }
0x14b: {  	v18 =	vld.idx.msk [tilespmem:v18+s18+$0x0], $0xffff;
	(erf) = vpow2.f32 v11;
	v11 =	vmin.f32 v51, v41;
	v55 =	vor.u32 $0x80, v55  }
0x14c: {  	v58 =	vsel vm11, $0x0, v49;
	v20 =	vld.idx.msk [tilespmem:v20+s23+$0x0], $0xffff;
	(erf) = vrcp.f32 v13;
	v11 =	vsel vm3, v51, v11  }
0x14d: {  	v10 =	vadd.f32 v58, v10;
	v58 =	vsel vm15, $0x0, v46;
	v41 =	vld.idx.msk [tilespmem:v62+s23+$0x0], $0xffff;
	vm7 =	veq.s32 v15, v21  }
0x14e: {  	v62 =	vsel vm10, $0x0, v48;
	vm14 =	veq.s32 v15, v12;
	v53 =	vsel vm7, $0x3F800000, v1;
	v12 =	vld.idx.msk [tilespmem:v22+s18+$0x0], $0xffff  }
0x14f: {  	v51 =	vld.idx.msk [tilespmem:v56+s19+$0x0], $0xffff;
	v10 =	vadd.f32 v58, v10;
	v58 =	vmax.f32 v52, v39;
	vm6 =	veq.s32 v15, v60  }
0x150: {  	v39 =	vmin.f32 v11, v39;
	v60 =	vsel vm1, $0x0, v47;
	v54 =	vsel vm14, $0x3F800000, v1;
	v21 =	vld.idx.msk [tilespmem:v55+s18+$0x0], $0xffff  }
0x151: {  	v22 =	vsel vm2, v58, v52;
	v11 =	vsel vm2, v11, v39;
	v13 =	vadd.f32 v54, v53  }
0x152: {  	v10 =	vadd.f32 v62, v10;
	v54 =	vsel vm6, $0x3F800000, v1;
	vm15 =	veq.s32 v15, v20;
	v16 =	vld.idx.msk [tilespmem:v16+s23+$0x0], $0xffff  }
0x153: {  	v20 =	vld.idx.msk [tilespmem:v57+s19+$0x0], $0xffff;
	v58 =	vmax.f32 v22, v38;
	v55 =	vsel vm5, $0x0, v42;
	v13 =	vadd.f32 v54, v13  }
0x154: {  	v56 =	vsel vm15, $0x3F800000, v1;
	vm3 =	veq.s32 v15, v41;
	v41 =	vadd.f32 $0.0e+00, v51;
	v18 =	vld.idx.msk [tilespmem:v18+s23+$0x0], $0xffff  }
0x155: {  	v53 =	vld.idx.msk [tilespmem:v59+s19+$0x0], $0xffff;
	v10 =	vadd.f32 v55, v10;
	v55 =	vmin.f32 v11, v38;
	v13 =	vadd.f32 v56, v13  }
0x156: {  	v62 =	vsel vm3, $0x3F800000, v1;
	v11 =	vsel vm0, v11, v55;
	v55 =	vsel vm7, $0x0, v41;
	v12 =	vld.idx.msk [tilespmem:v12+s23+$0x0], $0xffff  }
0x157: {  	v39 =	vpop (erf);
	v10 =	vadd.f32 v60, v10;
	v13 =	vadd.f32 v62, v13;
	vm1 =	veq.s32 v15, v16  }
0x158: {  	v56 =	vpop (erf);
	v59 =	vnsel vm14, $0x0, v20;
	v16 =	vsel vm0, v58, v22;
	v57 =	vsel vm1, $0x3F800000, v1;
	v21 =	vld.idx.msk [tilespmem:v21+s23+$0x0], $0xffff  }
0x159: {  	v10 =	vmul.f32 v56, v10;
	v22 =	vld.idx.msk [tilespmem:v61+s19+$0x0], $0xffff;
	vm2 =	veq.s32 v15, v18;
	v13 =	vadd.f32 v57, v13  }
0x15a: {  	v14 =	vld.idx.msk [tilespmem:v14+s19+$0x0], $0xffff;
	v58 =	vnsel vm7, $0x0, v41;
	v61 =	vnsel vm6, $0x0, v53;
	v60 =	vsel vm2, $0x3F800000, v1  }
0x15b: {  	v17 =	vld.idx.msk [tilespmem:v17+s19+$0x0], $0xffff;
	v18 =	vadd.f32 v59, v58;
	v13 =	vadd.f32 v60, v13;
	vm4 =	veq.s32 v15, v12  }
0x15c: {  	v56 =	vmax.f32 v16, v37;
	v10 =	vsub.f32 $0.0e+00, v10;
	v57 =	vld [tilespmem:$0x1FEE0];
	v62 =	vsel vm4, $0x3F800000, v1  }
0x15d: {  	v12 =	vadd.f32 v61, v18;
	v18 =	vld.idx.msk [tilespmem:v63+s19+$0x0], $0xffff;
	v13 =	vadd.f32 v62, v13;
	vm5 =	veq.s32 v15, v21  }
0x15e: {  	v10 =	vmul.f32 $1.442695020e+00, v10;
	v54 =	vnsel vm15, $0x0, v22;
	v21 =	vsel vm5, $0x3F800000, v1  }
0x15f: {  	v58 =	vmin.f32 v11, v37;
	v12 =	vadd.f32 v54, v12;
	v13 =	vadd.f32 v21, v13  }
0x160: {  	v60 =	vnsel vm13, $0xFF800000, v43;
	(erf) = vpow2.f32 v10;
	v10 =	vnsel vm3, $0x0, v14  }
0x161: {  	v61 =	vsel vm13, $0x7F800000, v43;
	v15 =	vld.idx.msk [tilespmem:v19+s19+$0x0], $0xffff;
	v10 =	vadd.f32 v10, v12;
	(erf) = vrcp.f32 v13  }
0x162: {  	v63 =	vnsel vm2, $0x0, v17;
	vm0 =	vnez.u8 v57;
	v59 =	vnsel vm1, $0x0, v18  }
0x163: {  	v38 =	vmin.f32 v40, v61;
	v19 =	vld.idx.msk [tilespmem:v23+s19+$0x0], $0xffff;
	v62 =	vmax.f32 v40, v60;
	v10 =	vadd.f32 v59, v10  }
0x164: {  	v11 =	vsel vm0, v11, v58;
	v12 =	vsel vm0, v56, v16;
	v16 =	vsel vm8, v62, v60  }
0x165: {  	v21 =	vsel vm8, v61, v38;
	v56 =	vsel vm14, $0x0, v20;
	v10 =	vadd.f32 v63, v10  }
0x166: {  	v60 =	vsel vm6, $0x0, v53;
	v40 =	vmax.f32 v16, v44;
	v43 =	vnsel vm4, $0x0, v15  }
0x167: {  	v44 =	vmin.f32 v21, v44;
	v37 =	vadd.f32 v56, v55;
	v10 =	vadd.f32 v43, v10  }
0x168: {  	v55 =	vsel vm2, $0x0, v17;
	v11 =	vsub.f32 v12, v11;
	v54 =	vnsel vm5, $0x0, v19  }
0x169: {  	v16 =	vsel vm12, v40, v16;
	v21 =	vsel vm12, v21, v44;
	v38 =	vpop (erf);
	v10 =	vadd.f32 v54, v10  }
0x16a: {  	v13 =	vsub.f32 $9.000000000e+00, v13;
	v52 =	vmax.f32 v16, v45;
	v57 =	vmin.f32 v21, v45;
	v58 =	vpop (erf)  }
0x16b: {  	v61 =	vadd.f32 v60, v37;
	v60 =	vsel vm5, $0x0, v19;
	v10 =	vmul.f32 v58, v10  }
0x16c: {  	v45 =	vld [tilespmem:$0x1FEF0];
	v11 =	vmax.f32 v11, $0.0e+00;
	v16 =	vsel vm9, v52, v16;
	v21 =	vsel vm9, v21, v57  }
0x16d: {  	v63 =	vsel vm15, $0x0, v22;
	v52 =	vsel vm1, $0x0, v18;
	v10 =	vmul.f32 $1.442695020e+00, v10  }
0x16e: {  	v57 =	vsel vm4, $0x0, v15;
	v59 =	vmax.f32 v16, v49;
	v23 =	vadd.f32 v63, v61  }
0x16f: {  	v62 =	vmin.f32 v21, v49;
	(erf) = vpow2.f32 v10;
	v10 =	vsel vm3, $0x0, v14  }
0x170: {  	v16 =	vsel vm11, v59, v16;
	v10 =	vadd.f32 v10, v23;
	(erf) = vrcp.f32 v13  }
0x171: {  	v21 =	vsel vm11, v21, v62;
	v44 =	vmax.f32 v16, v46;
	vm13 =	vnez.u8 v45  }
0x172: {  	v46 =	vmin.f32 v21, v46;
	v16 =	vsel vm13, v44, v16;
	v44 =	vld [tilespmem:$0x1FF00];
	v10 =	vadd.f32 v52, v10  }
0x173: {  	v54 =	vnsel vm14, $0xFF800000, v20;
	v20 =	vsel vm14, $0x7F800000, v20;
	v49 =	vmax.f32 v16, v48  }
0x174: {  	v16 =	vsel vm10, v49, v16;
	v58 =	vmin.f32 v51, v20;
	v10 =	vadd.f32 v55, v10  }
0x175: {  	v56 =	vmax.f32 v51, v54;
	v63 =	vmax.f32 v16, v42;
	v20 =	vsel vm7, v20, v58  }
0x176: {  	v51 =	vsub.f32 v33, v34;
	v61 =	vmin.f32 v20, v53;
	v10 =	vadd.f32 v57, v10  }
0x177: {  	vm14 =	vnez.u8 v44;
	v20 =	vsel vm6, v20, v61;
	v13 =	vsel vm13, v21, v46  }
0x178: {  	v16 =	vsel vm14, v63, v16;
	v21 =	vmin.f32 v13, v48;
	v37 =	vpop (erf);
	v10 =	vadd.f32 v60, v10  }
0x179: {  	v49 =	vmax.f32 v16, v47;
	v13 =	vsel vm10, v13, v21;
	v21 =	vsel vm7, v56, v54;
	v41 =	vpop (erf)  }
0x17a: {  	v48 =	vadd.f32 v35, v32;
	v59 =	vmax.f32 v21, v53;
	v10 =	vmul.f32 v41, v10  }
0x17b: {  	v56 =	vadd.f32 v50, v36;
	v45 =	vmin.f32 v13, v42;
	v21 =	vsel vm6, v59, v21  }
0x17c: {  	v52 =	vld [tilespmem:$0x1FF10];
	v13 =	vsel vm14, v13, v45;
	v62 =	vmax.f32 v21, v22;
	v10 =	vsub.f32 $0.0e+00, v10  }
0x17d: {  	v55 =	vadd.f32 v48, v31;
	v22 =	vmin.f32 v20, v22;
	v21 =	vsel vm15, v62, v21  }
0x17e: {  	v20 =	vsel vm15, v20, v22;
	v43 =	vmax.f32 v21, v14;
	v10 =	vmul.f32 $1.442695020e+00, v10  }
0x17f: {  	v57 =	vmax.f32 v51, $0.0e+00;
	v14 =	vmin.f32 v20, v14;
	v21 =	vsel vm3, v43, v21  }
0x180: {  	v14 =	vsel vm3, v20, v14;
	v46 =	vmax.f32 v21, v18;
	(erf) = vpow2.f32 v10  }
0x181: {  	vm15 =	vnez.u8 v52;
	v18 =	vmin.f32 v14, v18;
	v20 =	vsel vm1, v46, v21  }
0x182: {  	v16 =	vsel vm15, v49, v16;
	v14 =	vsel vm1, v14, v18;
	v53 =	vmax.f32 v20, v17  }
0x183: {  	v60 =	vadd.f32 v38, v39;
	v17 =	vmin.f32 v14, v17;
	v54 =	vsel vm2, v53, v20  }
0x184: {  	v14 =	vsel vm2, v14, v17;
	v20 =	vadd.f32 v57, v30;
	v17 =	vadd.f32 v56, v55  }
0x185: {  	v58 =	vmax.f32 v54, v15;
	v59 =	vmin.f32 v14, v15;
	v10 =	vmin.f32 v13, v47  }
0x186: {  	s11 =	sadd.s32 $0x4, s11;
	v12 =	vsel vm4, v58, v54;
	v10 =	vsel vm15, v13, v10;
	v13 =	vsel vm4, v14, v59  }
0x187: {  	p1 =	slt.u32 s11, $0xC;
	v61 =	vmax.f32 v12, v19;
	v10 =	vsub.f32 v16, v10;
	v62 =	vmin.f32 v13, v19  }
.Ltmp4:
0x188: {  	v11 =	vadd.f32 v11, v20;
	v12 =	vsel vm5, v61, v12;
	v13 =	vsel vm5, v13, v62;
	(pc) =	sbr.rel @p1 .LBB2_3-.Ltmp4, $4  }
0x189: {  	v14 =	vadd.f32 v60, v17;
	v10 =	vmax.f32 v10, $0.0e+00;
	v12 =	vsub.f32 v12, v13;
	v63 =	vpop (erf)  }
0x18a: {  	v10 =	vadd.f32 v10, v11;
	v11 =	vadd.f32 v63, v37  }
0x18b: {  	v12 =	vmax.f32 v12, $0.0e+00  }
0x18c: {  	s12 =	sadd.s32 $0x240, s12;
	v30 =	vadd.f32 v12, v10;
	v31 =	vadd.f32 v11, v14  }
0x18d: {  	v10 =	vld [tilespmem:$0x1F4F0]  }
0x18e: {  	v11 =	vld [tilespmem:$0x1F570]  }
0x18f: {  	s11 =	sadd.s32 s9, s10  }
0x190: {  	p1 =	sgt.u32 s11, $0x7A0  }
.Ltmp5:
0x191: {  	_ = 	snop;
	(pc) =	sbr.rel @p1 .LBB2_8-.Ltmp5, $4  }
0x192: {  	v10 =	vadd.f32 v10, v31  }
0x193: {  	v11 =	vadd.f32 v11, v30  }
0x194: {  	[tilespmem:$0x1F4F0] =	vst v10  }
0x195: {  	[tilespmem:$0x1F570] =	vst v11  }
0x196: {  	_ =	swait.ge [sflag:s26], $0x1200  }
0x197: {  	[sflag:s26] =	ssyncset.done $0x0  }
0x198: {  	s12 =	sadd.s32 $0x40, s11;
	p1 =	sgt.u32 s11, $0x760;
	[sflag:s26] =	ssyncadd.s32 $0xFFFFEE00  }
0x199: {  	s11 =	smul.u32 @!p1 $0x240, s12;
	_ =	swait.ge [sflag:s26], $0x900  }
0x19a: {  	s13 =	simm.s32 @!p1 $0x0;
	s15 =	simm.s32 @!p1 $0x19F70;
	[sflag:s26] =	ssyncset.done $0x0  }
0x19b: {  	s12 =	smul.u32 @!p1 $0x120, s12;
	s11 =	sadd.s32 @!p1 s0, s11;
	[sflag:s26] =	ssyncadd.s32 $0xFFFFF700  }
0x19c: {  	[tilespmem:s15], [sflag:$0x1] =	stream.linear.gather @!p1 [hbm4b:s11+s13], $0x1200, $0x38;
	[tilespmem:$0x1F5F0] =	vst v63  }
0x19d: {  	s11 =	sadd.s32 @!p1 s1, s12;
	s12 =	simm.s32 @!p1 $0x1B170  }
0x19e: {  	[tilespmem:s12], [sflag:$0x1] =	stream.linear.gather @!p1 [hbm4b:s11+s13], $0x900, $0x38;
	[tilespmem:$0x1F5F0] =	vst v63  }
0x19f: {  	v30 =	vimm.f32 $0.0e+00;
	v31 =	vimm.f32 $0.0e+00;
	s11 =	simm.s32 $0xFFFFFFFC;
	s12 =	simm.s32 $0x1B0  }
.LBB2_6:
0x1a0: {  	s13 =	sadd.s32 $0xFFFFFE50, s12  }
0x1a1: {  	v10 =	vadd.s32 s13, v0  }
0x1a2: {  	v42 =	vadd.s32 s13, v2;
	v43 =	vadd.s32 s13, v3;
	v44 =	vadd.s32 s13, v4  }
0x1a3: {  	v20 =	vadd.s32 s13, v5;
	v46 =	vadd.s32 s13, v6;
	v11 =	vshll.u32 v10, $0x1  }
0x1a4: {  	v12 =	vand.u32 $0x7F, v10;
	v14 =	vshll.u32 v42, $0x1;
	v15 =	vand.u32 $0x7F, v42  }
0x1a5: {  	v16 =	vshll.u32 v43, $0x1;
	v17 =	vand.u32 $0x7F, v43;
	v18 =	vshll.u32 v44, $0x1  }
0x1a6: {  	v19 =	vand.u32 $0x7F, v44;
	v22 =	vshll.u32 v46, $0x1;
	v11 =	vand.u32 $0x1F00, v11  }
0x1a7: {  	v32 =	vand.u32 $0x7F, v46;
	v14 =	vand.u32 $0x1F00, v14;
	v11 =	vor.u32 v12, v11  }
0x1a8: {  	v16 =	vand.u32 $0x1F00, v16;
	v14 =	vor.u32 v14, v15;
	v13 =	vor.u32 $0x80, v11  }
0x1a9: {  	v18 =	vand.u32 $0x1F00, v18;
	v16 =	vor.u32 v16, v17;
	v14 =	vor.u32 $0x80, v14  }
0x1aa: {  	v22 =	vand.u32 $0x1F00, v22;
	v18 =	vor.u32 v18, v19;
	v16 =	vor.u32 $0x80, v16  }
0x1ab: {  	v45 =	vshll.u32 v20, $0x1;
	v22 =	vor.u32 v22, v32;
	v18 =	vor.u32 $0x80, v18;
	v10 =	vld.idx.msk [tilespmem:v10+s21+$0x0], $0xffff  }
0x1ac: {  	v21 =	vand.u32 $0x7F, v20;
	v19 =	vand.u32 $0x1F00, v45;
	v22 =	vor.u32 $0x80, v22;
	v11 =	vld.idx.msk [tilespmem:v11+s20+$0x0], $0xffff  }
0x1ad: {  	v19 =	vor.u32 v19, v21;
	v13 =	vld.idx.msk [tilespmem:v13+s20+$0x0], $0xffff  }
0x1ae: {  	v19 =	vor.u32 $0x80, v19;
	v14 =	vld.idx.msk [tilespmem:v14+s20+$0x0], $0xffff  }
0x1af: {  	v23 =	vadd.s32 s13, v7;
	v16 =	vld.idx.msk [tilespmem:v16+s20+$0x0], $0xffff  }
0x1b0: {  	v33 =	vshll.u32 v23, $0x1;
	v18 =	vld.idx.msk [tilespmem:v18+s20+$0x0], $0xffff  }
0x1b1: {  	v47 =	vand.u32 $0x7F, v23;
	v33 =	vand.u32 $0x1F00, v33;
	v22 =	vld.idx.msk [tilespmem:v22+s20+$0x0], $0xffff  }
0x1b2: {  	v32 =	vor.u32 v33, v47;
	v33 =	vadd.s32 s13, v8;
	v12 =	vld.idx.msk [tilespmem:v42+s21+$0x0], $0xffff  }
0x1b3: {  	v34 =	vshll.u32 v33, $0x1;
	v19 =	vld.idx.msk [tilespmem:v19+s20+$0x0], $0xffff  }
0x1b4: {  	v35 =	vand.u32 $0x7F, v33;
	v34 =	vand.u32 $0x1F00, v34;
	v11 =	vld.idx.msk [tilespmem:v11+s23+$0x0], $0xffff  }
0x1b5: {  	v34 =	vor.u32 v34, v35;
	v13 =	vld.idx.msk [tilespmem:v13+s23+$0x0], $0xffff  }
0x1b6: {  	v36 =	vadd.s32 s13, v9;
	v34 =	vor.u32 $0x80, v34;
	v14 =	vld.idx.msk [tilespmem:v14+s23+$0x0], $0xffff  }
0x1b7: {  	v48 =	vshll.u32 v36, $0x1;
	v16 =	vld.idx.msk [tilespmem:v16+s23+$0x0], $0xffff  }
0x1b8: {  	v37 =	vand.u32 $0x7F, v36;
	v32 =	vor.u32 $0x80, v32;
	v35 =	vand.u32 $0x1F00, v48;
	v52 =	vld.idx.msk [tilespmem:v18+s23+$0x0], $0xffff  }
0x1b9: {  	v35 =	vor.u32 v35, v37;
	v22 =	vld.idx.msk [tilespmem:v22+s23+$0x0], $0xffff  }
0x1ba: {  	v15 =	vld.idx.msk [tilespmem:v43+s21+$0x0], $0xffff;
	v35 =	vor.u32 $0x80, v35  }
0x1bb: {  	v34 =	vld.idx.msk [tilespmem:v34+s20+$0x0], $0xffff  }
0x1bc: {  	v17 =	vld.idx.msk [tilespmem:v44+s21+$0x0], $0xffff  }
0x1bd: {  	v50 =	vld.idx.msk [tilespmem:v32+s20+$0x0], $0xffff;
	v49 =	vadd.f32 $0.0e+00, v10;
	vm0 =	veq.s32 v11, v13;
	vm1 =	veq.s32 v11, v14  }
0x1be: {  	v19 =	vld.idx.msk [tilespmem:v19+s23+$0x0], $0xffff;
	vm15 =	veq.s32 v11, v16;
	vm5 =	veq.s32 v11, v52;
	vm3 =	veq.s32 v11, v22  }
0x1bf: {  	v35 =	vld.idx.msk [tilespmem:v35+s20+$0x0], $0xffff;
	v51 =	vnsel vm0, $0x0, v49;
	v53 =	vsel vm0, $0x3F800000, v1;
	v37 =	vsel vm0, $0x0, v49  }
0x1c0: {  	v20 =	vld.idx.msk [tilespmem:v20+s21+$0x0], $0xffff;
	v38 =	vnsel vm1, $0x0, v12;
	v54 =	vsel vm1, $0x3F800000, v1;
	v39 =	vsel vm1, $0x0, v12  }
0x1c1: {  	v45 =	vld.idx.msk [tilespmem:v46+s21+$0x0], $0xffff;
	v55 =	vnsel vm1, $0xFF800000, v12;
	v12 =	vsel vm1, $0x7F800000, v12;
	v58 =	vsel vm15, $0x3F800000, v1  }
0x1c2: {  	v59 =	vnsel vm15, $0x0, v15;
	v14 =	vsel vm5, $0x3F800000, v1;
	v61 =	vsel vm15, $0x0, v15  }
0x1c3: {  	s15 =	sadd.s32 $0xFFFFFEE0, s12;
	v34 =	vld.idx.msk [tilespmem:v34+s23+$0x0], $0xffff;
	vm4 =	veq.s32 v11, v19;
	v40 =	vnsel vm5, $0x0, v17;
	v41 =	vsel vm5, $0x0, v17  }
0x1c4: {  	v19 =	vadd.s32 s15, v0;
	v32 =	vadd.f32 v38, v51;
	v18 =	vadd.f32 v54, v53  }
0x1c5: {  	v37 =	vadd.f32 v39, v37;
	v56 =	vmax.f32 v10, v55;
	v10 =	vmin.f32 v10, v12  }
0x1c6: {  	v13 =	vld.idx.msk [tilespmem:v50+s23+$0x0], $0xffff;
	v38 =	vsel vm3, $0x3F800000, v1;
	v48 =	vsel vm4, $0x0, v20;
	v53 =	vnsel vm3, $0x0, v45  }
0x1c7: {  	v39 =	vld.idx.msk [tilespmem:v35+s23+$0x0], $0xffff;
	v54 =	vsel vm3, $0x0, v45;
	v35 =	vadd.s32 s15, v3;
	v57 =	vsel vm0, v56, v55  }
0x1c8: {  	v10 =	vsel vm0, v12, v10;
	vm8 =	veq.s32 v11, v34;
	v18 =	vadd.f32 v58, v18  }
0x1c9: {  	v60 =	vadd.f32 v59, v32;
	v62 =	vadd.f32 v61, v37;
	v63 =	vmax.f32 v57, v15  }
0x1ca: {  	v21 =	vld.idx.msk [tilespmem:v23+s21+$0x0], $0xffff;
	v37 =	vsel vm4, $0x3F800000, v1;
	v15 =	vmin.f32 v10, v15;
	v46 =	vsel vm8, $0x3F800000, v1  }
0x1cb: {  	v58 =	vand.u32 $0x7F, v19;
	v16 =	vsel vm15, v63, v57;
	v10 =	vsel vm15, v10, v15  }
0x1cc: {  	vm2 =	veq.s32 v11, v13;
	v57 =	vshll.u32 v19, $0x1;
	v14 =	vadd.f32 v14, v18  }
0x1cd: {  	v63 =	vadd.s32 s15, v2;
	v12 =	vadd.f32 v40, v60;
	v42 =	vsel vm2, $0x3F800000, v1  }
0x1ce: {  	v43 =	vmax.f32 v16, v17;
	v13 =	vadd.f32 v41, v62;
	v14 =	vadd.f32 v37, v14  }
0x1cf: {  	v17 =	vmin.f32 v10, v17;
	v56 =	vnsel vm2, $0x0, v21;
	v40 =	vadd.s32 s15, v8  }
0x1d0: {  	v44 =	vsel vm5, v43, v16;
	vm9 =	veq.s32 v11, v39;
	v14 =	vadd.f32 v38, v14  }
0x1d1: {  	v10 =	vsel vm5, v10, v17;
	v11 =	vnsel vm4, $0x0, v20;
	v17 =	vld.idx.msk [tilespmem:v36+s21+$0x0], $0xffff;
	v36 =	vadd.s32 s15, v4  }
0x1d2: {  	v39 =	vadd.s32 s15, v7;
	v41 =	vshll.u32 v40, $0x1;
	v14 =	vadd.f32 v42, v14  }
0x1d3: {  	v47 =	vsel vm9, $0x3F800000, v1;
	v49 =	vmax.f32 v44, v20;
	v11 =	vadd.f32 v11, v12  }
0x1d4: {  	v50 =	vadd.f32 v48, v13;
	v52 =	vmin.f32 v10, v20;
	v14 =	vadd.f32 v46, v14  }
0x1d5: {  	v20 =	vand.u32 $0x7FFFFF00, v57;
	v48 =	vand.u32 $0x7F, v36;
	v37 =	vadd.s32 s15, v5  }
0x1d6: {  	v41 =	vand.u32 $0x7FFFFF00, v41;
	v51 =	vsel vm4, v49, v44;
	v14 =	vadd.f32 v47, v14  }
0x1d7: {  	v10 =	vsel vm4, v10, v52;
	v15 =	vor.u32 v58, v20;
	v44 =	vand.u32 $0x7F, v63  }
0x1d8: {  	v18 =	vld.idx.msk [tilespmem:v33+s21+$0x0], $0xffff;
	v11 =	vadd.f32 v53, v11;
	v12 =	vadd.f32 v54, v50;
	(erf) = vrcp.f32 v14  }
0x1d9: {  	v55 =	vmax.f32 v51, v45;
	v16 =	vmin.f32 v10, v45;
	v62 =	vor.u32 $0x80, v15  }
0x1da: {  	v45 =	vshll.u32 v35, $0x1;
	v54 =	vshll.u32 v39, $0x1;
	v42 =	vshll.u32 v63, $0x1  }
0x1db: {  	v13 =	vsel vm3, v55, v51;
	v10 =	vsel vm3, v10, v16;
	v16 =	vand.u32 $0x7FFFFF00, v42  }
0x1dc: {  	v11 =	vadd.f32 v56, v11;
	v42 =	vand.u32 $0x7F, v40;
	v16 =	vor.u32 v16, v44  }
0x1dd: {  	v59 =	vnsel vm8, $0x0, v18;
	v41 =	vor.u32 v41, v42;
	v16 =	vor.u32 $0x80, v16  }
0x1de: {  	v20 =	vand.u32 $0x7FFFFF00, v45;
	v11 =	vadd.f32 v59, v11;
	v41 =	vor.u32 $0x80, v41  }
0x1df: {  	v55 =	vand.u32 $0x7F, v39;
	v34 =	vand.u32 $0x7FFFFF00, v54;
	v61 =	vnsel vm9, $0x0, v17  }
0x1e0: {  	v33 =	vor.u32 v34, v55;
	v15 =	vld.idx.msk [tilespmem:v15+s20+$0x0], $0xffff;
	v46 =	vand.u32 $0x7F, v35;
	v11 =	vadd.f32 v61, v11  }
0x1e1: {  	v49 =	vshll.u32 v37, $0x1;
	v33 =	vor.u32 $0x80, v33;
	v22 =	vld.idx.msk [tilespmem:v62+s20+$0x0], $0xffff;
	v20 =	vor.u32 v20, v46;
	v43 =	vpop (erf)  }
0x1e2: {  	v38 =	vadd.s32 s15, v6;
	v20 =	vor.u32 $0x80, v20;
	v16 =	vld.idx.msk [tilespmem:v16+s20+$0x0], $0xffff;
	v11 =	vmul.f32 v43, v11  }
0x1e3: {  	v50 =	vand.u32 $0x7F, v37;
	v52 =	vshll.u32 v38, $0x1;
	v47 =	vshll.u32 v36, $0x1;
	v46 =	vld.idx.msk [tilespmem:v41+s20+$0x0], $0xffff  }
0x1e4: {  	v19 =	vld.idx.msk [tilespmem:v19+s21+$0x0], $0xffff;
	v32 =	vand.u32 $0x7FFFFF00, v47;
	v43 =	vadd.s32 s15, v9;
	v11 =	vmul.f32 $1.442695020e+00, v11  }
0x1e5: {  	v23 =	vld.idx.msk [tilespmem:v63+s21+$0x0], $0xffff;
	v14 =	vsub.f32 $9.000000000e+00, v14;
	v57 =	vshll.u32 v43, $0x1;
	v45 =	vand.u32 $0x7F, v43  }
0x1e6: {  	v63 =	vld.idx.msk [tilespmem:v33+s20+$0x0], $0xffff;
	v42 =	vand.u32 $0x7FFFFF00, v57;
	(erf) = vpow2.f32 v11;
	v11 =	vor.u32 v32, v48  }
0x1e7: {  	v20 =	vld.idx.msk [tilespmem:v20+s20+$0x0], $0xffff;
	v59 =	vor.u32 v42, v45;
	v32 =	vand.u32 $0x7FFFFF00, v49;
	v11 =	vor.u32 $0x80, v11  }
0x1e8: {  	v53 =	vand.u32 $0x7F, v38;
	v15 =	vld.idx.msk [tilespmem:v15+s23+$0x0], $0xffff;
	v61 =	vor.u32 $0x80, v59;
	v51 =	vor.u32 v32, v50  }
0x1e9: {  	v22 =	vld.idx.msk [tilespmem:v22+s23+$0x0], $0xffff;
	(erf) = vrcp.f32 v14;
	v32 =	vand.u32 $0x7FFFFF00, v52;
	v14 =	vor.u32 $0x80, v51  }
0x1ea: {  	v56 =	vmax.f32 v13, v21;
	v16 =	vld.idx.msk [tilespmem:v16+s23+$0x0], $0xffff;
	v32 =	vor.u32 v32, v53  }
0x1eb: {  	v60 =	vsel vm2, $0x0, v21;
	v13 =	vsel vm2, v56, v13;
	v56 =	vld.idx.msk [tilespmem:v46+s23+$0x0], $0xffff;
	v32 =	vor.u32 $0x80, v32  }
0x1ec: {  	v12 =	vadd.f32 v60, v12;
	v11 =	vld.idx.msk [tilespmem:v11+s20+$0x0], $0xffff  }
0x1ed: {  	v21 =	vmin.f32 v10, v21;
	v44 =	vsel vm8, $0x0, v18;
	v49 =	vld.idx.msk [tilespmem:v61+s20+$0x0], $0xffff  }
0x1ee: {  	v10 =	vsel vm2, v10, v21;
	v12 =	vadd.f32 v44, v12;
	v62 =	vmax.f32 v13, v18;
	v14 =	vld.idx.msk [tilespmem:v14+s20+$0x0], $0xffff  }
0x1ef: {  	v60 =	vsel vm9, $0x0, v17;
	v18 =	vmin.f32 v10, v18;
	v13 =	vsel vm8, v62, v13;
	v20 =	vld.idx.msk [tilespmem:v20+s23+$0x0], $0xffff  }
0x1f0: {  	v10 =	vsel vm8, v10, v18;
	v12 =	vadd.f32 v60, v12;
	vm10 =	veq.s32 v15, v22;
	v58 =	vld.idx.msk [tilespmem:v32+s20+$0x0], $0xffff  }
0x1f1: {  	v45 =	vmax.f32 v13, v17;
	v17 =	vmin.f32 v10, v17;
	v48 =	vsel vm10, $0x3F800000, v1;
	v53 =	vld.idx.msk [tilespmem:v63+s23+$0x0], $0xffff;
	v32 =	vpop (erf)  }
0x1f2: {  	v34 =	vsel vm9, v10, v17;
	vm7 =	veq.s32 v15, v16;
	v50 =	vadd.f32 $0.0e+00, v19;
	v33 =	vpop (erf)  }
0x1f3: {  	vm12 =	veq.s32 v15, v56;
	v16 =	vsel vm7, $0x3F800000, v1;
	v12 =	vmul.f32 v33, v12  }
0x1f4: {  	vm6 =	veq.s32 v15, v20;
	v54 =	vnsel vm7, $0x0, v23;
	v57 =	vsel vm7, $0x0, v23;
	v11 =	vld.idx.msk [tilespmem:v11+s23+$0x0], $0xffff  }
0x1f5: {  	v20 =	vsel vm6, $0x3F800000, v1;
	v55 =	vsel vm10, $0x0, v50;
	v12 =	vsub.f32 $0.0e+00, v12;
	v18 =	vld.idx.msk [tilespmem:v49+s23+$0x0], $0xffff  }
0x1f6: {  	v61 =	vsel vm7, $0x7F800000, v23;
	vm2 =	veq.s32 v15, v53;
	v47 =	vld.idx.msk [tilespmem:v14+s23+$0x0], $0xffff;
	v14 =	vadd.f32 v16, v48  }
0x1f7: {  	v62 =	vsel vm2, $0x3F800000, v1;
	v33 =	vsel vm9, v45, v13;
	v45 =	vld.idx.msk [tilespmem:v36+s21+$0x0], $0xffff;
	v12 =	vmul.f32 $1.442695020e+00, v12  }
0x1f8: {  	v36 =	vsel vm12, $0x3F800000, v1;
	v51 =	vld.idx.msk [tilespmem:v58+s23+$0x0], $0xffff;
	v58 =	vnsel vm7, $0xFF800000, v23;
	v10 =	vadd.f32 v20, v14  }
0x1f9: {  	(erf) = vpow2.f32 v12;
	v12 =	vadd.f32 v57, v55;
	vm11 =	veq.s32 v15, v11  }
0x1fa: {  	v20 =	vld.idx.msk [tilespmem:v35+s21+$0x0], $0xffff;
	v60 =	vmax.f32 v19, v58;
	v35 =	vmin.f32 v19, v61;
	v52 =	vsel vm11, $0x3F800000, v1  }
0x1fb: {  	v42 =	vld.idx.msk [tilespmem:v37+s21+$0x0], $0xffff;
	vm13 =	veq.s32 v15, v18;
	vm4 =	veq.s32 v15, v47;
	v10 =	vadd.f32 v52, v10  }
0x1fc: {  	v39 =	vld.idx.msk [tilespmem:v39+s21+$0x0], $0xffff;
	v14 =	vsel vm10, v61, v35;
	v11 =	vnsel vm10, $0x0, v50;
	v13 =	vsel vm4, $0x3F800000, v1  }
0x1fd: {  	v41 =	vld.idx.msk [tilespmem:v38+s21+$0x0], $0xffff;
	v44 =	vsel vm13, $0x3F800000, v1;
	vm3 =	veq.s32 v15, v51;
	v10 =	vadd.f32 v13, v10  }
0x1fe: {  	vm14 =	vmmov vm13;
	v11 =	vadd.f32 v54, v11;
	v59 =	vsel vm3, $0x3F800000, v1  }
0x1ff: {  	s15 =	sadd.s32 $0xFFFFFF70, s12;
	v38 =	vnsel vm11, $0x0, v45;
	v47 =	vsel vm11, $0x0, v45;
	v10 =	vadd.f32 v59, v10  }
0x200: {  	v48 =	vnsel vm4, $0x0, v42;
	v49 =	vsel vm4, $0x0, v42;
	v15 =	vadd.s32 s15, v0  }
0x201: {  	v52 =	vnsel vm2, $0x0, v39;
	v63 =	vnsel vm6, $0x0, v20;
	v10 =	vadd.f32 v62, v10  }
0x202: {  	v37 =	vsel vm6, $0x0, v20;
	v50 =	vnsel vm3, $0x0, v41;
	v51 =	vsel vm3, $0x0, v41  }
0x203: {  	v53 =	vshll.u32 v15, $0x1;
	v11 =	vadd.f32 v63, v11;
	v10 =	vadd.f32 v36, v10  }
0x204: {  	v54 =	vand.u32 $0x7F, v15;
	v13 =	vsel vm10, v60, v58;
	v12 =	vadd.f32 v37, v12  }
0x205: {  	v18 =	vand.u32 $0x7FFFFF00, v53;
	v11 =	vadd.f32 v38, v11;
	v10 =	vadd.f32 v44, v10  }
0x206: {  	v58 =	vimm.s32 $0x0;
	v46 =	vmax.f32 v13, v20;
	v17 =	vor.u32 v54, v18  }
0x207: {  	v18 =	vadd.s32 s15, v2;
	v38 =	vld.idx.msk [tilespmem:v40+s21+$0x0], $0xffff;
	v11 =	vadd.f32 v48, v11;
	(erf) = vrcp.f32 v10  }
0x208: {  	v37 =	vld.idx.msk [tilespmem:v43+s21+$0x0], $0xffff;
	v22 =	vsel vm13, $0xFFFFFFFF, v58;
	v12 =	vadd.f32 v47, v12;
	v13 =	vsel vm6, v46, v13  }
0x209: {  	v56 =	vor.u32 $0x80, v17;
	v57 =	vshll.u32 v18, $0x1;
	v11 =	vadd.f32 v50, v11  }
0x20a: {  	[tilespmem:$0x1FEA0] =	vst v22;
	v60 =	vand.u32 $0x7F, v18;
	v22 =	vadd.s32 s15, v3;
	v46 =	vsel vm2, $0x0, v39  }
0x20b: {  	v21 =	vand.u32 $0x7FFFFF00, v57;
	v12 =	vadd.f32 v49, v12;
	v11 =	vadd.f32 v52, v11  }
0x20c: {  	v21 =	vor.u32 v21, v60;
	v62 =	vshll.u32 v22, $0x1;
	v55 =	vnsel vm12, $0x0, v38  }
0x20d: {  	v59 =	vnsel vm13, $0x0, v37;
	v21 =	vor.u32 $0x80, v21;
	v11 =	vadd.f32 v55, v11  }
0x20e: {  	v23 =	vand.u32 $0x7FFFFF00, v62;
	v12 =	vadd.f32 v51, v12;
	v44 =	vand.u32 $0x7F, v22  }
0x20f: {  	v35 =	vpop (erf);
	v53 =	vsel vm14, $0x0, v37;
	v63 =	vld.idx.msk [tilespmem:v17+s20+$0x0], $0xffff;
	v17 =	vor.u32 v23, v44;
	v11 =	vadd.f32 v59, v11  }
0x210: {  	v50 =	vsel vm12, $0x0, v38;
	v12 =	vadd.f32 v46, v12;
	v17 =	vor.u32 $0x80, v17;
	v61 =	vpop (erf)  }
0x211: {  	v46 =	vadd.s32 s15, v6;
	v23 =	vadd.s32 s15, v4;
	v11 =	vmul.f32 v61, v11  }
0x212: {  	v19 =	vld.idx.msk [tilespmem:v56+s20+$0x0], $0xffff;
	v47 =	vshll.u32 v23, $0x1;
	v10 =	vsub.f32 $9.000000000e+00, v10;
	v48 =	vand.u32 $0x7F, v23  }
0x213: {  	v12 =	vadd.f32 v50, v12;
	v55 =	vshll.u32 v46, $0x1;
	v11 =	vmul.f32 $1.442695020e+00, v11  }
0x214: {  	v50 =	vadd.s32 s15, v8;
	v40 =	vand.u32 $0x7FFFFF00, v47;
	v47 =	vadd.s32 s15, v7  }
0x215: {  	v49 =	vor.u32 v40, v48;
	v48 =	vand.u32 $0x7F, v46;
	v17 =	vld.idx.msk [tilespmem:v17+s20+$0x0], $0xffff;
	(erf) = vpow2.f32 v11  }
0x216: {  	v11 =	vld.idx.msk [tilespmem:v21+s20+$0x0], $0xffff;
	v21 =	vadd.s32 s15, v5;
	(erf) = vrcp.f32 v10;
	v10 =	vor.u32 $0x80, v49  }
0x217: {  	v43 =	vld.idx.msk [tilespmem:v18+s21+$0x0], $0xffff;
	v57 =	vand.u32 $0x7F, v47;
	v59 =	vshll.u32 v50, $0x1;
	v51 =	vshll.u32 v21, $0x1  }
0x218: {  	v44 =	vld.idx.msk [tilespmem:v22+s21+$0x0], $0xffff;
	v52 =	vand.u32 $0x7F, v21;
	v49 =	vshll.u32 v47, $0x1;
	v40 =	vand.u32 $0x7FFFFF00, v51  }
0x219: {  	v16 =	vld.idx.msk [tilespmem:v63+s23+$0x0], $0xffff;
	v61 =	vand.u32 $0x7F, v50;
	v58 =	vand.u32 $0x7FFFFF00, v49;
	v36 =	vor.u32 v40, v52  }
0x21a: {  	v19 =	vld.idx.msk [tilespmem:v19+s23+$0x0], $0xffff;
	v54 =	vor.u32 $0x80, v36;
	v36 =	vand.u32 $0x7FFFFF00, v55;
	v55 =	vadd.s32 s15, v9  }
0x21b: {  	v56 =	vor.u32 v36, v48;
	v48 =	vor.u32 v58, v57;
	v62 =	vshll.u32 v55, $0x1;
	v10 =	vld.idx.msk [tilespmem:v10+s20+$0x0], $0xffff  }
0x21c: {  	v40 =	vld.idx.msk [tilespmem:v15+s21+$0x0], $0xffff;
	v15 =	vor.u32 $0x80, v56;
	v18 =	vor.u32 $0x80, v48;
	v48 =	vand.u32 $0x7FFFFF00, v59  }
0x21d: {  	v46 =	vld.idx.msk [tilespmem:v46+s21+$0x0], $0xffff;
	v56 =	vand.u32 $0x7F, v55;
	v49 =	vand.u32 $0x7FFFFF00, v62;
	v48 =	vor.u32 v48, v61  }
0x21e: {  	v12 =	vadd.f32 v53, v12;
	v17 =	vld.idx.msk [tilespmem:v17+s23+$0x0], $0xffff;
	v63 =	vor.u32 $0x80, v48;
	v48 =	vor.u32 v49, v56;
	v36 =	vpop (erf)  }
0x21f: {  	vm0 =	vmmov vm12;
	v20 =	vmin.f32 v14, v20;
	v54 =	vld.idx.msk [tilespmem:v54+s20+$0x0], $0xffff;
	v57 =	vor.u32 $0x80, v48;
	v60 =	vpop (erf)  }
0x220: {  	v14 =	vsel vm6, v14, v20;
	v22 =	vimm.s32 $0x0;
	v11 =	vld.idx.msk [tilespmem:v11+s23+$0x0], $0xffff;
	v12 =	vmul.f32 v60, v12  }
0x221: {  	vm8 =	veq.s32 v16, v19;
	v51 =	vmax.f32 v13, v45;
	v45 =	vmin.f32 v14, v45;
	v15 =	vld.idx.msk [tilespmem:v15+s20+$0x0], $0xffff  }
0x222: {  	v13 =	vsel vm11, v51, v13;
	v51 =	vsel vm11, v14, v45;
	v18 =	vld.idx.msk [tilespmem:v18+s20+$0x0], $0xffff;
	v12 =	vsub.f32 $0.0e+00, v12  }
0x223: {  	v19 =	vsel vm8, $0x3F800000, v1;
	v53 =	vmin.f32 v51, v42;
	v59 =	vadd.f32 $0.0e+00, v40;
	v10 =	vld.idx.msk [tilespmem:v10+s23+$0x0], $0xffff  }
0x224: {  	vm12 =	veq.s32 v16, v17;
	v58 =	vmax.f32 v13, v42;
	v20 =	vld.idx.msk [tilespmem:v57+s20+$0x0], $0xffff;
	v12 =	vmul.f32 $1.442695020e+00, v12  }
0x225: {  	v45 =	vld.idx.msk [tilespmem:v23+s21+$0x0], $0xffff;
	v42 =	vnsel vm12, $0x0, v44;
	v60 =	vnsel vm8, $0x0, v59;
	vm13 =	veq.s32 v16, v11  }
0x226: {  	v61 =	vnsel vm13, $0x0, v43;
	v62 =	vsel vm13, $0x3F800000, v1;
	(erf) = vpow2.f32 v12;
	v12 =	vld.idx.msk [tilespmem:v63+s20+$0x0], $0xffff  }
0x227: {  	v52 =	vsel vm4, v58, v13;
	v14 =	vadd.f32 v61, v60;
	v19 =	vadd.f32 v62, v19;
	v11 =	vld.idx.msk [tilespmem:v54+s23+$0x0], $0xffff  }
0x228: {  	v49 =	vld.idx.msk [tilespmem:v21+s21+$0x0], $0xffff;
	v48 =	vsel vm12, $0x3F800000, v1;
	v13 =	vsel vm8, $0x0, v59;
	v63 =	vsel vm13, $0x0, v43  }
0x229: {  	v14 =	vadd.f32 v42, v14;
	v19 =	vadd.f32 v48, v19;
	v15 =	vld.idx.msk [tilespmem:v15+s23+$0x0], $0xffff;
	vm9 =	veq.s32 v16, v10  }
0x22a: {  	v10 =	vadd.f32 v63, v13;
	v18 =	vld.idx.msk [tilespmem:v18+s23+$0x0], $0xffff;
	v54 =	vnsel vm9, $0x0, v45;
	v56 =	vsel vm9, $0x3F800000, v1  }
0x22b: {  	v60 =	vimm.s32 $0x0;
	v48 =	vld.idx.msk [tilespmem:v47+s21+$0x0], $0xffff;
	v13 =	vadd.f32 v54, v14;
	v57 =	vadd.f32 v56, v19  }
0x22c: {  	vm11 =	veq.s32 v16, v11;
	v11 =	vsel vm12, $0x0, v44;
	v61 =	vld.idx.msk [tilespmem:v20+s23+$0x0], $0xffff;
	v20 =	vadd.s32 s12, v3  }
0x22d: {  	v58 =	vnsel vm11, $0x0, v49;
	v59 =	vsel vm11, $0x3F800000, v1;
	v10 =	vadd.f32 v11, v10  }
0x22e: {  	v56 =	vshll.u32 v20, $0x1;
	v13 =	vadd.f32 v58, v13;
	vm15 =	veq.s32 v16, v15;
	v12 =	vld.idx.msk [tilespmem:v12+s23+$0x0], $0xffff  }
0x22f: {  	v42 =	vld.idx.msk [tilespmem:v50+s21+$0x0], $0xffff;
	v14 =	vadd.f32 v59, v57;
	vm10 =	veq.s32 v16, v18;
	v11 =	vnsel vm15, $0x0, v46  }
0x230: {  	v57 =	vand.u32 $0x7F, v20;
	v15 =	vsel vm15, $0x3F800000, v1;
	v11 =	vadd.f32 v11, v13  }
0x231: {  	v17 =	vsel vm15, $0xFFFFFFFF, v60;
	v63 =	vnsel vm10, $0x0, v48;
	v62 =	vadd.f32 v15, v14  }
0x232: {  	v18 =	vsel vm10, $0x3F800000, v1;
	vm1 =	veq.s32 v16, v61;
	v11 =	vadd.f32 v63, v11  }
0x233: {  	v13 =	vadd.f32 v18, v62;
	vm5 =	veq.s32 v16, v12;
	v16 =	vsel vm1, $0x3F800000, v1  }
0x234: {  	v12 =	vnsel vm5, $0x0, v42;
	v21 =	vsel vm5, $0x3F800000, v1;
	v18 =	vsel vm5, $0xFFFFFFFF, v22  }
0x235: {  	v22 =	vand.u32 $0x7FFFFF00, v56;
	v56 =	vimm.s32 $0x0;
	[tilespmem:$0x1FEC0] =	vst v18;
	v18 =	vadd.s32 s12, v0  }
0x236: {  	v13 =	vadd.f32 v21, v13;
	v21 =	vor.u32 v22, v57;
	v22 =	vadd.s32 s12, v4  }
0x237: {  	v11 =	vadd.f32 v12, v11;
	v56 =	vsel vm1, $0xFFFFFFFF, v56;
	v23 =	vshll.u32 v18, $0x1  }
0x238: {  	v47 =	vand.u32 $0x7F, v18;
	v21 =	vor.u32 $0x80, v21;
	v58 =	vshll.u32 v22, $0x1  }
0x239: {  	v59 =	vand.u32 $0x7F, v22;
	v13 =	vadd.f32 v16, v13;
	v16 =	vadd.s32 s12, v2  }
0x23a: {  	[tilespmem:$0x1FED0] =	vst v56;
	v56 =	vadd.s32 s12, v6;
	v15 =	vand.u32 $0x7FFFFF00, v23;
	v50 =	vshll.u32 v16, $0x1  }
0x23b: {  	v23 =	vand.u32 $0x7FFFFF00, v58;
	v54 =	vand.u32 $0x7F, v16;
	v19 =	vand.u32 $0x7FFFFF00, v50  }
0x23c: {  	v63 =	vshll.u32 v56, $0x1;
	v15 =	vor.u32 v47, v15;
	v19 =	vor.u32 v19, v54  }
0x23d: {  	v58 =	vand.u32 $0x7F, v56;
	v60 =	vor.u32 v23, v59;
	v19 =	vor.u32 $0x80, v19  }
0x23e: {  	[tilespmem:$0x1FEB0] =	vst v17;
	v20 =	vld.idx.msk [tilespmem:v20+s21+$0x0], $0xffff;
	v17 =	vor.u32 $0x80, v15;
	(erf) = vrcp.f32 v13;
	v54 =	vadd.s32 s12, v5  }
0x23f: {  	v47 =	vld.idx.msk [tilespmem:v55+s21+$0x0], $0xffff;
	v12 =	vor.u32 $0x80, v60;
	v50 =	vand.u32 $0x7FFFFF00, v63;
	v61 =	vshll.u32 v54, $0x1  }
0x240: {  	v50 =	vor.u32 v50, v58;
	v62 =	vand.u32 $0x7F, v54;
	v21 =	vld.idx.msk [tilespmem:v21+s20+$0x0], $0xffff;
	v23 =	vand.u32 $0x7FFFFF00, v61  }
0x241: {  	v60 =	vor.u32 $0x80, v50;
	v15 =	vld.idx.msk [tilespmem:v15+s20+$0x0], $0xffff;
	v23 =	vor.u32 v23, v62  }
0x242: {  	v23 =	vor.u32 $0x80, v23;
	v19 =	vld.idx.msk [tilespmem:v19+s20+$0x0], $0xffff  }
0x243: {  	v51 =	vsel vm4, v51, v53;
	v14 =	vsel vm9, $0x0, v45;
	v57 =	vadd.s32 s12, v7;
	v17 =	vld.idx.msk [tilespmem:v17+s20+$0x0], $0xffff  }
0x244: {  	v53 =	vsel vm10, $0x0, v48;
	v10 =	vadd.f32 v14, v10;
	v59 =	vshll.u32 v57, $0x1;
	v18 =	vld.idx.msk [tilespmem:v18+s21+$0x0], $0xffff  }
0x245: {  	v14 =	vmax.f32 v52, v41;
	v59 =	vand.u32 $0x7FFFFF00, v59;
	v58 =	vand.u32 $0x7F, v57;
	v12 =	vld.idx.msk [tilespmem:v12+s20+$0x0], $0xffff  }
0x246: {  	v58 =	vor.u32 v59, v58;
	v59 =	vadd.s32 s12, v8;
	v55 =	vnsel vm1, $0x0, v47;
	v60 =	vld.idx.msk [tilespmem:v60+s20+$0x0], $0xffff  }
0x247: {  	v50 =	vpop (erf);
	v11 =	vadd.f32 v55, v11;
	v55 =	vor.u32 $0x80, v58;
	v58 =	vshll.u32 v59, $0x1;
	v23 =	vld.idx.msk [tilespmem:v23+s20+$0x0], $0xffff  }
0x248: {  	v63 =	vadd.s32 s12, v9;
	v62 =	vand.u32 $0x7F, v59;
	v58 =	vand.u32 $0x7FFFFF00, v58;
	v61 =	vpop (erf);
	v21 =	vld.idx.msk [tilespmem:v21+s23+$0x0], $0xffff  }
0x249: {  	v58 =	vor.u32 v58, v62;
	v11 =	vmul.f32 v61, v11;
	v61 =	vshll.u32 v63, $0x1;
	v15 =	vld.idx.msk [tilespmem:v15+s23+$0x0], $0xffff  }
0x24a: {  	v62 =	vand.u32 $0x7F, v63;
	v58 =	vor.u32 $0x80, v58;
	v61 =	vand.u32 $0x7FFFFF00, v61;
	v19 =	vld.idx.msk [tilespmem:v19+s23+$0x0], $0xffff  }
0x24b: {  	v14 =	vsel vm3, v14, v52;
	v61 =	vor.u32 v61, v62;
	v11 =	vmul.f32 $1.442695020e+00, v11;
	v17 =	vld.idx.msk [tilespmem:v17+s23+$0x0], $0xffff  }
0x24c: {  	v13 =	vsub.f32 $9.000000000e+00, v13;
	v52 =	vld.idx.msk [tilespmem:v55+s20+$0x0], $0xffff;
	v62 =	vsel vm11, $0x0, v49;
	v61 =	vor.u32 $0x80, v61  }
0x24d: {  	v10 =	vadd.f32 v62, v10;
	v12 =	vld.idx.msk [tilespmem:v12+s23+$0x0], $0xffff;
	(erf) = vpow2.f32 v11;
	v11 =	vmin.f32 v51, v41  }
0x24e: {  	v55 =	vsel vm15, $0x0, v46;
	(erf) = vrcp.f32 v13;
	v11 =	vsel vm3, v51, v11;
	v41 =	vld.idx.msk [tilespmem:v60+s23+$0x0], $0xffff  }
0x24f: {  	v10 =	vadd.f32 v55, v10;
	v51 =	vmax.f32 v14, v39;
	vm14 =	veq.s32 v15, v19;
	v19 =	vld.idx.msk [tilespmem:v58+s20+$0x0], $0xffff  }
0x250: {  	v60 =	vsel vm5, $0x0, v42;
	v14 =	vsel vm2, v51, v14;
	vm7 =	veq.s32 v15, v17;
	v23 =	vld.idx.msk [tilespmem:v23+s23+$0x0], $0xffff  }
0x251: {  	v10 =	vadd.f32 v53, v10;
	v17 =	vld.idx.msk [tilespmem:v61+s20+$0x0], $0xffff;
	v58 =	vsel vm7, $0x3F800000, v1;
	v62 =	vsel vm14, $0x3F800000, v1  }
0x252: {  	vm6 =	veq.s32 v15, v21;
	v21 =	vadd.f32 $0.0e+00, v18;
	v13 =	vadd.f32 v62, v58  }
0x253: {  	v55 =	vsel vm6, $0x3F800000, v1;
	vm15 =	veq.s32 v15, v12;
	v12 =	vld.idx.msk [tilespmem:v16+s21+$0x0], $0xffff;
	v53 =	vnsel vm6, $0x0, v20  }
0x254: {  	v16 =	vld.idx.msk [tilespmem:v22+s21+$0x0], $0xffff;
	v61 =	vsel vm15, $0x3F800000, v1;
	v58 =	vmin.f32 v11, v39;
	v13 =	vadd.f32 v55, v13  }
0x255: {  	v10 =	vadd.f32 v60, v10;
	v62 =	vld.idx.msk [tilespmem:v52+s23+$0x0], $0xffff;
	v11 =	vsel vm2, v11, v58;
	vm3 =	veq.s32 v15, v23  }
0x256: {  	v58 =	vsel vm1, $0x0, v47;
	vm1 =	veq.s32 v15, v41;
	v13 =	vadd.f32 v61, v13  }
0x257: {  	v39 =	vpop (erf);
	v55 =	vmax.f32 v14, v38;
	v23 =	vsel vm3, $0x3F800000, v1;
	v10 =	vadd.f32 v58, v10;
	v19 =	vld.idx.msk [tilespmem:v19+s23+$0x0], $0xffff  }
0x258: {  	v51 =	vnsel vm14, $0x0, v12;
	v60 =	vpop (erf);
	v14 =	vsel vm0, v55, v14;
	v13 =	vadd.f32 v23, v13  }
0x259: {  	v55 =	vnsel vm15, $0x0, v16;
	v61 =	vsel vm1, $0x3F800000, v1;
	v17 =	vld.idx.msk [tilespmem:v17+s23+$0x0], $0xffff;
	v10 =	vmul.f32 v60, v10  }
0x25a: {  	v58 =	vmax.f32 v14, v37;
	vm2 =	veq.s32 v15, v62;
	v13 =	vadd.f32 v61, v13  }
0x25b: {  	v62 =	vnsel vm7, $0x0, v21;
	v21 =	vsel vm7, $0x0, v21;
	v52 =	vsel vm2, $0x3F800000, v1  }
0x25c: {  	v22 =	vadd.f32 v51, v62;
	v23 =	vld.idx.msk [tilespmem:v54+s21+$0x0], $0xffff;
	v13 =	vadd.f32 v52, v13;
	vm4 =	veq.s32 v15, v19  }
0x25d: {  	v10 =	vsub.f32 $0.0e+00, v10;
	v62 =	vnsel vm13, $0xFF800000, v43;
	v54 =	vsel vm4, $0x3F800000, v1  }
0x25e: {  	vm5 =	veq.s32 v15, v17;
	v19 =	vadd.f32 v53, v22;
	v22 =	vld.idx.msk [tilespmem:v56+s21+$0x0], $0xffff;
	v13 =	vadd.f32 v54, v13  }
0x25f: {  	v10 =	vmul.f32 $1.442695020e+00, v10;
	v17 =	vsel vm5, $0x3F800000, v1;
	v56 =	vmin.f32 v11, v38  }
0x260: {  	v11 =	vsel vm0, v11, v56;
	v15 =	vadd.f32 v55, v19;
	v19 =	vld.idx.msk [tilespmem:v57+s21+$0x0], $0xffff;
	v13 =	vadd.f32 v17, v13  }
0x261: {  	(erf) = vpow2.f32 v10;
	v10 =	vnsel vm3, $0x0, v23;
	v60 =	vmin.f32 v11, v37;
	v37 =	vld.idx.msk [tilespmem:v63+s21+$0x0], $0xffff  }
0x262: {  	v63 =	vsel vm13, $0x7F800000, v43;
	v10 =	vadd.f32 v10, v15;
	v17 =	vld.idx.msk [tilespmem:v59+s21+$0x0], $0xffff;
	(erf) = vrcp.f32 v13  }
0x263: {  	v51 =	vmax.f32 v40, v62;
	v40 =	vmin.f32 v40, v63;
	v61 =	vnsel vm1, $0x0, v22  }
0x264: {  	v59 =	vld [tilespmem:$0x1FEA0];
	v15 =	vsel vm8, v51, v62;
	v38 =	vsel vm8, v63, v40;
	v10 =	vadd.f32 v61, v10  }
0x265: {  	v62 =	vsel vm6, $0x0, v20;
	v63 =	vsel vm15, $0x0, v16;
	v52 =	vnsel vm2, $0x0, v19  }
0x266: {  	v53 =	vmax.f32 v15, v44;
	v55 =	vmin.f32 v38, v44;
	v10 =	vadd.f32 v52, v10  }
0x267: {  	v51 =	vsel vm1, $0x0, v22;
	v15 =	vsel vm12, v53, v15;
	v54 =	vnsel vm4, $0x0, v17  }
0x268: {  	v38 =	vsel vm12, v38, v55;
	v13 =	vsub.f32 $9.000000000e+00, v13;
	v10 =	vadd.f32 v54, v10  }
0x269: {  	v53 =	vnsel vm14, $0xFF800000, v12;
	v57 =	vnsel vm5, $0x0, v37;
	vm0 =	vnez.u8 v59  }
0x26a: {  	v43 =	vpop (erf);
	v14 =	vsel vm0, v58, v14;
	v58 =	vsel vm14, $0x0, v12;
	v10 =	vadd.f32 v57, v10  }
0x26b: {  	v56 =	vmax.f32 v15, v45;
	v11 =	vsel vm0, v11, v60;
	v21 =	vadd.f32 v58, v21;
	v60 =	vpop (erf)  }
0x26c: {  	v55 =	vmax.f32 v18, v53;
	v15 =	vsel vm9, v56, v15;
	v10 =	vmul.f32 v60, v10  }
0x26d: {  	v59 =	vmin.f32 v38, v45;
	v61 =	vmax.f32 v15, v49;
	v45 =	vld [tilespmem:$0x1FEB0];
	v21 =	vadd.f32 v62, v21  }
0x26e: {  	v56 =	vsel vm4, $0x0, v17;
	v38 =	vsel vm9, v38, v59;
	v10 =	vmul.f32 $1.442695020e+00, v10  }
0x26f: {  	v15 =	vsel vm11, v61, v15;
	v54 =	vsel vm2, $0x0, v19;
	v21 =	vadd.f32 v63, v21  }
0x270: {  	v40 =	vmin.f32 v38, v49;
	(erf) = vpow2.f32 v10;
	v10 =	vsel vm3, $0x0, v23  }
0x271: {  	v38 =	vsel vm11, v38, v40;
	v40 =	vld [tilespmem:$0x1FEC0];
	v10 =	vadd.f32 v10, v21;
	(erf) = vrcp.f32 v13  }
0x272: {  	v12 =	vsel vm14, $0x7F800000, v12;
	v44 =	vmax.f32 v15, v46;
	vm13 =	vnez.u8 v45  }
0x273: {  	v59 =	vsel vm5, $0x0, v37;
	v15 =	vsel vm13, v44, v15;
	v10 =	vadd.f32 v51, v10  }
0x274: {  	v18 =	vmin.f32 v18, v12;
	v11 =	vsub.f32 v14, v11;
	v49 =	vmax.f32 v15, v48  }
0x275: {  	v12 =	vsel vm7, v12, v18;
	v15 =	vsel vm10, v49, v15;
	v10 =	vadd.f32 v54, v10  }
0x276: {  	v46 =	vmin.f32 v38, v46;
	vm14 =	vnez.u8 v40;
	v61 =	vmax.f32 v15, v42  }
0x277: {  	v11 =	vmax.f32 v11, $0.0e+00;
	v15 =	vsel vm14, v61, v15;
	v10 =	vadd.f32 v56, v10  }
0x278: {  	v49 =	vmax.f32 v15, v47;
	v13 =	vsel vm13, v38, v46;
	v21 =	vsel vm7, v55, v53  }
0x279: {  	v52 =	vmin.f32 v13, v48;
	v57 =	vmax.f32 v21, v20;
	v38 =	vpop (erf);
	v10 =	vadd.f32 v59, v10  }
0x27a: {  	v20 =	vmin.f32 v12, v20;
	v48 =	vadd.f32 v35, v32;
	v13 =	vsel vm10, v13, v52;
	v62 =	vpop (erf)  }
0x27b: {  	v58 =	vsel vm6, v57, v21;
	v12 =	vsel vm6, v12, v20;
	v10 =	vmul.f32 v62, v10  }
0x27c: {  	v51 =	vsub.f32 v33, v34;
	v60 =	vmax.f32 v58, v16;
	v16 =	vmin.f32 v12, v16  }
0x27d: {  	v42 =	vmin.f32 v13, v42;
	v55 =	vadd.f32 v48, v31;
	v10 =	vsub.f32 $0.0e+00, v10  }
0x27e: {  	v52 =	vld [tilespmem:$0x1FED0];
	v18 =	vsel vm15, v60, v58;
	v12 =	vsel vm15, v12, v16;
	v13 =	vsel vm14, v13, v42  }
0x27f: {  	v57 =	vmax.f32 v51, $0.0e+00;
	v63 =	vmax.f32 v18, v23;
	v10 =	vmul.f32 $1.442695020e+00, v10  }
0x280: {  	v60 =	vadd.f32 v43, v39;
	v44 =	vmin.f32 v12, v23;
	v41 =	vsel vm3, v63, v18  }
0x281: {  	v12 =	vsel vm3, v12, v44;
	v45 =	vmax.f32 v41, v22;
	(erf) = vpow2.f32 v10  }
0x282: {  	v56 =	vadd.f32 v50, v36;
	v46 =	vmin.f32 v12, v22;
	v16 =	vsel vm1, v45, v41  }
0x283: {  	vm15 =	vnez.u8 v52;
	v12 =	vsel vm1, v12, v46;
	v53 =	vmax.f32 v16, v19  }
0x284: {  	v15 =	vsel vm15, v49, v15;
	v19 =	vmin.f32 v12, v19;
	v54 =	vsel vm2, v53, v16  }
0x285: {  	v12 =	vsel vm2, v12, v19;
	v19 =	vadd.f32 v57, v30;
	v16 =	vadd.f32 v56, v55  }
0x286: {  	v58 =	vmax.f32 v54, v17;
	v59 =	vmin.f32 v12, v17;
	v10 =	vmin.f32 v13, v47  }
0x287: {  	s11 =	sadd.s32 $0x4, s11;
	v12 =	vsel vm4, v12, v59;
	v10 =	vsel vm15, v13, v10;
	v13 =	vsel vm4, v58, v54  }
0x288: {  	p1 =	slt.u32 s11, $0xC;
	v62 =	vmin.f32 v12, v37;
	v10 =	vsub.f32 v15, v10;
	v61 =	vmax.f32 v13, v37  }
.Ltmp6:
0x289: {  	v11 =	vadd.f32 v11, v19;
	v12 =	vsel vm5, v12, v62;
	v13 =	vsel vm5, v61, v13;
	(pc) =	sbr.rel @p1 .LBB2_6-.Ltmp6, $4  }
0x28a: {  	v14 =	vadd.f32 v60, v16;
	v10 =	vmax.f32 v10, $0.0e+00;
	v12 =	vsub.f32 v13, v12;
	v63 =	vpop (erf)  }
0x28b: {  	v10 =	vadd.f32 v10, v11;
	v11 =	vadd.f32 v63, v38  }
0x28c: {  	v12 =	vmax.f32 v12, $0.0e+00  }
0x28d: {  	s12 =	sadd.s32 $0x240, s12;
	v30 =	vadd.f32 v12, v10;
	v31 =	vadd.f32 v11, v14  }
0x28e: {  	v10 =	vld [tilespmem:$0x1F4F0];
	_ =	sdelay $0x1  }
0x28f: {  	v11 =	vld [tilespmem:$0x1F570]  }
.Ltmp7:
0x290: {  	_ = 	snop;
	(pc) =	sbr.rel .LBB2_10-.Ltmp7, $3  }
0x291: {  	_ = 	snop  }
0x292: {  	v10 =	vadd.f32 v10, v31;
	_ =	sdelay $0x1  }
0x293: {  	v30 =	vadd.f32 v11, v30;
	[tilespmem:$0x1F4F0] =	vst v10  }
.LBB2_8:
0x294: {  	p1 =	sne.s32 s11, $0x7A1  }
.Ltmp8:
0x295: {  	_ = 	snop;
	(pc) =	sbr.rel @p1 .LBB2_11-.Ltmp8, $1  }
0x296: {  	_ =	sdelay $0x3  }
0x297: {  	[tilespmem:s2], [sflag:$0x4] =	stream.linear.gather [hbm4b:s8+s6], $0x300, $0x38;
	[tilespmem:$0x1F5F0] =	vst v63  }
0x298: {  	_ =	swait.ge [sflag:s24], $0x300  }
0x299: {  	[sflag:s24] =	ssyncset.done $0x0  }
0x29a: {  	[sflag:s24] =	ssyncadd.s32 $0xFFFFFD00  }
0x29b: {  	[tilespmem:s31], [sflag:$0x4] =	stream.linear.gather [hbm4b:s3+s6], $0x180, $0x38;
	[tilespmem:$0x1F5F0] =	vst v63  }
0x29c: {  	_ =	swait.ge [sflag:s24], $0x180  }
0x29d: {  	v10 =	vld [tilespmem:$0x1FF20]  }
0x29e: {  	v11 =	vld [tilespmem:$0x1FF30]  }
0x29f: {  	v12 =	vld [tilespmem:$0x1FF40]  }
0x2a0: {  	v13 =	vld [tilespmem:$0x1FF50]  }
0x2a1: {  	v14 =	vld [tilespmem:$0x1FF60]  }
0x2a2: {  	v15 =	vld [tilespmem:$0x1FF70]  }
0x2a3: {  	v16 =	vld [tilespmem:$0x1FF80]  }
0x2a4: {  	[sflag:s24] =	ssyncset.done $0x0;
	v17 =	vld [tilespmem:$0x1FF90]  }
0x2a5: {  	v18 =	vld [tilespmem:$0x1FFA0];
	[sflag:s24] =	ssyncadd.s32 $0xFFFFFE80  }
0x2a6: {  	v10 =	vld.idx.msk [tilespmem:v10+s2+$0x0], $0xffff  }
0x2a7: {  	v11 =	vld.idx.msk [tilespmem:v11+s2+$0x0], $0xffff  }
0x2a8: {  	v12 =	vld.idx.msk [tilespmem:v12+s2+$0x0], $0xffff  }
0x2a9: {  	v19 =	vld [tilespmem:$0x1FFB0]  }
0x2aa: {  	v13 =	vld.idx.msk [tilespmem:v13+s2+$0x0], $0xffff  }
0x2ab: {  	v14 =	vld.idx.msk [tilespmem:v14+s2+$0x0], $0xffff  }
0x2ac: {  	v15 =	vld.idx.msk [tilespmem:v15+s2+$0x0], $0xffff  }
0x2ad: {  	v16 =	vld.idx.msk [tilespmem:v16+s2+$0x0], $0xffff  }
0x2ae: {  	v10 =	vld.idx.msk [tilespmem:v10+s23+$0x0], $0xffff  }
0x2af: {  	v11 =	vld.idx.msk [tilespmem:v11+s23+$0x0], $0xffff  }
0x2b0: {  	v12 =	vld.idx.msk [tilespmem:v12+s23+$0x0], $0xffff  }
0x2b1: {  	v17 =	vld.idx.msk [tilespmem:v17+s2+$0x0], $0xffff  }
0x2b2: {  	v13 =	vld.idx.msk [tilespmem:v13+s23+$0x0], $0xffff  }
0x2b3: {  	v18 =	vld.idx.msk [tilespmem:v18+s2+$0x0], $0xffff  }
0x2b4: {  	v14 =	vld.idx.msk [tilespmem:v14+s23+$0x0], $0xffff  }
0x2b5: {  	v19 =	vld.idx.msk [tilespmem:v19+s2+$0x0], $0xffff;
	vm6 =	veq.s32 v10, v11;
	vm8 =	veq.s32 v10, v12  }
0x2b6: {  	v11 =	vld.idx.msk [tilespmem:v15+s23+$0x0], $0xffff;
	v39 =	vsel vm6, $0x3F800000, v1;
	v40 =	vsel vm8, $0x3F800000, v1  }
0x2b7: {  	vm7 =	veq.s32 v10, v13;
	v12 =	vadd.f32 v40, v39  }
0x2b8: {  	v41 =	vld.idx.msk [tilespmem:v16+s23+$0x0], $0xffff;
	v13 =	vsel vm7, $0x3F800000, v1  }
0x2b9: {  	v33 =	vld.idx.msk [tilespmem:v0+s31+$0x0], $0xffff;
	vm5 =	veq.s32 v10, v14;
	v12 =	vadd.f32 v13, v12  }
0x2ba: {  	v43 =	vld.idx.msk [tilespmem:v17+s23+$0x0], $0xffff;
	v42 =	vsel vm5, $0x3F800000, v1  }
0x2bb: {  	v38 =	vld.idx.msk [tilespmem:v2+s31+$0x0], $0xffff;
	vm4 =	veq.s32 v10, v11;
	v12 =	vadd.f32 v42, v12  }
0x2bc: {  	v44 =	vld.idx.msk [tilespmem:v18+s23+$0x0], $0xffff;
	v11 =	vsel vm4, $0x3F800000, v1  }
0x2bd: {  	v34 =	vld.idx.msk [tilespmem:v3+s31+$0x0], $0xffff;
	vm3 =	veq.s32 v10, v41;
	v11 =	vadd.f32 v11, v12  }
0x2be: {  	v45 =	vadd.f32 $0.0e+00, v33;
	v46 =	vld.idx.msk [tilespmem:v19+s23+$0x0], $0xffff;
	v15 =	vsel vm3, $0x3F800000, v1  }
0x2bf: {  	v35 =	vld.idx.msk [tilespmem:v4+s31+$0x0], $0xffff;
	vm2 =	veq.s32 v10, v43;
	v11 =	vadd.f32 v15, v11  }
0x2c0: {  	v56 =	vld [tilespmem:$0x1FFC0];
	v47 =	vnsel vm6, $0x0, v45;
	v48 =	vnsel vm8, $0x0, v38;
	v49 =	vsel vm2, $0x3F800000, v1  }
0x2c1: {  	v36 =	vld.idx.msk [tilespmem:v5+s31+$0x0], $0xffff;
	vm1 =	veq.s32 v10, v44;
	v14 =	vadd.f32 v48, v47;
	v11 =	vadd.f32 v49, v11  }
0x2c2: {  	v59 =	vld [tilespmem:$0x1FFD0];
	v50 =	vnsel vm7, $0x0, v34;
	v51 =	vsel vm1, $0x3F800000, v1  }
0x2c3: {  	v37 =	vld.idx.msk [tilespmem:v6+s31+$0x0], $0xffff;
	vm0 =	veq.s32 v10, v46;
	v13 =	vadd.f32 v50, v14;
	v11 =	vadd.f32 v51, v11  }
0x2c4: {  	v60 =	vld [tilespmem:$0x1FFE0];
	v52 =	vsel vm0, $0x3F800000, v1;
	v10 =	vnsel vm5, $0x0, v35  }
0x2c5: {  	v32 =	vld.idx.msk [tilespmem:v7+s31+$0x0], $0xffff;
	v10 =	vadd.f32 v10, v13;
	v11 =	vadd.f32 v52, v11  }
0x2c6: {  	v53 =	vnsel vm4, $0x0, v36  }
0x2c7: {  	v31 =	vld.idx.msk [tilespmem:v8+s31+$0x0], $0xffff;
	v10 =	vadd.f32 v53, v10;
	(erf) = vrcp.f32 v11  }
0x2c8: {  	v21 =	vld [tilespmem:$0x1FFF0];
	v54 =	vnsel vm3, $0x0, v37  }
0x2c9: {  	v30 =	vld.idx.msk [tilespmem:v9+s31+$0x0], $0xffff;
	v10 =	vadd.f32 v54, v10  }
0x2ca: {  	v58 =	vimm.s32 $0x0;
	v55 =	vnsel vm2, $0x0, v32  }
0x2cb: {  	v14 =	vld.idx.msk [tilespmem:v56+s2+$0x0], $0xffff;
	v15 =	vsel vm1, $0xFFFFFFFF, v58;
	v10 =	vadd.f32 v55, v10  }
0x2cc: {  	v57 =	vnsel vm1, $0x0, v31;
	[tilespmem:$0x1FE80] =	vst v15;
	v15 =	vld.idx.msk [tilespmem:v59+s2+$0x0], $0xffff  }
0x2cd: {  	v13 =	vld.idx.msk [tilespmem:v60+s2+$0x0], $0xffff;
	v10 =	vadd.f32 v57, v10  }
0x2ce: {  	v62 =	vnsel vm0, $0x0, v30  }
0x2cf: {  	v20 =	vld.idx.msk [tilespmem:v27+s2+$0x0], $0xffff;
	v10 =	vadd.f32 v62, v10  }
0x2d0: {  	v16 =	vld.idx.msk [tilespmem:v21+s2+$0x0], $0xffff;
	v23 =	vpop (erf)  }
0x2d1: {  	v41 =	vld.idx.msk [tilespmem:v25+s2+$0x0], $0xffff;
	v10 =	vmul.f32 v23, v10  }
0x2d2: {  	v39 =	vld.idx.msk [tilespmem:v24+s2+$0x0], $0xffff  }
0x2d3: {  	v46 =	vadd.s32 $0x90, v0;
	v14 =	vld.idx.msk [tilespmem:v14+s23+$0x0], $0xffff;
	v10 =	vmul.f32 $1.442695020e+00, v10  }
0x2d4: {  	v61 =	vsel vm8, $0x0, v38;
	v12 =	vsel vm6, $0x0, v45;
	v11 =	vsub.f32 $9.000000000e+00, v11;
	v15 =	vld.idx.msk [tilespmem:v15+s23+$0x0], $0xffff  }
0x2d5: {  	v12 =	vadd.f32 v61, v12;
	(erf) = vpow2.f32 v10;
	v10 =	vld.idx.msk [tilespmem:v13+s23+$0x0], $0xffff  }
0x2d6: {  	v22 =	vsel vm7, $0x0, v34;
	(erf) = vrcp.f32 v11;
	v11 =	vld.idx.msk [tilespmem:v26+s2+$0x0], $0xffff  }
0x2d7: {  	v63 =	vimm.s32 $0x0;
	v21 =	vld.idx.msk [tilespmem:v28+s2+$0x0], $0xffff;
	v12 =	vadd.f32 v22, v12  }
0x2d8: {  	v18 =	vsel vm0, $0xFFFFFFFF, v63;
	v40 =	vsel vm5, $0x0, v35;
	v44 =	vld.idx.msk [tilespmem:v16+s23+$0x0], $0xffff  }
0x2d9: {  	v43 =	vsel vm3, $0x0, v37;
	v63 =	vadd.s32 $0x97, v0;
	v19 =	vld.idx.msk [tilespmem:v46+s31+$0x0], $0xffff;
	v12 =	vadd.f32 v40, v12  }
0x2da: {  	v48 =	vsel vm1, $0x0, v31;
	v42 =	vsel vm4, $0x0, v36;
	v47 =	vld.idx.msk [tilespmem:v39+s23+$0x0], $0xffff;
	v49 =	vadd.s32 $0x91, v0  }
0x2db: {  	v22 =	vld.idx.msk [tilespmem:v29+s2+$0x0], $0xffff;
	v12 =	vadd.f32 v42, v12;
	vm9 =	veq.s32 v14, v15;
	vm15 =	veq.s32 v14, v10  }
0x2dc: {  	v56 =	vadd.s32 $0x94, v0;
	v15 =	vsel vm9, $0x3F800000, v1;
	v10 =	vld.idx.msk [tilespmem:v41+s23+$0x0], $0xffff;
	v50 =	vsel vm15, $0x3F800000, v1  }
0x2dd: {  	v20 =	vld.idx.msk [tilespmem:v20+s23+$0x0], $0xffff;
	v12 =	vadd.f32 v43, v12;
	vm10 =	veq.s32 v14, v44;
	v15 =	vadd.f32 v50, v15  }
0x2de: {  	v45 =	vsel vm2, $0x0, v32;
	v51 =	vadd.s32 $0x92, v0;
	v52 =	vsel vm10, $0x3F800000, v1;
	v11 =	vld.idx.msk [tilespmem:v11+s23+$0x0], $0xffff  }
0x2df: {  	vm12 =	veq.s32 v14, v47;
	v12 =	vadd.f32 v45, v12;
	v15 =	vadd.f32 v52, v15  }
0x2e0: {  	v54 =	vadd.s32 $0x93, v0;
	v58 =	vadd.f32 $0.0e+00, v19;
	v17 =	vld.idx.msk [tilespmem:v49+s31+$0x0], $0xffff;
	v55 =	vsel vm12, $0x3F800000, v1  }
0x2e1: {  	v12 =	vadd.f32 v48, v12;
	vm11 =	veq.s32 v14, v10;
	v15 =	vadd.f32 v55, v15  }
0x2e2: {  	v21 =	vld.idx.msk [tilespmem:v21+s23+$0x0], $0xffff;
	vm14 =	veq.s32 v14, v20;
	v23 =	vsel vm0, $0x0, v30;
	v57 =	vsel vm11, $0x3F800000, v1  }
0x2e3: {  	v12 =	vadd.f32 v23, v12;
	v13 =	vld.idx.msk [tilespmem:v51+s31+$0x0], $0xffff;
	v39 =	vpop (erf);
	v15 =	vadd.f32 v57, v15;
	vm13 =	veq.s32 v14, v11  }
0x2e4: {  	v22 =	vld.idx.msk [tilespmem:v22+s23+$0x0], $0xffff;
	v40 =	vnsel vm9, $0x0, v58;
	v53 =	vpop (erf);
	v11 =	vadd.s32 $0x95, v0;
	v59 =	vsel vm13, $0x3F800000, v1  }
0x2e5: {  	v16 =	vld.idx.msk [tilespmem:v54+s31+$0x0], $0xffff;
	v60 =	vnsel vm15, $0x0, v17;
	v12 =	vmul.f32 v53, v12;
	v15 =	vadd.f32 v59, v15  }
0x2e6: {  	[tilespmem:$0x1FE90] =	vst v18;
	v61 =	vadd.s32 $0x96, v0;
	v41 =	vsel vm14, $0x3F800000, v1;
	v18 =	vadd.f32 v60, v40  }
0x2e7: {  	vm0 =	veq.s32 v14, v21;
	v10 =	vsub.f32 $0.0e+00, v12;
	v12 =	vld.idx.msk [tilespmem:v56+s31+$0x0], $0xffff;
	v15 =	vadd.f32 v41, v15  }
0x2e8: {  	v46 =	vadd.s32 $0x98, v0;
	v44 =	vsel vm0, $0x3F800000, v1;
	v62 =	vnsel vm10, $0x0, v13  }
0x2e9: {  	vm1 =	veq.s32 v14, v22;
	v18 =	vadd.f32 v62, v18;
	v11 =	vld.idx.msk [tilespmem:v11+s31+$0x0], $0xffff;
	v15 =	vadd.f32 v44, v15  }
0x2ea: {  	v45 =	vnsel vm12, $0x0, v16;
	v22 =	vsel vm1, $0x3F800000, v1;
	v10 =	vmul.f32 $1.442695020e+00, v10  }
0x2eb: {  	v14 =	vadd.f32 v45, v18;
	v18 =	vld.idx.msk [tilespmem:v61+s31+$0x0], $0xffff;
	v15 =	vadd.f32 v22, v15  }
0x2ec: {  	(erf) = vpow2.f32 v10;
	v10 =	vnsel vm11, $0x0, v12  }
0x2ed: {  	v10 =	vadd.f32 v10, v14;
	v14 =	vld.idx.msk [tilespmem:v63+s31+$0x0], $0xffff;
	(erf) = vrcp.f32 v15  }
0x2ee: {  	v47 =	vnsel vm13, $0x0, v11  }
0x2ef: {  	v20 =	vld.idx.msk [tilespmem:v46+s31+$0x0], $0xffff;
	v10 =	vadd.f32 v47, v10  }
0x2f0: {  	v48 =	vnsel vm14, $0x0, v18  }
0x2f1: {  	v10 =	vadd.f32 v48, v10  }
0x2f2: {  	v49 =	vnsel vm0, $0x0, v14  }
0x2f3: {  	v10 =	vadd.f32 v49, v10  }
0x2f4: {  	v50 =	vnsel vm1, $0x0, v20  }
0x2f5: {  	v23 =	vsel vm9, $0x0, v58;
	v51 =	vsel vm15, $0x0, v17;
	v22 =	vpop (erf);
	v10 =	vadd.f32 v50, v10  }
0x2f6: {  	v54 =	vsel vm10, $0x0, v13;
	v52 =	vadd.f32 v51, v23;
	v53 =	vpop (erf)  }
0x2f7: {  	v55 =	vnsel vm8, $0xFF800000, v38;
	v38 =	vsel vm8, $0x7F800000, v38;
	v10 =	vmul.f32 v53, v10  }
0x2f8: {  	v21 =	vadd.f32 v54, v52;
	v56 =	vmax.f32 v33, v55;
	v57 =	vsel vm12, $0x0, v16  }
0x2f9: {  	v33 =	vmin.f32 v33, v38;
	v23 =	vsel vm6, v56, v55;
	v10 =	vmul.f32 $1.442695020e+00, v10  }
0x2fa: {  	v21 =	vadd.f32 v57, v21;
	v33 =	vsel vm6, v38, v33;
	v15 =	vsub.f32 $9.000000000e+00, v15  }
0x2fb: {  	v58 =	vmax.f32 v23, v34;
	(erf) = vpow2.f32 v10;
	v10 =	vsel vm11, $0x0, v12  }
0x2fc: {  	v59 =	vmin.f32 v33, v34;
	v10 =	vadd.f32 v10, v21;
	(erf) = vrcp.f32 v15  }
0x2fd: {  	v61 =	vsel vm14, $0x0, v18;
	v63 =	vsel vm1, $0x0, v20;
	v60 =	vsel vm13, $0x0, v11  }
0x2fe: {  	v15 =	vsel vm7, v58, v23;
	v21 =	vsel vm7, v33, v59;
	v10 =	vadd.f32 v60, v10  }
0x2ff: {  	v62 =	vsel vm0, $0x0, v14;
	v23 =	vmax.f32 v15, v35;
	v33 =	vmin.f32 v21, v35  }
0x300: {  	v50 =	vld [tilespmem:$0x1FE90];
	v15 =	vsel vm5, v23, v15;
	v21 =	vsel vm5, v21, v33;
	v10 =	vadd.f32 v61, v10  }
0x301: {  	v55 =	vadd.f32 v22, v39;
	v23 =	vmax.f32 v15, v36;
	v33 =	vmin.f32 v21, v36  }
0x302: {  	v15 =	vsel vm4, v23, v15;
	v21 =	vsel vm4, v21, v33;
	v10 =	vadd.f32 v62, v10  }
0x303: {  	v57 =	vadd.f32 $0.0e+00, v55;
	v23 =	vmax.f32 v15, v37;
	v33 =	vmin.f32 v21, v37  }
0x304: {  	v37 =	vnsel vm15, $0xFF800000, v17;
	v17 =	vsel vm15, $0x7F800000, v17;
	v36 =	vpop (erf);
	v10 =	vadd.f32 v63, v10  }
0x305: {  	vm15 =	vnez.u8 v50;
	v15 =	vsel vm3, v23, v15;
	v21 =	vsel vm3, v21, v33;
	v40 =	vpop (erf)  }
0x306: {  	v41 =	vmax.f32 v19, v37;
	v19 =	vmin.f32 v19, v17;
	v10 =	vmul.f32 v40, v10  }
0x307: {  	v38 =	vmax.f32 v15, v32;
	v33 =	vsel vm9, v41, v37;
	v17 =	vsel vm9, v17, v19  }
0x308: {  	v47 =	vld [tilespmem:$0x1FE80];
	v42 =	vmin.f32 v21, v32;
	v15 =	vsel vm2, v38, v15;
	v10 =	vsub.f32 $0.0e+00, v10  }
0x309: {  	v43 =	vmax.f32 v33, v13;
	v19 =	vsel vm2, v21, v42;
	v13 =	vmin.f32 v17, v13  }
0x30a: {  	v44 =	vsel vm10, v43, v33;
	v13 =	vsel vm10, v17, v13;
	v10 =	vmul.f32 $1.442695020e+00, v10  }
0x30b: {  	v46 =	vmax.f32 v15, v31;
	v45 =	vmax.f32 v44, v16;
	v16 =	vmin.f32 v13, v16  }
0x30c: {  	v17 =	vsel vm12, v45, v44;
	v13 =	vsel vm12, v13, v16;
	(erf) = vpow2.f32 v10  }
0x30d: {  	vm12 =	vnez.u8 v47;
	v48 =	vmax.f32 v17, v12;
	v12 =	vmin.f32 v13, v12  }
0x30e: {  	v15 =	vsel vm12, v46, v15;
	v16 =	vsel vm11, v48, v17;
	v12 =	vsel vm11, v13, v12  }
0x30f: {  	v49 =	vmax.f32 v15, v30;
	v17 =	vmax.f32 v16, v11;
	v11 =	vmin.f32 v12, v11  }
0x310: {  	v16 =	vsel vm13, v17, v16;
	v11 =	vsel vm13, v12, v11;
	v12 =	vsel vm15, v49, v15  }
0x311: {  	v10 =	vmin.f32 v19, v31;
	v52 =	vmax.f32 v16, v18;
	v53 =	vmin.f32 v11, v18  }
0x312: {  	v10 =	vsel vm12, v19, v10;
	v54 =	vsel vm14, v52, v16;
	v11 =	vsel vm14, v11, v53  }
0x313: {  	v51 =	vmin.f32 v10, v30;
	v16 =	vmax.f32 v54, v14;
	v14 =	vmin.f32 v11, v14  }
0x314: {  	v10 =	vsel vm15, v10, v51;
	v56 =	vsel vm0, v16, v54;
	v11 =	vsel vm0, v11, v14  }
0x315: {  	v61 =	vld [tilespmem:$0x1F4F0];
	v10 =	vsub.f32 v12, v10;
	v58 =	vmax.f32 v56, v20;
	v59 =	vmin.f32 v11, v20;
	v60 =	vpop (erf)  }
0x316: {  	v12 =	vsel vm1, v58, v56;
	v11 =	vsel vm1, v11, v59;
	v62 =	vadd.f32 v60, v36  }
0x317: {  	v63 =	vld [tilespmem:$0x1F570];
	v10 =	vmax.f32 v10, $0.0e+00;
	v11 =	vsub.f32 v12, v11  }
0x318: {  	v10 =	vadd.f32 $0.0e+00, v10;
	v13 =	vadd.f32 v62, v57  }
0x319: {  	v11 =	vmax.f32 v11, $0.0e+00  }
0x31a: {  	v10 =	vadd.f32 v11, v10;
	v11 =	vadd.f32 v13, v61;
	_ =	sdelay $0x1  }
0x31b: {  	v30 =	vadd.f32 v10, v63;
	[tilespmem:$0x1F4F0] =	vst v11  }
.LBB2_10:
0x31c: {  	_ = 	snop  }
0x31d: {  	[tilespmem:$0x1F570] =	vst v30  }
.LBB2_11:
0x31e: {  	s10 =	sadd.s32 s14, s10  }
0x31f: {  	p1 =	sgt.u32 s10, $0x7A0  }
.Ltmp9:
0x320: {  	_ = 	snop;
	(pc) =	sbr.rel @p1 .LBB2_15-.Ltmp9, $1  }
0x321: {  	_ =	sdelay $0x3  }
0x322: {  	_ =	swait.ge [sflag:s28], $0x1200  }
0x323: {  	[sflag:s28] =	ssyncset.done $0x0  }
0x324: {  	s11 =	sadd.s32 $0x40, s10;
	p1 =	sgt.u32 s10, $0x760;
	[sflag:s28] =	ssyncadd.s32 $0xFFFFEE00  }
0x325: {  	s10 =	smul.u32 @!p1 $0x240, s11;
	_ =	swait.ge [sflag:s28], $0x900  }
0x326: {  	s12 =	simm.s32 @!p1 $0x0;
	s13 =	simm.s32 @!p1 $0x1BA70;
	[sflag:s28] =	ssyncset.done $0x0  }
0x327: {  	s11 =	smul.u32 @!p1 $0x120, s11;
	s10 =	sadd.s32 @!p1 s0, s10;
	[sflag:s28] =	ssyncadd.s32 $0xFFFFF700  }
0x328: {  	[tilespmem:s13], [sflag:$0x2] =	stream.linear.gather @!p1 [hbm4b:s10+s12], $0x1200, $0x38;
	[tilespmem:$0x1F5F0] =	vst v63  }
0x329: {  	s10 =	sadd.s32 @!p1 s1, s11;
	s11 =	simm.s32 @!p1 $0x1CC70  }
0x32a: {  	[tilespmem:s11], [sflag:$0x2] =	stream.linear.gather @!p1 [hbm4b:s10+s12], $0x900, $0x38;
	[tilespmem:$0x1F5F0] =	vst v63  }
0x32b: {  	v30 =	vimm.f32 $0.0e+00;
	v31 =	vimm.f32 $0.0e+00;
	s10 =	simm.s32 $0xFFFFFFFC;
	s11 =	simm.s32 $0x1B0  }
.LBB2_13:
0x32c: {  	s12 =	sadd.s32 $0xFFFFFE50, s11  }
0x32d: {  	v10 =	vadd.s32 s12, v0  }
0x32e: {  	v42 =	vadd.s32 s12, v2;
	v43 =	vadd.s32 s12, v3;
	v44 =	vadd.s32 s12, v4  }
0x32f: {  	v20 =	vadd.s32 s12, v5;
	v46 =	vadd.s32 s12, v6;
	v11 =	vshll.u32 v10, $0x1  }
0x330: {  	v12 =	vand.u32 $0x7F, v10;
	v14 =	vshll.u32 v42, $0x1;
	v15 =	vand.u32 $0x7F, v42  }
0x331: {  	v16 =	vshll.u32 v43, $0x1;
	v17 =	vand.u32 $0x7F, v43;
	v18 =	vshll.u32 v44, $0x1  }
0x332: {  	v19 =	vand.u32 $0x7F, v44;
	v22 =	vshll.u32 v46, $0x1;
	v11 =	vand.u32 $0x1F00, v11  }
0x333: {  	v32 =	vand.u32 $0x7F, v46;
	v14 =	vand.u32 $0x1F00, v14;
	v11 =	vor.u32 v12, v11  }
0x334: {  	v16 =	vand.u32 $0x1F00, v16;
	v14 =	vor.u32 v14, v15;
	v13 =	vor.u32 $0x80, v11  }
0x335: {  	v18 =	vand.u32 $0x1F00, v18;
	v16 =	vor.u32 v16, v17;
	v14 =	vor.u32 $0x80, v14  }
0x336: {  	v22 =	vand.u32 $0x1F00, v22;
	v18 =	vor.u32 v18, v19;
	v16 =	vor.u32 $0x80, v16  }
0x337: {  	v45 =	vshll.u32 v20, $0x1;
	v22 =	vor.u32 v22, v32;
	v18 =	vor.u32 $0x80, v18;
	v10 =	vld.idx.msk [tilespmem:v10+s30+$0x0], $0xffff  }
0x338: {  	v21 =	vand.u32 $0x7F, v20;
	v19 =	vand.u32 $0x1F00, v45;
	v22 =	vor.u32 $0x80, v22;
	v11 =	vld.idx.msk [tilespmem:v11+s29+$0x0], $0xffff  }
0x339: {  	v19 =	vor.u32 v19, v21;
	v13 =	vld.idx.msk [tilespmem:v13+s29+$0x0], $0xffff  }
0x33a: {  	v19 =	vor.u32 $0x80, v19;
	v14 =	vld.idx.msk [tilespmem:v14+s29+$0x0], $0xffff  }
0x33b: {  	v23 =	vadd.s32 s12, v7;
	v16 =	vld.idx.msk [tilespmem:v16+s29+$0x0], $0xffff  }
0x33c: {  	v33 =	vshll.u32 v23, $0x1;
	v18 =	vld.idx.msk [tilespmem:v18+s29+$0x0], $0xffff  }
0x33d: {  	v47 =	vand.u32 $0x7F, v23;
	v33 =	vand.u32 $0x1F00, v33;
	v22 =	vld.idx.msk [tilespmem:v22+s29+$0x0], $0xffff  }
0x33e: {  	v32 =	vor.u32 v33, v47;
	v33 =	vadd.s32 s12, v8;
	v12 =	vld.idx.msk [tilespmem:v42+s30+$0x0], $0xffff  }
0x33f: {  	v34 =	vshll.u32 v33, $0x1;
	v19 =	vld.idx.msk [tilespmem:v19+s29+$0x0], $0xffff  }
0x340: {  	v35 =	vand.u32 $0x7F, v33;
	v34 =	vand.u32 $0x1F00, v34;
	v11 =	vld.idx.msk [tilespmem:v11+s23+$0x0], $0xffff  }
0x341: {  	v34 =	vor.u32 v34, v35;
	v13 =	vld.idx.msk [tilespmem:v13+s23+$0x0], $0xffff  }
0x342: {  	v36 =	vadd.s32 s12, v9;
	v34 =	vor.u32 $0x80, v34;
	v14 =	vld.idx.msk [tilespmem:v14+s23+$0x0], $0xffff  }
0x343: {  	v48 =	vshll.u32 v36, $0x1;
	v16 =	vld.idx.msk [tilespmem:v16+s23+$0x0], $0xffff  }
0x344: {  	v37 =	vand.u32 $0x7F, v36;
	v32 =	vor.u32 $0x80, v32;
	v35 =	vand.u32 $0x1F00, v48;
	v52 =	vld.idx.msk [tilespmem:v18+s23+$0x0], $0xffff  }
0x345: {  	v35 =	vor.u32 v35, v37;
	v22 =	vld.idx.msk [tilespmem:v22+s23+$0x0], $0xffff  }
0x346: {  	v15 =	vld.idx.msk [tilespmem:v43+s30+$0x0], $0xffff;
	v35 =	vor.u32 $0x80, v35  }
0x347: {  	v34 =	vld.idx.msk [tilespmem:v34+s29+$0x0], $0xffff  }
0x348: {  	v17 =	vld.idx.msk [tilespmem:v44+s30+$0x0], $0xffff  }
0x349: {  	v50 =	vld.idx.msk [tilespmem:v32+s29+$0x0], $0xffff;
	v49 =	vadd.f32 $0.0e+00, v10;
	vm0 =	veq.s32 v11, v13;
	vm1 =	veq.s32 v11, v14  }
0x34a: {  	v19 =	vld.idx.msk [tilespmem:v19+s23+$0x0], $0xffff;
	vm15 =	veq.s32 v11, v16;
	vm5 =	veq.s32 v11, v52;
	vm3 =	veq.s32 v11, v22  }
0x34b: {  	v35 =	vld.idx.msk [tilespmem:v35+s29+$0x0], $0xffff;
	v51 =	vnsel vm0, $0x0, v49;
	v53 =	vsel vm0, $0x3F800000, v1;
	v37 =	vsel vm0, $0x0, v49  }
0x34c: {  	v20 =	vld.idx.msk [tilespmem:v20+s30+$0x0], $0xffff;
	v38 =	vnsel vm1, $0x0, v12;
	v54 =	vsel vm1, $0x3F800000, v1;
	v39 =	vsel vm1, $0x0, v12  }
0x34d: {  	v45 =	vld.idx.msk [tilespmem:v46+s30+$0x0], $0xffff;
	v55 =	vnsel vm1, $0xFF800000, v12;
	v12 =	vsel vm1, $0x7F800000, v12;
	v58 =	vsel vm15, $0x3F800000, v1  }
0x34e: {  	v59 =	vnsel vm15, $0x0, v15;
	v14 =	vsel vm5, $0x3F800000, v1;
	v61 =	vsel vm15, $0x0, v15  }
0x34f: {  	s13 =	sadd.s32 $0xFFFFFEE0, s11;
	v34 =	vld.idx.msk [tilespmem:v34+s23+$0x0], $0xffff;
	vm4 =	veq.s32 v11, v19;
	v40 =	vnsel vm5, $0x0, v17;
	v41 =	vsel vm5, $0x0, v17  }
0x350: {  	v19 =	vadd.s32 s13, v0;
	v32 =	vadd.f32 v38, v51;
	v18 =	vadd.f32 v54, v53  }
0x351: {  	v37 =	vadd.f32 v39, v37;
	v56 =	vmax.f32 v10, v55;
	v10 =	vmin.f32 v10, v12  }
0x352: {  	v13 =	vld.idx.msk [tilespmem:v50+s23+$0x0], $0xffff;
	v38 =	vsel vm3, $0x3F800000, v1;
	v48 =	vsel vm4, $0x0, v20;
	v53 =	vnsel vm3, $0x0, v45  }
0x353: {  	v39 =	vld.idx.msk [tilespmem:v35+s23+$0x0], $0xffff;
	v54 =	vsel vm3, $0x0, v45;
	v35 =	vadd.s32 s13, v3;
	v57 =	vsel vm0, v56, v55  }
0x354: {  	v10 =	vsel vm0, v12, v10;
	vm8 =	veq.s32 v11, v34;
	v18 =	vadd.f32 v58, v18  }
0x355: {  	v60 =	vadd.f32 v59, v32;
	v62 =	vadd.f32 v61, v37;
	v63 =	vmax.f32 v57, v15  }
0x356: {  	v21 =	vld.idx.msk [tilespmem:v23+s30+$0x0], $0xffff;
	v37 =	vsel vm4, $0x3F800000, v1;
	v15 =	vmin.f32 v10, v15;
	v46 =	vsel vm8, $0x3F800000, v1  }
0x357: {  	v58 =	vand.u32 $0x7F, v19;
	v16 =	vsel vm15, v63, v57;
	v10 =	vsel vm15, v10, v15  }
0x358: {  	vm2 =	veq.s32 v11, v13;
	v57 =	vshll.u32 v19, $0x1;
	v14 =	vadd.f32 v14, v18  }
0x359: {  	v63 =	vadd.s32 s13, v2;
	v12 =	vadd.f32 v40, v60;
	v42 =	vsel vm2, $0x3F800000, v1  }
0x35a: {  	v43 =	vmax.f32 v16, v17;
	v13 =	vadd.f32 v41, v62;
	v14 =	vadd.f32 v37, v14  }
0x35b: {  	v17 =	vmin.f32 v10, v17;
	v56 =	vnsel vm2, $0x0, v21;
	v40 =	vadd.s32 s13, v8  }
0x35c: {  	v44 =	vsel vm5, v43, v16;
	vm9 =	veq.s32 v11, v39;
	v14 =	vadd.f32 v38, v14  }
0x35d: {  	v10 =	vsel vm5, v10, v17;
	v11 =	vnsel vm4, $0x0, v20;
	v17 =	vld.idx.msk [tilespmem:v36+s30+$0x0], $0xffff;
	v36 =	vadd.s32 s13, v4  }
0x35e: {  	v39 =	vadd.s32 s13, v7;
	v41 =	vshll.u32 v40, $0x1;
	v14 =	vadd.f32 v42, v14  }
0x35f: {  	v47 =	vsel vm9, $0x3F800000, v1;
	v49 =	vmax.f32 v44, v20;
	v11 =	vadd.f32 v11, v12  }
0x360: {  	v50 =	vadd.f32 v48, v13;
	v52 =	vmin.f32 v10, v20;
	v14 =	vadd.f32 v46, v14  }
0x361: {  	v20 =	vand.u32 $0x7FFFFF00, v57;
	v48 =	vand.u32 $0x7F, v36;
	v37 =	vadd.s32 s13, v5  }
0x362: {  	v41 =	vand.u32 $0x7FFFFF00, v41;
	v51 =	vsel vm4, v49, v44;
	v14 =	vadd.f32 v47, v14  }
0x363: {  	v10 =	vsel vm4, v10, v52;
	v15 =	vor.u32 v58, v20;
	v44 =	vand.u32 $0x7F, v63  }
0x364: {  	v18 =	vld.idx.msk [tilespmem:v33+s30+$0x0], $0xffff;
	v11 =	vadd.f32 v53, v11;
	v12 =	vadd.f32 v54, v50;
	(erf) = vrcp.f32 v14  }
0x365: {  	v55 =	vmax.f32 v51, v45;
	v16 =	vmin.f32 v10, v45;
	v62 =	vor.u32 $0x80, v15  }
0x366: {  	v45 =	vshll.u32 v35, $0x1;
	v54 =	vshll.u32 v39, $0x1;
	v42 =	vshll.u32 v63, $0x1  }
0x367: {  	v13 =	vsel vm3, v55, v51;
	v10 =	vsel vm3, v10, v16;
	v16 =	vand.u32 $0x7FFFFF00, v42  }
0x368: {  	v11 =	vadd.f32 v56, v11;
	v42 =	vand.u32 $0x7F, v40;
	v16 =	vor.u32 v16, v44  }
0x369: {  	v59 =	vnsel vm8, $0x0, v18;
	v41 =	vor.u32 v41, v42;
	v16 =	vor.u32 $0x80, v16  }
0x36a: {  	v20 =	vand.u32 $0x7FFFFF00, v45;
	v11 =	vadd.f32 v59, v11;
	v41 =	vor.u32 $0x80, v41  }
0x36b: {  	v55 =	vand.u32 $0x7F, v39;
	v34 =	vand.u32 $0x7FFFFF00, v54;
	v61 =	vnsel vm9, $0x0, v17  }
0x36c: {  	v33 =	vor.u32 v34, v55;
	v15 =	vld.idx.msk [tilespmem:v15+s29+$0x0], $0xffff;
	v46 =	vand.u32 $0x7F, v35;
	v11 =	vadd.f32 v61, v11  }
0x36d: {  	v49 =	vshll.u32 v37, $0x1;
	v33 =	vor.u32 $0x80, v33;
	v22 =	vld.idx.msk [tilespmem:v62+s29+$0x0], $0xffff;
	v20 =	vor.u32 v20, v46;
	v43 =	vpop (erf)  }
0x36e: {  	v38 =	vadd.s32 s13, v6;
	v20 =	vor.u32 $0x80, v20;
	v16 =	vld.idx.msk [tilespmem:v16+s29+$0x0], $0xffff;
	v11 =	vmul.f32 v43, v11  }
0x36f: {  	v50 =	vand.u32 $0x7F, v37;
	v52 =	vshll.u32 v38, $0x1;
	v47 =	vshll.u32 v36, $0x1;
	v46 =	vld.idx.msk [tilespmem:v41+s29+$0x0], $0xffff  }
0x370: {  	v19 =	vld.idx.msk [tilespmem:v19+s30+$0x0], $0xffff;
	v32 =	vand.u32 $0x7FFFFF00, v47;
	v43 =	vadd.s32 s13, v9;
	v11 =	vmul.f32 $1.442695020e+00, v11  }
0x371: {  	v23 =	vld.idx.msk [tilespmem:v63+s30+$0x0], $0xffff;
	v14 =	vsub.f32 $9.000000000e+00, v14;
	v57 =	vshll.u32 v43, $0x1;
	v45 =	vand.u32 $0x7F, v43  }
0x372: {  	v63 =	vld.idx.msk [tilespmem:v33+s29+$0x0], $0xffff;
	v42 =	vand.u32 $0x7FFFFF00, v57;
	(erf) = vpow2.f32 v11;
	v11 =	vor.u32 v32, v48  }
0x373: {  	v20 =	vld.idx.msk [tilespmem:v20+s29+$0x0], $0xffff;
	v59 =	vor.u32 v42, v45;
	v32 =	vand.u32 $0x7FFFFF00, v49;
	v11 =	vor.u32 $0x80, v11  }
0x374: {  	v53 =	vand.u32 $0x7F, v38;
	v15 =	vld.idx.msk [tilespmem:v15+s23+$0x0], $0xffff;
	v61 =	vor.u32 $0x80, v59;
	v51 =	vor.u32 v32, v50  }
0x375: {  	v22 =	vld.idx.msk [tilespmem:v22+s23+$0x0], $0xffff;
	(erf) = vrcp.f32 v14;
	v32 =	vand.u32 $0x7FFFFF00, v52;
	v14 =	vor.u32 $0x80, v51  }
0x376: {  	v56 =	vmax.f32 v13, v21;
	v16 =	vld.idx.msk [tilespmem:v16+s23+$0x0], $0xffff;
	v32 =	vor.u32 v32, v53  }
0x377: {  	v60 =	vsel vm2, $0x0, v21;
	v13 =	vsel vm2, v56, v13;
	v56 =	vld.idx.msk [tilespmem:v46+s23+$0x0], $0xffff;
	v32 =	vor.u32 $0x80, v32  }
0x378: {  	v12 =	vadd.f32 v60, v12;
	v11 =	vld.idx.msk [tilespmem:v11+s29+$0x0], $0xffff  }
0x379: {  	v21 =	vmin.f32 v10, v21;
	v44 =	vsel vm8, $0x0, v18;
	v49 =	vld.idx.msk [tilespmem:v61+s29+$0x0], $0xffff  }
0x37a: {  	v10 =	vsel vm2, v10, v21;
	v12 =	vadd.f32 v44, v12;
	v62 =	vmax.f32 v13, v18;
	v14 =	vld.idx.msk [tilespmem:v14+s29+$0x0], $0xffff  }
0x37b: {  	v60 =	vsel vm9, $0x0, v17;
	v18 =	vmin.f32 v10, v18;
	v13 =	vsel vm8, v62, v13;
	v20 =	vld.idx.msk [tilespmem:v20+s23+$0x0], $0xffff  }
0x37c: {  	v10 =	vsel vm8, v10, v18;
	v12 =	vadd.f32 v60, v12;
	vm10 =	veq.s32 v15, v22;
	v58 =	vld.idx.msk [tilespmem:v32+s29+$0x0], $0xffff  }
0x37d: {  	v45 =	vmax.f32 v13, v17;
	v17 =	vmin.f32 v10, v17;
	v48 =	vsel vm10, $0x3F800000, v1;
	v53 =	vld.idx.msk [tilespmem:v63+s23+$0x0], $0xffff;
	v32 =	vpop (erf)  }
0x37e: {  	v34 =	vsel vm9, v10, v17;
	vm7 =	veq.s32 v15, v16;
	v50 =	vadd.f32 $0.0e+00, v19;
	v33 =	vpop (erf)  }
0x37f: {  	vm12 =	veq.s32 v15, v56;
	v16 =	vsel vm7, $0x3F800000, v1;
	v12 =	vmul.f32 v33, v12  }
0x380: {  	vm6 =	veq.s32 v15, v20;
	v54 =	vnsel vm7, $0x0, v23;
	v57 =	vsel vm7, $0x0, v23;
	v11 =	vld.idx.msk [tilespmem:v11+s23+$0x0], $0xffff  }
0x381: {  	v20 =	vsel vm6, $0x3F800000, v1;
	v55 =	vsel vm10, $0x0, v50;
	v12 =	vsub.f32 $0.0e+00, v12;
	v18 =	vld.idx.msk [tilespmem:v49+s23+$0x0], $0xffff  }
0x382: {  	v61 =	vsel vm7, $0x7F800000, v23;
	vm2 =	veq.s32 v15, v53;
	v47 =	vld.idx.msk [tilespmem:v14+s23+$0x0], $0xffff;
	v14 =	vadd.f32 v16, v48  }
0x383: {  	v62 =	vsel vm2, $0x3F800000, v1;
	v33 =	vsel vm9, v45, v13;
	v45 =	vld.idx.msk [tilespmem:v36+s30+$0x0], $0xffff;
	v12 =	vmul.f32 $1.442695020e+00, v12  }
0x384: {  	v36 =	vsel vm12, $0x3F800000, v1;
	v51 =	vld.idx.msk [tilespmem:v58+s23+$0x0], $0xffff;
	v58 =	vnsel vm7, $0xFF800000, v23;
	v10 =	vadd.f32 v20, v14  }
0x385: {  	(erf) = vpow2.f32 v12;
	v12 =	vadd.f32 v57, v55;
	vm11 =	veq.s32 v15, v11  }
0x386: {  	v20 =	vld.idx.msk [tilespmem:v35+s30+$0x0], $0xffff;
	v60 =	vmax.f32 v19, v58;
	v35 =	vmin.f32 v19, v61;
	v52 =	vsel vm11, $0x3F800000, v1  }
0x387: {  	v42 =	vld.idx.msk [tilespmem:v37+s30+$0x0], $0xffff;
	vm13 =	veq.s32 v15, v18;
	vm4 =	veq.s32 v15, v47;
	v10 =	vadd.f32 v52, v10  }
0x388: {  	v39 =	vld.idx.msk [tilespmem:v39+s30+$0x0], $0xffff;
	v14 =	vsel vm10, v61, v35;
	v11 =	vnsel vm10, $0x0, v50;
	v13 =	vsel vm4, $0x3F800000, v1  }
0x389: {  	v41 =	vld.idx.msk [tilespmem:v38+s30+$0x0], $0xffff;
	v44 =	vsel vm13, $0x3F800000, v1;
	vm3 =	veq.s32 v15, v51;
	v10 =	vadd.f32 v13, v10  }
0x38a: {  	vm14 =	vmmov vm13;
	v11 =	vadd.f32 v54, v11;
	v59 =	vsel vm3, $0x3F800000, v1  }
0x38b: {  	s15 =	sadd.s32 $0xFFFFFF70, s11;
	v38 =	vnsel vm11, $0x0, v45;
	v47 =	vsel vm11, $0x0, v45;
	v10 =	vadd.f32 v59, v10  }
0x38c: {  	v48 =	vnsel vm4, $0x0, v42;
	v49 =	vsel vm4, $0x0, v42;
	v15 =	vadd.s32 s15, v0  }
0x38d: {  	v52 =	vnsel vm2, $0x0, v39;
	v63 =	vnsel vm6, $0x0, v20;
	v10 =	vadd.f32 v62, v10  }
0x38e: {  	v37 =	vsel vm6, $0x0, v20;
	v50 =	vnsel vm3, $0x0, v41;
	v51 =	vsel vm3, $0x0, v41  }
0x38f: {  	v53 =	vshll.u32 v15, $0x1;
	v11 =	vadd.f32 v63, v11;
	v10 =	vadd.f32 v36, v10  }
0x390: {  	v54 =	vand.u32 $0x7F, v15;
	v13 =	vsel vm10, v60, v58;
	v12 =	vadd.f32 v37, v12  }
0x391: {  	v18 =	vand.u32 $0x7FFFFF00, v53;
	v11 =	vadd.f32 v38, v11;
	v10 =	vadd.f32 v44, v10  }
0x392: {  	v58 =	vimm.s32 $0x0;
	v46 =	vmax.f32 v13, v20;
	v17 =	vor.u32 v54, v18  }
0x393: {  	v18 =	vadd.s32 s15, v2;
	v38 =	vld.idx.msk [tilespmem:v40+s30+$0x0], $0xffff;
	v11 =	vadd.f32 v48, v11;
	(erf) = vrcp.f32 v10  }
0x394: {  	v37 =	vld.idx.msk [tilespmem:v43+s30+$0x0], $0xffff;
	v22 =	vsel vm13, $0xFFFFFFFF, v58;
	v12 =	vadd.f32 v47, v12;
	v13 =	vsel vm6, v46, v13  }
0x395: {  	v56 =	vor.u32 $0x80, v17;
	v57 =	vshll.u32 v18, $0x1;
	v11 =	vadd.f32 v50, v11  }
0x396: {  	[tilespmem:$0x1FE40] =	vst v22;
	v60 =	vand.u32 $0x7F, v18;
	v22 =	vadd.s32 s15, v3;
	v46 =	vsel vm2, $0x0, v39  }
0x397: {  	v21 =	vand.u32 $0x7FFFFF00, v57;
	v12 =	vadd.f32 v49, v12;
	v11 =	vadd.f32 v52, v11  }
0x398: {  	v21 =	vor.u32 v21, v60;
	v62 =	vshll.u32 v22, $0x1;
	v55 =	vnsel vm12, $0x0, v38  }
0x399: {  	v59 =	vnsel vm13, $0x0, v37;
	v21 =	vor.u32 $0x80, v21;
	v11 =	vadd.f32 v55, v11  }
0x39a: {  	v23 =	vand.u32 $0x7FFFFF00, v62;
	v12 =	vadd.f32 v51, v12;
	v44 =	vand.u32 $0x7F, v22  }
0x39b: {  	v35 =	vpop (erf);
	v53 =	vsel vm14, $0x0, v37;
	v63 =	vld.idx.msk [tilespmem:v17+s29+$0x0], $0xffff;
	v17 =	vor.u32 v23, v44;
	v11 =	vadd.f32 v59, v11  }
0x39c: {  	v50 =	vsel vm12, $0x0, v38;
	v12 =	vadd.f32 v46, v12;
	v17 =	vor.u32 $0x80, v17;
	v61 =	vpop (erf)  }
0x39d: {  	v46 =	vadd.s32 s15, v6;
	v23 =	vadd.s32 s15, v4;
	v11 =	vmul.f32 v61, v11  }
0x39e: {  	v19 =	vld.idx.msk [tilespmem:v56+s29+$0x0], $0xffff;
	v47 =	vshll.u32 v23, $0x1;
	v10 =	vsub.f32 $9.000000000e+00, v10;
	v48 =	vand.u32 $0x7F, v23  }
0x39f: {  	v12 =	vadd.f32 v50, v12;
	v55 =	vshll.u32 v46, $0x1;
	v11 =	vmul.f32 $1.442695020e+00, v11  }
0x3a0: {  	v50 =	vadd.s32 s15, v8;
	v40 =	vand.u32 $0x7FFFFF00, v47;
	v47 =	vadd.s32 s15, v7  }
0x3a1: {  	v49 =	vor.u32 v40, v48;
	v48 =	vand.u32 $0x7F, v46;
	v17 =	vld.idx.msk [tilespmem:v17+s29+$0x0], $0xffff;
	(erf) = vpow2.f32 v11  }
0x3a2: {  	v11 =	vld.idx.msk [tilespmem:v21+s29+$0x0], $0xffff;
	v21 =	vadd.s32 s15, v5;
	(erf) = vrcp.f32 v10;
	v10 =	vor.u32 $0x80, v49  }
0x3a3: {  	v43 =	vld.idx.msk [tilespmem:v18+s30+$0x0], $0xffff;
	v57 =	vand.u32 $0x7F, v47;
	v59 =	vshll.u32 v50, $0x1;
	v51 =	vshll.u32 v21, $0x1  }
0x3a4: {  	v44 =	vld.idx.msk [tilespmem:v22+s30+$0x0], $0xffff;
	v52 =	vand.u32 $0x7F, v21;
	v49 =	vshll.u32 v47, $0x1;
	v40 =	vand.u32 $0x7FFFFF00, v51  }
0x3a5: {  	v16 =	vld.idx.msk [tilespmem:v63+s23+$0x0], $0xffff;
	v61 =	vand.u32 $0x7F, v50;
	v58 =	vand.u32 $0x7FFFFF00, v49;
	v36 =	vor.u32 v40, v52  }
0x3a6: {  	v19 =	vld.idx.msk [tilespmem:v19+s23+$0x0], $0xffff;
	v54 =	vor.u32 $0x80, v36;
	v36 =	vand.u32 $0x7FFFFF00, v55;
	v55 =	vadd.s32 s15, v9  }
0x3a7: {  	v56 =	vor.u32 v36, v48;
	v48 =	vor.u32 v58, v57;
	v62 =	vshll.u32 v55, $0x1;
	v10 =	vld.idx.msk [tilespmem:v10+s29+$0x0], $0xffff  }
0x3a8: {  	v40 =	vld.idx.msk [tilespmem:v15+s30+$0x0], $0xffff;
	v15 =	vor.u32 $0x80, v56;
	v18 =	vor.u32 $0x80, v48;
	v48 =	vand.u32 $0x7FFFFF00, v59  }
0x3a9: {  	v46 =	vld.idx.msk [tilespmem:v46+s30+$0x0], $0xffff;
	v56 =	vand.u32 $0x7F, v55;
	v49 =	vand.u32 $0x7FFFFF00, v62;
	v48 =	vor.u32 v48, v61  }
0x3aa: {  	v12 =	vadd.f32 v53, v12;
	v17 =	vld.idx.msk [tilespmem:v17+s23+$0x0], $0xffff;
	v63 =	vor.u32 $0x80, v48;
	v48 =	vor.u32 v49, v56;
	v36 =	vpop (erf)  }
0x3ab: {  	vm0 =	vmmov vm12;
	v20 =	vmin.f32 v14, v20;
	v54 =	vld.idx.msk [tilespmem:v54+s29+$0x0], $0xffff;
	v57 =	vor.u32 $0x80, v48;
	v60 =	vpop (erf)  }
0x3ac: {  	v14 =	vsel vm6, v14, v20;
	v22 =	vimm.s32 $0x0;
	v11 =	vld.idx.msk [tilespmem:v11+s23+$0x0], $0xffff;
	v12 =	vmul.f32 v60, v12  }
0x3ad: {  	vm8 =	veq.s32 v16, v19;
	v51 =	vmax.f32 v13, v45;
	v45 =	vmin.f32 v14, v45;
	v15 =	vld.idx.msk [tilespmem:v15+s29+$0x0], $0xffff  }
0x3ae: {  	v13 =	vsel vm11, v51, v13;
	v51 =	vsel vm11, v14, v45;
	v18 =	vld.idx.msk [tilespmem:v18+s29+$0x0], $0xffff;
	v12 =	vsub.f32 $0.0e+00, v12  }
0x3af: {  	v19 =	vsel vm8, $0x3F800000, v1;
	v53 =	vmin.f32 v51, v42;
	v59 =	vadd.f32 $0.0e+00, v40;
	v10 =	vld.idx.msk [tilespmem:v10+s23+$0x0], $0xffff  }
0x3b0: {  	vm12 =	veq.s32 v16, v17;
	v58 =	vmax.f32 v13, v42;
	v20 =	vld.idx.msk [tilespmem:v57+s29+$0x0], $0xffff;
	v12 =	vmul.f32 $1.442695020e+00, v12  }
0x3b1: {  	v45 =	vld.idx.msk [tilespmem:v23+s30+$0x0], $0xffff;
	v42 =	vnsel vm12, $0x0, v44;
	v60 =	vnsel vm8, $0x0, v59;
	vm13 =	veq.s32 v16, v11  }
0x3b2: {  	v61 =	vnsel vm13, $0x0, v43;
	v62 =	vsel vm13, $0x3F800000, v1;
	(erf) = vpow2.f32 v12;
	v12 =	vld.idx.msk [tilespmem:v63+s29+$0x0], $0xffff  }
0x3b3: {  	v52 =	vsel vm4, v58, v13;
	v14 =	vadd.f32 v61, v60;
	v19 =	vadd.f32 v62, v19;
	v11 =	vld.idx.msk [tilespmem:v54+s23+$0x0], $0xffff  }
0x3b4: {  	v49 =	vld.idx.msk [tilespmem:v21+s30+$0x0], $0xffff;
	v48 =	vsel vm12, $0x3F800000, v1;
	v13 =	vsel vm8, $0x0, v59;
	v63 =	vsel vm13, $0x0, v43  }
0x3b5: {  	v14 =	vadd.f32 v42, v14;
	v19 =	vadd.f32 v48, v19;
	v15 =	vld.idx.msk [tilespmem:v15+s23+$0x0], $0xffff;
	vm9 =	veq.s32 v16, v10  }
0x3b6: {  	v10 =	vadd.f32 v63, v13;
	v18 =	vld.idx.msk [tilespmem:v18+s23+$0x0], $0xffff;
	v54 =	vnsel vm9, $0x0, v45;
	v56 =	vsel vm9, $0x3F800000, v1  }
0x3b7: {  	v60 =	vimm.s32 $0x0;
	v48 =	vld.idx.msk [tilespmem:v47+s30+$0x0], $0xffff;
	v13 =	vadd.f32 v54, v14;
	v57 =	vadd.f32 v56, v19  }
0x3b8: {  	vm11 =	veq.s32 v16, v11;
	v11 =	vsel vm12, $0x0, v44;
	v61 =	vld.idx.msk [tilespmem:v20+s23+$0x0], $0xffff;
	v20 =	vadd.s32 s11, v3  }
0x3b9: {  	v58 =	vnsel vm11, $0x0, v49;
	v59 =	vsel vm11, $0x3F800000, v1;
	v10 =	vadd.f32 v11, v10  }
0x3ba: {  	v56 =	vshll.u32 v20, $0x1;
	v13 =	vadd.f32 v58, v13;
	vm15 =	veq.s32 v16, v15;
	v12 =	vld.idx.msk [tilespmem:v12+s23+$0x0], $0xffff  }
0x3bb: {  	v42 =	vld.idx.msk [tilespmem:v50+s30+$0x0], $0xffff;
	v14 =	vadd.f32 v59, v57;
	vm10 =	veq.s32 v16, v18;
	v11 =	vnsel vm15, $0x0, v46  }
0x3bc: {  	v57 =	vand.u32 $0x7F, v20;
	v15 =	vsel vm15, $0x3F800000, v1;
	v11 =	vadd.f32 v11, v13  }
0x3bd: {  	v17 =	vsel vm15, $0xFFFFFFFF, v60;
	v63 =	vnsel vm10, $0x0, v48;
	v62 =	vadd.f32 v15, v14  }
0x3be: {  	v18 =	vsel vm10, $0x3F800000, v1;
	vm1 =	veq.s32 v16, v61;
	v11 =	vadd.f32 v63, v11  }
0x3bf: {  	v13 =	vadd.f32 v18, v62;
	vm5 =	veq.s32 v16, v12;
	v16 =	vsel vm1, $0x3F800000, v1  }
0x3c0: {  	v12 =	vnsel vm5, $0x0, v42;
	v21 =	vsel vm5, $0x3F800000, v1;
	v18 =	vsel vm5, $0xFFFFFFFF, v22  }
0x3c1: {  	v22 =	vand.u32 $0x7FFFFF00, v56;
	v56 =	vimm.s32 $0x0;
	[tilespmem:$0x1FE60] =	vst v18;
	v18 =	vadd.s32 s11, v0  }
0x3c2: {  	v13 =	vadd.f32 v21, v13;
	v21 =	vor.u32 v22, v57;
	v22 =	vadd.s32 s11, v4  }
0x3c3: {  	v11 =	vadd.f32 v12, v11;
	v56 =	vsel vm1, $0xFFFFFFFF, v56;
	v23 =	vshll.u32 v18, $0x1  }
0x3c4: {  	v47 =	vand.u32 $0x7F, v18;
	v21 =	vor.u32 $0x80, v21;
	v58 =	vshll.u32 v22, $0x1  }
0x3c5: {  	v59 =	vand.u32 $0x7F, v22;
	v13 =	vadd.f32 v16, v13;
	v16 =	vadd.s32 s11, v2  }
0x3c6: {  	[tilespmem:$0x1FE70] =	vst v56;
	v56 =	vadd.s32 s11, v6;
	v15 =	vand.u32 $0x7FFFFF00, v23;
	v50 =	vshll.u32 v16, $0x1  }
0x3c7: {  	v23 =	vand.u32 $0x7FFFFF00, v58;
	v54 =	vand.u32 $0x7F, v16;
	v19 =	vand.u32 $0x7FFFFF00, v50  }
0x3c8: {  	v63 =	vshll.u32 v56, $0x1;
	v15 =	vor.u32 v47, v15;
	v19 =	vor.u32 v19, v54  }
0x3c9: {  	v58 =	vand.u32 $0x7F, v56;
	v60 =	vor.u32 v23, v59;
	v19 =	vor.u32 $0x80, v19  }
0x3ca: {  	[tilespmem:$0x1FE50] =	vst v17;
	v20 =	vld.idx.msk [tilespmem:v20+s30+$0x0], $0xffff;
	v17 =	vor.u32 $0x80, v15;
	(erf) = vrcp.f32 v13;
	v54 =	vadd.s32 s11, v5  }
0x3cb: {  	v47 =	vld.idx.msk [tilespmem:v55+s30+$0x0], $0xffff;
	v12 =	vor.u32 $0x80, v60;
	v50 =	vand.u32 $0x7FFFFF00, v63;
	v61 =	vshll.u32 v54, $0x1  }
0x3cc: {  	v50 =	vor.u32 v50, v58;
	v62 =	vand.u32 $0x7F, v54;
	v21 =	vld.idx.msk [tilespmem:v21+s29+$0x0], $0xffff;
	v23 =	vand.u32 $0x7FFFFF00, v61  }
0x3cd: {  	v60 =	vor.u32 $0x80, v50;
	v15 =	vld.idx.msk [tilespmem:v15+s29+$0x0], $0xffff;
	v23 =	vor.u32 v23, v62  }
0x3ce: {  	v23 =	vor.u32 $0x80, v23;
	v19 =	vld.idx.msk [tilespmem:v19+s29+$0x0], $0xffff  }
0x3cf: {  	v51 =	vsel vm4, v51, v53;
	v14 =	vsel vm9, $0x0, v45;
	v57 =	vadd.s32 s11, v7;
	v17 =	vld.idx.msk [tilespmem:v17+s29+$0x0], $0xffff  }
0x3d0: {  	v53 =	vsel vm10, $0x0, v48;
	v10 =	vadd.f32 v14, v10;
	v59 =	vshll.u32 v57, $0x1;
	v18 =	vld.idx.msk [tilespmem:v18+s30+$0x0], $0xffff  }
0x3d1: {  	v14 =	vmax.f32 v52, v41;
	v59 =	vand.u32 $0x7FFFFF00, v59;
	v58 =	vand.u32 $0x7F, v57;
	v12 =	vld.idx.msk [tilespmem:v12+s29+$0x0], $0xffff  }
0x3d2: {  	v58 =	vor.u32 v59, v58;
	v59 =	vadd.s32 s11, v8;
	v55 =	vnsel vm1, $0x0, v47;
	v60 =	vld.idx.msk [tilespmem:v60+s29+$0x0], $0xffff  }
0x3d3: {  	v50 =	vpop (erf);
	v11 =	vadd.f32 v55, v11;
	v55 =	vor.u32 $0x80, v58;
	v58 =	vshll.u32 v59, $0x1;
	v23 =	vld.idx.msk [tilespmem:v23+s29+$0x0], $0xffff  }
0x3d4: {  	v63 =	vadd.s32 s11, v9;
	v62 =	vand.u32 $0x7F, v59;
	v58 =	vand.u32 $0x7FFFFF00, v58;
	v61 =	vpop (erf);
	v21 =	vld.idx.msk [tilespmem:v21+s23+$0x0], $0xffff  }
0x3d5: {  	v58 =	vor.u32 v58, v62;
	v11 =	vmul.f32 v61, v11;
	v61 =	vshll.u32 v63, $0x1;
	v15 =	vld.idx.msk [tilespmem:v15+s23+$0x0], $0xffff  }
0x3d6: {  	v62 =	vand.u32 $0x7F, v63;
	v58 =	vor.u32 $0x80, v58;
	v61 =	vand.u32 $0x7FFFFF00, v61;
	v19 =	vld.idx.msk [tilespmem:v19+s23+$0x0], $0xffff  }
0x3d7: {  	v14 =	vsel vm3, v14, v52;
	v61 =	vor.u32 v61, v62;
	v11 =	vmul.f32 $1.442695020e+00, v11;
	v17 =	vld.idx.msk [tilespmem:v17+s23+$0x0], $0xffff  }
0x3d8: {  	v13 =	vsub.f32 $9.000000000e+00, v13;
	v52 =	vld.idx.msk [tilespmem:v55+s29+$0x0], $0xffff;
	v62 =	vsel vm11, $0x0, v49;
	v61 =	vor.u32 $0x80, v61  }
0x3d9: {  	v10 =	vadd.f32 v62, v10;
	v12 =	vld.idx.msk [tilespmem:v12+s23+$0x0], $0xffff;
	(erf) = vpow2.f32 v11;
	v11 =	vmin.f32 v51, v41  }
0x3da: {  	v55 =	vsel vm15, $0x0, v46;
	(erf) = vrcp.f32 v13;
	v11 =	vsel vm3, v51, v11;
	v41 =	vld.idx.msk [tilespmem:v60+s23+$0x0], $0xffff  }
0x3db: {  	v10 =	vadd.f32 v55, v10;
	v51 =	vmax.f32 v14, v39;
	vm14 =	veq.s32 v15, v19;
	v19 =	vld.idx.msk [tilespmem:v58+s29+$0x0], $0xffff  }
0x3dc: {  	v60 =	vsel vm5, $0x0, v42;
	v14 =	vsel vm2, v51, v14;
	vm7 =	veq.s32 v15, v17;
	v23 =	vld.idx.msk [tilespmem:v23+s23+$0x0], $0xffff  }
0x3dd: {  	v10 =	vadd.f32 v53, v10;
	v17 =	vld.idx.msk [tilespmem:v61+s29+$0x0], $0xffff;
	v58 =	vsel vm7, $0x3F800000, v1;
	v62 =	vsel vm14, $0x3F800000, v1  }
0x3de: {  	vm6 =	veq.s32 v15, v21;
	v21 =	vadd.f32 $0.0e+00, v18;
	v13 =	vadd.f32 v62, v58  }
0x3df: {  	v55 =	vsel vm6, $0x3F800000, v1;
	vm15 =	veq.s32 v15, v12;
	v12 =	vld.idx.msk [tilespmem:v16+s30+$0x0], $0xffff;
	v53 =	vnsel vm6, $0x0, v20  }
0x3e0: {  	v16 =	vld.idx.msk [tilespmem:v22+s30+$0x0], $0xffff;
	v61 =	vsel vm15, $0x3F800000, v1;
	v58 =	vmin.f32 v11, v39;
	v13 =	vadd.f32 v55, v13  }
0x3e1: {  	v10 =	vadd.f32 v60, v10;
	v62 =	vld.idx.msk [tilespmem:v52+s23+$0x0], $0xffff;
	v11 =	vsel vm2, v11, v58;
	vm3 =	veq.s32 v15, v23  }
0x3e2: {  	v58 =	vsel vm1, $0x0, v47;
	vm1 =	veq.s32 v15, v41;
	v13 =	vadd.f32 v61, v13  }
0x3e3: {  	v39 =	vpop (erf);
	v55 =	vmax.f32 v14, v38;
	v23 =	vsel vm3, $0x3F800000, v1;
	v10 =	vadd.f32 v58, v10;
	v19 =	vld.idx.msk [tilespmem:v19+s23+$0x0], $0xffff  }
0x3e4: {  	v51 =	vnsel vm14, $0x0, v12;
	v60 =	vpop (erf);
	v14 =	vsel vm0, v55, v14;
	v13 =	vadd.f32 v23, v13  }
0x3e5: {  	v55 =	vnsel vm15, $0x0, v16;
	v61 =	vsel vm1, $0x3F800000, v1;
	v17 =	vld.idx.msk [tilespmem:v17+s23+$0x0], $0xffff;
	v10 =	vmul.f32 v60, v10  }
0x3e6: {  	v58 =	vmax.f32 v14, v37;
	vm2 =	veq.s32 v15, v62;
	v13 =	vadd.f32 v61, v13  }
0x3e7: {  	v62 =	vnsel vm7, $0x0, v21;
	v21 =	vsel vm7, $0x0, v21;
	v52 =	vsel vm2, $0x3F800000, v1  }
0x3e8: {  	v22 =	vadd.f32 v51, v62;
	v23 =	vld.idx.msk [tilespmem:v54+s30+$0x0], $0xffff;
	v13 =	vadd.f32 v52, v13;
	vm4 =	veq.s32 v15, v19  }
0x3e9: {  	v10 =	vsub.f32 $0.0e+00, v10;
	v62 =	vnsel vm13, $0xFF800000, v43;
	v54 =	vsel vm4, $0x3F800000, v1  }
0x3ea: {  	vm5 =	veq.s32 v15, v17;
	v19 =	vadd.f32 v53, v22;
	v22 =	vld.idx.msk [tilespmem:v56+s30+$0x0], $0xffff;
	v13 =	vadd.f32 v54, v13  }
0x3eb: {  	v10 =	vmul.f32 $1.442695020e+00, v10;
	v17 =	vsel vm5, $0x3F800000, v1;
	v56 =	vmin.f32 v11, v38  }
0x3ec: {  	v11 =	vsel vm0, v11, v56;
	v15 =	vadd.f32 v55, v19;
	v19 =	vld.idx.msk [tilespmem:v57+s30+$0x0], $0xffff;
	v13 =	vadd.f32 v17, v13  }
0x3ed: {  	(erf) = vpow2.f32 v10;
	v10 =	vnsel vm3, $0x0, v23;
	v60 =	vmin.f32 v11, v37;
	v37 =	vld.idx.msk [tilespmem:v63+s30+$0x0], $0xffff  }
0x3ee: {  	v63 =	vsel vm13, $0x7F800000, v43;
	v10 =	vadd.f32 v10, v15;
	v17 =	vld.idx.msk [tilespmem:v59+s30+$0x0], $0xffff;
	(erf) = vrcp.f32 v13  }
0x3ef: {  	v51 =	vmax.f32 v40, v62;
	v40 =	vmin.f32 v40, v63;
	v61 =	vnsel vm1, $0x0, v22  }
0x3f0: {  	v59 =	vld [tilespmem:$0x1FE40];
	v15 =	vsel vm8, v51, v62;
	v38 =	vsel vm8, v63, v40;
	v10 =	vadd.f32 v61, v10  }
0x3f1: {  	v62 =	vsel vm6, $0x0, v20;
	v63 =	vsel vm15, $0x0, v16;
	v52 =	vnsel vm2, $0x0, v19  }
0x3f2: {  	v53 =	vmax.f32 v15, v44;
	v55 =	vmin.f32 v38, v44;
	v10 =	vadd.f32 v52, v10  }
0x3f3: {  	v51 =	vsel vm1, $0x0, v22;
	v15 =	vsel vm12, v53, v15;
	v54 =	vnsel vm4, $0x0, v17  }
0x3f4: {  	v38 =	vsel vm12, v38, v55;
	v13 =	vsub.f32 $9.000000000e+00, v13;
	v10 =	vadd.f32 v54, v10  }
0x3f5: {  	v53 =	vnsel vm14, $0xFF800000, v12;
	v57 =	vnsel vm5, $0x0, v37;
	vm0 =	vnez.u8 v59  }
0x3f6: {  	v43 =	vpop (erf);
	v14 =	vsel vm0, v58, v14;
	v58 =	vsel vm14, $0x0, v12;
	v10 =	vadd.f32 v57, v10  }
0x3f7: {  	v56 =	vmax.f32 v15, v45;
	v11 =	vsel vm0, v11, v60;
	v21 =	vadd.f32 v58, v21;
	v60 =	vpop (erf)  }
0x3f8: {  	v55 =	vmax.f32 v18, v53;
	v15 =	vsel vm9, v56, v15;
	v10 =	vmul.f32 v60, v10  }
0x3f9: {  	v59 =	vmin.f32 v38, v45;
	v61 =	vmax.f32 v15, v49;
	v45 =	vld [tilespmem:$0x1FE50];
	v21 =	vadd.f32 v62, v21  }
0x3fa: {  	v56 =	vsel vm4, $0x0, v17;
	v38 =	vsel vm9, v38, v59;
	v10 =	vmul.f32 $1.442695020e+00, v10  }
0x3fb: {  	v15 =	vsel vm11, v61, v15;
	v54 =	vsel vm2, $0x0, v19;
	v21 =	vadd.f32 v63, v21  }
0x3fc: {  	v40 =	vmin.f32 v38, v49;
	(erf) = vpow2.f32 v10;
	v10 =	vsel vm3, $0x0, v23  }
0x3fd: {  	v38 =	vsel vm11, v38, v40;
	v40 =	vld [tilespmem:$0x1FE60];
	v10 =	vadd.f32 v10, v21;
	(erf) = vrcp.f32 v13  }
0x3fe: {  	v12 =	vsel vm14, $0x7F800000, v12;
	v44 =	vmax.f32 v15, v46;
	vm13 =	vnez.u8 v45  }
0x3ff: {  	v59 =	vsel vm5, $0x0, v37;
	v15 =	vsel vm13, v44, v15;
	v10 =	vadd.f32 v51, v10  }
0x400: {  	v18 =	vmin.f32 v18, v12;
	v11 =	vsub.f32 v14, v11;
	v49 =	vmax.f32 v15, v48  }
0x401: {  	v12 =	vsel vm7, v12, v18;
	v15 =	vsel vm10, v49, v15;
	v10 =	vadd.f32 v54, v10  }
0x402: {  	v46 =	vmin.f32 v38, v46;
	vm14 =	vnez.u8 v40;
	v61 =	vmax.f32 v15, v42  }
0x403: {  	v11 =	vmax.f32 v11, $0.0e+00;
	v15 =	vsel vm14, v61, v15;
	v10 =	vadd.f32 v56, v10  }
0x404: {  	v49 =	vmax.f32 v15, v47;
	v13 =	vsel vm13, v38, v46;
	v21 =	vsel vm7, v55, v53  }
0x405: {  	v52 =	vmin.f32 v13, v48;
	v57 =	vmax.f32 v21, v20;
	v38 =	vpop (erf);
	v10 =	vadd.f32 v59, v10  }
0x406: {  	v20 =	vmin.f32 v12, v20;
	v48 =	vadd.f32 v35, v32;
	v13 =	vsel vm10, v13, v52;
	v62 =	vpop (erf)  }
0x407: {  	v58 =	vsel vm6, v57, v21;
	v12 =	vsel vm6, v12, v20;
	v10 =	vmul.f32 v62, v10  }
0x408: {  	v51 =	vsub.f32 v33, v34;
	v60 =	vmax.f32 v58, v16;
	v16 =	vmin.f32 v12, v16  }
0x409: {  	v42 =	vmin.f32 v13, v42;
	v55 =	vadd.f32 v48, v31;
	v10 =	vsub.f32 $0.0e+00, v10  }
0x40a: {  	v52 =	vld [tilespmem:$0x1FE70];
	v18 =	vsel vm15, v60, v58;
	v12 =	vsel vm15, v12, v16;
	v13 =	vsel vm14, v13, v42  }
0x40b: {  	v57 =	vmax.f32 v51, $0.0e+00;
	v63 =	vmax.f32 v18, v23;
	v10 =	vmul.f32 $1.442695020e+00, v10  }
0x40c: {  	v60 =	vadd.f32 v43, v39;
	v44 =	vmin.f32 v12, v23;
	v41 =	vsel vm3, v63, v18  }
0x40d: {  	v12 =	vsel vm3, v12, v44;
	v45 =	vmax.f32 v41, v22;
	(erf) = vpow2.f32 v10  }
0x40e: {  	v56 =	vadd.f32 v50, v36;
	v46 =	vmin.f32 v12, v22;
	v16 =	vsel vm1, v45, v41  }
0x40f: {  	vm15 =	vnez.u8 v52;
	v12 =	vsel vm1, v12, v46;
	v53 =	vmax.f32 v16, v19  }
0x410: {  	v15 =	vsel vm15, v49, v15;
	v19 =	vmin.f32 v12, v19;
	v54 =	vsel vm2, v53, v16  }
0x411: {  	v12 =	vsel vm2, v12, v19;
	v19 =	vadd.f32 v57, v30;
	v16 =	vadd.f32 v56, v55  }
0x412: {  	v58 =	vmax.f32 v54, v17;
	v59 =	vmin.f32 v12, v17;
	v10 =	vmin.f32 v13, v47  }
0x413: {  	s10 =	sadd.s32 $0x4, s10;
	v12 =	vsel vm4, v12, v59;
	v10 =	vsel vm15, v13, v10;
	v13 =	vsel vm4, v58, v54  }
0x414: {  	p1 =	slt.u32 s10, $0xC;
	v62 =	vmin.f32 v12, v37;
	v10 =	vsub.f32 v15, v10;
	v61 =	vmax.f32 v13, v37  }
.Ltmp10:
0x415: {  	v11 =	vadd.f32 v11, v19;
	v12 =	vsel vm5, v12, v62;
	v13 =	vsel vm5, v61, v13;
	(pc) =	sbr.rel @p1 .LBB2_13-.Ltmp10, $4  }
0x416: {  	v14 =	vadd.f32 v60, v16;
	v10 =	vmax.f32 v10, $0.0e+00;
	v12 =	vsub.f32 v13, v12;
	v63 =	vpop (erf)  }
0x417: {  	v10 =	vadd.f32 v10, v11;
	v11 =	vadd.f32 v63, v38  }
0x418: {  	v12 =	vmax.f32 v12, $0.0e+00  }
0x419: {  	s11 =	sadd.s32 $0x240, s11;
	v30 =	vadd.f32 v12, v10;
	v31 =	vadd.f32 v11, v14  }
0x41a: {  	v10 =	vld [tilespmem:$0x1F4F0]  }
0x41b: {  	v11 =	vld [tilespmem:$0x1F570];
	_ =	sdelay $0x1  }
.Ltmp11:
0x41c: {  	_ = 	snop;
	(pc) =	sbr.rel .LBB2_17-.Ltmp11, $4  }
0x41d: {  	_ = 	snop  }
0x41e: {  	v10 =	vadd.f32 v10, v31  }
0x41f: {  	v30 =	vadd.f32 v11, v30  }
0x420: {  	[tilespmem:$0x1F4F0] =	vst v10  }
.LBB2_15:
0x421: {  	p1 =	sne.s32 s10, $0x7A1  }
.Ltmp12:
0x422: {  	_ = 	snop;
	(pc) =	sbr.rel @p1 .LBB2_18-.Ltmp12, $1  }
0x423: {  	_ =	sdelay $0x3  }
0x424: {  	[tilespmem:s2], [sflag:$0x4] =	stream.linear.gather [hbm4b:s8+s6], $0x300, $0x38;
	[tilespmem:$0x1F5F0] =	vst v63  }
0x425: {  	_ =	swait.ge [sflag:s24], $0x300  }
0x426: {  	[sflag:s24] =	ssyncset.done $0x0  }
0x427: {  	[sflag:s24] =	ssyncadd.s32 $0xFFFFFD00  }
0x428: {  	[tilespmem:s31], [sflag:$0x4] =	stream.linear.gather [hbm4b:s3+s6], $0x180, $0x38;
	[tilespmem:$0x1F5F0] =	vst v63  }
0x429: {  	_ =	swait.ge [sflag:s24], $0x180  }
0x42a: {  	v10 =	vld [tilespmem:$0x1FF20]  }
0x42b: {  	v11 =	vld [tilespmem:$0x1FF30]  }
0x42c: {  	v12 =	vld [tilespmem:$0x1FF40]  }
0x42d: {  	v13 =	vld [tilespmem:$0x1FF50]  }
0x42e: {  	v14 =	vld [tilespmem:$0x1FF60]  }
0x42f: {  	v15 =	vld [tilespmem:$0x1FF70]  }
0x430: {  	v16 =	vld [tilespmem:$0x1FF80]  }
0x431: {  	[sflag:s24] =	ssyncset.done $0x0;
	v17 =	vld [tilespmem:$0x1FF90]  }
0x432: {  	v18 =	vld [tilespmem:$0x1FFA0];
	[sflag:s24] =	ssyncadd.s32 $0xFFFFFE80  }
0x433: {  	v10 =	vld.idx.msk [tilespmem:v10+s2+$0x0], $0xffff  }
0x434: {  	v11 =	vld.idx.msk [tilespmem:v11+s2+$0x0], $0xffff  }
0x435: {  	v12 =	vld.idx.msk [tilespmem:v12+s2+$0x0], $0xffff  }
0x436: {  	v19 =	vld [tilespmem:$0x1FFB0]  }
0x437: {  	v13 =	vld.idx.msk [tilespmem:v13+s2+$0x0], $0xffff  }
0x438: {  	v14 =	vld.idx.msk [tilespmem:v14+s2+$0x0], $0xffff  }
0x439: {  	v15 =	vld.idx.msk [tilespmem:v15+s2+$0x0], $0xffff  }
0x43a: {  	v16 =	vld.idx.msk [tilespmem:v16+s2+$0x0], $0xffff  }
0x43b: {  	v10 =	vld.idx.msk [tilespmem:v10+s23+$0x0], $0xffff  }
0x43c: {  	v11 =	vld.idx.msk [tilespmem:v11+s23+$0x0], $0xffff  }
0x43d: {  	v12 =	vld.idx.msk [tilespmem:v12+s23+$0x0], $0xffff  }
0x43e: {  	v17 =	vld.idx.msk [tilespmem:v17+s2+$0x0], $0xffff  }
0x43f: {  	v13 =	vld.idx.msk [tilespmem:v13+s23+$0x0], $0xffff  }
0x440: {  	v18 =	vld.idx.msk [tilespmem:v18+s2+$0x0], $0xffff  }
0x441: {  	v14 =	vld.idx.msk [tilespmem:v14+s23+$0x0], $0xffff  }
0x442: {  	v19 =	vld.idx.msk [tilespmem:v19+s2+$0x0], $0xffff;
	vm6 =	veq.s32 v10, v11;
	vm8 =	veq.s32 v10, v12  }
0x443: {  	v11 =	vld.idx.msk [tilespmem:v15+s23+$0x0], $0xffff;
	v39 =	vsel vm6, $0x3F800000, v1;
	v40 =	vsel vm8, $0x3F800000, v1  }
0x444: {  	vm7 =	veq.s32 v10, v13;
	v12 =	vadd.f32 v40, v39  }
0x445: {  	v41 =	vld.idx.msk [tilespmem:v16+s23+$0x0], $0xffff;
	v13 =	vsel vm7, $0x3F800000, v1  }
0x446: {  	v33 =	vld.idx.msk [tilespmem:v0+s31+$0x0], $0xffff;
	vm5 =	veq.s32 v10, v14;
	v12 =	vadd.f32 v13, v12  }
0x447: {  	v43 =	vld.idx.msk [tilespmem:v17+s23+$0x0], $0xffff;
	v42 =	vsel vm5, $0x3F800000, v1  }
0x448: {  	v38 =	vld.idx.msk [tilespmem:v2+s31+$0x0], $0xffff;
	vm4 =	veq.s32 v10, v11;
	v12 =	vadd.f32 v42, v12  }
0x449: {  	v44 =	vld.idx.msk [tilespmem:v18+s23+$0x0], $0xffff;
	v11 =	vsel vm4, $0x3F800000, v1  }
0x44a: {  	v34 =	vld.idx.msk [tilespmem:v3+s31+$0x0], $0xffff;
	vm3 =	veq.s32 v10, v41;
	v11 =	vadd.f32 v11, v12  }
0x44b: {  	v45 =	vadd.f32 $0.0e+00, v33;
	v46 =	vld.idx.msk [tilespmem:v19+s23+$0x0], $0xffff;
	v15 =	vsel vm3, $0x3F800000, v1  }
0x44c: {  	v35 =	vld.idx.msk [tilespmem:v4+s31+$0x0], $0xffff;
	vm2 =	veq.s32 v10, v43;
	v11 =	vadd.f32 v15, v11  }
0x44d: {  	v56 =	vld [tilespmem:$0x1FFC0];
	v47 =	vnsel vm6, $0x0, v45;
	v48 =	vnsel vm8, $0x0, v38;
	v49 =	vsel vm2, $0x3F800000, v1  }
0x44e: {  	v36 =	vld.idx.msk [tilespmem:v5+s31+$0x0], $0xffff;
	vm1 =	veq.s32 v10, v44;
	v14 =	vadd.f32 v48, v47;
	v11 =	vadd.f32 v49, v11  }
0x44f: {  	v59 =	vld [tilespmem:$0x1FFD0];
	v50 =	vnsel vm7, $0x0, v34;
	v51 =	vsel vm1, $0x3F800000, v1  }
0x450: {  	v37 =	vld.idx.msk [tilespmem:v6+s31+$0x0], $0xffff;
	vm0 =	veq.s32 v10, v46;
	v13 =	vadd.f32 v50, v14;
	v11 =	vadd.f32 v51, v11  }
0x451: {  	v60 =	vld [tilespmem:$0x1FFE0];
	v52 =	vsel vm0, $0x3F800000, v1;
	v10 =	vnsel vm5, $0x0, v35  }
0x452: {  	v32 =	vld.idx.msk [tilespmem:v7+s31+$0x0], $0xffff;
	v10 =	vadd.f32 v10, v13;
	v11 =	vadd.f32 v52, v11  }
0x453: {  	v53 =	vnsel vm4, $0x0, v36  }
0x454: {  	v31 =	vld.idx.msk [tilespmem:v8+s31+$0x0], $0xffff;
	v10 =	vadd.f32 v53, v10;
	(erf) = vrcp.f32 v11  }
0x455: {  	v21 =	vld [tilespmem:$0x1FFF0];
	v54 =	vnsel vm3, $0x0, v37  }
0x456: {  	v30 =	vld.idx.msk [tilespmem:v9+s31+$0x0], $0xffff;
	v10 =	vadd.f32 v54, v10  }
0x457: {  	v58 =	vimm.s32 $0x0;
	v55 =	vnsel vm2, $0x0, v32  }
0x458: {  	v14 =	vld.idx.msk [tilespmem:v56+s2+$0x0], $0xffff;
	v15 =	vsel vm1, $0xFFFFFFFF, v58;
	v10 =	vadd.f32 v55, v10  }
0x459: {  	v57 =	vnsel vm1, $0x0, v31;
	[tilespmem:$0x1FE20] =	vst v15;
	v15 =	vld.idx.msk [tilespmem:v59+s2+$0x0], $0xffff  }
0x45a: {  	v13 =	vld.idx.msk [tilespmem:v60+s2+$0x0], $0xffff;
	v10 =	vadd.f32 v57, v10  }
0x45b: {  	v62 =	vnsel vm0, $0x0, v30  }
0x45c: {  	v20 =	vld.idx.msk [tilespmem:v27+s2+$0x0], $0xffff;
	v10 =	vadd.f32 v62, v10  }
0x45d: {  	v16 =	vld.idx.msk [tilespmem:v21+s2+$0x0], $0xffff;
	v23 =	vpop (erf)  }
0x45e: {  	v41 =	vld.idx.msk [tilespmem:v25+s2+$0x0], $0xffff;
	v10 =	vmul.f32 v23, v10  }
0x45f: {  	v39 =	vld.idx.msk [tilespmem:v24+s2+$0x0], $0xffff  }
0x460: {  	v46 =	vadd.s32 $0x90, v0;
	v14 =	vld.idx.msk [tilespmem:v14+s23+$0x0], $0xffff;
	v10 =	vmul.f32 $1.442695020e+00, v10  }
0x461: {  	v61 =	vsel vm8, $0x0, v38;
	v12 =	vsel vm6, $0x0, v45;
	v11 =	vsub.f32 $9.000000000e+00, v11;
	v15 =	vld.idx.msk [tilespmem:v15+s23+$0x0], $0xffff  }
0x462: {  	v12 =	vadd.f32 v61, v12;
	(erf) = vpow2.f32 v10;
	v10 =	vld.idx.msk [tilespmem:v13+s23+$0x0], $0xffff  }
0x463: {  	v22 =	vsel vm7, $0x0, v34;
	(erf) = vrcp.f32 v11;
	v11 =	vld.idx.msk [tilespmem:v26+s2+$0x0], $0xffff  }
0x464: {  	v63 =	vimm.s32 $0x0;
	v21 =	vld.idx.msk [tilespmem:v28+s2+$0x0], $0xffff;
	v12 =	vadd.f32 v22, v12  }
0x465: {  	v18 =	vsel vm0, $0xFFFFFFFF, v63;
	v40 =	vsel vm5, $0x0, v35;
	v44 =	vld.idx.msk [tilespmem:v16+s23+$0x0], $0xffff  }
0x466: {  	v43 =	vsel vm3, $0x0, v37;
	v63 =	vadd.s32 $0x97, v0;
	v19 =	vld.idx.msk [tilespmem:v46+s31+$0x0], $0xffff;
	v12 =	vadd.f32 v40, v12  }
0x467: {  	v48 =	vsel vm1, $0x0, v31;
	v42 =	vsel vm4, $0x0, v36;
	v47 =	vld.idx.msk [tilespmem:v39+s23+$0x0], $0xffff;
	v49 =	vadd.s32 $0x91, v0  }
0x468: {  	v22 =	vld.idx.msk [tilespmem:v29+s2+$0x0], $0xffff;
	v12 =	vadd.f32 v42, v12;
	vm9 =	veq.s32 v14, v15;
	vm15 =	veq.s32 v14, v10  }
0x469: {  	v56 =	vadd.s32 $0x94, v0;
	v15 =	vsel vm9, $0x3F800000, v1;
	v10 =	vld.idx.msk [tilespmem:v41+s23+$0x0], $0xffff;
	v50 =	vsel vm15, $0x3F800000, v1  }
0x46a: {  	v20 =	vld.idx.msk [tilespmem:v20+s23+$0x0], $0xffff;
	v12 =	vadd.f32 v43, v12;
	vm10 =	veq.s32 v14, v44;
	v15 =	vadd.f32 v50, v15  }
0x46b: {  	v45 =	vsel vm2, $0x0, v32;
	v51 =	vadd.s32 $0x92, v0;
	v52 =	vsel vm10, $0x3F800000, v1;
	v11 =	vld.idx.msk [tilespmem:v11+s23+$0x0], $0xffff  }
0x46c: {  	vm12 =	veq.s32 v14, v47;
	v12 =	vadd.f32 v45, v12;
	v15 =	vadd.f32 v52, v15  }
0x46d: {  	v54 =	vadd.s32 $0x93, v0;
	v58 =	vadd.f32 $0.0e+00, v19;
	v17 =	vld.idx.msk [tilespmem:v49+s31+$0x0], $0xffff;
	v55 =	vsel vm12, $0x3F800000, v1  }
0x46e: {  	v12 =	vadd.f32 v48, v12;
	vm11 =	veq.s32 v14, v10;
	v15 =	vadd.f32 v55, v15  }
0x46f: {  	v21 =	vld.idx.msk [tilespmem:v21+s23+$0x0], $0xffff;
	vm14 =	veq.s32 v14, v20;
	v23 =	vsel vm0, $0x0, v30;
	v57 =	vsel vm11, $0x3F800000, v1  }
0x470: {  	v12 =	vadd.f32 v23, v12;
	v13 =	vld.idx.msk [tilespmem:v51+s31+$0x0], $0xffff;
	v39 =	vpop (erf);
	v15 =	vadd.f32 v57, v15;
	vm13 =	veq.s32 v14, v11  }
0x471: {  	v22 =	vld.idx.msk [tilespmem:v22+s23+$0x0], $0xffff;
	v40 =	vnsel vm9, $0x0, v58;
	v53 =	vpop (erf);
	v11 =	vadd.s32 $0x95, v0;
	v59 =	vsel vm13, $0x3F800000, v1  }
0x472: {  	v16 =	vld.idx.msk [tilespmem:v54+s31+$0x0], $0xffff;
	v60 =	vnsel vm15, $0x0, v17;
	v12 =	vmul.f32 v53, v12;
	v15 =	vadd.f32 v59, v15  }
0x473: {  	[tilespmem:$0x1FE30] =	vst v18;
	v61 =	vadd.s32 $0x96, v0;
	v41 =	vsel vm14, $0x3F800000, v1;
	v18 =	vadd.f32 v60, v40  }
0x474: {  	vm0 =	veq.s32 v14, v21;
	v10 =	vsub.f32 $0.0e+00, v12;
	v12 =	vld.idx.msk [tilespmem:v56+s31+$0x0], $0xffff;
	v15 =	vadd.f32 v41, v15  }
0x475: {  	v46 =	vadd.s32 $0x98, v0;
	v44 =	vsel vm0, $0x3F800000, v1;
	v62 =	vnsel vm10, $0x0, v13  }
0x476: {  	vm1 =	veq.s32 v14, v22;
	v18 =	vadd.f32 v62, v18;
	v11 =	vld.idx.msk [tilespmem:v11+s31+$0x0], $0xffff;
	v15 =	vadd.f32 v44, v15  }
0x477: {  	v45 =	vnsel vm12, $0x0, v16;
	v22 =	vsel vm1, $0x3F800000, v1;
	v10 =	vmul.f32 $1.442695020e+00, v10  }
0x478: {  	v14 =	vadd.f32 v45, v18;
	v18 =	vld.idx.msk [tilespmem:v61+s31+$0x0], $0xffff;
	v15 =	vadd.f32 v22, v15  }
0x479: {  	(erf) = vpow2.f32 v10;
	v10 =	vnsel vm11, $0x0, v12  }
0x47a: {  	v10 =	vadd.f32 v10, v14;
	v14 =	vld.idx.msk [tilespmem:v63+s31+$0x0], $0xffff;
	(erf) = vrcp.f32 v15  }
0x47b: {  	v47 =	vnsel vm13, $0x0, v11  }
0x47c: {  	v20 =	vld.idx.msk [tilespmem:v46+s31+$0x0], $0xffff;
	v10 =	vadd.f32 v47, v10  }
0x47d: {  	v48 =	vnsel vm14, $0x0, v18  }
0x47e: {  	v10 =	vadd.f32 v48, v10  }
0x47f: {  	v49 =	vnsel vm0, $0x0, v14  }
0x480: {  	v10 =	vadd.f32 v49, v10  }
0x481: {  	v23 =	vsel vm9, $0x0, v58;
	v51 =	vsel vm15, $0x0, v17;
	v50 =	vnsel vm1, $0x0, v20  }
0x482: {  	v52 =	vadd.f32 v51, v23;
	v22 =	vpop (erf);
	v10 =	vadd.f32 v50, v10  }
0x483: {  	v54 =	vsel vm10, $0x0, v13;
	v55 =	vnsel vm8, $0xFF800000, v38;
	v38 =	vsel vm8, $0x7F800000, v38;
	v53 =	vpop (erf)  }
0x484: {  	v21 =	vadd.f32 v54, v52;
	v56 =	vmax.f32 v33, v55;
	v10 =	vmul.f32 v53, v10  }
0x485: {  	v57 =	vsel vm12, $0x0, v16;
	v33 =	vmin.f32 v33, v38;
	v23 =	vsel vm6, v56, v55  }
0x486: {  	v21 =	vadd.f32 v57, v21;
	v33 =	vsel vm6, v38, v33;
	v10 =	vmul.f32 $1.442695020e+00, v10  }
0x487: {  	v58 =	vmax.f32 v23, v34;
	v59 =	vmin.f32 v33, v34;
	v15 =	vsub.f32 $9.000000000e+00, v15  }
0x488: {  	v61 =	vsel vm14, $0x0, v18;
	(erf) = vpow2.f32 v10;
	v10 =	vsel vm11, $0x0, v12  }
0x489: {  	v63 =	vsel vm1, $0x0, v20;
	v10 =	vadd.f32 v10, v21;
	(erf) = vrcp.f32 v15  }
0x48a: {  	v60 =	vsel vm13, $0x0, v11;
	v15 =	vsel vm7, v58, v23;
	v21 =	vsel vm7, v33, v59  }
0x48b: {  	v50 =	vld [tilespmem:$0x1FE30];
	v23 =	vmax.f32 v15, v35;
	v33 =	vmin.f32 v21, v35;
	v10 =	vadd.f32 v60, v10  }
0x48c: {  	v62 =	vsel vm0, $0x0, v14;
	v15 =	vsel vm5, v23, v15;
	v21 =	vsel vm5, v21, v33  }
0x48d: {  	v23 =	vmax.f32 v15, v36;
	v33 =	vmin.f32 v21, v36;
	v10 =	vadd.f32 v61, v10  }
0x48e: {  	v55 =	vadd.f32 v22, v39;
	v15 =	vsel vm4, v23, v15;
	v21 =	vsel vm4, v21, v33  }
0x48f: {  	v23 =	vmax.f32 v15, v37;
	v33 =	vmin.f32 v21, v37;
	v10 =	vadd.f32 v62, v10  }
0x490: {  	v37 =	vnsel vm15, $0xFF800000, v17;
	v17 =	vsel vm15, $0x7F800000, v17;
	vm15 =	vnez.u8 v50  }
0x491: {  	v15 =	vsel vm3, v23, v15;
	v21 =	vsel vm3, v21, v33;
	v36 =	vpop (erf);
	v10 =	vadd.f32 v63, v10  }
0x492: {  	v41 =	vmax.f32 v19, v37;
	v19 =	vmin.f32 v19, v17;
	v38 =	vmax.f32 v15, v32;
	v40 =	vpop (erf)  }
0x493: {  	v47 =	vld [tilespmem:$0x1FE20];
	v33 =	vsel vm9, v41, v37;
	v17 =	vsel vm9, v17, v19;
	v10 =	vmul.f32 v40, v10  }
0x494: {  	v42 =	vmin.f32 v21, v32;
	v15 =	vsel vm2, v38, v15;
	v43 =	vmax.f32 v33, v13  }
0x495: {  	v19 =	vsel vm2, v21, v42;
	v13 =	vmin.f32 v17, v13;
	v10 =	vsub.f32 $0.0e+00, v10  }
0x496: {  	v44 =	vsel vm10, v43, v33;
	v13 =	vsel vm10, v17, v13;
	v46 =	vmax.f32 v15, v31  }
0x497: {  	v45 =	vmax.f32 v44, v16;
	v16 =	vmin.f32 v13, v16;
	v10 =	vmul.f32 $1.442695020e+00, v10  }
0x498: {  	v17 =	vsel vm12, v45, v44;
	v13 =	vsel vm12, v13, v16;
	vm12 =	vnez.u8 v47  }
0x499: {  	v48 =	vmax.f32 v17, v12;
	v12 =	vmin.f32 v13, v12;
	(erf) = vpow2.f32 v10  }
0x49a: {  	v15 =	vsel vm12, v46, v15;
	v16 =	vsel vm11, v48, v17;
	v12 =	vsel vm11, v13, v12  }
0x49b: {  	v49 =	vmax.f32 v15, v30;
	v17 =	vmax.f32 v16, v11;
	v11 =	vmin.f32 v12, v11  }
0x49c: {  	v16 =	vsel vm13, v17, v16;
	v11 =	vsel vm13, v12, v11;
	v12 =	vsel vm15, v49, v15  }
0x49d: {  	v10 =	vmin.f32 v19, v31;
	v52 =	vmax.f32 v16, v18;
	v53 =	vmin.f32 v11, v18  }
0x49e: {  	v10 =	vsel vm12, v19, v10;
	v54 =	vsel vm14, v52, v16;
	v11 =	vsel vm14, v11, v53  }
0x49f: {  	v51 =	vmin.f32 v10, v30;
	v16 =	vmax.f32 v54, v14;
	v14 =	vmin.f32 v11, v14  }
0x4a0: {  	v10 =	vsel vm15, v10, v51;
	v56 =	vsel vm0, v16, v54;
	v11 =	vsel vm0, v11, v14  }
0x4a1: {  	v10 =	vsub.f32 v12, v10;
	v58 =	vmax.f32 v56, v20;
	v59 =	vmin.f32 v11, v20  }
0x4a2: {  	v57 =	vadd.f32 $0.0e+00, v55;
	v61 =	vld [tilespmem:$0x1F4F0];
	v12 =	vsel vm1, v58, v56;
	v11 =	vsel vm1, v11, v59;
	v60 =	vpop (erf)  }
0x4a3: {  	v63 =	vld [tilespmem:$0x1F570];
	v10 =	vmax.f32 v10, $0.0e+00;
	v11 =	vsub.f32 v12, v11;
	v62 =	vadd.f32 v60, v36  }
0x4a4: {  	v10 =	vadd.f32 $0.0e+00, v10  }
.Ltmp13:
0x4a5: {  	v11 =	vmax.f32 v11, $0.0e+00;
	v13 =	vadd.f32 v62, v57;
	(pc) =	sbr.rel .LBB2_17-.Ltmp13, $4  }
0x4a6: {  	v10 =	vadd.f32 v11, v10  }
0x4a7: {  	v11 =	vadd.f32 v13, v61  }
0x4a8: {  	v30 =	vadd.f32 v10, v63  }
0x4a9: {  	[tilespmem:$0x1F4F0] =	vst v11  }
.LBB2_20:
0x4aa: {  	_ =	sfence.sel $0x180000  }
0x4ab: {  	[bflag:$0x0] =	sbarrier.arrive $0xFFFF  }
0x4ac: {  	_ =	strace $0x90000047  }
0x4ad: {  	[bflag:$0x2] =	sbarrier.arrive $0xFFFF  }
0x4ae: {  	s0 =	rddreg [dreg:$0x5]  }
0x4af: {  	s0 =	sadd.s32 @!p0 $0x100000, s0  }
0x4b0: {  	[sflag:s0] =	ssyncadd.tile.s32 @!p0 $0x1;
	_ =	shalt  }
.Lfunc_end2:
_tile_overlayer_lowered:
.L_overlay_start_2:
0x4b1: {  	(tag) =	ssettag $0x2  }
0x4b2: {  	s0 =	rddreg [dreg:$0x0];
	s2 =	stileid.u32  }
0x4b3: {  	s1 =	rddreg [dreg:$0x1];
	p0 =	sne.s32 s2, $0x0  }
0x4b4: {  	s3 =	rddreg [dreg:$0x2];
	[bflag:$0x3] =	sbarrier.arrive $0xFFFF;
	s2 =	simm.s32 @!p0 $0x1C04  }
0x4b5: {  	[timem:s3], [sflag:s2] =	dma.local @!p0 [hbm:s0], s1  }
0x4b6: {  	s0 =	simm.s32 @!p0 $0x4  }
0x4b7: {  	_ =	swait.ge @!p0 [sflag:s0], s1  }
0x4b8: {  	s1 =	ssub.s32 @!p0 $0x0, s1;
	[sflag:s0] =	ssyncset.done @!p0 $0x0  }
0x4b9: {  	[sflag:s0] =	ssyncadd.s32 @!p0 s1  }
0x4ba: {  	[bflag:$0x3] =	sbarrier.arrive $0xFFFF  }
0x4bb: {  	_ =	shalt  }

</sc_bundles>
